<compile_context>
chip_gen: v7x
topology: tpu7x:2x2x1
jax: 0.10.2.dev20260603
libtpu: 0.0.44.dev20260713+nightly
codegen_flags: <defaults>
</compile_context>

<pallas_src>
import jax
import jax.numpy as jnp
from jax import lax
from jax.experimental import pallas as pl
from jax.experimental.pallas import tpu as pltpu
from jax.experimental.pallas import tpu_sc as plsc

_N = 10000
_D = 128
_E = 320000
_NC = 2
_NS = 16
_NW = _NC * _NS
_CHUNK = 64
_EPAD = 327680
_NCHUNKS = _EPAD // _CHUNK
_CPW = _NCHUNKS // _NW
_NPAD = 10240
_RPT = _NPAD // _NS
_RB = 5
_GLA = 4
_IR = 12
_ILA = 8
_C0 = 240
_C1 = 2 * _CPW - _C0
_BLK = 1000


def _make_sc_agg(with_cnt):
  mesh = plsc.VectorSubcoreMesh(core_axis_name="c", subcore_axis_name="s")
  out_type = [jax.ShapeDtypeStruct((_NC, _NPAD, _D), jnp.float32)]
  if with_cnt:
    out_type.append(jax.ShapeDtypeStruct((_NC, _NPAD), jnp.float32))
  scratch = [
      pltpu.VMEM((_IR, _CHUNK), jnp.int32),
      pltpu.VMEM((_IR, _CHUNK), jnp.int32),
      pltpu.VMEM((_RB, _CHUNK, _D), jnp.float32),
      pltpu.VMEM((8, _D), jnp.float32),
      pltpu.VMEM((_CHUNK,), jnp.float32),
      pltpu.VMEM_SHARED((_NPAD, _D), jnp.float32),
      pltpu.VMEM_SHARED((_NPAD,), jnp.float32),
      pltpu.SemaphoreType.DMA,
      pltpu.SemaphoreType.DMA,
      pltpu.SemaphoreType.DMA,
      pltpu.SemaphoreType.DMA,
  ]

  def body(h_hbm, src_hbm, dst_hbm, *refs):
    if with_cnt:
      out_hbm, cnt_hbm = refs[0], refs[1]
      refs = refs[2:]
    else:
      out_hbm = refs[0]
      refs = refs[1:]
    src_v, dst_v, rows_v, zb, ones_v, agg_sh, cnt_sh, gsem, ssem, csem, isem = refs
    cid = lax.axis_index("c")
    sid = lax.axis_index("s")
    base = sid * (2 * _CPW) + cid * _C0
    nch = lax.select(cid == 0, jnp.int32(_C0), jnp.int32(_C1))

    def _idx(j):
      b = lax.rem(j, _IR)
      return (pltpu.make_async_copy(src_hbm.at[base + j], src_v.at[b], isem),
              pltpu.make_async_copy(dst_hbm.at[base + j], dst_v.at[b], isem))

    def _idx_start(j):
      a, b = _idx(j)
      a.start()
      b.start()

    def _idx_wait(j):
      a, b = _idx(j)
      a.wait()
      b.wait()

    def _gather(g):
      return pltpu.make_async_copy(h_hbm.at[src_v.at[lax.rem(g, _IR)]],
                                   rows_v.at[lax.rem(g, _RB)], gsem)

    def _scatter_start(j):
      pltpu.async_copy(rows_v.at[lax.rem(j, _RB)],
                       agg_sh.at[dst_v.at[lax.rem(j, _IR)]], ssem, add=True)

    def _scatter_wait(j):
      pltpu.make_async_copy(rows_v.at[lax.rem(j, _RB)],
                            agg_sh.at[dst_v.at[lax.rem(j, _IR)]], ssem).wait()

    def _cnt_wait():
      pltpu.make_async_copy(ones_v, cnt_sh.at[dst_v.at[0]], csem).wait()

    for j in range(_ILA):
      _idx_start(j)

    def zrow(r, carry):
      for l in range(8):
        zb[r, pl.ds(l * 16, 16)] = jnp.zeros((16,), jnp.float32)
      return carry
    lax.fori_loop(0, 8, zrow, 0)
    if with_cnt:
      for l in range(_CHUNK // 16):
        ones_v[pl.ds(l * 16, 16)] = jnp.ones((16,), jnp.float32)

    def zagg(t, carry):
      pltpu.sync_copy(zb, agg_sh.at[pl.ds(sid * _RPT + t * 8, 8)])
      return carry
    lax.fori_loop(0, _RPT // 8, zagg, 0)
    if with_cnt:
      def zcnt(t, carry):
        pltpu.sync_copy(zb.at[0], cnt_sh.at[pl.ds(sid * _RPT + t * _D, _D)])
        return carry
      lax.fori_loop(0, _RPT // _D, zcnt, 0)
    plsc.subcore_barrier()

    for g in range(_GLA):
      _idx_wait(g)
      _gather(g).start()

    def step(j, carry):
      @pl.when(j + _ILA < nch)
      def _():
        _idx_start(j + _ILA)

      @pl.when(j >= 1)
      def _():
        _scatter_wait(j - 1)

      @pl.when(j + _GLA < nch)
      def _():
        _idx_wait(j + _GLA)
        _gather(j + _GLA).start()
      _gather(j).wait()
      _scatter_start(j)
      if with_cnt:
        pltpu.async_copy(ones_v, cnt_sh.at[dst_v.at[lax.rem(j, _IR)]],
                         csem, add=True)
        @pl.when(j >= 2)
        def _():
          _cnt_wait()
      return carry
    lax.fori_loop(0, nch, step, 0)

    _scatter_wait(nch - 1)
    if with_cnt:
      _cnt_wait()
      _cnt_wait()

    plsc.subcore_barrier()
    pltpu.sync_copy(agg_sh.at[pl.ds(sid * _RPT, _RPT)],
                    out_hbm.at[cid].at[pl.ds(sid * _RPT, _RPT)])
    if with_cnt:
      pltpu.sync_copy(cnt_sh.at[pl.ds(sid * _RPT, _RPT)],
                      cnt_hbm.at[cid].at[pl.ds(sid * _RPT, _RPT)])

  return pl.kernel(body, out_type=out_type, mesh=mesh, scratch_types=scratch)


_sc_agg_cnt = _make_sc_agg(True)
_sc_agg = _make_sc_agg(False)


def _dot(a, b):
  return jnp.dot(a, b, preferred_element_type=jnp.float32,
                 precision=lax.Precision.HIGHEST)


def _hw_body(h_ref, wl_ref, b_ref, o_ref):
  o_ref[...] = _dot(h_ref[...], wl_ref[...]) + b_ref[...]


def _hw(h, Wl, b2d):
  return pl.pallas_call(
      _hw_body,
      grid=(_N // _BLK,),
      in_specs=[
          pl.BlockSpec((_BLK, _D), lambda i: (i, 0)),
          pl.BlockSpec((_D, _D), lambda i: (0, 0)),
          pl.BlockSpec((1, _D), lambda i: (0, 0)),
      ],
      out_specs=pl.BlockSpec((_BLK, _D), lambda i: (i, 0)),
      out_shape=jax.ShapeDtypeStruct((_N, _D), jnp.float32),
  )(h, Wl, b2d)


def _mm_body(hw_ref, a_ref, cnt_ref, wr_ref, o_ref, s_ref, ss_ref):
  i = pl.program_id(0)
  inv = 1.0 / jnp.maximum(cnt_ref[0] + cnt_ref[1], 1.0)
  mean = (a_ref[0] + a_ref[1]) * inv
  o = hw_ref[...] + _dot(mean, wr_ref[...])
  o_ref[...] = o

  @pl.when(i == 0)
  def _():
    s_ref[...] = jnp.zeros_like(s_ref)
    ss_ref[...] = jnp.zeros_like(ss_ref)
  s_ref[...] += jnp.sum(o, axis=0, keepdims=True)
  ss_ref[...] += jnp.sum(o * o, axis=0, keepdims=True)


def _mm(hw, aggp, cnt2, Wr):
  return pl.pallas_call(
      _mm_body,
      grid=(_N // _BLK,),
      in_specs=[
          pl.BlockSpec((_BLK, _D), lambda i: (i, 0)),
          pl.BlockSpec((2, _BLK, _D), lambda i: (0, i, 0)),
          pl.BlockSpec((2, _BLK, 1), lambda i: (0, i, 0)),
          pl.BlockSpec((_D, _D), lambda i: (0, 0)),
      ],
      out_specs=[
          pl.BlockSpec((_BLK, _D), lambda i: (i, 0)),
          pl.BlockSpec((1, _D), lambda i: (0, 0)),
          pl.BlockSpec((1, _D), lambda i: (0, 0)),
      ],
      out_shape=[
          jax.ShapeDtypeStruct((_N, _D), jnp.float32),
          jax.ShapeDtypeStruct((1, _D), jnp.float32),
          jax.ShapeDtypeStruct((1, _D), jnp.float32),
      ],
  )(hw, aggp, cnt2, Wr)


def _bnrelu_body(h_ref, s_ref, ss_ref, g_ref, be_ref, o_ref):
  m = s_ref[...] * (1.0 / _N)
  v = ss_ref[...] * (1.0 / _N) - m * m
  sc = g_ref[...] * lax.rsqrt(v + 1e-5)
  sh = be_ref[...] - m * sc
  o_ref[...] = jnp.maximum(h_ref[...] * sc + sh, 0.0)


def _bnrelu(hpre, s, ss, g2d, be2d):
  return pl.pallas_call(
      _bnrelu_body,
      grid=(_N // _BLK,),
      in_specs=[
          pl.BlockSpec((_BLK, _D), lambda i: (i, 0)),
          pl.BlockSpec((1, _D), lambda i: (0, 0)),
          pl.BlockSpec((1, _D), lambda i: (0, 0)),
          pl.BlockSpec((1, _D), lambda i: (0, 0)),
          pl.BlockSpec((1, _D), lambda i: (0, 0)),
      ],
      out_specs=pl.BlockSpec((_BLK, _D), lambda i: (i, 0)),
      out_shape=jax.ShapeDtypeStruct((_N, _D), jnp.float32),
  )(hpre, s, ss, g2d, be2d)


def _final_body(hw_ref, a_ref, cnt_ref, wr_ref,
                wc1_ref, bc1_ref, wc2_ref, bc2_ref, o_ref):
  inv = 1.0 / jnp.maximum(cnt_ref[0] + cnt_ref[1], 1.0)
  mean = (a_ref[0] + a_ref[1]) * inv
  h2 = hw_ref[...] + _dot(mean, wr_ref[...])
  c = jnp.maximum(_dot(h2, wc1_ref[...]) + bc1_ref[...], 0.0)
  o_ref[...] = _dot(c, wc2_ref[...]) + bc2_ref[...]


def _final(hw, aggp, cnt2, Wr, Wc1p, bc1p, Wc2p, bc2p):
  return pl.pallas_call(
      _final_body,
      grid=(_N // _BLK,),
      in_specs=[
          pl.BlockSpec((_BLK, _D), lambda i: (i, 0)),
          pl.BlockSpec((2, _BLK, _D), lambda i: (0, i, 0)),
          pl.BlockSpec((2, _BLK, 1), lambda i: (0, i, 0)),
          pl.BlockSpec((_D, _D), lambda i: (0, 0)),
          pl.BlockSpec((_D, _D), lambda i: (0, 0)),
          pl.BlockSpec((1, _D), lambda i: (0, 0)),
          pl.BlockSpec((_D, _D), lambda i: (0, 0)),
          pl.BlockSpec((1, _D), lambda i: (0, 0)),
      ],
      out_specs=pl.BlockSpec((_BLK, _D), lambda i: (i, 0)),
      out_shape=jax.ShapeDtypeStruct((_N, _D), jnp.float32),
  )(hw, aggp, cnt2, Wr, Wc1p, bc1p, Wc2p, bc2p)


def kernel(x, edge_index, Wl0, Wr0, b0, Wl1, Wr1, b1, Wl2, Wr2, b2,
           g0, beta0, g1, beta1, Wc1, bc1, Wc2, bc2):
  pad = _EPAD - _E
  srcp = jnp.concatenate([edge_index[0], jnp.zeros((pad,), jnp.int32)])
  dstp = jnp.concatenate([edge_index[1], jnp.full((pad,), _N, jnp.int32)])
  srcp = srcp.reshape(_NCHUNKS, _CHUNK)
  dstp = dstp.reshape(_NCHUNKS, _CHUNK)

  b0r = b0.reshape(1, _D)
  b1r = b1.reshape(1, _D)
  b2r = b2.reshape(1, _D)
  g0r = g0.reshape(1, _D)
  g1r = g1.reshape(1, _D)
  be0r = beta0.reshape(1, _D)
  be1r = beta1.reshape(1, _D)
  Wc1p = jnp.pad(Wc1, ((0, 0), (0, _D - Wc1.shape[1])))
  bc1p = jnp.pad(bc1, (0, _D - bc1.shape[0])).reshape(1, _D)
  Wc2p = jnp.pad(Wc2, ((0, _D - Wc2.shape[0]), (0, _D - Wc2.shape[1])))
  bc2p = jnp.pad(bc2, (0, _D - bc2.shape[0])).reshape(1, _D)

  hw0 = _hw(x, Wl0, b0r)
  aggp0, cntp = _sc_agg_cnt(x, srcp, dstp)
  cnt2 = cntp[:, :_N].reshape(2, _N, 1)

  hpre0, s0, ss0 = _mm(hw0, aggp0, cnt2, Wr0)
  h0 = _bnrelu(hpre0, s0, ss0, g0r, be0r)

  hw1 = _hw(h0, Wl1, b1r)
  (aggp1,) = _sc_agg(h0, srcp, dstp)
  hpre1, s1, ss1 = _mm(hw1, aggp1, cnt2, Wr1)
  h1 = _bnrelu(hpre1, s1, ss1, g1r, be1r)

  hw2 = _hw(h1, Wl2, b2r)
  (aggp2,) = _sc_agg(h1, srcp, dstp)
  out128 = _final(hw2, aggp2, cnt2, Wr2, Wc1p, bc1p, Wc2p, bc2p)
  return out128[:, :2]

# --- scband reference (transcript-rebuilt; emitter-appended) ---
"""Pipeline reference for scband-fraud-graph-sage-103079215657 (READ-ONLY COPY).

The authoritative reference and input builder live on the scoring server;
editing this copy changes nothing except your own understanding.
"""

import jax, jax.numpy as jnp
import numpy as np

N = 10000
E = 320000
DIN = 128
DH = 128
DOUT = 2

def setup_inputs(seed: int = 0) -> dict:
    key = jax.random.key(seed)
    ks = jax.random.split(key, 20)
    def w(k, shape, fan_in):
        return (jax.random.normal(k, shape, dtype=jnp.float32) / np.sqrt(fan_in)).astype(jnp.float32)
    inp = {}
    inp['x'] = jax.random.normal(ks[0], (N, DIN), dtype=jnp.float32)
    inp['edge_index'] = jax.random.randint(ks[1], (2, E), 0, N, dtype=jnp.int32)
    # SAGEConv layer 0: in 128 -> 128
    inp['Wl0'] = w(ks[2], (DIN, DH), DIN); inp['Wr0'] = w(ks[3], (DIN, DH), DIN); inp['b0'] = jnp.zeros((DH,), jnp.float32)
    # SAGEConv layer 1: 128 -> 128
    inp['Wl1'] = w(ks[4], (DH, DH), DH); inp['Wr1'] = w(ks[5], (DH, DH), DH); inp['b1'] = jnp.zeros((DH,), jnp.float32)
    # SAGEConv layer 2: 128 -> 128
    inp['Wl2'] = w(ks[6], (DH, DH), DH); inp['Wr2'] = w(ks[7], (DH, DH), DH); inp['b2'] = jnp.zeros((DH,), jnp.float32)
    # BatchNorm params (2 BN layers)
    inp['g0'] = jnp.ones((DH,), jnp.float32); inp['beta0'] = jnp.zeros((DH,), jnp.float32)
    inp['g1'] = jnp.ones((DH,), jnp.float32); inp['beta1'] = jnp.zeros((DH,), jnp.float32)
    # classifier: 128 -> 64 -> 2
    inp['Wc1'] = w(ks[8], (DH, DH // 2), DH); inp['bc1'] = jnp.zeros((DH // 2,), jnp.float32)
    inp['Wc2'] = w(ks[9], (DH // 2, DOUT), DH // 2); inp['bc2'] = jnp.zeros((DOUT,), jnp.float32)
    return inp

def _sage_conv(x, src, dst, Wl, Wr, b):
    msg = x[src]                               # gather over source nodes
    agg = jax.ops.segment_sum(msg, dst, num_segments=N)   # scatter-add to dst
    cnt = jax.ops.segment_sum(jnp.ones((src.shape[0], 1), jnp.float32), dst, num_segments=N)
    mean_agg = agg / jnp.maximum(cnt, 1.0)     # mean aggregation
    return x @ Wl + mean_agg @ Wr + b

def _bn(h, g, beta):
    m = h.mean(axis=0)
    v = h.var(axis=0)
    return (h - m) / jnp.sqrt(v + 1e-5) * g + beta

def reference(x, edge_index, Wl0, Wr0, b0, Wl1, Wr1, b1, Wl2, Wr2, b2, g0, beta0, g1, beta1, Wc1, bc1, Wc2, bc2):
    src = edge_index[0]
    dst = edge_index[1]
    h = _sage_conv(x, src, dst, Wl0, Wr0, b0)
    h = jax.nn.relu(_bn(h, g0, beta0))
    # dropout is identity in deterministic/eval reference
    h = _sage_conv(h, src, dst, Wl1, Wr1, b1)
    h = jax.nn.relu(_bn(h, g1, beta1))
    h = _sage_conv(h, src, dst, Wl2, Wr2, b2)
    h = jax.nn.relu(h @ Wc1 + bc1)
    out = h @ Wc2 + bc2
    return out

if __name__ == "__main__":
    import jax
    _d = setup_inputs()
    print(jax.jit(kernel)(*tuple(_d.values())))

</pallas_src>

<mosaic_0001>
#map = affine_map<(d0, d1) -> (0, 0)>
#map1 = affine_map<(d0, d1) -> (0, 0, 0)>
module attributes {stable_mosaic.version = 14 : i64} {
  func.func @body(%arg0: i32, %arg1: i32, %arg2: memref<10000x128xf32, #tpu.memory_space<hbm>>, %arg3: memref<5120x64xi32, #tpu.memory_space<hbm>>, %arg4: memref<5120x64xi32, #tpu.memory_space<hbm>>, %arg5: memref<2x10240x128xf32, #tpu.memory_space<hbm>>, %arg6: memref<2x10240xf32, #tpu.memory_space<hbm>>, %arg7: memref<12x64xi32, #tpu.memory_space<vmem>>, %arg8: memref<12x64xi32, #tpu.memory_space<vmem>>, %arg9: memref<5x64x128xf32, #tpu.memory_space<vmem>>, %arg10: memref<8x128xf32, #tpu.memory_space<vmem>>, %arg11: memref<64xf32, #tpu.memory_space<vmem>>, %arg12: memref<10240x128xf32, #tpu.memory_space<vmem_shared>>, %arg13: memref<10240xf32, #tpu.memory_space<vmem_shared>>, %arg14: memref<!tpu.dma_semaphore, #tpu.memory_space<semaphore_mem>>, %arg15: memref<!tpu.dma_semaphore, #tpu.memory_space<semaphore_mem>>, %arg16: memref<!tpu.dma_semaphore, #tpu.memory_space<semaphore_mem>>, %arg17: memref<!tpu.dma_semaphore, #tpu.memory_space<semaphore_mem>>) attributes {dimension_semantics = [#tpu.dimension_semantics<core_parallel>, #tpu.dimension_semantics<subcore_parallel>], iteration_bounds = array<i64: 2, 16>, scalar_prefetch = 0 : i64, scratch_operands = 11 : i64, tpu.core_type = #tpu.core_type<sc_vector_subcore>, window_params = [{transform_indices = #map}, {transform_indices = #map}, {transform_indices = #map}, {transform_indices = #map1}, {transform_indices = #map}]} {
    %mul3A = arith.constant 320 : i32
    %mul3A_0 = arith.muli %arg1, %mul3A : i32
    %mul3A_1 = arith.constant 240 : i32
    %mul3A_2 = arith.muli %arg0, %mul3A_1 : i32
    %add3A = arith.addi %mul3A_0, %mul3A_2 : i32
    %eq3A = arith.constant 0 : i32
    %eq3A_3 = arith.cmpi eq, %arg0, %eq3A : i32
    %select_n3A = arith.constant 80 : i32
    %select_n3A_4 = arith.constant 240 : i32
    %select_n3A_5 = arith.select %eq3A_3, %select_n3A_4, %select_n3A : i32
    %rem3A = arith.constant 0 : i32
    %rem3A_6 = arith.constant 12 : i32
    %rem3A_7 = arith.remsi %rem3A, %rem3A_6 : i32
    %add3A_8 = arith.constant 0 : i32
    %add3A_9 = arith.addi %add3A, %add3A_8 : i32
    %add3A_10 = arith.constant 0 : i32
    %add3A_11 = arith.addi %add3A, %add3A_10 : i32
    %dma_start3A = arith.constant 0 : i32
    %dma_start3A_12 = tpu.memref_slice %arg7[%rem3A_7, %dma_start3A] : memref<12x64xi32, #tpu.memory_space<vmem>> -> memref<1x64xi32, #tpu.memory_space<vmem>>
    %dma_start3A_13 = tpu.memref_squeeze %dma_start3A_12 : memref<1x64xi32, #tpu.memory_space<vmem>> -> memref<64xi32, #tpu.memory_space<vmem>>
    %dma_start3A_14 = arith.constant 0 : i32
    %dma_start3A_15 = tpu.memref_slice %arg3[%add3A_9, %dma_start3A_14] : memref<5120x64xi32, #tpu.memory_space<hbm>> -> memref<1x64xi32, #tpu.memory_space<hbm>>
    %dma_start3A_16 = tpu.memref_squeeze %dma_start3A_15 : memref<1x64xi32, #tpu.memory_space<hbm>> -> memref<64xi32, #tpu.memory_space<hbm>>
    %dma_start3A_17 = arith.constant 0 : i32
    %dma_start3A_18 = tpu.memref_slice %arg7[%rem3A_7, %dma_start3A_17] : memref<12x64xi32, #tpu.memory_space<vmem>> -> memref<1x64xi32, #tpu.memory_space<vmem>>
    %dma_start3A_19 = tpu.memref_squeeze %dma_start3A_18 : memref<1x64xi32, #tpu.memory_space<vmem>> -> memref<64xi32, #tpu.memory_space<vmem>>
    %dma_start3A_20 = arith.constant 0 : i32
    %dma_start3A_21 = tpu.memref_slice %arg3[%add3A_9, %dma_start3A_20] : memref<5120x64xi32, #tpu.memory_space<hbm>> -> memref<1x64xi32, #tpu.memory_space<hbm>>
    %dma_start3A_22 = tpu.memref_squeeze %dma_start3A_21 : memref<1x64xi32, #tpu.memory_space<hbm>> -> memref<64xi32, #tpu.memory_space<hbm>>
    tpu.enqueue_dma source(%dma_start3A_22 : memref<64xi32, #tpu.memory_space<hbm>>) target(%dma_start3A_19 : memref<64xi32, #tpu.memory_space<vmem>>) target_semaphore(%arg17 : memref<!tpu.dma_semaphore, #tpu.memory_space<semaphore_mem>>)
    %dma_start3A_23 = arith.constant 0 : i32
    %dma_start3A_24 = tpu.memref_slice %arg8[%rem3A_7, %dma_start3A_23] : memref<12x64xi32, #tpu.memory_space<vmem>> -> memref<1x64xi32, #tpu.memory_space<vmem>>
    %dma_start3A_25 = tpu.memref_squeeze %dma_start3A_24 : memref<1x64xi32, #tpu.memory_space<vmem>> -> memref<64xi32, #tpu.memory_space<vmem>>
    %dma_start3A_26 = arith.constant 0 : i32
    %dma_start3A_27 = tpu.memref_slice %arg4[%add3A_11, %dma_start3A_26] : memref<5120x64xi32, #tpu.memory_space<hbm>> -> memref<1x64xi32, #tpu.memory_space<hbm>>
    %dma_start3A_28 = tpu.memref_squeeze %dma_start3A_27 : memref<1x64xi32, #tpu.memory_space<hbm>> -> memref<64xi32, #tpu.memory_space<hbm>>
    %dma_start3A_29 = arith.constant 0 : i32
    %dma_start3A_30 = tpu.memref_slice %arg8[%rem3A_7, %dma_start3A_29] : memref<12x64xi32, #tpu.memory_space<vmem>> -> memref<1x64xi32, #tpu.memory_space<vmem>>
    %dma_start3A_31 = tpu.memref_squeeze %dma_start3A_30 : memref<1x64xi32, #tpu.memory_space<vmem>> -> memref<64xi32, #tpu.memory_space<vmem>>
    %dma_start3A_32 = arith.constant 0 : i32
    %dma_start3A_33 = tpu.memref_slice %arg4[%add3A_11, %dma_start3A_32] : memref<5120x64xi32, #tpu.memory_space<hbm>> -> memref<1x64xi32, #tpu.memory_space<hbm>>
    %dma_start3A_34 = tpu.memref_squeeze %dma_start3A_33 : memref<1x64xi32, #tpu.memory_space<hbm>> -> memref<64xi32, #tpu.memory_space<hbm>>
    tpu.enqueue_dma source(%dma_start3A_34 : memref<64xi32, #tpu.memory_space<hbm>>) target(%dma_start3A_31 : memref<64xi32, #tpu.memory_space<vmem>>) target_semaphore(%arg17 : memref<!tpu.dma_semaphore, #tpu.memory_space<semaphore_mem>>)
    %rem3A_35 = arith.constant 1 : i32
    %rem3A_36 = arith.constant 12 : i32
    %rem3A_37 = arith.remsi %rem3A_35, %rem3A_36 : i32
    %add3A_38 = arith.constant 1 : i32
    %add3A_39 = arith.addi %add3A, %add3A_38 : i32
    %add3A_40 = arith.constant 1 : i32
    %add3A_41 = arith.addi %add3A, %add3A_40 : i32
    %dma_start3A_42 = arith.constant 0 : i32
    %dma_start3A_43 = tpu.memref_slice %arg7[%rem3A_37, %dma_start3A_42] : memref<12x64xi32, #tpu.memory_space<vmem>> -> memref<1x64xi32, #tpu.memory_space<vmem>>
    %dma_start3A_44 = tpu.memref_squeeze %dma_start3A_43 : memref<1x64xi32, #tpu.memory_space<vmem>> -> memref<64xi32, #tpu.memory_space<vmem>>
    %dma_start3A_45 = arith.constant 0 : i32
    %dma_start3A_46 = tpu.memref_slice %arg3[%add3A_39, %dma_start3A_45] : memref<5120x64xi32, #tpu.memory_space<hbm>> -> memref<1x64xi32, #tpu.memory_space<hbm>>
    %dma_start3A_47 = tpu.memref_squeeze %dma_start3A_46 : memref<1x64xi32, #tpu.memory_space<hbm>> -> memref<64xi32, #tpu.memory_space<hbm>>
    %dma_start3A_48 = arith.constant 0 : i32
    %dma_start3A_49 = tpu.memref_slice %arg7[%rem3A_37, %dma_start3A_48] : memref<12x64xi32, #tpu.memory_space<vmem>> -> memref<1x64xi32, #tpu.memory_space<vmem>>
    %dma_start3A_50 = tpu.memref_squeeze %dma_start3A_49 : memref<1x64xi32, #tpu.memory_space<vmem>> -> memref<64xi32, #tpu.memory_space<vmem>>
    %dma_start3A_51 = arith.constant 0 : i32
    %dma_start3A_52 = tpu.memref_slice %arg3[%add3A_39, %dma_start3A_51] : memref<5120x64xi32, #tpu.memory_space<hbm>> -> memref<1x64xi32, #tpu.memory_space<hbm>>
    %dma_start3A_53 = tpu.memref_squeeze %dma_start3A_52 : memref<1x64xi32, #tpu.memory_space<hbm>> -> memref<64xi32, #tpu.memory_space<hbm>>
    tpu.enqueue_dma source(%dma_start3A_53 : memref<64xi32, #tpu.memory_space<hbm>>) target(%dma_start3A_50 : memref<64xi32, #tpu.memory_space<vmem>>) target_semaphore(%arg17 : memref<!tpu.dma_semaphore, #tpu.memory_space<semaphore_mem>>)
    %dma_start3A_54 = arith.constant 0 : i32
    %dma_start3A_55 = tpu.memref_slice %arg8[%rem3A_37, %dma_start3A_54] : memref<12x64xi32, #tpu.memory_space<vmem>> -> memref<1x64xi32, #tpu.memory_space<vmem>>
    %dma_start3A_56 = tpu.memref_squeeze %dma_start3A_55 : memref<1x64xi32, #tpu.memory_space<vmem>> -> memref<64xi32, #tpu.memory_space<vmem>>
    %dma_start3A_57 = arith.constant 0 : i32
    %dma_start3A_58 = tpu.memref_slice %arg4[%add3A_41, %dma_start3A_57] : memref<5120x64xi32, #tpu.memory_space<hbm>> -> memref<1x64xi32, #tpu.memory_space<hbm>>
    %dma_start3A_59 = tpu.memref_squeeze %dma_start3A_58 : memref<1x64xi32, #tpu.memory_space<hbm>> -> memref<64xi32, #tpu.memory_space<hbm>>
    %dma_start3A_60 = arith.constant 0 : i32
    %dma_start3A_61 = tpu.memref_slice %arg8[%rem3A_37, %dma_start3A_60] : memref<12x64xi32, #tpu.memory_space<vmem>> -> memref<1x64xi32, #tpu.memory_space<vmem>>
    %dma_start3A_62 = tpu.memref_squeeze %dma_start3A_61 : memref<1x64xi32, #tpu.memory_space<vmem>> -> memref<64xi32, #tpu.memory_space<vmem>>
    %dma_start3A_63 = arith.constant 0 : i32
    %dma_start3A_64 = tpu.memref_slice %arg4[%add3A_41, %dma_start3A_63] : memref<5120x64xi32, #tpu.memory_space<hbm>> -> memref<1x64xi32, #tpu.memory_space<hbm>>
    %dma_start3A_65 = tpu.memref_squeeze %dma_start3A_64 : memref<1x64xi32, #tpu.memory_space<hbm>> -> memref<64xi32, #tpu.memory_space<hbm>>
    tpu.enqueue_dma source(%dma_start3A_65 : memref<64xi32, #tpu.memory_space<hbm>>) target(%dma_start3A_62 : memref<64xi32, #tpu.memory_space<vmem>>) target_semaphore(%arg17 : memref<!tpu.dma_semaphore, #tpu.memory_space<semaphore_mem>>)
    %rem3A_66 = arith.constant 2 : i32
    %rem3A_67 = arith.constant 12 : i32
    %rem3A_68 = arith.remsi %rem3A_66, %rem3A_67 : i32
    %add3A_69 = arith.constant 2 : i32
    %add3A_70 = arith.addi %add3A, %add3A_69 : i32
    %add3A_71 = arith.constant 2 : i32
    %add3A_72 = arith.addi %add3A, %add3A_71 : i32
    %dma_start3A_73 = arith.constant 0 : i32
    %dma_start3A_74 = tpu.memref_slice %arg7[%rem3A_68, %dma_start3A_73] : memref<12x64xi32, #tpu.memory_space<vmem>> -> memref<1x64xi32, #tpu.memory_space<vmem>>
    %dma_start3A_75 = tpu.memref_squeeze %dma_start3A_74 : memref<1x64xi32, #tpu.memory_space<vmem>> -> memref<64xi32, #tpu.memory_space<vmem>>
    %dma_start3A_76 = arith.constant 0 : i32
    %dma_start3A_77 = tpu.memref_slice %arg3[%add3A_70, %dma_start3A_76] : memref<5120x64xi32, #tpu.memory_space<hbm>> -> memref<1x64xi32, #tpu.memory_space<hbm>>
    %dma_start3A_78 = tpu.memref_squeeze %dma_start3A_77 : memref<1x64xi32, #tpu.memory_space<hbm>> -> memref<64xi32, #tpu.memory_space<hbm>>
    %dma_start3A_79 = arith.constant 0 : i32
    %dma_start3A_80 = tpu.memref_slice %arg7[%rem3A_68, %dma_start3A_79] : memref<12x64xi32, #tpu.memory_space<vmem>> -> memref<1x64xi32, #tpu.memory_space<vmem>>
    %dma_start3A_81 = tpu.memref_squeeze %dma_start3A_80 : memref<1x64xi32, #tpu.memory_space<vmem>> -> memref<64xi32, #tpu.memory_space<vmem>>
    %dma_start3A_82 = arith.constant 0 : i32
    %dma_start3A_83 = tpu.memref_slice %arg3[%add3A_70, %dma_start3A_82] : memref<5120x64xi32, #tpu.memory_space<hbm>> -> memref<1x64xi32, #tpu.memory_space<hbm>>
    %dma_start3A_84 = tpu.memref_squeeze %dma_start3A_83 : memref<1x64xi32, #tpu.memory_space<hbm>> -> memref<64xi32, #tpu.memory_space<hbm>>
    tpu.enqueue_dma source(%dma_start3A_84 : memref<64xi32, #tpu.memory_space<hbm>>) target(%dma_start3A_81 : memref<64xi32, #tpu.memory_space<vmem>>) target_semaphore(%arg17 : memref<!tpu.dma_semaphore, #tpu.memory_space<semaphore_mem>>)
    %dma_start3A_85 = arith.constant 0 : i32
    %dma_start3A_86 = tpu.memref_slice %arg8[%rem3A_68, %dma_start3A_85] : memref<12x64xi32, #tpu.memory_space<vmem>> -> memref<1x64xi32, #tpu.memory_space<vmem>>
    %dma_start3A_87 = tpu.memref_squeeze %dma_start3A_86 : memref<1x64xi32, #tpu.memory_space<vmem>> -> memref<64xi32, #tpu.memory_space<vmem>>
    %dma_start3A_88 = arith.constant 0 : i32
    %dma_start3A_89 = tpu.memref_slice %arg4[%add3A_72, %dma_start3A_88] : memref<5120x64xi32, #tpu.memory_space<hbm>> -> memref<1x64xi32, #tpu.memory_space<hbm>>
    %dma_start3A_90 = tpu.memref_squeeze %dma_start3A_89 : memref<1x64xi32, #tpu.memory_space<hbm>> -> memref<64xi32, #tpu.memory_space<hbm>>
    %dma_start3A_91 = arith.constant 0 : i32
    %dma_start3A_92 = tpu.memref_slice %arg8[%rem3A_68, %dma_start3A_91] : memref<12x64xi32, #tpu.memory_space<vmem>> -> memref<1x64xi32, #tpu.memory_space<vmem>>
    %dma_start3A_93 = tpu.memref_squeeze %dma_start3A_92 : memref<1x64xi32, #tpu.memory_space<vmem>> -> memref<64xi32, #tpu.memory_space<vmem>>
    %dma_start3A_94 = arith.constant 0 : i32
    %dma_start3A_95 = tpu.memref_slice %arg4[%add3A_72, %dma_start3A_94] : memref<5120x64xi32, #tpu.memory_space<hbm>> -> memref<1x64xi32, #tpu.memory_space<hbm>>
    %dma_start3A_96 = tpu.memref_squeeze %dma_start3A_95 : memref<1x64xi32, #tpu.memory_space<hbm>> -> memref<64xi32, #tpu.memory_space<hbm>>
    tpu.enqueue_dma source(%dma_start3A_96 : memref<64xi32, #tpu.memory_space<hbm>>) target(%dma_start3A_93 : memref<64xi32, #tpu.memory_space<vmem>>) target_semaphore(%arg17 : memref<!tpu.dma_semaphore, #tpu.memory_space<semaphore_mem>>)
    %rem3A_97 = arith.constant 3 : i32
    %rem3A_98 = arith.constant 12 : i32
    %rem3A_99 = arith.remsi %rem3A_97, %rem3A_98 : i32
    %add3A_100 = arith.constant 3 : i32
    %add3A_101 = arith.addi %add3A, %add3A_100 : i32
    %add3A_102 = arith.constant 3 : i32
    %add3A_103 = arith.addi %add3A, %add3A_102 : i32
    %dma_start3A_104 = arith.constant 0 : i32
    %dma_start3A_105 = tpu.memref_slice %arg7[%rem3A_99, %dma_start3A_104] : memref<12x64xi32, #tpu.memory_space<vmem>> -> memref<1x64xi32, #tpu.memory_space<vmem>>
    %dma_start3A_106 = tpu.memref_squeeze %dma_start3A_105 : memref<1x64xi32, #tpu.memory_space<vmem>> -> memref<64xi32, #tpu.memory_space<vmem>>
    %dma_start3A_107 = arith.constant 0 : i32
    %dma_start3A_108 = tpu.memref_slice %arg3[%add3A_101, %dma_start3A_107] : memref<5120x64xi32, #tpu.memory_space<hbm>> -> memref<1x64xi32, #tpu.memory_space<hbm>>
    %dma_start3A_109 = tpu.memref_squeeze %dma_start3A_108 : memref<1x64xi32, #tpu.memory_space<hbm>> -> memref<64xi32, #tpu.memory_space<hbm>>
    %dma_start3A_110 = arith.constant 0 : i32
    %dma_start3A_111 = tpu.memref_slice %arg7[%rem3A_99, %dma_start3A_110] : memref<12x64xi32, #tpu.memory_space<vmem>> -> memref<1x64xi32, #tpu.memory_space<vmem>>
    %dma_start3A_112 = tpu.memref_squeeze %dma_start3A_111 : memref<1x64xi32, #tpu.memory_space<vmem>> -> memref<64xi32, #tpu.memory_space<vmem>>
    %dma_start3A_113 = arith.constant 0 : i32
    %dma_start3A_114 = tpu.memref_slice %arg3[%add3A_101, %dma_start3A_113] : memref<5120x64xi32, #tpu.memory_space<hbm>> -> memref<1x64xi32, #tpu.memory_space<hbm>>
    %dma_start3A_115 = tpu.memref_squeeze %dma_start3A_114 : memref<1x64xi32, #tpu.memory_space<hbm>> -> memref<64xi32, #tpu.memory_space<hbm>>
    tpu.enqueue_dma source(%dma_start3A_115 : memref<64xi32, #tpu.memory_space<hbm>>) target(%dma_start3A_112 : memref<64xi32, #tpu.memory_space<vmem>>) target_semaphore(%arg17 : memref<!tpu.dma_semaphore, #tpu.memory_space<semaphore_mem>>)
    %dma_start3A_116 = arith.constant 0 : i32
    %dma_start3A_117 = tpu.memref_slice %arg8[%rem3A_99, %dma_start3A_116] : memref<12x64xi32, #tpu.memory_space<vmem>> -> memref<1x64xi32, #tpu.memory_space<vmem>>
    %dma_start3A_118 = tpu.memref_squeeze %dma_start3A_117 : memref<1x64xi32, #tpu.memory_space<vmem>> -> memref<64xi32, #tpu.memory_space<vmem>>
    %dma_start3A_119 = arith.constant 0 : i32
    %dma_start3A_120 = tpu.memref_slice %arg4[%add3A_103, %dma_start3A_119] : memref<5120x64xi32, #tpu.memory_space<hbm>> -> memref<1x64xi32, #tpu.memory_space<hbm>>
    %dma_start3A_121 = tpu.memref_squeeze %dma_start3A_120 : memref<1x64xi32, #tpu.memory_space<hbm>> -> memref<64xi32, #tpu.memory_space<hbm>>
    %dma_start3A_122 = arith.constant 0 : i32
    %dma_start3A_123 = tpu.memref_slice %arg8[%rem3A_99, %dma_start3A_122] : memref<12x64xi32, #tpu.memory_space<vmem>> -> memref<1x64xi32, #tpu.memory_space<vmem>>
    %dma_start3A_124 = tpu.memref_squeeze %dma_start3A_123 : memref<1x64xi32, #tpu.memory_space<vmem>> -> memref<64xi32, #tpu.memory_space<vmem>>
    %dma_start3A_125 = arith.constant 0 : i32
    %dma_start3A_126 = tpu.memref_slice %arg4[%add3A_103, %dma_start3A_125] : memref<5120x64xi32, #tpu.memory_space<hbm>> -> memref<1x64xi32, #tpu.memory_space<hbm>>
    %dma_start3A_127 = tpu.memref_squeeze %dma_start3A_126 : memref<1x64xi32, #tpu.memory_space<hbm>> -> memref<64xi32, #tpu.memory_space<hbm>>
    tpu.enqueue_dma source(%dma_start3A_127 : memref<64xi32, #tpu.memory_space<hbm>>) target(%dma_start3A_124 : memref<64xi32, #tpu.memory_space<vmem>>) target_semaphore(%arg17 : memref<!tpu.dma_semaphore, #tpu.memory_space<semaphore_mem>>)
    %rem3A_128 = arith.constant 4 : i32
    %rem3A_129 = arith.constant 12 : i32
    %rem3A_130 = arith.remsi %rem3A_128, %rem3A_129 : i32
    %add3A_131 = arith.constant 4 : i32
    %add3A_132 = arith.addi %add3A, %add3A_131 : i32
    %add3A_133 = arith.constant 4 : i32
    %add3A_134 = arith.addi %add3A, %add3A_133 : i32
    %dma_start3A_135 = arith.constant 0 : i32
    %dma_start3A_136 = tpu.memref_slice %arg7[%rem3A_130, %dma_start3A_135] : memref<12x64xi32, #tpu.memory_space<vmem>> -> memref<1x64xi32, #tpu.memory_space<vmem>>
    %dma_start3A_137 = tpu.memref_squeeze %dma_start3A_136 : memref<1x64xi32, #tpu.memory_space<vmem>> -> memref<64xi32, #tpu.memory_space<vmem>>
    %dma_start3A_138 = arith.constant 0 : i32
    %dma_start3A_139 = tpu.memref_slice %arg3[%add3A_132, %dma_start3A_138] : memref<5120x64xi32, #tpu.memory_space<hbm>> -> memref<1x64xi32, #tpu.memory_space<hbm>>
    %dma_start3A_140 = tpu.memref_squeeze %dma_start3A_139 : memref<1x64xi32, #tpu.memory_space<hbm>> -> memref<64xi32, #tpu.memory_space<hbm>>
    %dma_start3A_141 = arith.constant 0 : i32
    %dma_start3A_142 = tpu.memref_slice %arg7[%rem3A_130, %dma_start3A_141] : memref<12x64xi32, #tpu.memory_space<vmem>> -> memref<1x64xi32, #tpu.memory_space<vmem>>
    %dma_start3A_143 = tpu.memref_squeeze %dma_start3A_142 : memref<1x64xi32, #tpu.memory_space<vmem>> -> memref<64xi32, #tpu.memory_space<vmem>>
    %dma_start3A_144 = arith.constant 0 : i32
    %dma_start3A_145 = tpu.memref_slice %arg3[%add3A_132, %dma_start3A_144] : memref<5120x64xi32, #tpu.memory_space<hbm>> -> memref<1x64xi32, #tpu.memory_space<hbm>>
    %dma_start3A_146 = tpu.memref_squeeze %dma_start3A_145 : memref<1x64xi32, #tpu.memory_space<hbm>> -> memref<64xi32, #tpu.memory_space<hbm>>
    tpu.enqueue_dma source(%dma_start3A_146 : memref<64xi32, #tpu.memory_space<hbm>>) target(%dma_start3A_143 : memref<64xi32, #tpu.memory_space<vmem>>) target_semaphore(%arg17 : memref<!tpu.dma_semaphore, #tpu.memory_space<semaphore_mem>>)
    %dma_start3A_147 = arith.constant 0 : i32
    %dma_start3A_148 = tpu.memref_slice %arg8[%rem3A_130, %dma_start3A_147] : memref<12x64xi32, #tpu.memory_space<vmem>> -> memref<1x64xi32, #tpu.memory_space<vmem>>
    %dma_start3A_149 = tpu.memref_squeeze %dma_start3A_148 : memref<1x64xi32, #tpu.memory_space<vmem>> -> memref<64xi32, #tpu.memory_space<vmem>>
    %dma_start3A_150 = arith.constant 0 : i32
    %dma_start3A_151 = tpu.memref_slice %arg4[%add3A_134, %dma_start3A_150] : memref<5120x64xi32, #tpu.memory_space<hbm>> -> memref<1x64xi32, #tpu.memory_space<hbm>>
    %dma_start3A_152 = tpu.memref_squeeze %dma_start3A_151 : memref<1x64xi32, #tpu.memory_space<hbm>> -> memref<64xi32, #tpu.memory_space<hbm>>
    %dma_start3A_153 = arith.constant 0 : i32
    %dma_start3A_154 = tpu.memref_slice %arg8[%rem3A_130, %dma_start3A_153] : memref<12x64xi32, #tpu.memory_space<vmem>> -> memref<1x64xi32, #tpu.memory_space<vmem>>
    %dma_start3A_155 = tpu.memref_squeeze %dma_start3A_154 : memref<1x64xi32, #tpu.memory_space<vmem>> -> memref<64xi32, #tpu.memory_space<vmem>>
    %dma_start3A_156 = arith.constant 0 : i32
    %dma_start3A_157 = tpu.memref_slice %arg4[%add3A_134, %dma_start3A_156] : memref<5120x64xi32, #tpu.memory_space<hbm>> -> memref<1x64xi32, #tpu.memory_space<hbm>>
    %dma_start3A_158 = tpu.memref_squeeze %dma_start3A_157 : memref<1x64xi32, #tpu.memory_space<hbm>> -> memref<64xi32, #tpu.memory_space<hbm>>
    tpu.enqueue_dma source(%dma_start3A_158 : memref<64xi32, #tpu.memory_space<hbm>>) target(%dma_start3A_155 : memref<64xi32, #tpu.memory_space<vmem>>) target_semaphore(%arg17 : memref<!tpu.dma_semaphore, #tpu.memory_space<semaphore_mem>>)
    %rem3A_159 = arith.constant 5 : i32
    %rem3A_160 = arith.constant 12 : i32
    %rem3A_161 = arith.remsi %rem3A_159, %rem3A_160 : i32
    %add3A_162 = arith.constant 5 : i32
    %add3A_163 = arith.addi %add3A, %add3A_162 : i32
    %add3A_164 = arith.constant 5 : i32
    %add3A_165 = arith.addi %add3A, %add3A_164 : i32
    %dma_start3A_166 = arith.constant 0 : i32
    %dma_start3A_167 = tpu.memref_slice %arg7[%rem3A_161, %dma_start3A_166] : memref<12x64xi32, #tpu.memory_space<vmem>> -> memref<1x64xi32, #tpu.memory_space<vmem>>
    %dma_start3A_168 = tpu.memref_squeeze %dma_start3A_167 : memref<1x64xi32, #tpu.memory_space<vmem>> -> memref<64xi32, #tpu.memory_space<vmem>>
    %dma_start3A_169 = arith.constant 0 : i32
    %dma_start3A_170 = tpu.memref_slice %arg3[%add3A_163, %dma_start3A_169] : memref<5120x64xi32, #tpu.memory_space<hbm>> -> memref<1x64xi32, #tpu.memory_space<hbm>>
    %dma_start3A_171 = tpu.memref_squeeze %dma_start3A_170 : memref<1x64xi32, #tpu.memory_space<hbm>> -> memref<64xi32, #tpu.memory_space<hbm>>
    %dma_start3A_172 = arith.constant 0 : i32
    %dma_start3A_173 = tpu.memref_slice %arg7[%rem3A_161, %dma_start3A_172] : memref<12x64xi32, #tpu.memory_space<vmem>> -> memref<1x64xi32, #tpu.memory_space<vmem>>
    %dma_start3A_174 = tpu.memref_squeeze %dma_start3A_173 : memref<1x64xi32, #tpu.memory_space<vmem>> -> memref<64xi32, #tpu.memory_space<vmem>>
    %dma_start3A_175 = arith.constant 0 : i32
    %dma_start3A_176 = tpu.memref_slice %arg3[%add3A_163, %dma_start3A_175] : memref<5120x64xi32, #tpu.memory_space<hbm>> -> memref<1x64xi32, #tpu.memory_space<hbm>>
    %dma_start3A_177 = tpu.memref_squeeze %dma_start3A_176 : memref<1x64xi32, #tpu.memory_space<hbm>> -> memref<64xi32, #tpu.memory_space<hbm>>
    tpu.enqueue_dma source(%dma_start3A_177 : memref<64xi32, #tpu.memory_space<hbm>>) target(%dma_start3A_174 : memref<64xi32, #tpu.memory_space<vmem>>) target_semaphore(%arg17 : memref<!tpu.dma_semaphore, #tpu.memory_space<semaphore_mem>>)
    %dma_start3A_178 = arith.constant 0 : i32
    %dma_start3A_179 = tpu.memref_slice %arg8[%rem3A_161, %dma_start3A_178] : memref<12x64xi32, #tpu.memory_space<vmem>> -> memref<1x64xi32, #tpu.memory_space<vmem>>
    %dma_start3A_180 = tpu.memref_squeeze %dma_start3A_179 : memref<1x64xi32, #tpu.memory_space<vmem>> -> memref<64xi32, #tpu.memory_space<vmem>>
    %dma_start3A_181 = arith.constant 0 : i32
    %dma_start3A_182 = tpu.memref_slice %arg4[%add3A_165, %dma_start3A_181] : memref<5120x64xi32, #tpu.memory_space<hbm>> -> memref<1x64xi32, #tpu.memory_space<hbm>>
    %dma_start3A_183 = tpu.memref_squeeze %dma_start3A_182 : memref<1x64xi32, #tpu.memory_space<hbm>> -> memref<64xi32, #tpu.memory_space<hbm>>
    %dma_start3A_184 = arith.constant 0 : i32
    %dma_start3A_185 = tpu.memref_slice %arg8[%rem3A_161, %dma_start3A_184] : memref<12x64xi32, #tpu.memory_space<vmem>> -> memref<1x64xi32, #tpu.memory_space<vmem>>
    %dma_start3A_186 = tpu.memref_squeeze %dma_start3A_185 : memref<1x64xi32, #tpu.memory_space<vmem>> -> memref<64xi32, #tpu.memory_space<vmem>>
    %dma_start3A_187 = arith.constant 0 : i32
    %dma_start3A_188 = tpu.memref_slice %arg4[%add3A_165, %dma_start3A_187] : memref<5120x64xi32, #tpu.memory_space<hbm>> -> memref<1x64xi32, #tpu.memory_space<hbm>>
    %dma_start3A_189 = tpu.memref_squeeze %dma_start3A_188 : memref<1x64xi32, #tpu.memory_space<hbm>> -> memref<64xi32, #tpu.memory_space<hbm>>
    tpu.enqueue_dma source(%dma_start3A_189 : memref<64xi32, #tpu.memory_space<hbm>>) target(%dma_start3A_186 : memref<64xi32, #tpu.memory_space<vmem>>) target_semaphore(%arg17 : memref<!tpu.dma_semaphore, #tpu.memory_space<semaphore_mem>>)
    %rem3A_190 = arith.constant 6 : i32
    %rem3A_191 = arith.constant 12 : i32
    %rem3A_192 = arith.remsi %rem3A_190, %rem3A_191 : i32
    %add3A_193 = arith.constant 6 : i32
    %add3A_194 = arith.addi %add3A, %add3A_193 : i32
    %add3A_195 = arith.constant 6 : i32
    %add3A_196 = arith.addi %add3A, %add3A_195 : i32
    %dma_start3A_197 = arith.constant 0 : i32
    %dma_start3A_198 = tpu.memref_slice %arg7[%rem3A_192, %dma_start3A_197] : memref<12x64xi32, #tpu.memory_space<vmem>> -> memref<1x64xi32, #tpu.memory_space<vmem>>
    %dma_start3A_199 = tpu.memref_squeeze %dma_start3A_198 : memref<1x64xi32, #tpu.memory_space<vmem>> -> memref<64xi32, #tpu.memory_space<vmem>>
    %dma_start3A_200 = arith.constant 0 : i32
    %dma_start3A_201 = tpu.memref_slice %arg3[%add3A_194, %dma_start3A_200] : memref<5120x64xi32, #tpu.memory_space<hbm>> -> memref<1x64xi32, #tpu.memory_space<hbm>>
    %dma_start3A_202 = tpu.memref_squeeze %dma_start3A_201 : memref<1x64xi32, #tpu.memory_space<hbm>> -> memref<64xi32, #tpu.memory_space<hbm>>
    %dma_start3A_203 = arith.constant 0 : i32
    %dma_start3A_204 = tpu.memref_slice %arg7[%rem3A_192, %dma_start3A_203] : memref<12x64xi32, #tpu.memory_space<vmem>> -> memref<1x64xi32, #tpu.memory_space<vmem>>
    %dma_start3A_205 = tpu.memref_squeeze %dma_start3A_204 : memref<1x64xi32, #tpu.memory_space<vmem>> -> memref<64xi32, #tpu.memory_space<vmem>>
    %dma_start3A_206 = arith.constant 0 : i32
    %dma_start3A_207 = tpu.memref_slice %arg3[%add3A_194, %dma_start3A_206] : memref<5120x64xi32, #tpu.memory_space<hbm>> -> memref<1x64xi32, #tpu.memory_space<hbm>>
    %dma_start3A_208 = tpu.memref_squeeze %dma_start3A_207 : memref<1x64xi32, #tpu.memory_space<hbm>> -> memref<64xi32, #tpu.memory_space<hbm>>
    tpu.enqueue_dma source(%dma_start3A_208 : memref<64xi32, #tpu.memory_space<hbm>>) target(%dma_start3A_205 : memref<64xi32, #tpu.memory_space<vmem>>) target_semaphore(%arg17 : memref<!tpu.dma_semaphore, #tpu.memory_space<semaphore_mem>>)
    %dma_start3A_209 = arith.constant 0 : i32
    %dma_start3A_210 = tpu.memref_slice %arg8[%rem3A_192, %dma_start3A_209] : memref<12x64xi32, #tpu.memory_space<vmem>> -> memref<1x64xi32, #tpu.memory_space<vmem>>
    %dma_start3A_211 = tpu.memref_squeeze %dma_start3A_210 : memref<1x64xi32, #tpu.memory_space<vmem>> -> memref<64xi32, #tpu.memory_space<vmem>>
    %dma_start3A_212 = arith.constant 0 : i32
    %dma_start3A_213 = tpu.memref_slice %arg4[%add3A_196, %dma_start3A_212] : memref<5120x64xi32, #tpu.memory_space<hbm>> -> memref<1x64xi32, #tpu.memory_space<hbm>>
    %dma_start3A_214 = tpu.memref_squeeze %dma_start3A_213 : memref<1x64xi32, #tpu.memory_space<hbm>> -> memref<64xi32, #tpu.memory_space<hbm>>
    %dma_start3A_215 = arith.constant 0 : i32
    %dma_start3A_216 = tpu.memref_slice %arg8[%rem3A_192, %dma_start3A_215] : memref<12x64xi32, #tpu.memory_space<vmem>> -> memref<1x64xi32, #tpu.memory_space<vmem>>
    %dma_start3A_217 = tpu.memref_squeeze %dma_start3A_216 : memref<1x64xi32, #tpu.memory_space<vmem>> -> memref<64xi32, #tpu.memory_space<vmem>>
    %dma_start3A_218 = arith.constant 0 : i32
    %dma_start3A_219 = tpu.memref_slice %arg4[%add3A_196, %dma_start3A_218] : memref<5120x64xi32, #tpu.memory_space<hbm>> -> memref<1x64xi32, #tpu.memory_space<hbm>>
    %dma_start3A_220 = tpu.memref_squeeze %dma_start3A_219 : memref<1x64xi32, #tpu.memory_space<hbm>> -> memref<64xi32, #tpu.memory_space<hbm>>
    tpu.enqueue_dma source(%dma_start3A_220 : memref<64xi32, #tpu.memory_space<hbm>>) target(%dma_start3A_217 : memref<64xi32, #tpu.memory_space<vmem>>) target_semaphore(%arg17 : memref<!tpu.dma_semaphore, #tpu.memory_space<semaphore_mem>>)
    %rem3A_221 = arith.constant 7 : i32
    %rem3A_222 = arith.constant 12 : i32
    %rem3A_223 = arith.remsi %rem3A_221, %rem3A_222 : i32
    %add3A_224 = arith.constant 7 : i32
    %add3A_225 = arith.addi %add3A, %add3A_224 : i32
    %add3A_226 = arith.constant 7 : i32
    %add3A_227 = arith.addi %add3A, %add3A_226 : i32
    %dma_start3A_228 = arith.constant 0 : i32
    %dma_start3A_229 = tpu.memref_slice %arg7[%rem3A_223, %dma_start3A_228] : memref<12x64xi32, #tpu.memory_space<vmem>> -> memref<1x64xi32, #tpu.memory_space<vmem>>
    %dma_start3A_230 = tpu.memref_squeeze %dma_start3A_229 : memref<1x64xi32, #tpu.memory_space<vmem>> -> memref<64xi32, #tpu.memory_space<vmem>>
    %dma_start3A_231 = arith.constant 0 : i32
    %dma_start3A_232 = tpu.memref_slice %arg3[%add3A_225, %dma_start3A_231] : memref<5120x64xi32, #tpu.memory_space<hbm>> -> memref<1x64xi32, #tpu.memory_space<hbm>>
    %dma_start3A_233 = tpu.memref_squeeze %dma_start3A_232 : memref<1x64xi32, #tpu.memory_space<hbm>> -> memref<64xi32, #tpu.memory_space<hbm>>
    %dma_start3A_234 = arith.constant 0 : i32
    %dma_start3A_235 = tpu.memref_slice %arg7[%rem3A_223, %dma_start3A_234] : memref<12x64xi32, #tpu.memory_space<vmem>> -> memref<1x64xi32, #tpu.memory_space<vmem>>
    %dma_start3A_236 = tpu.memref_squeeze %dma_start3A_235 : memref<1x64xi32, #tpu.memory_space<vmem>> -> memref<64xi32, #tpu.memory_space<vmem>>
    %dma_start3A_237 = arith.constant 0 : i32
    %dma_start3A_238 = tpu.memref_slice %arg3[%add3A_225, %dma_start3A_237] : memref<5120x64xi32, #tpu.memory_space<hbm>> -> memref<1x64xi32, #tpu.memory_space<hbm>>
    %dma_start3A_239 = tpu.memref_squeeze %dma_start3A_238 : memref<1x64xi32, #tpu.memory_space<hbm>> -> memref<64xi32, #tpu.memory_space<hbm>>
    tpu.enqueue_dma source(%dma_start3A_239 : memref<64xi32, #tpu.memory_space<hbm>>) target(%dma_start3A_236 : memref<64xi32, #tpu.memory_space<vmem>>) target_semaphore(%arg17 : memref<!tpu.dma_semaphore, #tpu.memory_space<semaphore_mem>>)
    %dma_start3A_240 = arith.constant 0 : i32
    %dma_start3A_241 = tpu.memref_slice %arg8[%rem3A_223, %dma_start3A_240] : memref<12x64xi32, #tpu.memory_space<vmem>> -> memref<1x64xi32, #tpu.memory_space<vmem>>
    %dma_start3A_242 = tpu.memref_squeeze %dma_start3A_241 : memref<1x64xi32, #tpu.memory_space<vmem>> -> memref<64xi32, #tpu.memory_space<vmem>>
    %dma_start3A_243 = arith.constant 0 : i32
    %dma_start3A_244 = tpu.memref_slice %arg4[%add3A_227, %dma_start3A_243] : memref<5120x64xi32, #tpu.memory_space<hbm>> -> memref<1x64xi32, #tpu.memory_space<hbm>>
    %dma_start3A_245 = tpu.memref_squeeze %dma_start3A_244 : memref<1x64xi32, #tpu.memory_space<hbm>> -> memref<64xi32, #tpu.memory_space<hbm>>
    %dma_start3A_246 = arith.constant 0 : i32
    %dma_start3A_247 = tpu.memref_slice %arg8[%rem3A_223, %dma_start3A_246] : memref<12x64xi32, #tpu.memory_space<vmem>> -> memref<1x64xi32, #tpu.memory_space<vmem>>
    %dma_start3A_248 = tpu.memref_squeeze %dma_start3A_247 : memref<1x64xi32, #tpu.memory_space<vmem>> -> memref<64xi32, #tpu.memory_space<vmem>>
    %dma_start3A_249 = arith.constant 0 : i32
    %dma_start3A_250 = tpu.memref_slice %arg4[%add3A_227, %dma_start3A_249] : memref<5120x64xi32, #tpu.memory_space<hbm>> -> memref<1x64xi32, #tpu.memory_space<hbm>>
    %dma_start3A_251 = tpu.memref_squeeze %dma_start3A_250 : memref<1x64xi32, #tpu.memory_space<hbm>> -> memref<64xi32, #tpu.memory_space<hbm>>
    tpu.enqueue_dma source(%dma_start3A_251 : memref<64xi32, #tpu.memory_space<hbm>>) target(%dma_start3A_248 : memref<64xi32, #tpu.memory_space<vmem>>) target_semaphore(%arg17 : memref<!tpu.dma_semaphore, #tpu.memory_space<semaphore_mem>>)
    %scan3A = arith.constant 0 : i32
    %scan3A_252 = arith.constant 0 : i32
    %scan3A_253 = arith.constant 8 : i32
    %scan3A_254 = arith.addi %scan3A_252, %scan3A_253 : i32
    %scan3A_255 = arith.constant 1 : i32
    scf.for %scan3A_523 = %scan3A_252 to %scan3A_254 step %scan3A_255  : i32 {
      %broadcast_in_dim3A_524 = arith.constant 0.000000e+00 : f32
      %broadcast_in_dim3A_525 = vector.broadcast %broadcast_in_dim3A_524 : f32 to vector<16xf32>
      %swap3A_526 = arith.index_cast %scan3A_523 : i32 to index
      %swap3A_527 = arith.constant 0 : index
      %swap3A_528 = tpu.vector_load %arg10[%swap3A_526, %swap3A_527] {strides = array<i32>} : memref<8x128xf32, #tpu.memory_space<vmem>>, vector<1x16xf32>,
      %swap3A_529 = vector.shape_cast %swap3A_528 : vector<1x16xf32> to vector<16xf32>
      %swap3A_530 = vector.shape_cast %broadcast_in_dim3A_525 : vector<16xf32> to vector<1x16xf32>
      tpu.vector_store %arg10[%swap3A_526, %swap3A_527], %swap3A_530 {strides = array<i32>} : memref<8x128xf32, #tpu.memory_space<vmem>>, vector<1x16xf32>,
      %broadcast_in_dim3A_531 = arith.constant 0.000000e+00 : f32
      %broadcast_in_dim3A_532 = vector.broadcast %broadcast_in_dim3A_531 : f32 to vector<16xf32>
      %swap3A_533 = arith.index_cast %scan3A_523 : i32 to index
      %swap3A_534 = arith.constant 16 : index
      %swap3A_535 = tpu.vector_load %arg10[%swap3A_533, %swap3A_534] {strides = array<i32>} : memref<8x128xf32, #tpu.memory_space<vmem>>, vector<1x16xf32>,
      %swap3A_536 = vector.shape_cast %swap3A_535 : vector<1x16xf32> to vector<16xf32>
      %swap3A_537 = vector.shape_cast %broadcast_in_dim3A_532 : vector<16xf32> to vector<1x16xf32>
      tpu.vector_store %arg10[%swap3A_533, %swap3A_534], %swap3A_537 {strides = array<i32>} : memref<8x128xf32, #tpu.memory_space<vmem>>, vector<1x16xf32>,
      %broadcast_in_dim3A_538 = arith.constant 0.000000e+00 : f32
      %broadcast_in_dim3A_539 = vector.broadcast %broadcast_in_dim3A_538 : f32 to vector<16xf32>
      %swap3A_540 = arith.index_cast %scan3A_523 : i32 to index
      %swap3A_541 = arith.constant 32 : index
      %swap3A_542 = tpu.vector_load %arg10[%swap3A_540, %swap3A_541] {strides = array<i32>} : memref<8x128xf32, #tpu.memory_space<vmem>>, vector<1x16xf32>,
      %swap3A_543 = vector.shape_cast %swap3A_542 : vector<1x16xf32> to vector<16xf32>
      %swap3A_544 = vector.shape_cast %broadcast_in_dim3A_539 : vector<16xf32> to vector<1x16xf32>
      tpu.vector_store %arg10[%swap3A_540, %swap3A_541], %swap3A_544 {strides = array<i32>} : memref<8x128xf32, #tpu.memory_space<vmem>>, vector<1x16xf32>,
      %broadcast_in_dim3A_545 = arith.constant 0.000000e+00 : f32
      %broadcast_in_dim3A_546 = vector.broadcast %broadcast_in_dim3A_545 : f32 to vector<16xf32>
      %swap3A_547 = arith.index_cast %scan3A_523 : i32 to index
      %swap3A_548 = arith.constant 48 : index
      %swap3A_549 = tpu.vector_load %arg10[%swap3A_547, %swap3A_548] {strides = array<i32>} : memref<8x128xf32, #tpu.memory_space<vmem>>, vector<1x16xf32>,
      %swap3A_550 = vector.shape_cast %swap3A_549 : vector<1x16xf32> to vector<16xf32>
      %swap3A_551 = vector.shape_cast %broadcast_in_dim3A_546 : vector<16xf32> to vector<1x16xf32>
      tpu.vector_store %arg10[%swap3A_547, %swap3A_548], %swap3A_551 {strides = array<i32>} : memref<8x128xf32, #tpu.memory_space<vmem>>, vector<1x16xf32>,
      %broadcast_in_dim3A_552 = arith.constant 0.000000e+00 : f32
      %broadcast_in_dim3A_553 = vector.broadcast %broadcast_in_dim3A_552 : f32 to vector<16xf32>
      %swap3A_554 = arith.index_cast %scan3A_523 : i32 to index
      %swap3A_555 = arith.constant 64 : index
      %swap3A_556 = tpu.vector_load %arg10[%swap3A_554, %swap3A_555] {strides = array<i32>} : memref<8x128xf32, #tpu.memory_space<vmem>>, vector<1x16xf32>,
      %swap3A_557 = vector.shape_cast %swap3A_556 : vector<1x16xf32> to vector<16xf32>
      %swap3A_558 = vector.shape_cast %broadcast_in_dim3A_553 : vector<16xf32> to vector<1x16xf32>
      tpu.vector_store %arg10[%swap3A_554, %swap3A_555], %swap3A_558 {strides = array<i32>} : memref<8x128xf32, #tpu.memory_space<vmem>>, vector<1x16xf32>,
      %broadcast_in_dim3A_559 = arith.constant 0.000000e+00 : f32
      %broadcast_in_dim3A_560 = vector.broadcast %broadcast_in_dim3A_559 : f32 to vector<16xf32>
      %swap3A_561 = arith.index_cast %scan3A_523 : i32 to index
      %swap3A_562 = arith.constant 80 : index
      %swap3A_563 = tpu.vector_load %arg10[%swap3A_561, %swap3A_562] {strides = array<i32>} : memref<8x128xf32, #tpu.memory_space<vmem>>, vector<1x16xf32>,
      %swap3A_564 = vector.shape_cast %swap3A_563 : vector<1x16xf32> to vector<16xf32>
      %swap3A_565 = vector.shape_cast %broadcast_in_dim3A_560 : vector<16xf32> to vector<1x16xf32>
      tpu.vector_store %arg10[%swap3A_561, %swap3A_562], %swap3A_565 {strides = array<i32>} : memref<8x128xf32, #tpu.memory_space<vmem>>, vector<1x16xf32>,
      %broadcast_in_dim3A_566 = arith.constant 0.000000e+00 : f32
      %broadcast_in_dim3A_567 = vector.broadcast %broadcast_in_dim3A_566 : f32 to vector<16xf32>
      %swap3A_568 = arith.index_cast %scan3A_523 : i32 to index
      %swap3A_569 = arith.constant 96 : index
      %swap3A_570 = tpu.vector_load %arg10[%swap3A_568, %swap3A_569] {strides = array<i32>} : memref<8x128xf32, #tpu.memory_space<vmem>>, vector<1x16xf32>,
      %swap3A_571 = vector.shape_cast %swap3A_570 : vector<1x16xf32> to vector<16xf32>
      %swap3A_572 = vector.shape_cast %broadcast_in_dim3A_567 : vector<16xf32> to vector<1x16xf32>
      tpu.vector_store %arg10[%swap3A_568, %swap3A_569], %swap3A_572 {strides = array<i32>} : memref<8x128xf32, #tpu.memory_space<vmem>>, vector<1x16xf32>,
      %broadcast_in_dim3A_573 = arith.constant 0.000000e+00 : f32
      %broadcast_in_dim3A_574 = vector.broadcast %broadcast_in_dim3A_573 : f32 to vector<16xf32>
      %swap3A_575 = arith.index_cast %scan3A_523 : i32 to index
      %swap3A_576 = arith.constant 112 : index
      %swap3A_577 = tpu.vector_load %arg10[%swap3A_575, %swap3A_576] {strides = array<i32>} : memref<8x128xf32, #tpu.memory_space<vmem>>, vector<1x16xf32>,
      %swap3A_578 = vector.shape_cast %swap3A_577 : vector<1x16xf32> to vector<16xf32>
      %swap3A_579 = vector.shape_cast %broadcast_in_dim3A_574 : vector<16xf32> to vector<1x16xf32>
      tpu.vector_store %arg10[%swap3A_575, %swap3A_576], %swap3A_579 {strides = array<i32>} : memref<8x128xf32, #tpu.memory_space<vmem>>, vector<1x16xf32>,
    }
    %scan3A_256 = arith.constant 8 : i32
    %broadcast_in_dim3A = arith.constant 1.000000e+00 : f32
    %broadcast_in_dim3A_257 = vector.broadcast %broadcast_in_dim3A : f32 to vector<16xf32>
    %swap3A = arith.constant 0 : index
    %swap3A_258 = tpu.vector_load %arg11[%swap3A] {strides = array<i32>} : memref<64xf32, #tpu.memory_space<vmem>>, vector<16xf32>,
    %swap3A_259 = vector.shape_cast %swap3A_258 : vector<16xf32> to vector<16xf32>
    %swap3A_260 = vector.shape_cast %broadcast_in_dim3A_257 : vector<16xf32> to vector<16xf32>
    tpu.vector_store %arg11[%swap3A], %swap3A_260 {strides = array<i32>} : memref<64xf32, #tpu.memory_space<vmem>>, vector<16xf32>,
    %broadcast_in_dim3A_261 = arith.constant 1.000000e+00 : f32
    %broadcast_in_dim3A_262 = vector.broadcast %broadcast_in_dim3A_261 : f32 to vector<16xf32>
    %swap3A_263 = arith.constant 16 : index
    %swap3A_264 = tpu.vector_load %arg11[%swap3A_263] {strides = array<i32>} : memref<64xf32, #tpu.memory_space<vmem>>, vector<16xf32>,
    %swap3A_265 = vector.shape_cast %swap3A_264 : vector<16xf32> to vector<16xf32>
    %swap3A_266 = vector.shape_cast %broadcast_in_dim3A_262 : vector<16xf32> to vector<16xf32>
    tpu.vector_store %arg11[%swap3A_263], %swap3A_266 {strides = array<i32>} : memref<64xf32, #tpu.memory_space<vmem>>, vector<16xf32>,
    %broadcast_in_dim3A_267 = arith.constant 1.000000e+00 : f32
    %broadcast_in_dim3A_268 = vector.broadcast %broadcast_in_dim3A_267 : f32 to vector<16xf32>
    %swap3A_269 = arith.constant 32 : index
    %swap3A_270 = tpu.vector_load %arg11[%swap3A_269] {strides = array<i32>} : memref<64xf32, #tpu.memory_space<vmem>>, vector<16xf32>,
    %swap3A_271 = vector.shape_cast %swap3A_270 : vector<16xf32> to vector<16xf32>
    %swap3A_272 = vector.shape_cast %broadcast_in_dim3A_268 : vector<16xf32> to vector<16xf32>
    tpu.vector_store %arg11[%swap3A_269], %swap3A_272 {strides = array<i32>} : memref<64xf32, #tpu.memory_space<vmem>>, vector<16xf32>,
    %broadcast_in_dim3A_273 = arith.constant 1.000000e+00 : f32
    %broadcast_in_dim3A_274 = vector.broadcast %broadcast_in_dim3A_273 : f32 to vector<16xf32>
    %swap3A_275 = arith.constant 48 : index
    %swap3A_276 = tpu.vector_load %arg11[%swap3A_275] {strides = array<i32>} : memref<64xf32, #tpu.memory_space<vmem>>, vector<16xf32>,
    %swap3A_277 = vector.shape_cast %swap3A_276 : vector<16xf32> to vector<16xf32>
    %swap3A_278 = vector.shape_cast %broadcast_in_dim3A_274 : vector<16xf32> to vector<16xf32>
    tpu.vector_store %arg11[%swap3A_275], %swap3A_278 {strides = array<i32>} : memref<64xf32, #tpu.memory_space<vmem>>, vector<16xf32>,
    %scan3A_279 = arith.constant 0 : i32
    %scan3A_280 = arith.constant 0 : i32
    %scan3A_281 = arith.constant 80 : i32
    %scan3A_282 = arith.addi %scan3A_280, %scan3A_281 : i32
    %scan3A_283 = arith.constant 1 : i32
    scf.for %scan3A_523 = %scan3A_280 to %scan3A_282 step %scan3A_283  : i32 {
      %mul3A_524 = arith.constant 640 : i32
      %mul3A_525 = arith.muli %arg1, %mul3A_524 : i32
      %mul3A_526 = arith.constant 8 : i32
      %mul3A_527 = arith.muli %scan3A_523, %mul3A_526 : i32
      %add3A_528 = arith.addi %mul3A_525, %mul3A_527 : i32
      "tpu.region"() ({
        %run_scoped3A = tpu.sem_alloc : memref<!tpu.dma_semaphore, #tpu.memory_space<semaphore_mem>>
        %dma_start3A_529 = arith.constant 0 : i32
        %dma_start3A_530 = tpu.memref_slice %arg12[%add3A_528, %dma_start3A_529] : memref<10240x128xf32, #tpu.memory_space<vmem_shared>> -> memref<8x128xf32, #tpu.memory_space<vmem_shared>>
        %dma_start3A_531 = arith.constant 0 : i32
        %dma_start3A_532 = tpu.memref_slice %arg12[%add3A_528, %dma_start3A_531] : memref<10240x128xf32, #tpu.memory_space<vmem_shared>> -> memref<8x128xf32, #tpu.memory_space<vmem_shared>>
        tpu.enqueue_dma source(%arg10 : memref<8x128xf32, #tpu.memory_space<vmem>>) target(%dma_start3A_532 : memref<8x128xf32, #tpu.memory_space<vmem_shared>>) target_semaphore(%run_scoped3A : memref<!tpu.dma_semaphore, #tpu.memory_space<semaphore_mem>>)
        %dma_wait3A_533 = arith.constant 0 : i32
        %dma_wait3A_534 = tpu.memref_slice %arg12[%add3A_528, %dma_wait3A_533] : memref<10240x128xf32, #tpu.memory_space<vmem_shared>> -> memref<8x128xf32, #tpu.memory_space<vmem_shared>>
        %dma_wait3A_535 = arith.constant 0 : i32
        %dma_wait3A_536 = tpu.memref_slice %arg12[%add3A_528, %dma_wait3A_535] : memref<10240x128xf32, #tpu.memory_space<vmem_shared>> -> memref<8x128xf32, #tpu.memory_space<vmem_shared>>
        tpu.wait_dma2 semaphore(%run_scoped3A : memref<!tpu.dma_semaphore, #tpu.memory_space<semaphore_mem>>) src(%arg10 : memref<8x128xf32, #tpu.memory_space<vmem>>) dst(%dma_wait3A_536 : memref<8x128xf32, #tpu.memory_space<vmem_shared>>)
        tpu.yield
      }) : () -> ()
    }
    %scan3A_284 = arith.constant 80 : i32
    %scan3A_285 = arith.constant 0 : i32
    %scan3A_286 = arith.constant 0 : i32
    %scan3A_287 = arith.constant 5 : i32
    %scan3A_288 = arith.addi %scan3A_286, %scan3A_287 : i32
    %scan3A_289 = arith.constant 1 : i32
    scf.for %scan3A_523 = %scan3A_286 to %scan3A_288 step %scan3A_289  : i32 {
      %mul3A_524 = arith.constant 640 : i32
      %mul3A_525 = arith.muli %arg1, %mul3A_524 : i32
      %mul3A_526 = arith.constant 128 : i32
      %mul3A_527 = arith.muli %scan3A_523, %mul3A_526 : i32
      %add3A_528 = arith.addi %mul3A_525, %mul3A_527 : i32
      %run_scoped3A = arith.constant 0 : i32
      "tpu.region"() ({
        %run_scoped3A_529 = tpu.sem_alloc : memref<!tpu.dma_semaphore, #tpu.memory_space<semaphore_mem>>
        %dma_start3A_530 = arith.constant 0 : i32
        %dma_start3A_531 = tpu.memref_slice %arg10[%run_scoped3A, %dma_start3A_530] : memref<8x128xf32, #tpu.memory_space<vmem>> -> memref<1x128xf32, #tpu.memory_space<vmem>>
        %dma_start3A_532 = tpu.memref_squeeze %dma_start3A_531 : memref<1x128xf32, #tpu.memory_space<vmem>> -> memref<128xf32, #tpu.memory_space<vmem>>
        %dma_start3A_533 = tpu.memref_slice %arg13[%add3A_528] : memref<10240xf32, #tpu.memory_space<vmem_shared>> -> memref<128xf32, #tpu.memory_space<vmem_shared>>
        %dma_start3A_534 = tpu.memref_slice %arg13[%add3A_528] : memref<10240xf32, #tpu.memory_space<vmem_shared>> -> memref<128xf32, #tpu.memory_space<vmem_shared>>
        %dma_start3A_535 = arith.constant 0 : i32
        %dma_start3A_536 = tpu.memref_slice %arg10[%run_scoped3A, %dma_start3A_535] : memref<8x128xf32, #tpu.memory_space<vmem>> -> memref<1x128xf32, #tpu.memory_space<vmem>>
        %dma_start3A_537 = tpu.memref_squeeze %dma_start3A_536 : memref<1x128xf32, #tpu.memory_space<vmem>> -> memref<128xf32, #tpu.memory_space<vmem>>
        tpu.enqueue_dma source(%dma_start3A_537 : memref<128xf32, #tpu.memory_space<vmem>>) target(%dma_start3A_534 : memref<128xf32, #tpu.memory_space<vmem_shared>>) target_semaphore(%run_scoped3A_529 : memref<!tpu.dma_semaphore, #tpu.memory_space<semaphore_mem>>)
        %dma_wait3A_538 = arith.constant 0 : i32
        %dma_wait3A_539 = tpu.memref_slice %arg10[%run_scoped3A, %dma_wait3A_538] : memref<8x128xf32, #tpu.memory_space<vmem>> -> memref<1x128xf32, #tpu.memory_space<vmem>>
        %dma_wait3A_540 = tpu.memref_squeeze %dma_wait3A_539 : memref<1x128xf32, #tpu.memory_space<vmem>> -> memref<128xf32, #tpu.memory_space<vmem>>
        %dma_wait3A_541 = tpu.memref_slice %arg13[%add3A_528] : memref<10240xf32, #tpu.memory_space<vmem_shared>> -> memref<128xf32, #tpu.memory_space<vmem_shared>>
        %dma_wait3A_542 = tpu.memref_slice %arg13[%add3A_528] : memref<10240xf32, #tpu.memory_space<vmem_shared>> -> memref<128xf32, #tpu.memory_space<vmem_shared>>
        %dma_wait3A_543 = arith.constant 0 : i32
        %dma_wait3A_544 = tpu.memref_slice %arg10[%run_scoped3A, %dma_wait3A_543] : memref<8x128xf32, #tpu.memory_space<vmem>> -> memref<1x128xf32, #tpu.memory_space<vmem>>
        %dma_wait3A_545 = tpu.memref_squeeze %dma_wait3A_544 : memref<1x128xf32, #tpu.memory_space<vmem>> -> memref<128xf32, #tpu.memory_space<vmem>>
        tpu.wait_dma2 semaphore(%run_scoped3A_529 : memref<!tpu.dma_semaphore, #tpu.memory_space<semaphore_mem>>) src(%dma_wait3A_545 : memref<128xf32, #tpu.memory_space<vmem>>) dst(%dma_wait3A_542 : memref<128xf32, #tpu.memory_space<vmem_shared>>)
        tpu.yield
      }) : () -> ()
    }
    %scan3A_290 = arith.constant 5 : i32
    %barrier3A = arith.constant 0 : index
    tpu.barrier barrier_id(%barrier3A)
    %rem3A_291 = arith.constant 0 : i32
    %rem3A_292 = arith.constant 12 : i32
    %rem3A_293 = arith.remsi %rem3A_291, %rem3A_292 : i32
    %add3A_294 = arith.constant 0 : i32
    %add3A_295 = arith.addi %add3A, %add3A_294 : i32
    %add3A_296 = arith.constant 0 : i32
    %add3A_297 = arith.addi %add3A, %add3A_296 : i32
    %dma_wait3A = arith.constant 0 : i32
    %dma_wait3A_298 = tpu.memref_slice %arg7[%rem3A_293, %dma_wait3A] : memref<12x64xi32, #tpu.memory_space<vmem>> -> memref<1x64xi32, #tpu.memory_space<vmem>>
    %dma_wait3A_299 = tpu.memref_squeeze %dma_wait3A_298 : memref<1x64xi32, #tpu.memory_space<vmem>> -> memref<64xi32, #tpu.memory_space<vmem>>
    %dma_wait3A_300 = arith.constant 0 : i32
    %dma_wait3A_301 = tpu.memref_slice %arg3[%add3A_295, %dma_wait3A_300] : memref<5120x64xi32, #tpu.memory_space<hbm>> -> memref<1x64xi32, #tpu.memory_space<hbm>>
    %dma_wait3A_302 = tpu.memref_squeeze %dma_wait3A_301 : memref<1x64xi32, #tpu.memory_space<hbm>> -> memref<64xi32, #tpu.memory_space<hbm>>
    %dma_wait3A_303 = arith.constant 0 : i32
    %dma_wait3A_304 = tpu.memref_slice %arg7[%rem3A_293, %dma_wait3A_303] : memref<12x64xi32, #tpu.memory_space<vmem>> -> memref<1x64xi32, #tpu.memory_space<vmem>>
    %dma_wait3A_305 = tpu.memref_squeeze %dma_wait3A_304 : memref<1x64xi32, #tpu.memory_space<vmem>> -> memref<64xi32, #tpu.memory_space<vmem>>
    %dma_wait3A_306 = arith.constant 0 : i32
    %dma_wait3A_307 = tpu.memref_slice %arg3[%add3A_295, %dma_wait3A_306] : memref<5120x64xi32, #tpu.memory_space<hbm>> -> memref<1x64xi32, #tpu.memory_space<hbm>>
    %dma_wait3A_308 = tpu.memref_squeeze %dma_wait3A_307 : memref<1x64xi32, #tpu.memory_space<hbm>> -> memref<64xi32, #tpu.memory_space<hbm>>
    tpu.wait_dma2 semaphore(%arg17 : memref<!tpu.dma_semaphore, #tpu.memory_space<semaphore_mem>>) src(%dma_wait3A_308 : memref<64xi32, #tpu.memory_space<hbm>>) dst(%dma_wait3A_305 : memref<64xi32, #tpu.memory_space<vmem>>)
    %dma_wait3A_309 = arith.constant 0 : i32
    %dma_wait3A_310 = tpu.memref_slice %arg8[%rem3A_293, %dma_wait3A_309] : memref<12x64xi32, #tpu.memory_space<vmem>> -> memref<1x64xi32, #tpu.memory_space<vmem>>
    %dma_wait3A_311 = tpu.memref_squeeze %dma_wait3A_310 : memref<1x64xi32, #tpu.memory_space<vmem>> -> memref<64xi32, #tpu.memory_space<vmem>>
    %dma_wait3A_312 = arith.constant 0 : i32
    %dma_wait3A_313 = tpu.memref_slice %arg4[%add3A_297, %dma_wait3A_312] : memref<5120x64xi32, #tpu.memory_space<hbm>> -> memref<1x64xi32, #tpu.memory_space<hbm>>
    %dma_wait3A_314 = tpu.memref_squeeze %dma_wait3A_313 : memref<1x64xi32, #tpu.memory_space<hbm>> -> memref<64xi32, #tpu.memory_space<hbm>>
    %dma_wait3A_315 = arith.constant 0 : i32
    %dma_wait3A_316 = tpu.memref_slice %arg8[%rem3A_293, %dma_wait3A_315] : memref<12x64xi32, #tpu.memory_space<vmem>> -> memref<1x64xi32, #tpu.memory_space<vmem>>
    %dma_wait3A_317 = tpu.memref_squeeze %dma_wait3A_316 : memref<1x64xi32, #tpu.memory_space<vmem>> -> memref<64xi32, #tpu.memory_space<vmem>>
    %dma_wait3A_318 = arith.constant 0 : i32
    %dma_wait3A_319 = tpu.memref_slice %arg4[%add3A_297, %dma_wait3A_318] : memref<5120x64xi32, #tpu.memory_space<hbm>> -> memref<1x64xi32, #tpu.memory_space<hbm>>
    %dma_wait3A_320 = tpu.memref_squeeze %dma_wait3A_319 : memref<1x64xi32, #tpu.memory_space<hbm>> -> memref<64xi32, #tpu.memory_space<hbm>>
    tpu.wait_dma2 semaphore(%arg17 : memref<!tpu.dma_semaphore, #tpu.memory_space<semaphore_mem>>) src(%dma_wait3A_320 : memref<64xi32, #tpu.memory_space<hbm>>) dst(%dma_wait3A_317 : memref<64xi32, #tpu.memory_space<vmem>>)
    %rem3A_321 = arith.constant 0 : i32
    %rem3A_322 = arith.constant 12 : i32
    %rem3A_323 = arith.remsi %rem3A_321, %rem3A_322 : i32
    %rem3A_324 = arith.constant 0 : i32
    %rem3A_325 = arith.constant 5 : i32
    %rem3A_326 = arith.remsi %rem3A_324, %rem3A_325 : i32
    %dma_start3A_327 = arith.constant 0 : i32
    %dma_start3A_328 = arith.constant 0 : i32
    %dma_start3A_329 = tpu.memref_slice %arg9[%rem3A_326, %dma_start3A_327, %dma_start3A_328] : memref<5x64x128xf32, #tpu.memory_space<vmem>> -> memref<1x64x128xf32, #tpu.memory_space<vmem>>
    %dma_start3A_330 = tpu.memref_squeeze %dma_start3A_329 : memref<1x64x128xf32, #tpu.memory_space<vmem>> -> memref<64x128xf32, #tpu.memory_space<vmem>>
    %dma_start3A_331 = arith.constant 0 : i32
    %dma_start3A_332 = tpu.memref_slice %arg7[%rem3A_323, %dma_start3A_331] : memref<12x64xi32, #tpu.memory_space<vmem>> -> memref<1x64xi32, #tpu.memory_space<vmem>>
    %dma_start3A_333 = tpu.memref_squeeze %dma_start3A_332 : memref<1x64xi32, #tpu.memory_space<vmem>> -> memref<64xi32, #tpu.memory_space<vmem>>
    %dma_start3A_334 = arith.constant 0 : i32
    %dma_start3A_335 = arith.constant 0 : i32
    %dma_start3A_336 = tpu.memref_slice %arg2[%dma_start3A_334, %dma_start3A_335] : memref<10000x128xf32, #tpu.memory_space<hbm>> -> memref<10000x128xf32, #tpu.memory_space<hbm>>
    tpu.enqueue_indirect_dma source(%dma_start3A_336 : memref<10000x128xf32, #tpu.memory_space<hbm>>) target(%dma_start3A_330 : memref<64x128xf32, #tpu.memory_space<vmem>>) offsets(%dma_start3A_333 : memref<64xi32, #tpu.memory_space<vmem>>) semaphore(%arg14 : memref<!tpu.dma_semaphore, #tpu.memory_space<semaphore_mem>>)
    %rem3A_337 = arith.constant 1 : i32
    %rem3A_338 = arith.constant 12 : i32
    %rem3A_339 = arith.remsi %rem3A_337, %rem3A_338 : i32
    %add3A_340 = arith.constant 1 : i32
    %add3A_341 = arith.addi %add3A, %add3A_340 : i32
    %add3A_342 = arith.constant 1 : i32
    %add3A_343 = arith.addi %add3A, %add3A_342 : i32
    %dma_wait3A_344 = arith.constant 0 : i32
    %dma_wait3A_345 = tpu.memref_slice %arg7[%rem3A_339, %dma_wait3A_344] : memref<12x64xi32, #tpu.memory_space<vmem>> -> memref<1x64xi32, #tpu.memory_space<vmem>>
    %dma_wait3A_346 = tpu.memref_squeeze %dma_wait3A_345 : memref<1x64xi32, #tpu.memory_space<vmem>> -> memref<64xi32, #tpu.memory_space<vmem>>
    %dma_wait3A_347 = arith.constant 0 : i32
    %dma_wait3A_348 = tpu.memref_slice %arg3[%add3A_341, %dma_wait3A_347] : memref<5120x64xi32, #tpu.memory_space<hbm>> -> memref<1x64xi32, #tpu.memory_space<hbm>>
    %dma_wait3A_349 = tpu.memref_squeeze %dma_wait3A_348 : memref<1x64xi32, #tpu.memory_space<hbm>> -> memref<64xi32, #tpu.memory_space<hbm>>
    %dma_wait3A_350 = arith.constant 0 : i32
    %dma_wait3A_351 = tpu.memref_slice %arg7[%rem3A_339, %dma_wait3A_350] : memref<12x64xi32, #tpu.memory_space<vmem>> -> memref<1x64xi32, #tpu.memory_space<vmem>>
    %dma_wait3A_352 = tpu.memref_squeeze %dma_wait3A_351 : memref<1x64xi32, #tpu.memory_space<vmem>> -> memref<64xi32, #tpu.memory_space<vmem>>
    %dma_wait3A_353 = arith.constant 0 : i32
    %dma_wait3A_354 = tpu.memref_slice %arg3[%add3A_341, %dma_wait3A_353] : memref<5120x64xi32, #tpu.memory_space<hbm>> -> memref<1x64xi32, #tpu.memory_space<hbm>>
    %dma_wait3A_355 = tpu.memref_squeeze %dma_wait3A_354 : memref<1x64xi32, #tpu.memory_space<hbm>> -> memref<64xi32, #tpu.memory_space<hbm>>
    tpu.wait_dma2 semaphore(%arg17 : memref<!tpu.dma_semaphore, #tpu.memory_space<semaphore_mem>>) src(%dma_wait3A_355 : memref<64xi32, #tpu.memory_space<hbm>>) dst(%dma_wait3A_352 : memref<64xi32, #tpu.memory_space<vmem>>)
    %dma_wait3A_356 = arith.constant 0 : i32
    %dma_wait3A_357 = tpu.memref_slice %arg8[%rem3A_339, %dma_wait3A_356] : memref<12x64xi32, #tpu.memory_space<vmem>> -> memref<1x64xi32, #tpu.memory_space<vmem>>
    %dma_wait3A_358 = tpu.memref_squeeze %dma_wait3A_357 : memref<1x64xi32, #tpu.memory_space<vmem>> -> memref<64xi32, #tpu.memory_space<vmem>>
    %dma_wait3A_359 = arith.constant 0 : i32
    %dma_wait3A_360 = tpu.memref_slice %arg4[%add3A_343, %dma_wait3A_359] : memref<5120x64xi32, #tpu.memory_space<hbm>> -> memref<1x64xi32, #tpu.memory_space<hbm>>
    %dma_wait3A_361 = tpu.memref_squeeze %dma_wait3A_360 : memref<1x64xi32, #tpu.memory_space<hbm>> -> memref<64xi32, #tpu.memory_space<hbm>>
    %dma_wait3A_362 = arith.constant 0 : i32
    %dma_wait3A_363 = tpu.memref_slice %arg8[%rem3A_339, %dma_wait3A_362] : memref<12x64xi32, #tpu.memory_space<vmem>> -> memref<1x64xi32, #tpu.memory_space<vmem>>
    %dma_wait3A_364 = tpu.memref_squeeze %dma_wait3A_363 : memref<1x64xi32, #tpu.memory_space<vmem>> -> memref<64xi32, #tpu.memory_space<vmem>>
    %dma_wait3A_365 = arith.constant 0 : i32
    %dma_wait3A_366 = tpu.memref_slice %arg4[%add3A_343, %dma_wait3A_365] : memref<5120x64xi32, #tpu.memory_space<hbm>> -> memref<1x64xi32, #tpu.memory_space<hbm>>
    %dma_wait3A_367 = tpu.memref_squeeze %dma_wait3A_366 : memref<1x64xi32, #tpu.memory_space<hbm>> -> memref<64xi32, #tpu.memory_space<hbm>>
    tpu.wait_dma2 semaphore(%arg17 : memref<!tpu.dma_semaphore, #tpu.memory_space<semaphore_mem>>) src(%dma_wait3A_367 : memref<64xi32, #tpu.memory_space<hbm>>) dst(%dma_wait3A_364 : memref<64xi32, #tpu.memory_space<vmem>>)
    %rem3A_368 = arith.constant 1 : i32
    %rem3A_369 = arith.constant 12 : i32
    %rem3A_370 = arith.remsi %rem3A_368, %rem3A_369 : i32
    %rem3A_371 = arith.constant 1 : i32
    %rem3A_372 = arith.constant 5 : i32
    %rem3A_373 = arith.remsi %rem3A_371, %rem3A_372 : i32
    %dma_start3A_374 = arith.constant 0 : i32
    %dma_start3A_375 = arith.constant 0 : i32
    %dma_start3A_376 = tpu.memref_slice %arg9[%rem3A_373, %dma_start3A_374, %dma_start3A_375] : memref<5x64x128xf32, #tpu.memory_space<vmem>> -> memref<1x64x128xf32, #tpu.memory_space<vmem>>
    %dma_start3A_377 = tpu.memref_squeeze %dma_start3A_376 : memref<1x64x128xf32, #tpu.memory_space<vmem>> -> memref<64x128xf32, #tpu.memory_space<vmem>>
    %dma_start3A_378 = arith.constant 0 : i32
    %dma_start3A_379 = tpu.memref_slice %arg7[%rem3A_370, %dma_start3A_378] : memref<12x64xi32, #tpu.memory_space<vmem>> -> memref<1x64xi32, #tpu.memory_space<vmem>>
    %dma_start3A_380 = tpu.memref_squeeze %dma_start3A_379 : memref<1x64xi32, #tpu.memory_space<vmem>> -> memref<64xi32, #tpu.memory_space<vmem>>
    %dma_start3A_381 = arith.constant 0 : i32
    %dma_start3A_382 = arith.constant 0 : i32
    %dma_start3A_383 = tpu.memref_slice %arg2[%dma_start3A_381, %dma_start3A_382] : memref<10000x128xf32, #tpu.memory_space<hbm>> -> memref<10000x128xf32, #tpu.memory_space<hbm>>
    tpu.enqueue_indirect_dma source(%dma_start3A_383 : memref<10000x128xf32, #tpu.memory_space<hbm>>) target(%dma_start3A_377 : memref<64x128xf32, #tpu.memory_space<vmem>>) offsets(%dma_start3A_380 : memref<64xi32, #tpu.memory_space<vmem>>) semaphore(%arg14 : memref<!tpu.dma_semaphore, #tpu.memory_space<semaphore_mem>>)
    %rem3A_384 = arith.constant 2 : i32
    %rem3A_385 = arith.constant 12 : i32
    %rem3A_386 = arith.remsi %rem3A_384, %rem3A_385 : i32
    %add3A_387 = arith.constant 2 : i32
    %add3A_388 = arith.addi %add3A, %add3A_387 : i32
    %add3A_389 = arith.constant 2 : i32
    %add3A_390 = arith.addi %add3A, %add3A_389 : i32
    %dma_wait3A_391 = arith.constant 0 : i32
    %dma_wait3A_392 = tpu.memref_slice %arg7[%rem3A_386, %dma_wait3A_391] : memref<12x64xi32, #tpu.memory_space<vmem>> -> memref<1x64xi32, #tpu.memory_space<vmem>>
    %dma_wait3A_393 = tpu.memref_squeeze %dma_wait3A_392 : memref<1x64xi32, #tpu.memory_space<vmem>> -> memref<64xi32, #tpu.memory_space<vmem>>
    %dma_wait3A_394 = arith.constant 0 : i32
    %dma_wait3A_395 = tpu.memref_slice %arg3[%add3A_388, %dma_wait3A_394] : memref<5120x64xi32, #tpu.memory_space<hbm>> -> memref<1x64xi32, #tpu.memory_space<hbm>>
    %dma_wait3A_396 = tpu.memref_squeeze %dma_wait3A_395 : memref<1x64xi32, #tpu.memory_space<hbm>> -> memref<64xi32, #tpu.memory_space<hbm>>
    %dma_wait3A_397 = arith.constant 0 : i32
    %dma_wait3A_398 = tpu.memref_slice %arg7[%rem3A_386, %dma_wait3A_397] : memref<12x64xi32, #tpu.memory_space<vmem>> -> memref<1x64xi32, #tpu.memory_space<vmem>>
    %dma_wait3A_399 = tpu.memref_squeeze %dma_wait3A_398 : memref<1x64xi32, #tpu.memory_space<vmem>> -> memref<64xi32, #tpu.memory_space<vmem>>
    %dma_wait3A_400 = arith.constant 0 : i32
    %dma_wait3A_401 = tpu.memref_slice %arg3[%add3A_388, %dma_wait3A_400] : memref<5120x64xi32, #tpu.memory_space<hbm>> -> memref<1x64xi32, #tpu.memory_space<hbm>>
    %dma_wait3A_402 = tpu.memref_squeeze %dma_wait3A_401 : memref<1x64xi32, #tpu.memory_space<hbm>> -> memref<64xi32, #tpu.memory_space<hbm>>
    tpu.wait_dma2 semaphore(%arg17 : memref<!tpu.dma_semaphore, #tpu.memory_space<semaphore_mem>>) src(%dma_wait3A_402 : memref<64xi32, #tpu.memory_space<hbm>>) dst(%dma_wait3A_399 : memref<64xi32, #tpu.memory_space<vmem>>)
    %dma_wait3A_403 = arith.constant 0 : i32
    %dma_wait3A_404 = tpu.memref_slice %arg8[%rem3A_386, %dma_wait3A_403] : memref<12x64xi32, #tpu.memory_space<vmem>> -> memref<1x64xi32, #tpu.memory_space<vmem>>
    %dma_wait3A_405 = tpu.memref_squeeze %dma_wait3A_404 : memref<1x64xi32, #tpu.memory_space<vmem>> -> memref<64xi32, #tpu.memory_space<vmem>>
    %dma_wait3A_406 = arith.constant 0 : i32
    %dma_wait3A_407 = tpu.memref_slice %arg4[%add3A_390, %dma_wait3A_406] : memref<5120x64xi32, #tpu.memory_space<hbm>> -> memref<1x64xi32, #tpu.memory_space<hbm>>
    %dma_wait3A_408 = tpu.memref_squeeze %dma_wait3A_407 : memref<1x64xi32, #tpu.memory_space<hbm>> -> memref<64xi32, #tpu.memory_space<hbm>>
    %dma_wait3A_409 = arith.constant 0 : i32
    %dma_wait3A_410 = tpu.memref_slice %arg8[%rem3A_386, %dma_wait3A_409] : memref<12x64xi32, #tpu.memory_space<vmem>> -> memref<1x64xi32, #tpu.memory_space<vmem>>
    %dma_wait3A_411 = tpu.memref_squeeze %dma_wait3A_410 : memref<1x64xi32, #tpu.memory_space<vmem>> -> memref<64xi32, #tpu.memory_space<vmem>>
    %dma_wait3A_412 = arith.constant 0 : i32
    %dma_wait3A_413 = tpu.memref_slice %arg4[%add3A_390, %dma_wait3A_412] : memref<5120x64xi32, #tpu.memory_space<hbm>> -> memref<1x64xi32, #tpu.memory_space<hbm>>
    %dma_wait3A_414 = tpu.memref_squeeze %dma_wait3A_413 : memref<1x64xi32, #tpu.memory_space<hbm>> -> memref<64xi32, #tpu.memory_space<hbm>>
    tpu.wait_dma2 semaphore(%arg17 : memref<!tpu.dma_semaphore, #tpu.memory_space<semaphore_mem>>) src(%dma_wait3A_414 : memref<64xi32, #tpu.memory_space<hbm>>) dst(%dma_wait3A_411 : memref<64xi32, #tpu.memory_space<vmem>>)
    %rem3A_415 = arith.constant 2 : i32
    %rem3A_416 = arith.constant 12 : i32
    %rem3A_417 = arith.remsi %rem3A_415, %rem3A_416 : i32
    %rem3A_418 = arith.constant 2 : i32
    %rem3A_419 = arith.constant 5 : i32
    %rem3A_420 = arith.remsi %rem3A_418, %rem3A_419 : i32
    %dma_start3A_421 = arith.constant 0 : i32
    %dma_start3A_422 = arith.constant 0 : i32
    %dma_start3A_423 = tpu.memref_slice %arg9[%rem3A_420, %dma_start3A_421, %dma_start3A_422] : memref<5x64x128xf32, #tpu.memory_space<vmem>> -> memref<1x64x128xf32, #tpu.memory_space<vmem>>
    %dma_start3A_424 = tpu.memref_squeeze %dma_start3A_423 : memref<1x64x128xf32, #tpu.memory_space<vmem>> -> memref<64x128xf32, #tpu.memory_space<vmem>>
    %dma_start3A_425 = arith.constant 0 : i32
    %dma_start3A_426 = tpu.memref_slice %arg7[%rem3A_417, %dma_start3A_425] : memref<12x64xi32, #tpu.memory_space<vmem>> -> memref<1x64xi32, #tpu.memory_space<vmem>>
    %dma_start3A_427 = tpu.memref_squeeze %dma_start3A_426 : memref<1x64xi32, #tpu.memory_space<vmem>> -> memref<64xi32, #tpu.memory_space<vmem>>
    %dma_start3A_428 = arith.constant 0 : i32
    %dma_start3A_429 = arith.constant 0 : i32
    %dma_start3A_430 = tpu.memref_slice %arg2[%dma_start3A_428, %dma_start3A_429] : memref<10000x128xf32, #tpu.memory_space<hbm>> -> memref<10000x128xf32, #tpu.memory_space<hbm>>
    tpu.enqueue_indirect_dma source(%dma_start3A_430 : memref<10000x128xf32, #tpu.memory_space<hbm>>) target(%dma_start3A_424 : memref<64x128xf32, #tpu.memory_space<vmem>>) offsets(%dma_start3A_427 : memref<64xi32, #tpu.memory_space<vmem>>) semaphore(%arg14 : memref<!tpu.dma_semaphore, #tpu.memory_space<semaphore_mem>>)
    %rem3A_431 = arith.constant 3 : i32
    %rem3A_432 = arith.constant 12 : i32
    %rem3A_433 = arith.remsi %rem3A_431, %rem3A_432 : i32
    %add3A_434 = arith.constant 3 : i32
    %add3A_435 = arith.addi %add3A, %add3A_434 : i32
    %add3A_436 = arith.constant 3 : i32
    %add3A_437 = arith.addi %add3A, %add3A_436 : i32
    %dma_wait3A_438 = arith.constant 0 : i32
    %dma_wait3A_439 = tpu.memref_slice %arg7[%rem3A_433, %dma_wait3A_438] : memref<12x64xi32, #tpu.memory_space<vmem>> -> memref<1x64xi32, #tpu.memory_space<vmem>>
    %dma_wait3A_440 = tpu.memref_squeeze %dma_wait3A_439 : memref<1x64xi32, #tpu.memory_space<vmem>> -> memref<64xi32, #tpu.memory_space<vmem>>
    %dma_wait3A_441 = arith.constant 0 : i32
    %dma_wait3A_442 = tpu.memref_slice %arg3[%add3A_435, %dma_wait3A_441] : memref<5120x64xi32, #tpu.memory_space<hbm>> -> memref<1x64xi32, #tpu.memory_space<hbm>>
    %dma_wait3A_443 = tpu.memref_squeeze %dma_wait3A_442 : memref<1x64xi32, #tpu.memory_space<hbm>> -> memref<64xi32, #tpu.memory_space<hbm>>
    %dma_wait3A_444 = arith.constant 0 : i32
    %dma_wait3A_445 = tpu.memref_slice %arg7[%rem3A_433, %dma_wait3A_444] : memref<12x64xi32, #tpu.memory_space<vmem>> -> memref<1x64xi32, #tpu.memory_space<vmem>>
    %dma_wait3A_446 = tpu.memref_squeeze %dma_wait3A_445 : memref<1x64xi32, #tpu.memory_space<vmem>> -> memref<64xi32, #tpu.memory_space<vmem>>
    %dma_wait3A_447 = arith.constant 0 : i32
    %dma_wait3A_448 = tpu.memref_slice %arg3[%add3A_435, %dma_wait3A_447] : memref<5120x64xi32, #tpu.memory_space<hbm>> -> memref<1x64xi32, #tpu.memory_space<hbm>>
    %dma_wait3A_449 = tpu.memref_squeeze %dma_wait3A_448 : memref<1x64xi32, #tpu.memory_space<hbm>> -> memref<64xi32, #tpu.memory_space<hbm>>
    tpu.wait_dma2 semaphore(%arg17 : memref<!tpu.dma_semaphore, #tpu.memory_space<semaphore_mem>>) src(%dma_wait3A_449 : memref<64xi32, #tpu.memory_space<hbm>>) dst(%dma_wait3A_446 : memref<64xi32, #tpu.memory_space<vmem>>)
    %dma_wait3A_450 = arith.constant 0 : i32
    %dma_wait3A_451 = tpu.memref_slice %arg8[%rem3A_433, %dma_wait3A_450] : memref<12x64xi32, #tpu.memory_space<vmem>> -> memref<1x64xi32, #tpu.memory_space<vmem>>
    %dma_wait3A_452 = tpu.memref_squeeze %dma_wait3A_451 : memref<1x64xi32, #tpu.memory_space<vmem>> -> memref<64xi32, #tpu.memory_space<vmem>>
    %dma_wait3A_453 = arith.constant 0 : i32
    %dma_wait3A_454 = tpu.memref_slice %arg4[%add3A_437, %dma_wait3A_453] : memref<5120x64xi32, #tpu.memory_space<hbm>> -> memref<1x64xi32, #tpu.memory_space<hbm>>
    %dma_wait3A_455 = tpu.memref_squeeze %dma_wait3A_454 : memref<1x64xi32, #tpu.memory_space<hbm>> -> memref<64xi32, #tpu.memory_space<hbm>>
    %dma_wait3A_456 = arith.constant 0 : i32
    %dma_wait3A_457 = tpu.memref_slice %arg8[%rem3A_433, %dma_wait3A_456] : memref<12x64xi32, #tpu.memory_space<vmem>> -> memref<1x64xi32, #tpu.memory_space<vmem>>
    %dma_wait3A_458 = tpu.memref_squeeze %dma_wait3A_457 : memref<1x64xi32, #tpu.memory_space<vmem>> -> memref<64xi32, #tpu.memory_space<vmem>>
    %dma_wait3A_459 = arith.constant 0 : i32
    %dma_wait3A_460 = tpu.memref_slice %arg4[%add3A_437, %dma_wait3A_459] : memref<5120x64xi32, #tpu.memory_space<hbm>> -> memref<1x64xi32, #tpu.memory_space<hbm>>
    %dma_wait3A_461 = tpu.memref_squeeze %dma_wait3A_460 : memref<1x64xi32, #tpu.memory_space<hbm>> -> memref<64xi32, #tpu.memory_space<hbm>>
    tpu.wait_dma2 semaphore(%arg17 : memref<!tpu.dma_semaphore, #tpu.memory_space<semaphore_mem>>) src(%dma_wait3A_461 : memref<64xi32, #tpu.memory_space<hbm>>) dst(%dma_wait3A_458 : memref<64xi32, #tpu.memory_space<vmem>>)
    %rem3A_462 = arith.constant 3 : i32
    %rem3A_463 = arith.constant 12 : i32
    %rem3A_464 = arith.remsi %rem3A_462, %rem3A_463 : i32
    %rem3A_465 = arith.constant 3 : i32
    %rem3A_466 = arith.constant 5 : i32
    %rem3A_467 = arith.remsi %rem3A_465, %rem3A_466 : i32
    %dma_start3A_468 = arith.constant 0 : i32
    %dma_start3A_469 = arith.constant 0 : i32
    %dma_start3A_470 = tpu.memref_slice %arg9[%rem3A_467, %dma_start3A_468, %dma_start3A_469] : memref<5x64x128xf32, #tpu.memory_space<vmem>> -> memref<1x64x128xf32, #tpu.memory_space<vmem>>
    %dma_start3A_471 = tpu.memref_squeeze %dma_start3A_470 : memref<1x64x128xf32, #tpu.memory_space<vmem>> -> memref<64x128xf32, #tpu.memory_space<vmem>>
    %dma_start3A_472 = arith.constant 0 : i32
    %dma_start3A_473 = tpu.memref_slice %arg7[%rem3A_464, %dma_start3A_472] : memref<12x64xi32, #tpu.memory_space<vmem>> -> memref<1x64xi32, #tpu.memory_space<vmem>>
    %dma_start3A_474 = tpu.memref_squeeze %dma_start3A_473 : memref<1x64xi32, #tpu.memory_space<vmem>> -> memref<64xi32, #tpu.memory_space<vmem>>
    %dma_start3A_475 = arith.constant 0 : i32
    %dma_start3A_476 = arith.constant 0 : i32
    %dma_start3A_477 = tpu.memref_slice %arg2[%dma_start3A_475, %dma_start3A_476] : memref<10000x128xf32, #tpu.memory_space<hbm>> -> memref<10000x128xf32, #tpu.memory_space<hbm>>
    tpu.enqueue_indirect_dma source(%dma_start3A_477 : memref<10000x128xf32, #tpu.memory_space<hbm>>) target(%dma_start3A_471 : memref<64x128xf32, #tpu.memory_space<vmem>>) offsets(%dma_start3A_474 : memref<64xi32, #tpu.memory_space<vmem>>) semaphore(%arg14 : memref<!tpu.dma_semaphore, #tpu.memory_space<semaphore_mem>>)
    %while3A = arith.constant 0 : i32
    %while3A_478 = arith.constant 0 : i32
    %while3A_479 = arith.subi %select_n3A_5, %while3A_478 : i32
    %while3A_480 = arith.addi %while3A_478, %while3A_479 : i32
    %while3A_481 = arith.constant 1 : i32
    %while3A_482 = arith.divsi %while3A_479, %while3A_481 : i32
    %while3A_483 = arith.muli %while3A_482, %while3A_481 : i32
    %while3A_484 = arith.addi %while3A_478, %while3A_483 : i32
    %while3A_485 = arith.constant 1 : i32
    scf.for %while3A_523 = %while3A_478 to %while3A_484 step %while3A_485  : i32 {
      %add3A_524 = arith.constant 8 : i32
      %add3A_525 = arith.addi %while3A_523, %add3A_524 : i32
      %lt3A = arith.cmpi slt, %add3A_525, %select_n3A_5 : i32
      %convert_element_type3A = arith.extui %lt3A : i1 to i32
      %cond3A = arith.constant 0 : i32
      %cond3A_526 = arith.cmpi ne, %convert_element_type3A, %cond3A : i32
      scf.if %cond3A_526 {
        %add3A_577 = arith.constant 8 : i32
        %add3A_578 = arith.addi %while3A_523, %add3A_577 : i32
        %rem3A_579 = arith.constant 12 : i32
        %rem3A_580 = arith.remsi %add3A_578, %rem3A_579 : i32
        %add3A_581 = arith.addi %add3A, %add3A_578 : i32
        %add3A_582 = arith.addi %add3A, %add3A_578 : i32
        %dma_start3A_583 = arith.constant 0 : i32
        %dma_start3A_584 = tpu.memref_slice %arg7[%rem3A_580, %dma_start3A_583] : memref<12x64xi32, #tpu.memory_space<vmem>> -> memref<1x64xi32, #tpu.memory_space<vmem>>
        %dma_start3A_585 = tpu.memref_squeeze %dma_start3A_584 : memref<1x64xi32, #tpu.memory_space<vmem>> -> memref<64xi32, #tpu.memory_space<vmem>>
        %dma_start3A_586 = arith.constant 0 : i32
        %dma_start3A_587 = tpu.memref_slice %arg3[%add3A_581, %dma_start3A_586] : memref<5120x64xi32, #tpu.memory_space<hbm>> -> memref<1x64xi32, #tpu.memory_space<hbm>>
        %dma_start3A_588 = tpu.memref_squeeze %dma_start3A_587 : memref<1x64xi32, #tpu.memory_space<hbm>> -> memref<64xi32, #tpu.memory_space<hbm>>
        %dma_start3A_589 = arith.constant 0 : i32
        %dma_start3A_590 = tpu.memref_slice %arg7[%rem3A_580, %dma_start3A_589] : memref<12x64xi32, #tpu.memory_space<vmem>> -> memref<1x64xi32, #tpu.memory_space<vmem>>
        %dma_start3A_591 = tpu.memref_squeeze %dma_start3A_590 : memref<1x64xi32, #tpu.memory_space<vmem>> -> memref<64xi32, #tpu.memory_space<vmem>>
        %dma_start3A_592 = arith.constant 0 : i32
        %dma_start3A_593 = tpu.memref_slice %arg3[%add3A_581, %dma_start3A_592] : memref<5120x64xi32, #tpu.memory_space<hbm>> -> memref<1x64xi32, #tpu.memory_space<hbm>>
        %dma_start3A_594 = tpu.memref_squeeze %dma_start3A_593 : memref<1x64xi32, #tpu.memory_space<hbm>> -> memref<64xi32, #tpu.memory_space<hbm>>
        tpu.enqueue_dma source(%dma_start3A_594 : memref<64xi32, #tpu.memory_space<hbm>>) target(%dma_start3A_591 : memref<64xi32, #tpu.memory_space<vmem>>) target_semaphore(%arg17 : memref<!tpu.dma_semaphore, #tpu.memory_space<semaphore_mem>>)
        %dma_start3A_595 = arith.constant 0 : i32
        %dma_start3A_596 = tpu.memref_slice %arg8[%rem3A_580, %dma_start3A_595] : memref<12x64xi32, #tpu.memory_space<vmem>> -> memref<1x64xi32, #tpu.memory_space<vmem>>
        %dma_start3A_597 = tpu.memref_squeeze %dma_start3A_596 : memref<1x64xi32, #tpu.memory_space<vmem>> -> memref<64xi32, #tpu.memory_space<vmem>>
        %dma_start3A_598 = arith.constant 0 : i32
        %dma_start3A_599 = tpu.memref_slice %arg4[%add3A_582, %dma_start3A_598] : memref<5120x64xi32, #tpu.memory_space<hbm>> -> memref<1x64xi32, #tpu.memory_space<hbm>>
        %dma_start3A_600 = tpu.memref_squeeze %dma_start3A_599 : memref<1x64xi32, #tpu.memory_space<hbm>> -> memref<64xi32, #tpu.memory_space<hbm>>
        %dma_start3A_601 = arith.constant 0 : i32
        %dma_start3A_602 = tpu.memref_slice %arg8[%rem3A_580, %dma_start3A_601] : memref<12x64xi32, #tpu.memory_space<vmem>> -> memref<1x64xi32, #tpu.memory_space<vmem>>
        %dma_start3A_603 = tpu.memref_squeeze %dma_start3A_602 : memref<1x64xi32, #tpu.memory_space<vmem>> -> memref<64xi32, #tpu.memory_space<vmem>>
        %dma_start3A_604 = arith.constant 0 : i32
        %dma_start3A_605 = tpu.memref_slice %arg4[%add3A_582, %dma_start3A_604] : memref<5120x64xi32, #tpu.memory_space<hbm>> -> memref<1x64xi32, #tpu.memory_space<hbm>>
        %dma_start3A_606 = tpu.memref_squeeze %dma_start3A_605 : memref<1x64xi32, #tpu.memory_space<hbm>> -> memref<64xi32, #tpu.memory_space<hbm>>
        tpu.enqueue_dma source(%dma_start3A_606 : memref<64xi32, #tpu.memory_space<hbm>>) target(%dma_start3A_603 : memref<64xi32, #tpu.memory_space<vmem>>) target_semaphore(%arg17 : memref<!tpu.dma_semaphore, #tpu.memory_space<semaphore_mem>>)
      } else {
      }
      %ge3A = arith.constant 1 : i32
      %ge3A_527 = arith.cmpi sge, %while3A_523, %ge3A : i32
      %convert_element_type3A_528 = arith.extui %ge3A_527 : i1 to i32
      %cond3A_529 = arith.constant 0 : i32
      %cond3A_530 = arith.cmpi ne, %convert_element_type3A_528, %cond3A_529 : i32
      scf.if %cond3A_530 {
        %sub3A_577 = arith.constant 1 : i32
        %sub3A_578 = arith.subi %while3A_523, %sub3A_577 : i32
        %rem3A_579 = arith.constant 5 : i32
        %rem3A_580 = arith.remsi %sub3A_578, %rem3A_579 : i32
        %rem3A_581 = arith.constant 12 : i32
        %rem3A_582 = arith.remsi %sub3A_578, %rem3A_581 : i32
        %dma_wait3A_583 = arith.constant 0 : i32
        %dma_wait3A_584 = arith.constant 0 : i32
        %dma_wait3A_585 = tpu.memref_slice %arg9[%rem3A_580, %dma_wait3A_583, %dma_wait3A_584] : memref<5x64x128xf32, #tpu.memory_space<vmem>> -> memref<1x64x128xf32, #tpu.memory_space<vmem>>
        %dma_wait3A_586 = tpu.memref_squeeze %dma_wait3A_585 : memref<1x64x128xf32, #tpu.memory_space<vmem>> -> memref<64x128xf32, #tpu.memory_space<vmem>>
        %dma_wait3A_587 = arith.constant 0 : i32
        %dma_wait3A_588 = tpu.memref_slice %arg8[%rem3A_582, %dma_wait3A_587] : memref<12x64xi32, #tpu.memory_space<vmem>> -> memref<1x64xi32, #tpu.memory_space<vmem>>
        %dma_wait3A_589 = tpu.memref_squeeze %dma_wait3A_588 : memref<1x64xi32, #tpu.memory_space<vmem>> -> memref<64xi32, #tpu.memory_space<vmem>>
        %dma_wait3A_590 = arith.constant 0 : i32
        %dma_wait3A_591 = arith.constant 0 : i32
        %dma_wait3A_592 = tpu.memref_slice %arg12[%dma_wait3A_590, %dma_wait3A_591] : memref<10240x128xf32, #tpu.memory_space<vmem_shared>> -> memref<10240x128xf32, #tpu.memory_space<vmem_shared>>
        tpu.wait_indirect_dma semaphore(%arg15 : memref<!tpu.dma_semaphore, #tpu.memory_space<semaphore_mem>>) src(%dma_wait3A_586 : memref<64x128xf32, #tpu.memory_space<vmem>>) dst(%dma_wait3A_592 : memref<10240x128xf32, #tpu.memory_space<vmem_shared>>)
      } else {
      }
      %add3A_531 = arith.constant 4 : i32
      %add3A_532 = arith.addi %while3A_523, %add3A_531 : i32
      %lt3A_533 = arith.cmpi slt, %add3A_532, %select_n3A_5 : i32
      %convert_element_type3A_534 = arith.extui %lt3A_533 : i1 to i32
      %cond3A_535 = arith.constant 0 : i32
      %cond3A_536 = arith.cmpi ne, %convert_element_type3A_534, %cond3A_535 : i32
      scf.if %cond3A_536 {
        %add3A_577 = arith.constant 4 : i32
        %add3A_578 = arith.addi %while3A_523, %add3A_577 : i32
        %rem3A_579 = arith.constant 12 : i32
        %rem3A_580 = arith.remsi %add3A_578, %rem3A_579 : i32
        %add3A_581 = arith.addi %add3A, %add3A_578 : i32
        %add3A_582 = arith.addi %add3A, %add3A_578 : i32
        %dma_wait3A_583 = arith.constant 0 : i32
        %dma_wait3A_584 = tpu.memref_slice %arg7[%rem3A_580, %dma_wait3A_583] : memref<12x64xi32, #tpu.memory_space<vmem>> -> memref<1x64xi32, #tpu.memory_space<vmem>>
        %dma_wait3A_585 = tpu.memref_squeeze %dma_wait3A_584 : memref<1x64xi32, #tpu.memory_space<vmem>> -> memref<64xi32, #tpu.memory_space<vmem>>
        %dma_wait3A_586 = arith.constant 0 : i32
        %dma_wait3A_587 = tpu.memref_slice %arg3[%add3A_581, %dma_wait3A_586] : memref<5120x64xi32, #tpu.memory_space<hbm>> -> memref<1x64xi32, #tpu.memory_space<hbm>>
        %dma_wait3A_588 = tpu.memref_squeeze %dma_wait3A_587 : memref<1x64xi32, #tpu.memory_space<hbm>> -> memref<64xi32, #tpu.memory_space<hbm>>
        %dma_wait3A_589 = arith.constant 0 : i32
        %dma_wait3A_590 = tpu.memref_slice %arg7[%rem3A_580, %dma_wait3A_589] : memref<12x64xi32, #tpu.memory_space<vmem>> -> memref<1x64xi32, #tpu.memory_space<vmem>>
        %dma_wait3A_591 = tpu.memref_squeeze %dma_wait3A_590 : memref<1x64xi32, #tpu.memory_space<vmem>> -> memref<64xi32, #tpu.memory_space<vmem>>
        %dma_wait3A_592 = arith.constant 0 : i32
        %dma_wait3A_593 = tpu.memref_slice %arg3[%add3A_581, %dma_wait3A_592] : memref<5120x64xi32, #tpu.memory_space<hbm>> -> memref<1x64xi32, #tpu.memory_space<hbm>>
        %dma_wait3A_594 = tpu.memref_squeeze %dma_wait3A_593 : memref<1x64xi32, #tpu.memory_space<hbm>> -> memref<64xi32, #tpu.memory_space<hbm>>
        tpu.wait_dma2 semaphore(%arg17 : memref<!tpu.dma_semaphore, #tpu.memory_space<semaphore_mem>>) src(%dma_wait3A_594 : memref<64xi32, #tpu.memory_space<hbm>>) dst(%dma_wait3A_591 : memref<64xi32, #tpu.memory_space<vmem>>)
        %dma_wait3A_595 = arith.constant 0 : i32
        %dma_wait3A_596 = tpu.memref_slice %arg8[%rem3A_580, %dma_wait3A_595] : memref<12x64xi32, #tpu.memory_space<vmem>> -> memref<1x64xi32, #tpu.memory_space<vmem>>
        %dma_wait3A_597 = tpu.memref_squeeze %dma_wait3A_596 : memref<1x64xi32, #tpu.memory_space<vmem>> -> memref<64xi32, #tpu.memory_space<vmem>>
        %dma_wait3A_598 = arith.constant 0 : i32
        %dma_wait3A_599 = tpu.memref_slice %arg4[%add3A_582, %dma_wait3A_598] : memref<5120x64xi32, #tpu.memory_space<hbm>> -> memref<1x64xi32, #tpu.memory_space<hbm>>
        %dma_wait3A_600 = tpu.memref_squeeze %dma_wait3A_599 : memref<1x64xi32, #tpu.memory_space<hbm>> -> memref<64xi32, #tpu.memory_space<hbm>>
        %dma_wait3A_601 = arith.constant 0 : i32
        %dma_wait3A_602 = tpu.memref_slice %arg8[%rem3A_580, %dma_wait3A_601] : memref<12x64xi32, #tpu.memory_space<vmem>> -> memref<1x64xi32, #tpu.memory_space<vmem>>
        %dma_wait3A_603 = tpu.memref_squeeze %dma_wait3A_602 : memref<1x64xi32, #tpu.memory_space<vmem>> -> memref<64xi32, #tpu.memory_space<vmem>>
        %dma_wait3A_604 = arith.constant 0 : i32
        %dma_wait3A_605 = tpu.memref_slice %arg4[%add3A_582, %dma_wait3A_604] : memref<5120x64xi32, #tpu.memory_space<hbm>> -> memref<1x64xi32, #tpu.memory_space<hbm>>
        %dma_wait3A_606 = tpu.memref_squeeze %dma_wait3A_605 : memref<1x64xi32, #tpu.memory_space<hbm>> -> memref<64xi32, #tpu.memory_space<hbm>>
        tpu.wait_dma2 semaphore(%arg17 : memref<!tpu.dma_semaphore, #tpu.memory_space<semaphore_mem>>) src(%dma_wait3A_606 : memref<64xi32, #tpu.memory_space<hbm>>) dst(%dma_wait3A_603 : memref<64xi32, #tpu.memory_space<vmem>>)
        %add3A_607 = arith.constant 4 : i32
        %add3A_608 = arith.addi %while3A_523, %add3A_607 : i32
        %rem3A_609 = arith.constant 12 : i32
        %rem3A_610 = arith.remsi %add3A_608, %rem3A_609 : i32
        %rem3A_611 = arith.constant 5 : i32
        %rem3A_612 = arith.remsi %add3A_608, %rem3A_611 : i32
        %dma_start3A_613 = arith.constant 0 : i32
        %dma_start3A_614 = arith.constant 0 : i32
        %dma_start3A_615 = tpu.memref_slice %arg9[%rem3A_612, %dma_start3A_613, %dma_start3A_614] : memref<5x64x128xf32, #tpu.memory_space<vmem>> -> memref<1x64x128xf32, #tpu.memory_space<vmem>>
        %dma_start3A_616 = tpu.memref_squeeze %dma_start3A_615 : memref<1x64x128xf32, #tpu.memory_space<vmem>> -> memref<64x128xf32, #tpu.memory_space<vmem>>
        %dma_start3A_617 = arith.constant 0 : i32
        %dma_start3A_618 = tpu.memref_slice %arg7[%rem3A_610, %dma_start3A_617] : memref<12x64xi32, #tpu.memory_space<vmem>> -> memref<1x64xi32, #tpu.memory_space<vmem>>
        %dma_start3A_619 = tpu.memref_squeeze %dma_start3A_618 : memref<1x64xi32, #tpu.memory_space<vmem>> -> memref<64xi32, #tpu.memory_space<vmem>>
        %dma_start3A_620 = arith.constant 0 : i32
        %dma_start3A_621 = arith.constant 0 : i32
        %dma_start3A_622 = tpu.memref_slice %arg2[%dma_start3A_620, %dma_start3A_621] : memref<10000x128xf32, #tpu.memory_space<hbm>> -> memref<10000x128xf32, #tpu.memory_space<hbm>>
        tpu.enqueue_indirect_dma source(%dma_start3A_622 : memref<10000x128xf32, #tpu.memory_space<hbm>>) target(%dma_start3A_616 : memref<64x128xf32, #tpu.memory_space<vmem>>) offsets(%dma_start3A_619 : memref<64xi32, #tpu.memory_space<vmem>>) semaphore(%arg14 : memref<!tpu.dma_semaphore, #tpu.memory_space<semaphore_mem>>)
      } else {
      }
      %rem3A_537 = arith.constant 12 : i32
      %rem3A_538 = arith.remsi %while3A_523, %rem3A_537 : i32
      %rem3A_539 = arith.constant 5 : i32
      %rem3A_540 = arith.remsi %while3A_523, %rem3A_539 : i32
      %dma_wait3A_541 = arith.constant 0 : i32
      %dma_wait3A_542 = arith.constant 0 : i32
      %dma_wait3A_543 = tpu.memref_slice %arg9[%rem3A_540, %dma_wait3A_541, %dma_wait3A_542] : memref<5x64x128xf32, #tpu.memory_space<vmem>> -> memref<1x64x128xf32, #tpu.memory_space<vmem>>
      %dma_wait3A_544 = tpu.memref_squeeze %dma_wait3A_543 : memref<1x64x128xf32, #tpu.memory_space<vmem>> -> memref<64x128xf32, #tpu.memory_space<vmem>>
      %dma_wait3A_545 = arith.constant 0 : i32
      %dma_wait3A_546 = tpu.memref_slice %arg7[%rem3A_538, %dma_wait3A_545] : memref<12x64xi32, #tpu.memory_space<vmem>> -> memref<1x64xi32, #tpu.memory_space<vmem>>
      %dma_wait3A_547 = tpu.memref_squeeze %dma_wait3A_546 : memref<1x64xi32, #tpu.memory_space<vmem>> -> memref<64xi32, #tpu.memory_space<vmem>>
      %dma_wait3A_548 = arith.constant 0 : i32
      %dma_wait3A_549 = arith.constant 0 : i32
      %dma_wait3A_550 = tpu.memref_slice %arg2[%dma_wait3A_548, %dma_wait3A_549] : memref<10000x128xf32, #tpu.memory_space<hbm>> -> memref<10000x128xf32, #tpu.memory_space<hbm>>
      tpu.wait_indirect_dma semaphore(%arg14 : memref<!tpu.dma_semaphore, #tpu.memory_space<semaphore_mem>>) src(%dma_wait3A_550 : memref<10000x128xf32, #tpu.memory_space<hbm>>) dst(%dma_wait3A_544 : memref<64x128xf32, #tpu.memory_space<vmem>>)
      %rem3A_551 = arith.constant 5 : i32
      %rem3A_552 = arith.remsi %while3A_523, %rem3A_551 : i32
      %rem3A_553 = arith.constant 12 : i32
      %rem3A_554 = arith.remsi %while3A_523, %rem3A_553 : i32
      %dma_start3A_555 = arith.constant 0 : i32
      %dma_start3A_556 = arith.constant 0 : i32
      %dma_start3A_557 = tpu.memref_slice %arg9[%rem3A_552, %dma_start3A_555, %dma_start3A_556] : memref<5x64x128xf32, #tpu.memory_space<vmem>> -> memref<1x64x128xf32, #tpu.memory_space<vmem>>
      %dma_start3A_558 = tpu.memref_squeeze %dma_start3A_557 : memref<1x64x128xf32, #tpu.memory_space<vmem>> -> memref<64x128xf32, #tpu.memory_space<vmem>>
      %dma_start3A_559 = arith.constant 0 : i32
      %dma_start3A_560 = tpu.memref_slice %arg8[%rem3A_554, %dma_start3A_559] : memref<12x64xi32, #tpu.memory_space<vmem>> -> memref<1x64xi32, #tpu.memory_space<vmem>>
      %dma_start3A_561 = tpu.memref_squeeze %dma_start3A_560 : memref<1x64xi32, #tpu.memory_space<vmem>> -> memref<64xi32, #tpu.memory_space<vmem>>
      %dma_start3A_562 = arith.constant 0 : i32
      %dma_start3A_563 = arith.constant 0 : i32
      %dma_start3A_564 = tpu.memref_slice %arg12[%dma_start3A_562, %dma_start3A_563] : memref<10240x128xf32, #tpu.memory_space<vmem_shared>> -> memref<10240x128xf32, #tpu.memory_space<vmem_shared>>
      tpu.enqueue_indirect_dma source(%dma_start3A_558 : memref<64x128xf32, #tpu.memory_space<vmem>>) target(%dma_start3A_564 : memref<10240x128xf32, #tpu.memory_space<vmem_shared>>) offsets(%dma_start3A_561 : memref<64xi32, #tpu.memory_space<vmem>>) semaphore(%arg15 : memref<!tpu.dma_semaphore, #tpu.memory_space<semaphore_mem>>) {add = true}
      %rem3A_565 = arith.constant 12 : i32
      %rem3A_566 = arith.remsi %while3A_523, %rem3A_565 : i32
      %dma_start3A_567 = arith.constant 0 : i32
      %dma_start3A_568 = tpu.memref_slice %arg8[%rem3A_566, %dma_start3A_567] : memref<12x64xi32, #tpu.memory_space<vmem>> -> memref<1x64xi32, #tpu.memory_space<vmem>>
      %dma_start3A_569 = tpu.memref_squeeze %dma_start3A_568 : memref<1x64xi32, #tpu.memory_space<vmem>> -> memref<64xi32, #tpu.memory_space<vmem>>
      %dma_start3A_570 = arith.constant 0 : i32
      %dma_start3A_571 = tpu.memref_slice %arg13[%dma_start3A_570] : memref<10240xf32, #tpu.memory_space<vmem_shared>> -> memref<10240xf32, #tpu.memory_space<vmem_shared>>
      tpu.enqueue_indirect_dma source(%arg11 : memref<64xf32, #tpu.memory_space<vmem>>) target(%dma_start3A_571 : memref<10240xf32, #tpu.memory_space<vmem_shared>>) offsets(%dma_start3A_569 : memref<64xi32, #tpu.memory_space<vmem>>) semaphore(%arg16 : memref<!tpu.dma_semaphore, #tpu.memory_space<semaphore_mem>>) {add = true}
      %ge3A_572 = arith.constant 2 : i32
      %ge3A_573 = arith.cmpi sge, %while3A_523, %ge3A_572 : i32
      %convert_element_type3A_574 = arith.extui %ge3A_573 : i1 to i32
      %cond3A_575 = arith.constant 0 : i32
      %cond3A_576 = arith.cmpi ne, %convert_element_type3A_574, %cond3A_575 : i32
      scf.if %cond3A_576 {
        %dma_wait3A_577 = arith.constant 0 : i32
        %dma_wait3A_578 = arith.constant 0 : i32
        %dma_wait3A_579 = tpu.memref_slice %arg8[%dma_wait3A_577, %dma_wait3A_578] : memref<12x64xi32, #tpu.memory_space<vmem>> -> memref<1x64xi32, #tpu.memory_space<vmem>>
        %dma_wait3A_580 = tpu.memref_squeeze %dma_wait3A_579 : memref<1x64xi32, #tpu.memory_space<vmem>> -> memref<64xi32, #tpu.memory_space<vmem>>
        %dma_wait3A_581 = arith.constant 0 : i32
        %dma_wait3A_582 = tpu.memref_slice %arg13[%dma_wait3A_581] : memref<10240xf32, #tpu.memory_space<vmem_shared>> -> memref<10240xf32, #tpu.memory_space<vmem_shared>>
        tpu.wait_indirect_dma semaphore(%arg16 : memref<!tpu.dma_semaphore, #tpu.memory_space<semaphore_mem>>) src(%arg11 : memref<64xf32, #tpu.memory_space<vmem>>) dst(%dma_wait3A_582 : memref<10240xf32, #tpu.memory_space<vmem_shared>>)
      } else {
      }
    }
    %while3A_486 = arith.constant 1 : i32
    scf.for %while3A_523 = %while3A_484 to %while3A_480 step %while3A_486  : i32 {
      %add3A_524 = arith.constant 8 : i32
      %add3A_525 = arith.addi %while3A_523, %add3A_524 : i32
      %lt3A = arith.cmpi slt, %add3A_525, %select_n3A_5 : i32
      %convert_element_type3A = arith.extui %lt3A : i1 to i32
      %cond3A = arith.constant 0 : i32
      %cond3A_526 = arith.cmpi ne, %convert_element_type3A, %cond3A : i32
      scf.if %cond3A_526 {
        %add3A_577 = arith.constant 8 : i32
        %add3A_578 = arith.addi %while3A_523, %add3A_577 : i32
        %rem3A_579 = arith.constant 12 : i32
        %rem3A_580 = arith.remsi %add3A_578, %rem3A_579 : i32
        %add3A_581 = arith.addi %add3A, %add3A_578 : i32
        %add3A_582 = arith.addi %add3A, %add3A_578 : i32
        %dma_start3A_583 = arith.constant 0 : i32
        %dma_start3A_584 = tpu.memref_slice %arg7[%rem3A_580, %dma_start3A_583] : memref<12x64xi32, #tpu.memory_space<vmem>> -> memref<1x64xi32, #tpu.memory_space<vmem>>
        %dma_start3A_585 = tpu.memref_squeeze %dma_start3A_584 : memref<1x64xi32, #tpu.memory_space<vmem>> -> memref<64xi32, #tpu.memory_space<vmem>>
        %dma_start3A_586 = arith.constant 0 : i32
        %dma_start3A_587 = tpu.memref_slice %arg3[%add3A_581, %dma_start3A_586] : memref<5120x64xi32, #tpu.memory_space<hbm>> -> memref<1x64xi32, #tpu.memory_space<hbm>>
        %dma_start3A_588 = tpu.memref_squeeze %dma_start3A_587 : memref<1x64xi32, #tpu.memory_space<hbm>> -> memref<64xi32, #tpu.memory_space<hbm>>
        %dma_start3A_589 = arith.constant 0 : i32
        %dma_start3A_590 = tpu.memref_slice %arg7[%rem3A_580, %dma_start3A_589] : memref<12x64xi32, #tpu.memory_space<vmem>> -> memref<1x64xi32, #tpu.memory_space<vmem>>
        %dma_start3A_591 = tpu.memref_squeeze %dma_start3A_590 : memref<1x64xi32, #tpu.memory_space<vmem>> -> memref<64xi32, #tpu.memory_space<vmem>>
        %dma_start3A_592 = arith.constant 0 : i32
        %dma_start3A_593 = tpu.memref_slice %arg3[%add3A_581, %dma_start3A_592] : memref<5120x64xi32, #tpu.memory_space<hbm>> -> memref<1x64xi32, #tpu.memory_space<hbm>>
        %dma_start3A_594 = tpu.memref_squeeze %dma_start3A_593 : memref<1x64xi32, #tpu.memory_space<hbm>> -> memref<64xi32, #tpu.memory_space<hbm>>
        tpu.enqueue_dma source(%dma_start3A_594 : memref<64xi32, #tpu.memory_space<hbm>>) target(%dma_start3A_591 : memref<64xi32, #tpu.memory_space<vmem>>) target_semaphore(%arg17 : memref<!tpu.dma_semaphore, #tpu.memory_space<semaphore_mem>>)
        %dma_start3A_595 = arith.constant 0 : i32
        %dma_start3A_596 = tpu.memref_slice %arg8[%rem3A_580, %dma_start3A_595] : memref<12x64xi32, #tpu.memory_space<vmem>> -> memref<1x64xi32, #tpu.memory_space<vmem>>
        %dma_start3A_597 = tpu.memref_squeeze %dma_start3A_596 : memref<1x64xi32, #tpu.memory_space<vmem>> -> memref<64xi32, #tpu.memory_space<vmem>>
        %dma_start3A_598 = arith.constant 0 : i32
        %dma_start3A_599 = tpu.memref_slice %arg4[%add3A_582, %dma_start3A_598] : memref<5120x64xi32, #tpu.memory_space<hbm>> -> memref<1x64xi32, #tpu.memory_space<hbm>>
        %dma_start3A_600 = tpu.memref_squeeze %dma_start3A_599 : memref<1x64xi32, #tpu.memory_space<hbm>> -> memref<64xi32, #tpu.memory_space<hbm>>
        %dma_start3A_601 = arith.constant 0 : i32
        %dma_start3A_602 = tpu.memref_slice %arg8[%rem3A_580, %dma_start3A_601] : memref<12x64xi32, #tpu.memory_space<vmem>> -> memref<1x64xi32, #tpu.memory_space<vmem>>
        %dma_start3A_603 = tpu.memref_squeeze %dma_start3A_602 : memref<1x64xi32, #tpu.memory_space<vmem>> -> memref<64xi32, #tpu.memory_space<vmem>>
        %dma_start3A_604 = arith.constant 0 : i32
        %dma_start3A_605 = tpu.memref_slice %arg4[%add3A_582, %dma_start3A_604] : memref<5120x64xi32, #tpu.memory_space<hbm>> -> memref<1x64xi32, #tpu.memory_space<hbm>>
        %dma_start3A_606 = tpu.memref_squeeze %dma_start3A_605 : memref<1x64xi32, #tpu.memory_space<hbm>> -> memref<64xi32, #tpu.memory_space<hbm>>
        tpu.enqueue_dma source(%dma_start3A_606 : memref<64xi32, #tpu.memory_space<hbm>>) target(%dma_start3A_603 : memref<64xi32, #tpu.memory_space<vmem>>) target_semaphore(%arg17 : memref<!tpu.dma_semaphore, #tpu.memory_space<semaphore_mem>>)
      } else {
      }
      %ge3A = arith.constant 1 : i32
      %ge3A_527 = arith.cmpi sge, %while3A_523, %ge3A : i32
      %convert_element_type3A_528 = arith.extui %ge3A_527 : i1 to i32
      %cond3A_529 = arith.constant 0 : i32
      %cond3A_530 = arith.cmpi ne, %convert_element_type3A_528, %cond3A_529 : i32
      scf.if %cond3A_530 {
        %sub3A_577 = arith.constant 1 : i32
        %sub3A_578 = arith.subi %while3A_523, %sub3A_577 : i32
        %rem3A_579 = arith.constant 5 : i32
        %rem3A_580 = arith.remsi %sub3A_578, %rem3A_579 : i32
        %rem3A_581 = arith.constant 12 : i32
        %rem3A_582 = arith.remsi %sub3A_578, %rem3A_581 : i32
        %dma_wait3A_583 = arith.constant 0 : i32
        %dma_wait3A_584 = arith.constant 0 : i32
        %dma_wait3A_585 = tpu.memref_slice %arg9[%rem3A_580, %dma_wait3A_583, %dma_wait3A_584] : memref<5x64x128xf32, #tpu.memory_space<vmem>> -> memref<1x64x128xf32, #tpu.memory_space<vmem>>
        %dma_wait3A_586 = tpu.memref_squeeze %dma_wait3A_585 : memref<1x64x128xf32, #tpu.memory_space<vmem>> -> memref<64x128xf32, #tpu.memory_space<vmem>>
        %dma_wait3A_587 = arith.constant 0 : i32
        %dma_wait3A_588 = tpu.memref_slice %arg8[%rem3A_582, %dma_wait3A_587] : memref<12x64xi32, #tpu.memory_space<vmem>> -> memref<1x64xi32, #tpu.memory_space<vmem>>
        %dma_wait3A_589 = tpu.memref_squeeze %dma_wait3A_588 : memref<1x64xi32, #tpu.memory_space<vmem>> -> memref<64xi32, #tpu.memory_space<vmem>>
        %dma_wait3A_590 = arith.constant 0 : i32
        %dma_wait3A_591 = arith.constant 0 : i32
        %dma_wait3A_592 = tpu.memref_slice %arg12[%dma_wait3A_590, %dma_wait3A_591] : memref<10240x128xf32, #tpu.memory_space<vmem_shared>> -> memref<10240x128xf32, #tpu.memory_space<vmem_shared>>
        tpu.wait_indirect_dma semaphore(%arg15 : memref<!tpu.dma_semaphore, #tpu.memory_space<semaphore_mem>>) src(%dma_wait3A_586 : memref<64x128xf32, #tpu.memory_space<vmem>>) dst(%dma_wait3A_592 : memref<10240x128xf32, #tpu.memory_space<vmem_shared>>)
      } else {
      }
      %add3A_531 = arith.constant 4 : i32
      %add3A_532 = arith.addi %while3A_523, %add3A_531 : i32
      %lt3A_533 = arith.cmpi slt, %add3A_532, %select_n3A_5 : i32
      %convert_element_type3A_534 = arith.extui %lt3A_533 : i1 to i32
      %cond3A_535 = arith.constant 0 : i32
      %cond3A_536 = arith.cmpi ne, %convert_element_type3A_534, %cond3A_535 : i32
      scf.if %cond3A_536 {
        %add3A_577 = arith.constant 4 : i32
        %add3A_578 = arith.addi %while3A_523, %add3A_577 : i32
        %rem3A_579 = arith.constant 12 : i32
        %rem3A_580 = arith.remsi %add3A_578, %rem3A_579 : i32
        %add3A_581 = arith.addi %add3A, %add3A_578 : i32
        %add3A_582 = arith.addi %add3A, %add3A_578 : i32
        %dma_wait3A_583 = arith.constant 0 : i32
        %dma_wait3A_584 = tpu.memref_slice %arg7[%rem3A_580, %dma_wait3A_583] : memref<12x64xi32, #tpu.memory_space<vmem>> -> memref<1x64xi32, #tpu.memory_space<vmem>>
        %dma_wait3A_585 = tpu.memref_squeeze %dma_wait3A_584 : memref<1x64xi32, #tpu.memory_space<vmem>> -> memref<64xi32, #tpu.memory_space<vmem>>
        %dma_wait3A_586 = arith.constant 0 : i32
        %dma_wait3A_587 = tpu.memref_slice %arg3[%add3A_581, %dma_wait3A_586] : memref<5120x64xi32, #tpu.memory_space<hbm>> -> memref<1x64xi32, #tpu.memory_space<hbm>>
        %dma_wait3A_588 = tpu.memref_squeeze %dma_wait3A_587 : memref<1x64xi32, #tpu.memory_space<hbm>> -> memref<64xi32, #tpu.memory_space<hbm>>
        %dma_wait3A_589 = arith.constant 0 : i32
        %dma_wait3A_590 = tpu.memref_slice %arg7[%rem3A_580, %dma_wait3A_589] : memref<12x64xi32, #tpu.memory_space<vmem>> -> memref<1x64xi32, #tpu.memory_space<vmem>>
        %dma_wait3A_591 = tpu.memref_squeeze %dma_wait3A_590 : memref<1x64xi32, #tpu.memory_space<vmem>> -> memref<64xi32, #tpu.memory_space<vmem>>
        %dma_wait3A_592 = arith.constant 0 : i32
        %dma_wait3A_593 = tpu.memref_slice %arg3[%add3A_581, %dma_wait3A_592] : memref<5120x64xi32, #tpu.memory_space<hbm>> -> memref<1x64xi32, #tpu.memory_space<hbm>>
        %dma_wait3A_594 = tpu.memref_squeeze %dma_wait3A_593 : memref<1x64xi32, #tpu.memory_space<hbm>> -> memref<64xi32, #tpu.memory_space<hbm>>
        tpu.wait_dma2 semaphore(%arg17 : memref<!tpu.dma_semaphore, #tpu.memory_space<semaphore_mem>>) src(%dma_wait3A_594 : memref<64xi32, #tpu.memory_space<hbm>>) dst(%dma_wait3A_591 : memref<64xi32, #tpu.memory_space<vmem>>)
        %dma_wait3A_595 = arith.constant 0 : i32
        %dma_wait3A_596 = tpu.memref_slice %arg8[%rem3A_580, %dma_wait3A_595] : memref<12x64xi32, #tpu.memory_space<vmem>> -> memref<1x64xi32, #tpu.memory_space<vmem>>
        %dma_wait3A_597 = tpu.memref_squeeze %dma_wait3A_596 : memref<1x64xi32, #tpu.memory_space<vmem>> -> memref<64xi32, #tpu.memory_space<vmem>>
        %dma_wait3A_598 = arith.constant 0 : i32
        %dma_wait3A_599 = tpu.memref_slice %arg4[%add3A_582, %dma_wait3A_598] : memref<5120x64xi32, #tpu.memory_space<hbm>> -> memref<1x64xi32, #tpu.memory_space<hbm>>
        %dma_wait3A_600 = tpu.memref_squeeze %dma_wait3A_599 : memref<1x64xi32, #tpu.memory_space<hbm>> -> memref<64xi32, #tpu.memory_space<hbm>>
        %dma_wait3A_601 = arith.constant 0 : i32
        %dma_wait3A_602 = tpu.memref_slice %arg8[%rem3A_580, %dma_wait3A_601] : memref<12x64xi32, #tpu.memory_space<vmem>> -> memref<1x64xi32, #tpu.memory_space<vmem>>
        %dma_wait3A_603 = tpu.memref_squeeze %dma_wait3A_602 : memref<1x64xi32, #tpu.memory_space<vmem>> -> memref<64xi32, #tpu.memory_space<vmem>>
        %dma_wait3A_604 = arith.constant 0 : i32
        %dma_wait3A_605 = tpu.memref_slice %arg4[%add3A_582, %dma_wait3A_604] : memref<5120x64xi32, #tpu.memory_space<hbm>> -> memref<1x64xi32, #tpu.memory_space<hbm>>
        %dma_wait3A_606 = tpu.memref_squeeze %dma_wait3A_605 : memref<1x64xi32, #tpu.memory_space<hbm>> -> memref<64xi32, #tpu.memory_space<hbm>>
        tpu.wait_dma2 semaphore(%arg17 : memref<!tpu.dma_semaphore, #tpu.memory_space<semaphore_mem>>) src(%dma_wait3A_606 : memref<64xi32, #tpu.memory_space<hbm>>) dst(%dma_wait3A_603 : memref<64xi32, #tpu.memory_space<vmem>>)
        %add3A_607 = arith.constant 4 : i32
        %add3A_608 = arith.addi %while3A_523, %add3A_607 : i32
        %rem3A_609 = arith.constant 12 : i32
        %rem3A_610 = arith.remsi %add3A_608, %rem3A_609 : i32
        %rem3A_611 = arith.constant 5 : i32
        %rem3A_612 = arith.remsi %add3A_608, %rem3A_611 : i32
        %dma_start3A_613 = arith.constant 0 : i32
        %dma_start3A_614 = arith.constant 0 : i32
        %dma_start3A_615 = tpu.memref_slice %arg9[%rem3A_612, %dma_start3A_613, %dma_start3A_614] : memref<5x64x128xf32, #tpu.memory_space<vmem>> -> memref<1x64x128xf32, #tpu.memory_space<vmem>>
        %dma_start3A_616 = tpu.memref_squeeze %dma_start3A_615 : memref<1x64x128xf32, #tpu.memory_space<vmem>> -> memref<64x128xf32, #tpu.memory_space<vmem>>
        %dma_start3A_617 = arith.constant 0 : i32
        %dma_start3A_618 = tpu.memref_slice %arg7[%rem3A_610, %dma_start3A_617] : memref<12x64xi32, #tpu.memory_space<vmem>> -> memref<1x64xi32, #tpu.memory_space<vmem>>
        %dma_start3A_619 = tpu.memref_squeeze %dma_start3A_618 : memref<1x64xi32, #tpu.memory_space<vmem>> -> memref<64xi32, #tpu.memory_space<vmem>>
        %dma_start3A_620 = arith.constant 0 : i32
        %dma_start3A_621 = arith.constant 0 : i32
        %dma_start3A_622 = tpu.memref_slice %arg2[%dma_start3A_620, %dma_start3A_621] : memref<10000x128xf32, #tpu.memory_space<hbm>> -> memref<10000x128xf32, #tpu.memory_space<hbm>>
        tpu.enqueue_indirect_dma source(%dma_start3A_622 : memref<10000x128xf32, #tpu.memory_space<hbm>>) target(%dma_start3A_616 : memref<64x128xf32, #tpu.memory_space<vmem>>) offsets(%dma_start3A_619 : memref<64xi32, #tpu.memory_space<vmem>>) semaphore(%arg14 : memref<!tpu.dma_semaphore, #tpu.memory_space<semaphore_mem>>)
      } else {
      }
      %rem3A_537 = arith.constant 12 : i32
      %rem3A_538 = arith.remsi %while3A_523, %rem3A_537 : i32
      %rem3A_539 = arith.constant 5 : i32
      %rem3A_540 = arith.remsi %while3A_523, %rem3A_539 : i32
      %dma_wait3A_541 = arith.constant 0 : i32
      %dma_wait3A_542 = arith.constant 0 : i32
      %dma_wait3A_543 = tpu.memref_slice %arg9[%rem3A_540, %dma_wait3A_541, %dma_wait3A_542] : memref<5x64x128xf32, #tpu.memory_space<vmem>> -> memref<1x64x128xf32, #tpu.memory_space<vmem>>
      %dma_wait3A_544 = tpu.memref_squeeze %dma_wait3A_543 : memref<1x64x128xf32, #tpu.memory_space<vmem>> -> memref<64x128xf32, #tpu.memory_space<vmem>>
      %dma_wait3A_545 = arith.constant 0 : i32
      %dma_wait3A_546 = tpu.memref_slice %arg7[%rem3A_538, %dma_wait3A_545] : memref<12x64xi32, #tpu.memory_space<vmem>> -> memref<1x64xi32, #tpu.memory_space<vmem>>
      %dma_wait3A_547 = tpu.memref_squeeze %dma_wait3A_546 : memref<1x64xi32, #tpu.memory_space<vmem>> -> memref<64xi32, #tpu.memory_space<vmem>>
      %dma_wait3A_548 = arith.constant 0 : i32
      %dma_wait3A_549 = arith.constant 0 : i32
      %dma_wait3A_550 = tpu.memref_slice %arg2[%dma_wait3A_548, %dma_wait3A_549] : memref<10000x128xf32, #tpu.memory_space<hbm>> -> memref<10000x128xf32, #tpu.memory_space<hbm>>
      tpu.wait_indirect_dma semaphore(%arg14 : memref<!tpu.dma_semaphore, #tpu.memory_space<semaphore_mem>>) src(%dma_wait3A_550 : memref<10000x128xf32, #tpu.memory_space<hbm>>) dst(%dma_wait3A_544 : memref<64x128xf32, #tpu.memory_space<vmem>>)
      %rem3A_551 = arith.constant 5 : i32
      %rem3A_552 = arith.remsi %while3A_523, %rem3A_551 : i32
      %rem3A_553 = arith.constant 12 : i32
      %rem3A_554 = arith.remsi %while3A_523, %rem3A_553 : i32
      %dma_start3A_555 = arith.constant 0 : i32
      %dma_start3A_556 = arith.constant 0 : i32
      %dma_start3A_557 = tpu.memref_slice %arg9[%rem3A_552, %dma_start3A_555, %dma_start3A_556] : memref<5x64x128xf32, #tpu.memory_space<vmem>> -> memref<1x64x128xf32, #tpu.memory_space<vmem>>
      %dma_start3A_558 = tpu.memref_squeeze %dma_start3A_557 : memref<1x64x128xf32, #tpu.memory_space<vmem>> -> memref<64x128xf32, #tpu.memory_space<vmem>>
      %dma_start3A_559 = arith.constant 0 : i32
      %dma_start3A_560 = tpu.memref_slice %arg8[%rem3A_554, %dma_start3A_559] : memref<12x64xi32, #tpu.memory_space<vmem>> -> memref<1x64xi32, #tpu.memory_space<vmem>>
      %dma_start3A_561 = tpu.memref_squeeze %dma_start3A_560 : memref<1x64xi32, #tpu.memory_space<vmem>> -> memref<64xi32, #tpu.memory_space<vmem>>
      %dma_start3A_562 = arith.constant 0 : i32
      %dma_start3A_563 = arith.constant 0 : i32
      %dma_start3A_564 = tpu.memref_slice %arg12[%dma_start3A_562, %dma_start3A_563] : memref<10240x128xf32, #tpu.memory_space<vmem_shared>> -> memref<10240x128xf32, #tpu.memory_space<vmem_shared>>
      tpu.enqueue_indirect_dma source(%dma_start3A_558 : memref<64x128xf32, #tpu.memory_space<vmem>>) target(%dma_start3A_564 : memref<10240x128xf32, #tpu.memory_space<vmem_shared>>) offsets(%dma_start3A_561 : memref<64xi32, #tpu.memory_space<vmem>>) semaphore(%arg15 : memref<!tpu.dma_semaphore, #tpu.memory_space<semaphore_mem>>) {add = true}
      %rem3A_565 = arith.constant 12 : i32
      %rem3A_566 = arith.remsi %while3A_523, %rem3A_565 : i32
      %dma_start3A_567 = arith.constant 0 : i32
      %dma_start3A_568 = tpu.memref_slice %arg8[%rem3A_566, %dma_start3A_567] : memref<12x64xi32, #tpu.memory_space<vmem>> -> memref<1x64xi32, #tpu.memory_space<vmem>>
      %dma_start3A_569 = tpu.memref_squeeze %dma_start3A_568 : memref<1x64xi32, #tpu.memory_space<vmem>> -> memref<64xi32, #tpu.memory_space<vmem>>
      %dma_start3A_570 = arith.constant 0 : i32
      %dma_start3A_571 = tpu.memref_slice %arg13[%dma_start3A_570] : memref<10240xf32, #tpu.memory_space<vmem_shared>> -> memref<10240xf32, #tpu.memory_space<vmem_shared>>
      tpu.enqueue_indirect_dma source(%arg11 : memref<64xf32, #tpu.memory_space<vmem>>) target(%dma_start3A_571 : memref<10240xf32, #tpu.memory_space<vmem_shared>>) offsets(%dma_start3A_569 : memref<64xi32, #tpu.memory_space<vmem>>) semaphore(%arg16 : memref<!tpu.dma_semaphore, #tpu.memory_space<semaphore_mem>>) {add = true}
      %ge3A_572 = arith.constant 2 : i32
      %ge3A_573 = arith.cmpi sge, %while3A_523, %ge3A_572 : i32
      %convert_element_type3A_574 = arith.extui %ge3A_573 : i1 to i32
      %cond3A_575 = arith.constant 0 : i32
      %cond3A_576 = arith.cmpi ne, %convert_element_type3A_574, %cond3A_575 : i32
      scf.if %cond3A_576 {
        %dma_wait3A_577 = arith.constant 0 : i32
        %dma_wait3A_578 = arith.constant 0 : i32
        %dma_wait3A_579 = tpu.memref_slice %arg8[%dma_wait3A_577, %dma_wait3A_578] : memref<12x64xi32, #tpu.memory_space<vmem>> -> memref<1x64xi32, #tpu.memory_space<vmem>>
        %dma_wait3A_580 = tpu.memref_squeeze %dma_wait3A_579 : memref<1x64xi32, #tpu.memory_space<vmem>> -> memref<64xi32, #tpu.memory_space<vmem>>
        %dma_wait3A_581 = arith.constant 0 : i32
        %dma_wait3A_582 = tpu.memref_slice %arg13[%dma_wait3A_581] : memref<10240xf32, #tpu.memory_space<vmem_shared>> -> memref<10240xf32, #tpu.memory_space<vmem_shared>>
        tpu.wait_indirect_dma semaphore(%arg16 : memref<!tpu.dma_semaphore, #tpu.memory_space<semaphore_mem>>) src(%arg11 : memref<64xf32, #tpu.memory_space<vmem>>) dst(%dma_wait3A_582 : memref<10240xf32, #tpu.memory_space<vmem_shared>>)
      } else {
      }
    }
    %sub3A = arith.constant 1 : i32
    %sub3A_487 = arith.subi %select_n3A_5, %sub3A : i32
    %rem3A_488 = arith.constant 5 : i32
    %rem3A_489 = arith.remsi %sub3A_487, %rem3A_488 : i32
    %rem3A_490 = arith.constant 12 : i32
    %rem3A_491 = arith.remsi %sub3A_487, %rem3A_490 : i32
    %dma_wait3A_492 = arith.constant 0 : i32
    %dma_wait3A_493 = arith.constant 0 : i32
    %dma_wait3A_494 = tpu.memref_slice %arg9[%rem3A_489, %dma_wait3A_492, %dma_wait3A_493] : memref<5x64x128xf32, #tpu.memory_space<vmem>> -> memref<1x64x128xf32, #tpu.memory_space<vmem>>
    %dma_wait3A_495 = tpu.memref_squeeze %dma_wait3A_494 : memref<1x64x128xf32, #tpu.memory_space<vmem>> -> memref<64x128xf32, #tpu.memory_space<vmem>>
    %dma_wait3A_496 = arith.constant 0 : i32
    %dma_wait3A_497 = tpu.memref_slice %arg8[%rem3A_491, %dma_wait3A_496] : memref<12x64xi32, #tpu.memory_space<vmem>> -> memref<1x64xi32, #tpu.memory_space<vmem>>
    %dma_wait3A_498 = tpu.memref_squeeze %dma_wait3A_497 : memref<1x64xi32, #tpu.memory_space<vmem>> -> memref<64xi32, #tpu.memory_space<vmem>>
    %dma_wait3A_499 = arith.constant 0 : i32
    %dma_wait3A_500 = arith.constant 0 : i32
    %dma_wait3A_501 = tpu.memref_slice %arg12[%dma_wait3A_499, %dma_wait3A_500] : memref<10240x128xf32, #tpu.memory_space<vmem_shared>> -> memref<10240x128xf32, #tpu.memory_space<vmem_shared>>
    tpu.wait_indirect_dma semaphore(%arg15 : memref<!tpu.dma_semaphore, #tpu.memory_space<semaphore_mem>>) src(%dma_wait3A_495 : memref<64x128xf32, #tpu.memory_space<vmem>>) dst(%dma_wait3A_501 : memref<10240x128xf32, #tpu.memory_space<vmem_shared>>)
    %dma_wait3A_502 = arith.constant 0 : i32
    %dma_wait3A_503 = arith.constant 0 : i32
    %dma_wait3A_504 = tpu.memref_slice %arg8[%dma_wait3A_502, %dma_wait3A_503] : memref<12x64xi32, #tpu.memory_space<vmem>> -> memref<1x64xi32, #tpu.memory_space<vmem>>
    %dma_wait3A_505 = tpu.memref_squeeze %dma_wait3A_504 : memref<1x64xi32, #tpu.memory_space<vmem>> -> memref<64xi32, #tpu.memory_space<vmem>>
    %dma_wait3A_506 = arith.constant 0 : i32
    %dma_wait3A_507 = tpu.memref_slice %arg13[%dma_wait3A_506] : memref<10240xf32, #tpu.memory_space<vmem_shared>> -> memref<10240xf32, #tpu.memory_space<vmem_shared>>
    tpu.wait_indirect_dma semaphore(%arg16 : memref<!tpu.dma_semaphore, #tpu.memory_space<semaphore_mem>>) src(%arg11 : memref<64xf32, #tpu.memory_space<vmem>>) dst(%dma_wait3A_507 : memref<10240xf32, #tpu.memory_space<vmem_shared>>)
    %dma_wait3A_508 = arith.constant 0 : i32
    %dma_wait3A_509 = arith.constant 0 : i32
    %dma_wait3A_510 = tpu.memref_slice %arg8[%dma_wait3A_508, %dma_wait3A_509] : memref<12x64xi32, #tpu.memory_space<vmem>> -> memref<1x64xi32, #tpu.memory_space<vmem>>
    %dma_wait3A_511 = tpu.memref_squeeze %dma_wait3A_510 : memref<1x64xi32, #tpu.memory_space<vmem>> -> memref<64xi32, #tpu.memory_space<vmem>>
    %dma_wait3A_512 = arith.constant 0 : i32
    %dma_wait3A_513 = tpu.memref_slice %arg13[%dma_wait3A_512] : memref<10240xf32, #tpu.memory_space<vmem_shared>> -> memref<10240xf32, #tpu.memory_space<vmem_shared>>
    tpu.wait_indirect_dma semaphore(%arg16 : memref<!tpu.dma_semaphore, #tpu.memory_space<semaphore_mem>>) src(%arg11 : memref<64xf32, #tpu.memory_space<vmem>>) dst(%dma_wait3A_513 : memref<10240xf32, #tpu.memory_space<vmem_shared>>)
    %barrier3A_514 = arith.constant 0 : index
    tpu.barrier barrier_id(%barrier3A_514)
    %mul3A_515 = arith.constant 640 : i32
    %mul3A_516 = arith.muli %arg1, %mul3A_515 : i32
    %mul3A_517 = arith.constant 640 : i32
    %mul3A_518 = arith.muli %arg1, %mul3A_517 : i32
    "tpu.region"() ({
      %run_scoped3A = tpu.sem_alloc : memref<!tpu.dma_semaphore, #tpu.memory_space<semaphore_mem>>
      %dma_start3A_523 = arith.constant 0 : i32
      %dma_start3A_524 = arith.constant 0 : i32
      %dma_start3A_525 = tpu.memref_slice %arg5[%arg0, %dma_start3A_523, %dma_start3A_524] : memref<2x10240x128xf32, #tpu.memory_space<hbm>> -> memref<1x10240x128xf32, #tpu.memory_space<hbm>>
      %dma_start3A_526 = tpu.memref_squeeze %dma_start3A_525 : memref<1x10240x128xf32, #tpu.memory_space<hbm>> -> memref<10240x128xf32, #tpu.memory_space<hbm>>
      %dma_start3A_527 = arith.constant 0 : i32
      %dma_start3A_528 = tpu.memref_slice %dma_start3A_526[%mul3A_518, %dma_start3A_527] : memref<10240x128xf32, #tpu.memory_space<hbm>> -> memref<640x128xf32, #tpu.memory_space<hbm>>
      %dma_start3A_529 = arith.constant 0 : i32
      %dma_start3A_530 = tpu.memref_slice %arg12[%mul3A_516, %dma_start3A_529] : memref<10240x128xf32, #tpu.memory_space<vmem_shared>> -> memref<640x128xf32, #tpu.memory_space<vmem_shared>>
      tpu.enqueue_dma source(%dma_start3A_530 : memref<640x128xf32, #tpu.memory_space<vmem_shared>>) target(%dma_start3A_528 : memref<640x128xf32, #tpu.memory_space<hbm>>) target_semaphore(%run_scoped3A : memref<!tpu.dma_semaphore, #tpu.memory_space<semaphore_mem>>)
      %dma_wait3A_531 = arith.constant 0 : i32
      %dma_wait3A_532 = arith.constant 0 : i32
      %dma_wait3A_533 = tpu.memref_slice %arg5[%arg0, %dma_wait3A_531, %dma_wait3A_532] : memref<2x10240x128xf32, #tpu.memory_space<hbm>> -> memref<1x10240x128xf32, #tpu.memory_space<hbm>>
      %dma_wait3A_534 = tpu.memref_squeeze %dma_wait3A_533 : memref<1x10240x128xf32, #tpu.memory_space<hbm>> -> memref<10240x128xf32, #tpu.memory_space<hbm>>
      %dma_wait3A_535 = arith.constant 0 : i32
      %dma_wait3A_536 = tpu.memref_slice %dma_wait3A_534[%mul3A_518, %dma_wait3A_535] : memref<10240x128xf32, #tpu.memory_space<hbm>> -> memref<640x128xf32, #tpu.memory_space<hbm>>
      %dma_wait3A_537 = arith.constant 0 : i32
      %dma_wait3A_538 = tpu.memref_slice %arg12[%mul3A_516, %dma_wait3A_537] : memref<10240x128xf32, #tpu.memory_space<vmem_shared>> -> memref<640x128xf32, #tpu.memory_space<vmem_shared>>
      tpu.wait_dma2 semaphore(%run_scoped3A : memref<!tpu.dma_semaphore, #tpu.memory_space<semaphore_mem>>) src(%dma_wait3A_538 : memref<640x128xf32, #tpu.memory_space<vmem_shared>>) dst(%dma_wait3A_536 : memref<640x128xf32, #tpu.memory_space<hbm>>)
      tpu.yield
    }) : () -> ()
    %mul3A_519 = arith.constant 640 : i32
    %mul3A_520 = arith.muli %arg1, %mul3A_519 : i32
    %mul3A_521 = arith.constant 640 : i32
    %mul3A_522 = arith.muli %arg1, %mul3A_521 : i32
    "tpu.region"() ({
      %run_scoped3A = tpu.sem_alloc : memref<!tpu.dma_semaphore, #tpu.memory_space<semaphore_mem>>
      %dma_start3A_523 = arith.constant 0 : i32
      %dma_start3A_524 = tpu.memref_slice %arg6[%arg0, %dma_start3A_523] : memref<2x10240xf32, #tpu.memory_space<hbm>> -> memref<1x10240xf32, #tpu.memory_space<hbm>>
      %dma_start3A_525 = tpu.memref_squeeze %dma_start3A_524 : memref<1x10240xf32, #tpu.memory_space<hbm>> -> memref<10240xf32, #tpu.memory_space<hbm>>
      %dma_start3A_526 = tpu.memref_slice %dma_start3A_525[%mul3A_522] : memref<10240xf32, #tpu.memory_space<hbm>> -> memref<640xf32, #tpu.memory_space<hbm>>
      %dma_start3A_527 = tpu.memref_slice %arg13[%mul3A_520] : memref<10240xf32, #tpu.memory_space<vmem_shared>> -> memref<640xf32, #tpu.memory_space<vmem_shared>>
      tpu.enqueue_dma source(%dma_start3A_527 : memref<640xf32, #tpu.memory_space<vmem_shared>>) target(%dma_start3A_526 : memref<640xf32, #tpu.memory_space<hbm>>) target_semaphore(%run_scoped3A : memref<!tpu.dma_semaphore, #tpu.memory_space<semaphore_mem>>)
      %dma_wait3A_528 = arith.constant 0 : i32
      %dma_wait3A_529 = tpu.memref_slice %arg6[%arg0, %dma_wait3A_528] : memref<2x10240xf32, #tpu.memory_space<hbm>> -> memref<1x10240xf32, #tpu.memory_space<hbm>>
      %dma_wait3A_530 = tpu.memref_squeeze %dma_wait3A_529 : memref<1x10240xf32, #tpu.memory_space<hbm>> -> memref<10240xf32, #tpu.memory_space<hbm>>
      %dma_wait3A_531 = tpu.memref_slice %dma_wait3A_530[%mul3A_522] : memref<10240xf32, #tpu.memory_space<hbm>> -> memref<640xf32, #tpu.memory_space<hbm>>
      %dma_wait3A_532 = tpu.memref_slice %arg13[%mul3A_520] : memref<10240xf32, #tpu.memory_space<vmem_shared>> -> memref<640xf32, #tpu.memory_space<vmem_shared>>
      tpu.wait_dma2 semaphore(%run_scoped3A : memref<!tpu.dma_semaphore, #tpu.memory_space<semaphore_mem>>) src(%dma_wait3A_532 : memref<640xf32, #tpu.memory_space<vmem_shared>>) dst(%dma_wait3A_531 : memref<640xf32, #tpu.memory_space<hbm>>)
      tpu.yield
    }) : () -> ()
    return
  }
}

#map = affine_map<(d0, d1) -> (0, 0)>
#map1 = affine_map<(d0, d1) -> (0, 0, 0)>
module attributes {stable_mosaic.version = 14 : i64} {
  func.func @body(%arg0: i32, %arg1: i32, %arg2: memref<10000x128xf32, #tpu.memory_space<hbm>>, %arg3: memref<5120x64xi32, #tpu.memory_space<hbm>>, %arg4: memref<5120x64xi32, #tpu.memory_space<hbm>>, %arg5: memref<2x10240x128xf32, #tpu.memory_space<hbm>>, %arg6: memref<12x64xi32, #tpu.memory_space<vmem>>, %arg7: memref<12x64xi32, #tpu.memory_space<vmem>>, %arg8: memref<5x64x128xf32, #tpu.memory_space<vmem>>, %arg9: memref<8x128xf32, #tpu.memory_space<vmem>>, %arg10: memref<64xf32, #tpu.memory_space<vmem>>, %arg11: memref<10240x128xf32, #tpu.memory_space<vmem_shared>>, %arg12: memref<10240xf32, #tpu.memory_space<vmem_shared>>, %arg13: memref<!tpu.dma_semaphore, #tpu.memory_space<semaphore_mem>>, %arg14: memref<!tpu.dma_semaphore, #tpu.memory_space<semaphore_mem>>, %arg15: memref<!tpu.dma_semaphore, #tpu.memory_space<semaphore_mem>>, %arg16: memref<!tpu.dma_semaphore, #tpu.memory_space<semaphore_mem>>) attributes {dimension_semantics = [#tpu.dimension_semantics<core_parallel>, #tpu.dimension_semantics<subcore_parallel>], iteration_bounds = array<i64: 2, 16>, scalar_prefetch = 0 : i64, scratch_operands = 11 : i64, tpu.core_type = #tpu.core_type<sc_vector_subcore>, window_params = [{transform_indices = #map}, {transform_indices = #map}, {transform_indices = #map}, {transform_indices = #map1}]} {
    %mul3A = arith.constant 320 : i32
    %mul3A_0 = arith.muli %arg1, %mul3A : i32
    %mul3A_1 = arith.constant 240 : i32
    %mul3A_2 = arith.muli %arg0, %mul3A_1 : i32
    %add3A = arith.addi %mul3A_0, %mul3A_2 : i32
    %eq3A = arith.constant 0 : i32
    %eq3A_3 = arith.cmpi eq, %arg0, %eq3A : i32
    %select_n3A = arith.constant 80 : i32
    %select_n3A_4 = arith.constant 240 : i32
    %select_n3A_5 = arith.select %eq3A_3, %select_n3A_4, %select_n3A : i32
    %rem3A = arith.constant 0 : i32
    %rem3A_6 = arith.constant 12 : i32
    %rem3A_7 = arith.remsi %rem3A, %rem3A_6 : i32
    %add3A_8 = arith.constant 0 : i32
    %add3A_9 = arith.addi %add3A, %add3A_8 : i32
    %add3A_10 = arith.constant 0 : i32
    %add3A_11 = arith.addi %add3A, %add3A_10 : i32
    %dma_start3A = arith.constant 0 : i32
    %dma_start3A_12 = tpu.memref_slice %arg6[%rem3A_7, %dma_start3A] : memref<12x64xi32, #tpu.memory_space<vmem>> -> memref<1x64xi32, #tpu.memory_space<vmem>>
    %dma_start3A_13 = tpu.memref_squeeze %dma_start3A_12 : memref<1x64xi32, #tpu.memory_space<vmem>> -> memref<64xi32, #tpu.memory_space<vmem>>
    %dma_start3A_14 = arith.constant 0 : i32
    %dma_start3A_15 = tpu.memref_slice %arg3[%add3A_9, %dma_start3A_14] : memref<5120x64xi32, #tpu.memory_space<hbm>> -> memref<1x64xi32, #tpu.memory_space<hbm>>
    %dma_start3A_16 = tpu.memref_squeeze %dma_start3A_15 : memref<1x64xi32, #tpu.memory_space<hbm>> -> memref<64xi32, #tpu.memory_space<hbm>>
    %dma_start3A_17 = arith.constant 0 : i32
    %dma_start3A_18 = tpu.memref_slice %arg6[%rem3A_7, %dma_start3A_17] : memref<12x64xi32, #tpu.memory_space<vmem>> -> memref<1x64xi32, #tpu.memory_space<vmem>>
    %dma_start3A_19 = tpu.memref_squeeze %dma_start3A_18 : memref<1x64xi32, #tpu.memory_space<vmem>> -> memref<64xi32, #tpu.memory_space<vmem>>
    %dma_start3A_20 = arith.constant 0 : i32
    %dma_start3A_21 = tpu.memref_slice %arg3[%add3A_9, %dma_start3A_20] : memref<5120x64xi32, #tpu.memory_space<hbm>> -> memref<1x64xi32, #tpu.memory_space<hbm>>
    %dma_start3A_22 = tpu.memref_squeeze %dma_start3A_21 : memref<1x64xi32, #tpu.memory_space<hbm>> -> memref<64xi32, #tpu.memory_space<hbm>>
    tpu.enqueue_dma source(%dma_start3A_22 : memref<64xi32, #tpu.memory_space<hbm>>) target(%dma_start3A_19 : memref<64xi32, #tpu.memory_space<vmem>>) target_semaphore(%arg16 : memref<!tpu.dma_semaphore, #tpu.memory_space<semaphore_mem>>)
    %dma_start3A_23 = arith.constant 0 : i32
    %dma_start3A_24 = tpu.memref_slice %arg7[%rem3A_7, %dma_start3A_23] : memref<12x64xi32, #tpu.memory_space<vmem>> -> memref<1x64xi32, #tpu.memory_space<vmem>>
    %dma_start3A_25 = tpu.memref_squeeze %dma_start3A_24 : memref<1x64xi32, #tpu.memory_space<vmem>> -> memref<64xi32, #tpu.memory_space<vmem>>
    %dma_start3A_26 = arith.constant 0 : i32
    %dma_start3A_27 = tpu.memref_slice %arg4[%add3A_11, %dma_start3A_26] : memref<5120x64xi32, #tpu.memory_space<hbm>> -> memref<1x64xi32, #tpu.memory_space<hbm>>
    %dma_start3A_28 = tpu.memref_squeeze %dma_start3A_27 : memref<1x64xi32, #tpu.memory_space<hbm>> -> memref<64xi32, #tpu.memory_space<hbm>>
    %dma_start3A_29 = arith.constant 0 : i32
    %dma_start3A_30 = tpu.memref_slice %arg7[%rem3A_7, %dma_start3A_29] : memref<12x64xi32, #tpu.memory_space<vmem>> -> memref<1x64xi32, #tpu.memory_space<vmem>>
    %dma_start3A_31 = tpu.memref_squeeze %dma_start3A_30 : memref<1x64xi32, #tpu.memory_space<vmem>> -> memref<64xi32, #tpu.memory_space<vmem>>
    %dma_start3A_32 = arith.constant 0 : i32
    %dma_start3A_33 = tpu.memref_slice %arg4[%add3A_11, %dma_start3A_32] : memref<5120x64xi32, #tpu.memory_space<hbm>> -> memref<1x64xi32, #tpu.memory_space<hbm>>
    %dma_start3A_34 = tpu.memref_squeeze %dma_start3A_33 : memref<1x64xi32, #tpu.memory_space<hbm>> -> memref<64xi32, #tpu.memory_space<hbm>>
    tpu.enqueue_dma source(%dma_start3A_34 : memref<64xi32, #tpu.memory_space<hbm>>) target(%dma_start3A_31 : memref<64xi32, #tpu.memory_space<vmem>>) target_semaphore(%arg16 : memref<!tpu.dma_semaphore, #tpu.memory_space<semaphore_mem>>)
    %rem3A_35 = arith.constant 1 : i32
    %rem3A_36 = arith.constant 12 : i32
    %rem3A_37 = arith.remsi %rem3A_35, %rem3A_36 : i32
    %add3A_38 = arith.constant 1 : i32
    %add3A_39 = arith.addi %add3A, %add3A_38 : i32
    %add3A_40 = arith.constant 1 : i32
    %add3A_41 = arith.addi %add3A, %add3A_40 : i32
    %dma_start3A_42 = arith.constant 0 : i32
    %dma_start3A_43 = tpu.memref_slice %arg6[%rem3A_37, %dma_start3A_42] : memref<12x64xi32, #tpu.memory_space<vmem>> -> memref<1x64xi32, #tpu.memory_space<vmem>>
    %dma_start3A_44 = tpu.memref_squeeze %dma_start3A_43 : memref<1x64xi32, #tpu.memory_space<vmem>> -> memref<64xi32, #tpu.memory_space<vmem>>
    %dma_start3A_45 = arith.constant 0 : i32
    %dma_start3A_46 = tpu.memref_slice %arg3[%add3A_39, %dma_start3A_45] : memref<5120x64xi32, #tpu.memory_space<hbm>> -> memref<1x64xi32, #tpu.memory_space<hbm>>
    %dma_start3A_47 = tpu.memref_squeeze %dma_start3A_46 : memref<1x64xi32, #tpu.memory_space<hbm>> -> memref<64xi32, #tpu.memory_space<hbm>>
    %dma_start3A_48 = arith.constant 0 : i32
    %dma_start3A_49 = tpu.memref_slice %arg6[%rem3A_37, %dma_start3A_48] : memref<12x64xi32, #tpu.memory_space<vmem>> -> memref<1x64xi32, #tpu.memory_space<vmem>>
    %dma_start3A_50 = tpu.memref_squeeze %dma_start3A_49 : memref<1x64xi32, #tpu.memory_space<vmem>> -> memref<64xi32, #tpu.memory_space<vmem>>
    %dma_start3A_51 = arith.constant 0 : i32
    %dma_start3A_52 = tpu.memref_slice %arg3[%add3A_39, %dma_start3A_51] : memref<5120x64xi32, #tpu.memory_space<hbm>> -> memref<1x64xi32, #tpu.memory_space<hbm>>
    %dma_start3A_53 = tpu.memref_squeeze %dma_start3A_52 : memref<1x64xi32, #tpu.memory_space<hbm>> -> memref<64xi32, #tpu.memory_space<hbm>>
    tpu.enqueue_dma source(%dma_start3A_53 : memref<64xi32, #tpu.memory_space<hbm>>) target(%dma_start3A_50 : memref<64xi32, #tpu.memory_space<vmem>>) target_semaphore(%arg16 : memref<!tpu.dma_semaphore, #tpu.memory_space<semaphore_mem>>)
    %dma_start3A_54 = arith.constant 0 : i32
    %dma_start3A_55 = tpu.memref_slice %arg7[%rem3A_37, %dma_start3A_54] : memref<12x64xi32, #tpu.memory_space<vmem>> -> memref<1x64xi32, #tpu.memory_space<vmem>>
    %dma_start3A_56 = tpu.memref_squeeze %dma_start3A_55 : memref<1x64xi32, #tpu.memory_space<vmem>> -> memref<64xi32, #tpu.memory_space<vmem>>
    %dma_start3A_57 = arith.constant 0 : i32
    %dma_start3A_58 = tpu.memref_slice %arg4[%add3A_41, %dma_start3A_57] : memref<5120x64xi32, #tpu.memory_space<hbm>> -> memref<1x64xi32, #tpu.memory_space<hbm>>
    %dma_start3A_59 = tpu.memref_squeeze %dma_start3A_58 : memref<1x64xi32, #tpu.memory_space<hbm>> -> memref<64xi32, #tpu.memory_space<hbm>>
    %dma_start3A_60 = arith.constant 0 : i32
    %dma_start3A_61 = tpu.memref_slice %arg7[%rem3A_37, %dma_start3A_60] : memref<12x64xi32, #tpu.memory_space<vmem>> -> memref<1x64xi32, #tpu.memory_space<vmem>>
    %dma_start3A_62 = tpu.memref_squeeze %dma_start3A_61 : memref<1x64xi32, #tpu.memory_space<vmem>> -> memref<64xi32, #tpu.memory_space<vmem>>
    %dma_start3A_63 = arith.constant 0 : i32
    %dma_start3A_64 = tpu.memref_slice %arg4[%add3A_41, %dma_start3A_63] : memref<5120x64xi32, #tpu.memory_space<hbm>> -> memref<1x64xi32, #tpu.memory_space<hbm>>
    %dma_start3A_65 = tpu.memref_squeeze %dma_start3A_64 : memref<1x64xi32, #tpu.memory_space<hbm>> -> memref<64xi32, #tpu.memory_space<hbm>>
    tpu.enqueue_dma source(%dma_start3A_65 : memref<64xi32, #tpu.memory_space<hbm>>) target(%dma_start3A_62 : memref<64xi32, #tpu.memory_space<vmem>>) target_semaphore(%arg16 : memref<!tpu.dma_semaphore, #tpu.memory_space<semaphore_mem>>)
    %rem3A_66 = arith.constant 2 : i32
    %rem3A_67 = arith.constant 12 : i32
    %rem3A_68 = arith.remsi %rem3A_66, %rem3A_67 : i32
    %add3A_69 = arith.constant 2 : i32
    %add3A_70 = arith.addi %add3A, %add3A_69 : i32
    %add3A_71 = arith.constant 2 : i32
    %add3A_72 = arith.addi %add3A, %add3A_71 : i32
    %dma_start3A_73 = arith.constant 0 : i32
    %dma_start3A_74 = tpu.memref_slice %arg6[%rem3A_68, %dma_start3A_73] : memref<12x64xi32, #tpu.memory_space<vmem>> -> memref<1x64xi32, #tpu.memory_space<vmem>>
    %dma_start3A_75 = tpu.memref_squeeze %dma_start3A_74 : memref<1x64xi32, #tpu.memory_space<vmem>> -> memref<64xi32, #tpu.memory_space<vmem>>
    %dma_start3A_76 = arith.constant 0 : i32
    %dma_start3A_77 = tpu.memref_slice %arg3[%add3A_70, %dma_start3A_76] : memref<5120x64xi32, #tpu.memory_space<hbm>> -> memref<1x64xi32, #tpu.memory_space<hbm>>
    %dma_start3A_78 = tpu.memref_squeeze %dma_start3A_77 : memref<1x64xi32, #tpu.memory_space<hbm>> -> memref<64xi32, #tpu.memory_space<hbm>>
    %dma_start3A_79 = arith.constant 0 : i32
    %dma_start3A_80 = tpu.memref_slice %arg6[%rem3A_68, %dma_start3A_79] : memref<12x64xi32, #tpu.memory_space<vmem>> -> memref<1x64xi32, #tpu.memory_space<vmem>>
    %dma_start3A_81 = tpu.memref_squeeze %dma_start3A_80 : memref<1x64xi32, #tpu.memory_space<vmem>> -> memref<64xi32, #tpu.memory_space<vmem>>
    %dma_start3A_82 = arith.constant 0 : i32
    %dma_start3A_83 = tpu.memref_slice %arg3[%add3A_70, %dma_start3A_82] : memref<5120x64xi32, #tpu.memory_space<hbm>> -> memref<1x64xi32, #tpu.memory_space<hbm>>
    %dma_start3A_84 = tpu.memref_squeeze %dma_start3A_83 : memref<1x64xi32, #tpu.memory_space<hbm>> -> memref<64xi32, #tpu.memory_space<hbm>>
    tpu.enqueue_dma source(%dma_start3A_84 : memref<64xi32, #tpu.memory_space<hbm>>) target(%dma_start3A_81 : memref<64xi32, #tpu.memory_space<vmem>>) target_semaphore(%arg16 : memref<!tpu.dma_semaphore, #tpu.memory_space<semaphore_mem>>)
    %dma_start3A_85 = arith.constant 0 : i32
    %dma_start3A_86 = tpu.memref_slice %arg7[%rem3A_68, %dma_start3A_85] : memref<12x64xi32, #tpu.memory_space<vmem>> -> memref<1x64xi32, #tpu.memory_space<vmem>>
    %dma_start3A_87 = tpu.memref_squeeze %dma_start3A_86 : memref<1x64xi32, #tpu.memory_space<vmem>> -> memref<64xi32, #tpu.memory_space<vmem>>
    %dma_start3A_88 = arith.constant 0 : i32
    %dma_start3A_89 = tpu.memref_slice %arg4[%add3A_72, %dma_start3A_88] : memref<5120x64xi32, #tpu.memory_space<hbm>> -> memref<1x64xi32, #tpu.memory_space<hbm>>
    %dma_start3A_90 = tpu.memref_squeeze %dma_start3A_89 : memref<1x64xi32, #tpu.memory_space<hbm>> -> memref<64xi32, #tpu.memory_space<hbm>>
    %dma_start3A_91 = arith.constant 0 : i32
    %dma_start3A_92 = tpu.memref_slice %arg7[%rem3A_68, %dma_start3A_91] : memref<12x64xi32, #tpu.memory_space<vmem>> -> memref<1x64xi32, #tpu.memory_space<vmem>>
    %dma_start3A_93 = tpu.memref_squeeze %dma_start3A_92 : memref<1x64xi32, #tpu.memory_space<vmem>> -> memref<64xi32, #tpu.memory_space<vmem>>
    %dma_start3A_94 = arith.constant 0 : i32
    %dma_start3A_95 = tpu.memref_slice %arg4[%add3A_72, %dma_start3A_94] : memref<5120x64xi32, #tpu.memory_space<hbm>> -> memref<1x64xi32, #tpu.memory_space<hbm>>
    %dma_start3A_96 = tpu.memref_squeeze %dma_start3A_95 : memref<1x64xi32, #tpu.memory_space<hbm>> -> memref<64xi32, #tpu.memory_space<hbm>>
    tpu.enqueue_dma source(%dma_start3A_96 : memref<64xi32, #tpu.memory_space<hbm>>) target(%dma_start3A_93 : memref<64xi32, #tpu.memory_space<vmem>>) target_semaphore(%arg16 : memref<!tpu.dma_semaphore, #tpu.memory_space<semaphore_mem>>)
    %rem3A_97 = arith.constant 3 : i32
    %rem3A_98 = arith.constant 12 : i32
    %rem3A_99 = arith.remsi %rem3A_97, %rem3A_98 : i32
    %add3A_100 = arith.constant 3 : i32
    %add3A_101 = arith.addi %add3A, %add3A_100 : i32
    %add3A_102 = arith.constant 3 : i32
    %add3A_103 = arith.addi %add3A, %add3A_102 : i32
    %dma_start3A_104 = arith.constant 0 : i32
    %dma_start3A_105 = tpu.memref_slice %arg6[%rem3A_99, %dma_start3A_104] : memref<12x64xi32, #tpu.memory_space<vmem>> -> memref<1x64xi32, #tpu.memory_space<vmem>>
    %dma_start3A_106 = tpu.memref_squeeze %dma_start3A_105 : memref<1x64xi32, #tpu.memory_space<vmem>> -> memref<64xi32, #tpu.memory_space<vmem>>
    %dma_start3A_107 = arith.constant 0 : i32
    %dma_start3A_108 = tpu.memref_slice %arg3[%add3A_101, %dma_start3A_107] : memref<5120x64xi32, #tpu.memory_space<hbm>> -> memref<1x64xi32, #tpu.memory_space<hbm>>
    %dma_start3A_109 = tpu.memref_squeeze %dma_start3A_108 : memref<1x64xi32, #tpu.memory_space<hbm>> -> memref<64xi32, #tpu.memory_space<hbm>>
    %dma_start3A_110 = arith.constant 0 : i32
    %dma_start3A_111 = tpu.memref_slice %arg6[%rem3A_99, %dma_start3A_110] : memref<12x64xi32, #tpu.memory_space<vmem>> -> memref<1x64xi32, #tpu.memory_space<vmem>>
    %dma_start3A_112 = tpu.memref_squeeze %dma_start3A_111 : memref<1x64xi32, #tpu.memory_space<vmem>> -> memref<64xi32, #tpu.memory_space<vmem>>
    %dma_start3A_113 = arith.constant 0 : i32
    %dma_start3A_114 = tpu.memref_slice %arg3[%add3A_101, %dma_start3A_113] : memref<5120x64xi32, #tpu.memory_space<hbm>> -> memref<1x64xi32, #tpu.memory_space<hbm>>
    %dma_start3A_115 = tpu.memref_squeeze %dma_start3A_114 : memref<1x64xi32, #tpu.memory_space<hbm>> -> memref<64xi32, #tpu.memory_space<hbm>>
    tpu.enqueue_dma source(%dma_start3A_115 : memref<64xi32, #tpu.memory_space<hbm>>) target(%dma_start3A_112 : memref<64xi32, #tpu.memory_space<vmem>>) target_semaphore(%arg16 : memref<!tpu.dma_semaphore, #tpu.memory_space<semaphore_mem>>)
    %dma_start3A_116 = arith.constant 0 : i32
    %dma_start3A_117 = tpu.memref_slice %arg7[%rem3A_99, %dma_start3A_116] : memref<12x64xi32, #tpu.memory_space<vmem>> -> memref<1x64xi32, #tpu.memory_space<vmem>>
    %dma_start3A_118 = tpu.memref_squeeze %dma_start3A_117 : memref<1x64xi32, #tpu.memory_space<vmem>> -> memref<64xi32, #tpu.memory_space<vmem>>
    %dma_start3A_119 = arith.constant 0 : i32
    %dma_start3A_120 = tpu.memref_slice %arg4[%add3A_103, %dma_start3A_119] : memref<5120x64xi32, #tpu.memory_space<hbm>> -> memref<1x64xi32, #tpu.memory_space<hbm>>
    %dma_start3A_121 = tpu.memref_squeeze %dma_start3A_120 : memref<1x64xi32, #tpu.memory_space<hbm>> -> memref<64xi32, #tpu.memory_space<hbm>>
    %dma_start3A_122 = arith.constant 0 : i32
    %dma_start3A_123 = tpu.memref_slice %arg7[%rem3A_99, %dma_start3A_122] : memref<12x64xi32, #tpu.memory_space<vmem>> -> memref<1x64xi32, #tpu.memory_space<vmem>>
    %dma_start3A_124 = tpu.memref_squeeze %dma_start3A_123 : memref<1x64xi32, #tpu.memory_space<vmem>> -> memref<64xi32, #tpu.memory_space<vmem>>
    %dma_start3A_125 = arith.constant 0 : i32
    %dma_start3A_126 = tpu.memref_slice %arg4[%add3A_103, %dma_start3A_125] : memref<5120x64xi32, #tpu.memory_space<hbm>> -> memref<1x64xi32, #tpu.memory_space<hbm>>
    %dma_start3A_127 = tpu.memref_squeeze %dma_start3A_126 : memref<1x64xi32, #tpu.memory_space<hbm>> -> memref<64xi32, #tpu.memory_space<hbm>>
    tpu.enqueue_dma source(%dma_start3A_127 : memref<64xi32, #tpu.memory_space<hbm>>) target(%dma_start3A_124 : memref<64xi32, #tpu.memory_space<vmem>>) target_semaphore(%arg16 : memref<!tpu.dma_semaphore, #tpu.memory_space<semaphore_mem>>)
    %rem3A_128 = arith.constant 4 : i32
    %rem3A_129 = arith.constant 12 : i32
    %rem3A_130 = arith.remsi %rem3A_128, %rem3A_129 : i32
    %add3A_131 = arith.constant 4 : i32
    %add3A_132 = arith.addi %add3A, %add3A_131 : i32
    %add3A_133 = arith.constant 4 : i32
    %add3A_134 = arith.addi %add3A, %add3A_133 : i32
    %dma_start3A_135 = arith.constant 0 : i32
    %dma_start3A_136 = tpu.memref_slice %arg6[%rem3A_130, %dma_start3A_135] : memref<12x64xi32, #tpu.memory_space<vmem>> -> memref<1x64xi32, #tpu.memory_space<vmem>>
    %dma_start3A_137 = tpu.memref_squeeze %dma_start3A_136 : memref<1x64xi32, #tpu.memory_space<vmem>> -> memref<64xi32, #tpu.memory_space<vmem>>
    %dma_start3A_138 = arith.constant 0 : i32
    %dma_start3A_139 = tpu.memref_slice %arg3[%add3A_132, %dma_start3A_138] : memref<5120x64xi32, #tpu.memory_space<hbm>> -> memref<1x64xi32, #tpu.memory_space<hbm>>
    %dma_start3A_140 = tpu.memref_squeeze %dma_start3A_139 : memref<1x64xi32, #tpu.memory_space<hbm>> -> memref<64xi32, #tpu.memory_space<hbm>>
    %dma_start3A_141 = arith.constant 0 : i32
    %dma_start3A_142 = tpu.memref_slice %arg6[%rem3A_130, %dma_start3A_141] : memref<12x64xi32, #tpu.memory_space<vmem>> -> memref<1x64xi32, #tpu.memory_space<vmem>>
    %dma_start3A_143 = tpu.memref_squeeze %dma_start3A_142 : memref<1x64xi32, #tpu.memory_space<vmem>> -> memref<64xi32, #tpu.memory_space<vmem>>
    %dma_start3A_144 = arith.constant 0 : i32
    %dma_start3A_145 = tpu.memref_slice %arg3[%add3A_132, %dma_start3A_144] : memref<5120x64xi32, #tpu.memory_space<hbm>> -> memref<1x64xi32, #tpu.memory_space<hbm>>
    %dma_start3A_146 = tpu.memref_squeeze %dma_start3A_145 : memref<1x64xi32, #tpu.memory_space<hbm>> -> memref<64xi32, #tpu.memory_space<hbm>>
    tpu.enqueue_dma source(%dma_start3A_146 : memref<64xi32, #tpu.memory_space<hbm>>) target(%dma_start3A_143 : memref<64xi32, #tpu.memory_space<vmem>>) target_semaphore(%arg16 : memref<!tpu.dma_semaphore, #tpu.memory_space<semaphore_mem>>)
    %dma_start3A_147 = arith.constant 0 : i32
    %dma_start3A_148 = tpu.memref_slice %arg7[%rem3A_130, %dma_start3A_147] : memref<12x64xi32, #tpu.memory_space<vmem>> -> memref<1x64xi32, #tpu.memory_space<vmem>>
    %dma_start3A_149 = tpu.memref_squeeze %dma_start3A_148 : memref<1x64xi32, #tpu.memory_space<vmem>> -> memref<64xi32, #tpu.memory_space<vmem>>
    %dma_start3A_150 = arith.constant 0 : i32
    %dma_start3A_151 = tpu.memref_slice %arg4[%add3A_134, %dma_start3A_150] : memref<5120x64xi32, #tpu.memory_space<hbm>> -> memref<1x64xi32, #tpu.memory_space<hbm>>
    %dma_start3A_152 = tpu.memref_squeeze %dma_start3A_151 : memref<1x64xi32, #tpu.memory_space<hbm>> -> memref<64xi32, #tpu.memory_space<hbm>>
    %dma_start3A_153 = arith.constant 0 : i32
    %dma_start3A_154 = tpu.memref_slice %arg7[%rem3A_130, %dma_start3A_153] : memref<12x64xi32, #tpu.memory_space<vmem>> -> memref<1x64xi32, #tpu.memory_space<vmem>>
    %dma_start3A_155 = tpu.memref_squeeze %dma_start3A_154 : memref<1x64xi32, #tpu.memory_space<vmem>> -> memref<64xi32, #tpu.memory_space<vmem>>
    %dma_start3A_156 = arith.constant 0 : i32
    %dma_start3A_157 = tpu.memref_slice %arg4[%add3A_134, %dma_start3A_156] : memref<5120x64xi32, #tpu.memory_space<hbm>> -> memref<1x64xi32, #tpu.memory_space<hbm>>
    %dma_start3A_158 = tpu.memref_squeeze %dma_start3A_157 : memref<1x64xi32, #tpu.memory_space<hbm>> -> memref<64xi32, #tpu.memory_space<hbm>>
    tpu.enqueue_dma source(%dma_start3A_158 : memref<64xi32, #tpu.memory_space<hbm>>) target(%dma_start3A_155 : memref<64xi32, #tpu.memory_space<vmem>>) target_semaphore(%arg16 : memref<!tpu.dma_semaphore, #tpu.memory_space<semaphore_mem>>)
    %rem3A_159 = arith.constant 5 : i32
    %rem3A_160 = arith.constant 12 : i32
    %rem3A_161 = arith.remsi %rem3A_159, %rem3A_160 : i32
    %add3A_162 = arith.constant 5 : i32
    %add3A_163 = arith.addi %add3A, %add3A_162 : i32
    %add3A_164 = arith.constant 5 : i32
    %add3A_165 = arith.addi %add3A, %add3A_164 : i32
    %dma_start3A_166 = arith.constant 0 : i32
    %dma_start3A_167 = tpu.memref_slice %arg6[%rem3A_161, %dma_start3A_166] : memref<12x64xi32, #tpu.memory_space<vmem>> -> memref<1x64xi32, #tpu.memory_space<vmem>>
    %dma_start3A_168 = tpu.memref_squeeze %dma_start3A_167 : memref<1x64xi32, #tpu.memory_space<vmem>> -> memref<64xi32, #tpu.memory_space<vmem>>
    %dma_start3A_169 = arith.constant 0 : i32
    %dma_start3A_170 = tpu.memref_slice %arg3[%add3A_163, %dma_start3A_169] : memref<5120x64xi32, #tpu.memory_space<hbm>> -> memref<1x64xi32, #tpu.memory_space<hbm>>
    %dma_start3A_171 = tpu.memref_squeeze %dma_start3A_170 : memref<1x64xi32, #tpu.memory_space<hbm>> -> memref<64xi32, #tpu.memory_space<hbm>>
    %dma_start3A_172 = arith.constant 0 : i32
    %dma_start3A_173 = tpu.memref_slice %arg6[%rem3A_161, %dma_start3A_172] : memref<12x64xi32, #tpu.memory_space<vmem>> -> memref<1x64xi32, #tpu.memory_space<vmem>>
    %dma_start3A_174 = tpu.memref_squeeze %dma_start3A_173 : memref<1x64xi32, #tpu.memory_space<vmem>> -> memref<64xi32, #tpu.memory_space<vmem>>
    %dma_start3A_175 = arith.constant 0 : i32
    %dma_start3A_176 = tpu.memref_slice %arg3[%add3A_163, %dma_start3A_175] : memref<5120x64xi32, #tpu.memory_space<hbm>> -> memref<1x64xi32, #tpu.memory_space<hbm>>
    %dma_start3A_177 = tpu.memref_squeeze %dma_start3A_176 : memref<1x64xi32, #tpu.memory_space<hbm>> -> memref<64xi32, #tpu.memory_space<hbm>>
    tpu.enqueue_dma source(%dma_start3A_177 : memref<64xi32, #tpu.memory_space<hbm>>) target(%dma_start3A_174 : memref<64xi32, #tpu.memory_space<vmem>>) target_semaphore(%arg16 : memref<!tpu.dma_semaphore, #tpu.memory_space<semaphore_mem>>)
    %dma_start3A_178 = arith.constant 0 : i32
    %dma_start3A_179 = tpu.memref_slice %arg7[%rem3A_161, %dma_start3A_178] : memref<12x64xi32, #tpu.memory_space<vmem>> -> memref<1x64xi32, #tpu.memory_space<vmem>>
    %dma_start3A_180 = tpu.memref_squeeze %dma_start3A_179 : memref<1x64xi32, #tpu.memory_space<vmem>> -> memref<64xi32, #tpu.memory_space<vmem>>
    %dma_start3A_181 = arith.constant 0 : i32
    %dma_start3A_182 = tpu.memref_slice %arg4[%add3A_165, %dma_start3A_181] : memref<5120x64xi32, #tpu.memory_space<hbm>> -> memref<1x64xi32, #tpu.memory_space<hbm>>
    %dma_start3A_183 = tpu.memref_squeeze %dma_start3A_182 : memref<1x64xi32, #tpu.memory_space<hbm>> -> memref<64xi32, #tpu.memory_space<hbm>>
    %dma_start3A_184 = arith.constant 0 : i32
    %dma_start3A_185 = tpu.memref_slice %arg7[%rem3A_161, %dma_start3A_184] : memref<12x64xi32, #tpu.memory_space<vmem>> -> memref<1x64xi32, #tpu.memory_space<vmem>>
    %dma_start3A_186 = tpu.memref_squeeze %dma_start3A_185 : memref<1x64xi32, #tpu.memory_space<vmem>> -> memref<64xi32, #tpu.memory_space<vmem>>
    %dma_start3A_187 = arith.constant 0 : i32
    %dma_start3A_188 = tpu.memref_slice %arg4[%add3A_165, %dma_start3A_187] : memref<5120x64xi32, #tpu.memory_space<hbm>> -> memref<1x64xi32, #tpu.memory_space<hbm>>
    %dma_start3A_189 = tpu.memref_squeeze %dma_start3A_188 : memref<1x64xi32, #tpu.memory_space<hbm>> -> memref<64xi32, #tpu.memory_space<hbm>>
    tpu.enqueue_dma source(%dma_start3A_189 : memref<64xi32, #tpu.memory_space<hbm>>) target(%dma_start3A_186 : memref<64xi32, #tpu.memory_space<vmem>>) target_semaphore(%arg16 : memref<!tpu.dma_semaphore, #tpu.memory_space<semaphore_mem>>)
    %rem3A_190 = arith.constant 6 : i32
    %rem3A_191 = arith.constant 12 : i32
    %rem3A_192 = arith.remsi %rem3A_190, %rem3A_191 : i32
    %add3A_193 = arith.constant 6 : i32
    %add3A_194 = arith.addi %add3A, %add3A_193 : i32
    %add3A_195 = arith.constant 6 : i32
    %add3A_196 = arith.addi %add3A, %add3A_195 : i32
    %dma_start3A_197 = arith.constant 0 : i32
    %dma_start3A_198 = tpu.memref_slice %arg6[%rem3A_192, %dma_start3A_197] : memref<12x64xi32, #tpu.memory_space<vmem>> -> memref<1x64xi32, #tpu.memory_space<vmem>>
    %dma_start3A_199 = tpu.memref_squeeze %dma_start3A_198 : memref<1x64xi32, #tpu.memory_space<vmem>> -> memref<64xi32, #tpu.memory_space<vmem>>
    %dma_start3A_200 = arith.constant 0 : i32
    %dma_start3A_201 = tpu.memref_slice %arg3[%add3A_194, %dma_start3A_200] : memref<5120x64xi32, #tpu.memory_space<hbm>> -> memref<1x64xi32, #tpu.memory_space<hbm>>
    %dma_start3A_202 = tpu.memref_squeeze %dma_start3A_201 : memref<1x64xi32, #tpu.memory_space<hbm>> -> memref<64xi32, #tpu.memory_space<hbm>>
    %dma_start3A_203 = arith.constant 0 : i32
    %dma_start3A_204 = tpu.memref_slice %arg6[%rem3A_192, %dma_start3A_203] : memref<12x64xi32, #tpu.memory_space<vmem>> -> memref<1x64xi32, #tpu.memory_space<vmem>>
    %dma_start3A_205 = tpu.memref_squeeze %dma_start3A_204 : memref<1x64xi32, #tpu.memory_space<vmem>> -> memref<64xi32, #tpu.memory_space<vmem>>
    %dma_start3A_206 = arith.constant 0 : i32
    %dma_start3A_207 = tpu.memref_slice %arg3[%add3A_194, %dma_start3A_206] : memref<5120x64xi32, #tpu.memory_space<hbm>> -> memref<1x64xi32, #tpu.memory_space<hbm>>
    %dma_start3A_208 = tpu.memref_squeeze %dma_start3A_207 : memref<1x64xi32, #tpu.memory_space<hbm>> -> memref<64xi32, #tpu.memory_space<hbm>>
    tpu.enqueue_dma source(%dma_start3A_208 : memref<64xi32, #tpu.memory_space<hbm>>) target(%dma_start3A_205 : memref<64xi32, #tpu.memory_space<vmem>>) target_semaphore(%arg16 : memref<!tpu.dma_semaphore, #tpu.memory_space<semaphore_mem>>)
    %dma_start3A_209 = arith.constant 0 : i32
    %dma_start3A_210 = tpu.memref_slice %arg7[%rem3A_192, %dma_start3A_209] : memref<12x64xi32, #tpu.memory_space<vmem>> -> memref<1x64xi32, #tpu.memory_space<vmem>>
    %dma_start3A_211 = tpu.memref_squeeze %dma_start3A_210 : memref<1x64xi32, #tpu.memory_space<vmem>> -> memref<64xi32, #tpu.memory_space<vmem>>
    %dma_start3A_212 = arith.constant 0 : i32
    %dma_start3A_213 = tpu.memref_slice %arg4[%add3A_196, %dma_start3A_212] : memref<5120x64xi32, #tpu.memory_space<hbm>> -> memref<1x64xi32, #tpu.memory_space<hbm>>
    %dma_start3A_214 = tpu.memref_squeeze %dma_start3A_213 : memref<1x64xi32, #tpu.memory_space<hbm>> -> memref<64xi32, #tpu.memory_space<hbm>>
    %dma_start3A_215 = arith.constant 0 : i32
    %dma_start3A_216 = tpu.memref_slice %arg7[%rem3A_192, %dma_start3A_215] : memref<12x64xi32, #tpu.memory_space<vmem>> -> memref<1x64xi32, #tpu.memory_space<vmem>>
    %dma_start3A_217 = tpu.memref_squeeze %dma_start3A_216 : memref<1x64xi32, #tpu.memory_space<vmem>> -> memref<64xi32, #tpu.memory_space<vmem>>
    %dma_start3A_218 = arith.constant 0 : i32
    %dma_start3A_219 = tpu.memref_slice %arg4[%add3A_196, %dma_start3A_218] : memref<5120x64xi32, #tpu.memory_space<hbm>> -> memref<1x64xi32, #tpu.memory_space<hbm>>
    %dma_start3A_220 = tpu.memref_squeeze %dma_start3A_219 : memref<1x64xi32, #tpu.memory_space<hbm>> -> memref<64xi32, #tpu.memory_space<hbm>>
    tpu.enqueue_dma source(%dma_start3A_220 : memref<64xi32, #tpu.memory_space<hbm>>) target(%dma_start3A_217 : memref<64xi32, #tpu.memory_space<vmem>>) target_semaphore(%arg16 : memref<!tpu.dma_semaphore, #tpu.memory_space<semaphore_mem>>)
    %rem3A_221 = arith.constant 7 : i32
    %rem3A_222 = arith.constant 12 : i32
    %rem3A_223 = arith.remsi %rem3A_221, %rem3A_222 : i32
    %add3A_224 = arith.constant 7 : i32
    %add3A_225 = arith.addi %add3A, %add3A_224 : i32
    %add3A_226 = arith.constant 7 : i32
    %add3A_227 = arith.addi %add3A, %add3A_226 : i32
    %dma_start3A_228 = arith.constant 0 : i32
    %dma_start3A_229 = tpu.memref_slice %arg6[%rem3A_223, %dma_start3A_228] : memref<12x64xi32, #tpu.memory_space<vmem>> -> memref<1x64xi32, #tpu.memory_space<vmem>>
    %dma_start3A_230 = tpu.memref_squeeze %dma_start3A_229 : memref<1x64xi32, #tpu.memory_space<vmem>> -> memref<64xi32, #tpu.memory_space<vmem>>
    %dma_start3A_231 = arith.constant 0 : i32
    %dma_start3A_232 = tpu.memref_slice %arg3[%add3A_225, %dma_start3A_231] : memref<5120x64xi32, #tpu.memory_space<hbm>> -> memref<1x64xi32, #tpu.memory_space<hbm>>
    %dma_start3A_233 = tpu.memref_squeeze %dma_start3A_232 : memref<1x64xi32, #tpu.memory_space<hbm>> -> memref<64xi32, #tpu.memory_space<hbm>>
    %dma_start3A_234 = arith.constant 0 : i32
    %dma_start3A_235 = tpu.memref_slice %arg6[%rem3A_223, %dma_start3A_234] : memref<12x64xi32, #tpu.memory_space<vmem>> -> memref<1x64xi32, #tpu.memory_space<vmem>>
    %dma_start3A_236 = tpu.memref_squeeze %dma_start3A_235 : memref<1x64xi32, #tpu.memory_space<vmem>> -> memref<64xi32, #tpu.memory_space<vmem>>
    %dma_start3A_237 = arith.constant 0 : i32
    %dma_start3A_238 = tpu.memref_slice %arg3[%add3A_225, %dma_start3A_237] : memref<5120x64xi32, #tpu.memory_space<hbm>> -> memref<1x64xi32, #tpu.memory_space<hbm>>
    %dma_start3A_239 = tpu.memref_squeeze %dma_start3A_238 : memref<1x64xi32, #tpu.memory_space<hbm>> -> memref<64xi32, #tpu.memory_space<hbm>>
    tpu.enqueue_dma source(%dma_start3A_239 : memref<64xi32, #tpu.memory_space<hbm>>) target(%dma_start3A_236 : memref<64xi32, #tpu.memory_space<vmem>>) target_semaphore(%arg16 : memref<!tpu.dma_semaphore, #tpu.memory_space<semaphore_mem>>)
    %dma_start3A_240 = arith.constant 0 : i32
    %dma_start3A_241 = tpu.memref_slice %arg7[%rem3A_223, %dma_start3A_240] : memref<12x64xi32, #tpu.memory_space<vmem>> -> memref<1x64xi32, #tpu.memory_space<vmem>>
    %dma_start3A_242 = tpu.memref_squeeze %dma_start3A_241 : memref<1x64xi32, #tpu.memory_space<vmem>> -> memref<64xi32, #tpu.memory_space<vmem>>
    %dma_start3A_243 = arith.constant 0 : i32
    %dma_start3A_244 = tpu.memref_slice %arg4[%add3A_227, %dma_start3A_243] : memref<5120x64xi32, #tpu.memory_space<hbm>> -> memref<1x64xi32, #tpu.memory_space<hbm>>
    %dma_start3A_245 = tpu.memref_squeeze %dma_start3A_244 : memref<1x64xi32, #tpu.memory_space<hbm>> -> memref<64xi32, #tpu.memory_space<hbm>>
    %dma_start3A_246 = arith.constant 0 : i32
    %dma_start3A_247 = tpu.memref_slice %arg7[%rem3A_223, %dma_start3A_246] : memref<12x64xi32, #tpu.memory_space<vmem>> -> memref<1x64xi32, #tpu.memory_space<vmem>>
    %dma_start3A_248 = tpu.memref_squeeze %dma_start3A_247 : memref<1x64xi32, #tpu.memory_space<vmem>> -> memref<64xi32, #tpu.memory_space<vmem>>
    %dma_start3A_249 = arith.constant 0 : i32
    %dma_start3A_250 = tpu.memref_slice %arg4[%add3A_227, %dma_start3A_249] : memref<5120x64xi32, #tpu.memory_space<hbm>> -> memref<1x64xi32, #tpu.memory_space<hbm>>
    %dma_start3A_251 = tpu.memref_squeeze %dma_start3A_250 : memref<1x64xi32, #tpu.memory_space<hbm>> -> memref<64xi32, #tpu.memory_space<hbm>>
    tpu.enqueue_dma source(%dma_start3A_251 : memref<64xi32, #tpu.memory_space<hbm>>) target(%dma_start3A_248 : memref<64xi32, #tpu.memory_space<vmem>>) target_semaphore(%arg16 : memref<!tpu.dma_semaphore, #tpu.memory_space<semaphore_mem>>)
    %scan3A = arith.constant 0 : i32
    %scan3A_252 = arith.constant 0 : i32
    %scan3A_253 = arith.constant 8 : i32
    %scan3A_254 = arith.addi %scan3A_252, %scan3A_253 : i32
    %scan3A_255 = arith.constant 1 : i32
    scf.for %scan3A_479 = %scan3A_252 to %scan3A_254 step %scan3A_255  : i32 {
      %broadcast_in_dim3A = arith.constant 0.000000e+00 : f32
      %broadcast_in_dim3A_480 = vector.broadcast %broadcast_in_dim3A : f32 to vector<16xf32>
      %swap3A = arith.index_cast %scan3A_479 : i32 to index
      %swap3A_481 = arith.constant 0 : index
      %swap3A_482 = tpu.vector_load %arg9[%swap3A, %swap3A_481] {strides = array<i32>} : memref<8x128xf32, #tpu.memory_space<vmem>>, vector<1x16xf32>,
      %swap3A_483 = vector.shape_cast %swap3A_482 : vector<1x16xf32> to vector<16xf32>
      %swap3A_484 = vector.shape_cast %broadcast_in_dim3A_480 : vector<16xf32> to vector<1x16xf32>
      tpu.vector_store %arg9[%swap3A, %swap3A_481], %swap3A_484 {strides = array<i32>} : memref<8x128xf32, #tpu.memory_space<vmem>>, vector<1x16xf32>,
      %broadcast_in_dim3A_485 = arith.constant 0.000000e+00 : f32
      %broadcast_in_dim3A_486 = vector.broadcast %broadcast_in_dim3A_485 : f32 to vector<16xf32>
      %swap3A_487 = arith.index_cast %scan3A_479 : i32 to index
      %swap3A_488 = arith.constant 16 : index
      %swap3A_489 = tpu.vector_load %arg9[%swap3A_487, %swap3A_488] {strides = array<i32>} : memref<8x128xf32, #tpu.memory_space<vmem>>, vector<1x16xf32>,
      %swap3A_490 = vector.shape_cast %swap3A_489 : vector<1x16xf32> to vector<16xf32>
      %swap3A_491 = vector.shape_cast %broadcast_in_dim3A_486 : vector<16xf32> to vector<1x16xf32>
      tpu.vector_store %arg9[%swap3A_487, %swap3A_488], %swap3A_491 {strides = array<i32>} : memref<8x128xf32, #tpu.memory_space<vmem>>, vector<1x16xf32>,
      %broadcast_in_dim3A_492 = arith.constant 0.000000e+00 : f32
      %broadcast_in_dim3A_493 = vector.broadcast %broadcast_in_dim3A_492 : f32 to vector<16xf32>
      %swap3A_494 = arith.index_cast %scan3A_479 : i32 to index
      %swap3A_495 = arith.constant 32 : index
      %swap3A_496 = tpu.vector_load %arg9[%swap3A_494, %swap3A_495] {strides = array<i32>} : memref<8x128xf32, #tpu.memory_space<vmem>>, vector<1x16xf32>,
      %swap3A_497 = vector.shape_cast %swap3A_496 : vector<1x16xf32> to vector<16xf32>
      %swap3A_498 = vector.shape_cast %broadcast_in_dim3A_493 : vector<16xf32> to vector<1x16xf32>
      tpu.vector_store %arg9[%swap3A_494, %swap3A_495], %swap3A_498 {strides = array<i32>} : memref<8x128xf32, #tpu.memory_space<vmem>>, vector<1x16xf32>,
      %broadcast_in_dim3A_499 = arith.constant 0.000000e+00 : f32
      %broadcast_in_dim3A_500 = vector.broadcast %broadcast_in_dim3A_499 : f32 to vector<16xf32>
      %swap3A_501 = arith.index_cast %scan3A_479 : i32 to index
      %swap3A_502 = arith.constant 48 : index
      %swap3A_503 = tpu.vector_load %arg9[%swap3A_501, %swap3A_502] {strides = array<i32>} : memref<8x128xf32, #tpu.memory_space<vmem>>, vector<1x16xf32>,
      %swap3A_504 = vector.shape_cast %swap3A_503 : vector<1x16xf32> to vector<16xf32>
      %swap3A_505 = vector.shape_cast %broadcast_in_dim3A_500 : vector<16xf32> to vector<1x16xf32>
      tpu.vector_store %arg9[%swap3A_501, %swap3A_502], %swap3A_505 {strides = array<i32>} : memref<8x128xf32, #tpu.memory_space<vmem>>, vector<1x16xf32>,
      %broadcast_in_dim3A_506 = arith.constant 0.000000e+00 : f32
      %broadcast_in_dim3A_507 = vector.broadcast %broadcast_in_dim3A_506 : f32 to vector<16xf32>
      %swap3A_508 = arith.index_cast %scan3A_479 : i32 to index
      %swap3A_509 = arith.constant 64 : index
      %swap3A_510 = tpu.vector_load %arg9[%swap3A_508, %swap3A_509] {strides = array<i32>} : memref<8x128xf32, #tpu.memory_space<vmem>>, vector<1x16xf32>,
      %swap3A_511 = vector.shape_cast %swap3A_510 : vector<1x16xf32> to vector<16xf32>
      %swap3A_512 = vector.shape_cast %broadcast_in_dim3A_507 : vector<16xf32> to vector<1x16xf32>
      tpu.vector_store %arg9[%swap3A_508, %swap3A_509], %swap3A_512 {strides = array<i32>} : memref<8x128xf32, #tpu.memory_space<vmem>>, vector<1x16xf32>,
      %broadcast_in_dim3A_513 = arith.constant 0.000000e+00 : f32
      %broadcast_in_dim3A_514 = vector.broadcast %broadcast_in_dim3A_513 : f32 to vector<16xf32>
      %swap3A_515 = arith.index_cast %scan3A_479 : i32 to index
      %swap3A_516 = arith.constant 80 : index
      %swap3A_517 = tpu.vector_load %arg9[%swap3A_515, %swap3A_516] {strides = array<i32>} : memref<8x128xf32, #tpu.memory_space<vmem>>, vector<1x16xf32>,
      %swap3A_518 = vector.shape_cast %swap3A_517 : vector<1x16xf32> to vector<16xf32>
      %swap3A_519 = vector.shape_cast %broadcast_in_dim3A_514 : vector<16xf32> to vector<1x16xf32>
      tpu.vector_store %arg9[%swap3A_515, %swap3A_516], %swap3A_519 {strides = array<i32>} : memref<8x128xf32, #tpu.memory_space<vmem>>, vector<1x16xf32>,
      %broadcast_in_dim3A_520 = arith.constant 0.000000e+00 : f32
      %broadcast_in_dim3A_521 = vector.broadcast %broadcast_in_dim3A_520 : f32 to vector<16xf32>
      %swap3A_522 = arith.index_cast %scan3A_479 : i32 to index
      %swap3A_523 = arith.constant 96 : index
      %swap3A_524 = tpu.vector_load %arg9[%swap3A_522, %swap3A_523] {strides = array<i32>} : memref<8x128xf32, #tpu.memory_space<vmem>>, vector<1x16xf32>,
      %swap3A_525 = vector.shape_cast %swap3A_524 : vector<1x16xf32> to vector<16xf32>
      %swap3A_526 = vector.shape_cast %broadcast_in_dim3A_521 : vector<16xf32> to vector<1x16xf32>
      tpu.vector_store %arg9[%swap3A_522, %swap3A_523], %swap3A_526 {strides = array<i32>} : memref<8x128xf32, #tpu.memory_space<vmem>>, vector<1x16xf32>,
      %broadcast_in_dim3A_527 = arith.constant 0.000000e+00 : f32
      %broadcast_in_dim3A_528 = vector.broadcast %broadcast_in_dim3A_527 : f32 to vector<16xf32>
      %swap3A_529 = arith.index_cast %scan3A_479 : i32 to index
      %swap3A_530 = arith.constant 112 : index
      %swap3A_531 = tpu.vector_load %arg9[%swap3A_529, %swap3A_530] {strides = array<i32>} : memref<8x128xf32, #tpu.memory_space<vmem>>, vector<1x16xf32>,
      %swap3A_532 = vector.shape_cast %swap3A_531 : vector<1x16xf32> to vector<16xf32>
      %swap3A_533 = vector.shape_cast %broadcast_in_dim3A_528 : vector<16xf32> to vector<1x16xf32>
      tpu.vector_store %arg9[%swap3A_529, %swap3A_530], %swap3A_533 {strides = array<i32>} : memref<8x128xf32, #tpu.memory_space<vmem>>, vector<1x16xf32>,
    }
    %scan3A_256 = arith.constant 8 : i32
    %scan3A_257 = arith.constant 0 : i32
    %scan3A_258 = arith.constant 0 : i32
    %scan3A_259 = arith.constant 80 : i32
    %scan3A_260 = arith.addi %scan3A_258, %scan3A_259 : i32
    %scan3A_261 = arith.constant 1 : i32
    scf.for %scan3A_479 = %scan3A_258 to %scan3A_260 step %scan3A_261  : i32 {
      %mul3A_480 = arith.constant 640 : i32
      %mul3A_481 = arith.muli %arg1, %mul3A_480 : i32
      %mul3A_482 = arith.constant 8 : i32
      %mul3A_483 = arith.muli %scan3A_479, %mul3A_482 : i32
      %add3A_484 = arith.addi %mul3A_481, %mul3A_483 : i32
      "tpu.region"() ({
        %run_scoped3A = tpu.sem_alloc : memref<!tpu.dma_semaphore, #tpu.memory_space<semaphore_mem>>
        %dma_start3A_485 = arith.constant 0 : i32
        %dma_start3A_486 = tpu.memref_slice %arg11[%add3A_484, %dma_start3A_485] : memref<10240x128xf32, #tpu.memory_space<vmem_shared>> -> memref<8x128xf32, #tpu.memory_space<vmem_shared>>
        %dma_start3A_487 = arith.constant 0 : i32
        %dma_start3A_488 = tpu.memref_slice %arg11[%add3A_484, %dma_start3A_487] : memref<10240x128xf32, #tpu.memory_space<vmem_shared>> -> memref<8x128xf32, #tpu.memory_space<vmem_shared>>
        tpu.enqueue_dma source(%arg9 : memref<8x128xf32, #tpu.memory_space<vmem>>) target(%dma_start3A_488 : memref<8x128xf32, #tpu.memory_space<vmem_shared>>) target_semaphore(%run_scoped3A : memref<!tpu.dma_semaphore, #tpu.memory_space<semaphore_mem>>)
        %dma_wait3A_489 = arith.constant 0 : i32
        %dma_wait3A_490 = tpu.memref_slice %arg11[%add3A_484, %dma_wait3A_489] : memref<10240x128xf32, #tpu.memory_space<vmem_shared>> -> memref<8x128xf32, #tpu.memory_space<vmem_shared>>
        %dma_wait3A_491 = arith.constant 0 : i32
        %dma_wait3A_492 = tpu.memref_slice %arg11[%add3A_484, %dma_wait3A_491] : memref<10240x128xf32, #tpu.memory_space<vmem_shared>> -> memref<8x128xf32, #tpu.memory_space<vmem_shared>>
        tpu.wait_dma2 semaphore(%run_scoped3A : memref<!tpu.dma_semaphore, #tpu.memory_space<semaphore_mem>>) src(%arg9 : memref<8x128xf32, #tpu.memory_space<vmem>>) dst(%dma_wait3A_492 : memref<8x128xf32, #tpu.memory_space<vmem_shared>>)
        tpu.yield
      }) : () -> ()
    }
    %scan3A_262 = arith.constant 80 : i32
    %barrier3A = arith.constant 0 : index
    tpu.barrier barrier_id(%barrier3A)
    %rem3A_263 = arith.constant 0 : i32
    %rem3A_264 = arith.constant 12 : i32
    %rem3A_265 = arith.remsi %rem3A_263, %rem3A_264 : i32
    %add3A_266 = arith.constant 0 : i32
    %add3A_267 = arith.addi %add3A, %add3A_266 : i32
    %add3A_268 = arith.constant 0 : i32
    %add3A_269 = arith.addi %add3A, %add3A_268 : i32
    %dma_wait3A = arith.constant 0 : i32
    %dma_wait3A_270 = tpu.memref_slice %arg6[%rem3A_265, %dma_wait3A] : memref<12x64xi32, #tpu.memory_space<vmem>> -> memref<1x64xi32, #tpu.memory_space<vmem>>
    %dma_wait3A_271 = tpu.memref_squeeze %dma_wait3A_270 : memref<1x64xi32, #tpu.memory_space<vmem>> -> memref<64xi32, #tpu.memory_space<vmem>>
    %dma_wait3A_272 = arith.constant 0 : i32
    %dma_wait3A_273 = tpu.memref_slice %arg3[%add3A_267, %dma_wait3A_272] : memref<5120x64xi32, #tpu.memory_space<hbm>> -> memref<1x64xi32, #tpu.memory_space<hbm>>
    %dma_wait3A_274 = tpu.memref_squeeze %dma_wait3A_273 : memref<1x64xi32, #tpu.memory_space<hbm>> -> memref<64xi32, #tpu.memory_space<hbm>>
    %dma_wait3A_275 = arith.constant 0 : i32
    %dma_wait3A_276 = tpu.memref_slice %arg6[%rem3A_265, %dma_wait3A_275] : memref<12x64xi32, #tpu.memory_space<vmem>> -> memref<1x64xi32, #tpu.memory_space<vmem>>
    %dma_wait3A_277 = tpu.memref_squeeze %dma_wait3A_276 : memref<1x64xi32, #tpu.memory_space<vmem>> -> memref<64xi32, #tpu.memory_space<vmem>>
    %dma_wait3A_278 = arith.constant 0 : i32
    %dma_wait3A_279 = tpu.memref_slice %arg3[%add3A_267, %dma_wait3A_278] : memref<5120x64xi32, #tpu.memory_space<hbm>> -> memref<1x64xi32, #tpu.memory_space<hbm>>
    %dma_wait3A_280 = tpu.memref_squeeze %dma_wait3A_279 : memref<1x64xi32, #tpu.memory_space<hbm>> -> memref<64xi32, #tpu.memory_space<hbm>>
    tpu.wait_dma2 semaphore(%arg16 : memref<!tpu.dma_semaphore, #tpu.memory_space<semaphore_mem>>) src(%dma_wait3A_280 : memref<64xi32, #tpu.memory_space<hbm>>) dst(%dma_wait3A_277 : memref<64xi32, #tpu.memory_space<vmem>>)
    %dma_wait3A_281 = arith.constant 0 : i32
    %dma_wait3A_282 = tpu.memref_slice %arg7[%rem3A_265, %dma_wait3A_281] : memref<12x64xi32, #tpu.memory_space<vmem>> -> memref<1x64xi32, #tpu.memory_space<vmem>>
    %dma_wait3A_283 = tpu.memref_squeeze %dma_wait3A_282 : memref<1x64xi32, #tpu.memory_space<vmem>> -> memref<64xi32, #tpu.memory_space<vmem>>
    %dma_wait3A_284 = arith.constant 0 : i32
    %dma_wait3A_285 = tpu.memref_slice %arg4[%add3A_269, %dma_wait3A_284] : memref<5120x64xi32, #tpu.memory_space<hbm>> -> memref<1x64xi32, #tpu.memory_space<hbm>>
    %dma_wait3A_286 = tpu.memref_squeeze %dma_wait3A_285 : memref<1x64xi32, #tpu.memory_space<hbm>> -> memref<64xi32, #tpu.memory_space<hbm>>
    %dma_wait3A_287 = arith.constant 0 : i32
    %dma_wait3A_288 = tpu.memref_slice %arg7[%rem3A_265, %dma_wait3A_287] : memref<12x64xi32, #tpu.memory_space<vmem>> -> memref<1x64xi32, #tpu.memory_space<vmem>>
    %dma_wait3A_289 = tpu.memref_squeeze %dma_wait3A_288 : memref<1x64xi32, #tpu.memory_space<vmem>> -> memref<64xi32, #tpu.memory_space<vmem>>
    %dma_wait3A_290 = arith.constant 0 : i32
    %dma_wait3A_291 = tpu.memref_slice %arg4[%add3A_269, %dma_wait3A_290] : memref<5120x64xi32, #tpu.memory_space<hbm>> -> memref<1x64xi32, #tpu.memory_space<hbm>>
    %dma_wait3A_292 = tpu.memref_squeeze %dma_wait3A_291 : memref<1x64xi32, #tpu.memory_space<hbm>> -> memref<64xi32, #tpu.memory_space<hbm>>
    tpu.wait_dma2 semaphore(%arg16 : memref<!tpu.dma_semaphore, #tpu.memory_space<semaphore_mem>>) src(%dma_wait3A_292 : memref<64xi32, #tpu.memory_space<hbm>>) dst(%dma_wait3A_289 : memref<64xi32, #tpu.memory_space<vmem>>)
    %rem3A_293 = arith.constant 0 : i32
    %rem3A_294 = arith.constant 12 : i32
    %rem3A_295 = arith.remsi %rem3A_293, %rem3A_294 : i32
    %rem3A_296 = arith.constant 0 : i32
    %rem3A_297 = arith.constant 5 : i32
    %rem3A_298 = arith.remsi %rem3A_296, %rem3A_297 : i32
    %dma_start3A_299 = arith.constant 0 : i32
    %dma_start3A_300 = arith.constant 0 : i32
    %dma_start3A_301 = tpu.memref_slice %arg8[%rem3A_298, %dma_start3A_299, %dma_start3A_300] : memref<5x64x128xf32, #tpu.memory_space<vmem>> -> memref<1x64x128xf32, #tpu.memory_space<vmem>>
    %dma_start3A_302 = tpu.memref_squeeze %dma_start3A_301 : memref<1x64x128xf32, #tpu.memory_space<vmem>> -> memref<64x128xf32, #tpu.memory_space<vmem>>
    %dma_start3A_303 = arith.constant 0 : i32
    %dma_start3A_304 = tpu.memref_slice %arg6[%rem3A_295, %dma_start3A_303] : memref<12x64xi32, #tpu.memory_space<vmem>> -> memref<1x64xi32, #tpu.memory_space<vmem>>
    %dma_start3A_305 = tpu.memref_squeeze %dma_start3A_304 : memref<1x64xi32, #tpu.memory_space<vmem>> -> memref<64xi32, #tpu.memory_space<vmem>>
    %dma_start3A_306 = arith.constant 0 : i32
    %dma_start3A_307 = arith.constant 0 : i32
    %dma_start3A_308 = tpu.memref_slice %arg2[%dma_start3A_306, %dma_start3A_307] : memref<10000x128xf32, #tpu.memory_space<hbm>> -> memref<10000x128xf32, #tpu.memory_space<hbm>>
    tpu.enqueue_indirect_dma source(%dma_start3A_308 : memref<10000x128xf32, #tpu.memory_space<hbm>>) target(%dma_start3A_302 : memref<64x128xf32, #tpu.memory_space<vmem>>) offsets(%dma_start3A_305 : memref<64xi32, #tpu.memory_space<vmem>>) semaphore(%arg13 : memref<!tpu.dma_semaphore, #tpu.memory_space<semaphore_mem>>)
    %rem3A_309 = arith.constant 1 : i32
    %rem3A_310 = arith.constant 12 : i32
    %rem3A_311 = arith.remsi %rem3A_309, %rem3A_310 : i32
    %add3A_312 = arith.constant 1 : i32
    %add3A_313 = arith.addi %add3A, %add3A_312 : i32
    %add3A_314 = arith.constant 1 : i32
    %add3A_315 = arith.addi %add3A, %add3A_314 : i32
    %dma_wait3A_316 = arith.constant 0 : i32
    %dma_wait3A_317 = tpu.memref_slice %arg6[%rem3A_311, %dma_wait3A_316] : memref<12x64xi32, #tpu.memory_space<vmem>> -> memref<1x64xi32, #tpu.memory_space<vmem>>
    %dma_wait3A_318 = tpu.memref_squeeze %dma_wait3A_317 : memref<1x64xi32, #tpu.memory_space<vmem>> -> memref<64xi32, #tpu.memory_space<vmem>>
    %dma_wait3A_319 = arith.constant 0 : i32
    %dma_wait3A_320 = tpu.memref_slice %arg3[%add3A_313, %dma_wait3A_319] : memref<5120x64xi32, #tpu.memory_space<hbm>> -> memref<1x64xi32, #tpu.memory_space<hbm>>
    %dma_wait3A_321 = tpu.memref_squeeze %dma_wait3A_320 : memref<1x64xi32, #tpu.memory_space<hbm>> -> memref<64xi32, #tpu.memory_space<hbm>>
    %dma_wait3A_322 = arith.constant 0 : i32
    %dma_wait3A_323 = tpu.memref_slice %arg6[%rem3A_311, %dma_wait3A_322] : memref<12x64xi32, #tpu.memory_space<vmem>> -> memref<1x64xi32, #tpu.memory_space<vmem>>
    %dma_wait3A_324 = tpu.memref_squeeze %dma_wait3A_323 : memref<1x64xi32, #tpu.memory_space<vmem>> -> memref<64xi32, #tpu.memory_space<vmem>>
    %dma_wait3A_325 = arith.constant 0 : i32
    %dma_wait3A_326 = tpu.memref_slice %arg3[%add3A_313, %dma_wait3A_325] : memref<5120x64xi32, #tpu.memory_space<hbm>> -> memref<1x64xi32, #tpu.memory_space<hbm>>
    %dma_wait3A_327 = tpu.memref_squeeze %dma_wait3A_326 : memref<1x64xi32, #tpu.memory_space<hbm>> -> memref<64xi32, #tpu.memory_space<hbm>>
    tpu.wait_dma2 semaphore(%arg16 : memref<!tpu.dma_semaphore, #tpu.memory_space<semaphore_mem>>) src(%dma_wait3A_327 : memref<64xi32, #tpu.memory_space<hbm>>) dst(%dma_wait3A_324 : memref<64xi32, #tpu.memory_space<vmem>>)
    %dma_wait3A_328 = arith.constant 0 : i32
    %dma_wait3A_329 = tpu.memref_slice %arg7[%rem3A_311, %dma_wait3A_328] : memref<12x64xi32, #tpu.memory_space<vmem>> -> memref<1x64xi32, #tpu.memory_space<vmem>>
    %dma_wait3A_330 = tpu.memref_squeeze %dma_wait3A_329 : memref<1x64xi32, #tpu.memory_space<vmem>> -> memref<64xi32, #tpu.memory_space<vmem>>
    %dma_wait3A_331 = arith.constant 0 : i32
    %dma_wait3A_332 = tpu.memref_slice %arg4[%add3A_315, %dma_wait3A_331] : memref<5120x64xi32, #tpu.memory_space<hbm>> -> memref<1x64xi32, #tpu.memory_space<hbm>>
    %dma_wait3A_333 = tpu.memref_squeeze %dma_wait3A_332 : memref<1x64xi32, #tpu.memory_space<hbm>> -> memref<64xi32, #tpu.memory_space<hbm>>
    %dma_wait3A_334 = arith.constant 0 : i32
    %dma_wait3A_335 = tpu.memref_slice %arg7[%rem3A_311, %dma_wait3A_334] : memref<12x64xi32, #tpu.memory_space<vmem>> -> memref<1x64xi32, #tpu.memory_space<vmem>>
    %dma_wait3A_336 = tpu.memref_squeeze %dma_wait3A_335 : memref<1x64xi32, #tpu.memory_space<vmem>> -> memref<64xi32, #tpu.memory_space<vmem>>
    %dma_wait3A_337 = arith.constant 0 : i32
    %dma_wait3A_338 = tpu.memref_slice %arg4[%add3A_315, %dma_wait3A_337] : memref<5120x64xi32, #tpu.memory_space<hbm>> -> memref<1x64xi32, #tpu.memory_space<hbm>>
    %dma_wait3A_339 = tpu.memref_squeeze %dma_wait3A_338 : memref<1x64xi32, #tpu.memory_space<hbm>> -> memref<64xi32, #tpu.memory_space<hbm>>
    tpu.wait_dma2 semaphore(%arg16 : memref<!tpu.dma_semaphore, #tpu.memory_space<semaphore_mem>>) src(%dma_wait3A_339 : memref<64xi32, #tpu.memory_space<hbm>>) dst(%dma_wait3A_336 : memref<64xi32, #tpu.memory_space<vmem>>)
    %rem3A_340 = arith.constant 1 : i32
    %rem3A_341 = arith.constant 12 : i32
    %rem3A_342 = arith.remsi %rem3A_340, %rem3A_341 : i32
    %rem3A_343 = arith.constant 1 : i32
    %rem3A_344 = arith.constant 5 : i32
    %rem3A_345 = arith.remsi %rem3A_343, %rem3A_344 : i32
    %dma_start3A_346 = arith.constant 0 : i32
    %dma_start3A_347 = arith.constant 0 : i32
    %dma_start3A_348 = tpu.memref_slice %arg8[%rem3A_345, %dma_start3A_346, %dma_start3A_347] : memref<5x64x128xf32, #tpu.memory_space<vmem>> -> memref<1x64x128xf32, #tpu.memory_space<vmem>>
    %dma_start3A_349 = tpu.memref_squeeze %dma_start3A_348 : memref<1x64x128xf32, #tpu.memory_space<vmem>> -> memref<64x128xf32, #tpu.memory_space<vmem>>
    %dma_start3A_350 = arith.constant 0 : i32
    %dma_start3A_351 = tpu.memref_slice %arg6[%rem3A_342, %dma_start3A_350] : memref<12x64xi32, #tpu.memory_space<vmem>> -> memref<1x64xi32, #tpu.memory_space<vmem>>
    %dma_start3A_352 = tpu.memref_squeeze %dma_start3A_351 : memref<1x64xi32, #tpu.memory_space<vmem>> -> memref<64xi32, #tpu.memory_space<vmem>>
    %dma_start3A_353 = arith.constant 0 : i32
    %dma_start3A_354 = arith.constant 0 : i32
    %dma_start3A_355 = tpu.memref_slice %arg2[%dma_start3A_353, %dma_start3A_354] : memref<10000x128xf32, #tpu.memory_space<hbm>> -> memref<10000x128xf32, #tpu.memory_space<hbm>>
    tpu.enqueue_indirect_dma source(%dma_start3A_355 : memref<10000x128xf32, #tpu.memory_space<hbm>>) target(%dma_start3A_349 : memref<64x128xf32, #tpu.memory_space<vmem>>) offsets(%dma_start3A_352 : memref<64xi32, #tpu.memory_space<vmem>>) semaphore(%arg13 : memref<!tpu.dma_semaphore, #tpu.memory_space<semaphore_mem>>)
    %rem3A_356 = arith.constant 2 : i32
    %rem3A_357 = arith.constant 12 : i32
    %rem3A_358 = arith.remsi %rem3A_356, %rem3A_357 : i32
    %add3A_359 = arith.constant 2 : i32
    %add3A_360 = arith.addi %add3A, %add3A_359 : i32
    %add3A_361 = arith.constant 2 : i32
    %add3A_362 = arith.addi %add3A, %add3A_361 : i32
    %dma_wait3A_363 = arith.constant 0 : i32
    %dma_wait3A_364 = tpu.memref_slice %arg6[%rem3A_358, %dma_wait3A_363] : memref<12x64xi32, #tpu.memory_space<vmem>> -> memref<1x64xi32, #tpu.memory_space<vmem>>
    %dma_wait3A_365 = tpu.memref_squeeze %dma_wait3A_364 : memref<1x64xi32, #tpu.memory_space<vmem>> -> memref<64xi32, #tpu.memory_space<vmem>>
    %dma_wait3A_366 = arith.constant 0 : i32
    %dma_wait3A_367 = tpu.memref_slice %arg3[%add3A_360, %dma_wait3A_366] : memref<5120x64xi32, #tpu.memory_space<hbm>> -> memref<1x64xi32, #tpu.memory_space<hbm>>
    %dma_wait3A_368 = tpu.memref_squeeze %dma_wait3A_367 : memref<1x64xi32, #tpu.memory_space<hbm>> -> memref<64xi32, #tpu.memory_space<hbm>>
    %dma_wait3A_369 = arith.constant 0 : i32
    %dma_wait3A_370 = tpu.memref_slice %arg6[%rem3A_358, %dma_wait3A_369] : memref<12x64xi32, #tpu.memory_space<vmem>> -> memref<1x64xi32, #tpu.memory_space<vmem>>
    %dma_wait3A_371 = tpu.memref_squeeze %dma_wait3A_370 : memref<1x64xi32, #tpu.memory_space<vmem>> -> memref<64xi32, #tpu.memory_space<vmem>>
    %dma_wait3A_372 = arith.constant 0 : i32
    %dma_wait3A_373 = tpu.memref_slice %arg3[%add3A_360, %dma_wait3A_372] : memref<5120x64xi32, #tpu.memory_space<hbm>> -> memref<1x64xi32, #tpu.memory_space<hbm>>
    %dma_wait3A_374 = tpu.memref_squeeze %dma_wait3A_373 : memref<1x64xi32, #tpu.memory_space<hbm>> -> memref<64xi32, #tpu.memory_space<hbm>>
    tpu.wait_dma2 semaphore(%arg16 : memref<!tpu.dma_semaphore, #tpu.memory_space<semaphore_mem>>) src(%dma_wait3A_374 : memref<64xi32, #tpu.memory_space<hbm>>) dst(%dma_wait3A_371 : memref<64xi32, #tpu.memory_space<vmem>>)
    %dma_wait3A_375 = arith.constant 0 : i32
    %dma_wait3A_376 = tpu.memref_slice %arg7[%rem3A_358, %dma_wait3A_375] : memref<12x64xi32, #tpu.memory_space<vmem>> -> memref<1x64xi32, #tpu.memory_space<vmem>>
    %dma_wait3A_377 = tpu.memref_squeeze %dma_wait3A_376 : memref<1x64xi32, #tpu.memory_space<vmem>> -> memref<64xi32, #tpu.memory_space<vmem>>
    %dma_wait3A_378 = arith.constant 0 : i32
    %dma_wait3A_379 = tpu.memref_slice %arg4[%add3A_362, %dma_wait3A_378] : memref<5120x64xi32, #tpu.memory_space<hbm>> -> memref<1x64xi32, #tpu.memory_space<hbm>>
    %dma_wait3A_380 = tpu.memref_squeeze %dma_wait3A_379 : memref<1x64xi32, #tpu.memory_space<hbm>> -> memref<64xi32, #tpu.memory_space<hbm>>
    %dma_wait3A_381 = arith.constant 0 : i32
    %dma_wait3A_382 = tpu.memref_slice %arg7[%rem3A_358, %dma_wait3A_381] : memref<12x64xi32, #tpu.memory_space<vmem>> -> memref<1x64xi32, #tpu.memory_space<vmem>>
    %dma_wait3A_383 = tpu.memref_squeeze %dma_wait3A_382 : memref<1x64xi32, #tpu.memory_space<vmem>> -> memref<64xi32, #tpu.memory_space<vmem>>
    %dma_wait3A_384 = arith.constant 0 : i32
    %dma_wait3A_385 = tpu.memref_slice %arg4[%add3A_362, %dma_wait3A_384] : memref<5120x64xi32, #tpu.memory_space<hbm>> -> memref<1x64xi32, #tpu.memory_space<hbm>>
    %dma_wait3A_386 = tpu.memref_squeeze %dma_wait3A_385 : memref<1x64xi32, #tpu.memory_space<hbm>> -> memref<64xi32, #tpu.memory_space<hbm>>
    tpu.wait_dma2 semaphore(%arg16 : memref<!tpu.dma_semaphore, #tpu.memory_space<semaphore_mem>>) src(%dma_wait3A_386 : memref<64xi32, #tpu.memory_space<hbm>>) dst(%dma_wait3A_383 : memref<64xi32, #tpu.memory_space<vmem>>)
    %rem3A_387 = arith.constant 2 : i32
    %rem3A_388 = arith.constant 12 : i32
    %rem3A_389 = arith.remsi %rem3A_387, %rem3A_388 : i32
    %rem3A_390 = arith.constant 2 : i32
    %rem3A_391 = arith.constant 5 : i32
    %rem3A_392 = arith.remsi %rem3A_390, %rem3A_391 : i32
    %dma_start3A_393 = arith.constant 0 : i32
    %dma_start3A_394 = arith.constant 0 : i32
    %dma_start3A_395 = tpu.memref_slice %arg8[%rem3A_392, %dma_start3A_393, %dma_start3A_394] : memref<5x64x128xf32, #tpu.memory_space<vmem>> -> memref<1x64x128xf32, #tpu.memory_space<vmem>>
    %dma_start3A_396 = tpu.memref_squeeze %dma_start3A_395 : memref<1x64x128xf32, #tpu.memory_space<vmem>> -> memref<64x128xf32, #tpu.memory_space<vmem>>
    %dma_start3A_397 = arith.constant 0 : i32
    %dma_start3A_398 = tpu.memref_slice %arg6[%rem3A_389, %dma_start3A_397] : memref<12x64xi32, #tpu.memory_space<vmem>> -> memref<1x64xi32, #tpu.memory_space<vmem>>
    %dma_start3A_399 = tpu.memref_squeeze %dma_start3A_398 : memref<1x64xi32, #tpu.memory_space<vmem>> -> memref<64xi32, #tpu.memory_space<vmem>>
    %dma_start3A_400 = arith.constant 0 : i32
    %dma_start3A_401 = arith.constant 0 : i32
    %dma_start3A_402 = tpu.memref_slice %arg2[%dma_start3A_400, %dma_start3A_401] : memref<10000x128xf32, #tpu.memory_space<hbm>> -> memref<10000x128xf32, #tpu.memory_space<hbm>>
    tpu.enqueue_indirect_dma source(%dma_start3A_402 : memref<10000x128xf32, #tpu.memory_space<hbm>>) target(%dma_start3A_396 : memref<64x128xf32, #tpu.memory_space<vmem>>) offsets(%dma_start3A_399 : memref<64xi32, #tpu.memory_space<vmem>>) semaphore(%arg13 : memref<!tpu.dma_semaphore, #tpu.memory_space<semaphore_mem>>)
    %rem3A_403 = arith.constant 3 : i32
    %rem3A_404 = arith.constant 12 : i32
    %rem3A_405 = arith.remsi %rem3A_403, %rem3A_404 : i32
    %add3A_406 = arith.constant 3 : i32
    %add3A_407 = arith.addi %add3A, %add3A_406 : i32
    %add3A_408 = arith.constant 3 : i32
    %add3A_409 = arith.addi %add3A, %add3A_408 : i32
    %dma_wait3A_410 = arith.constant 0 : i32
    %dma_wait3A_411 = tpu.memref_slice %arg6[%rem3A_405, %dma_wait3A_410] : memref<12x64xi32, #tpu.memory_space<vmem>> -> memref<1x64xi32, #tpu.memory_space<vmem>>
    %dma_wait3A_412 = tpu.memref_squeeze %dma_wait3A_411 : memref<1x64xi32, #tpu.memory_space<vmem>> -> memref<64xi32, #tpu.memory_space<vmem>>
    %dma_wait3A_413 = arith.constant 0 : i32
    %dma_wait3A_414 = tpu.memref_slice %arg3[%add3A_407, %dma_wait3A_413] : memref<5120x64xi32, #tpu.memory_space<hbm>> -> memref<1x64xi32, #tpu.memory_space<hbm>>
    %dma_wait3A_415 = tpu.memref_squeeze %dma_wait3A_414 : memref<1x64xi32, #tpu.memory_space<hbm>> -> memref<64xi32, #tpu.memory_space<hbm>>
    %dma_wait3A_416 = arith.constant 0 : i32
    %dma_wait3A_417 = tpu.memref_slice %arg6[%rem3A_405, %dma_wait3A_416] : memref<12x64xi32, #tpu.memory_space<vmem>> -> memref<1x64xi32, #tpu.memory_space<vmem>>
    %dma_wait3A_418 = tpu.memref_squeeze %dma_wait3A_417 : memref<1x64xi32, #tpu.memory_space<vmem>> -> memref<64xi32, #tpu.memory_space<vmem>>
    %dma_wait3A_419 = arith.constant 0 : i32
    %dma_wait3A_420 = tpu.memref_slice %arg3[%add3A_407, %dma_wait3A_419] : memref<5120x64xi32, #tpu.memory_space<hbm>> -> memref<1x64xi32, #tpu.memory_space<hbm>>
    %dma_wait3A_421 = tpu.memref_squeeze %dma_wait3A_420 : memref<1x64xi32, #tpu.memory_space<hbm>> -> memref<64xi32, #tpu.memory_space<hbm>>
    tpu.wait_dma2 semaphore(%arg16 : memref<!tpu.dma_semaphore, #tpu.memory_space<semaphore_mem>>) src(%dma_wait3A_421 : memref<64xi32, #tpu.memory_space<hbm>>) dst(%dma_wait3A_418 : memref<64xi32, #tpu.memory_space<vmem>>)
    %dma_wait3A_422 = arith.constant 0 : i32
    %dma_wait3A_423 = tpu.memref_slice %arg7[%rem3A_405, %dma_wait3A_422] : memref<12x64xi32, #tpu.memory_space<vmem>> -> memref<1x64xi32, #tpu.memory_space<vmem>>
    %dma_wait3A_424 = tpu.memref_squeeze %dma_wait3A_423 : memref<1x64xi32, #tpu.memory_space<vmem>> -> memref<64xi32, #tpu.memory_space<vmem>>
    %dma_wait3A_425 = arith.constant 0 : i32
    %dma_wait3A_426 = tpu.memref_slice %arg4[%add3A_409, %dma_wait3A_425] : memref<5120x64xi32, #tpu.memory_space<hbm>> -> memref<1x64xi32, #tpu.memory_space<hbm>>
    %dma_wait3A_427 = tpu.memref_squeeze %dma_wait3A_426 : memref<1x64xi32, #tpu.memory_space<hbm>> -> memref<64xi32, #tpu.memory_space<hbm>>
    %dma_wait3A_428 = arith.constant 0 : i32
    %dma_wait3A_429 = tpu.memref_slice %arg7[%rem3A_405, %dma_wait3A_428] : memref<12x64xi32, #tpu.memory_space<vmem>> -> memref<1x64xi32, #tpu.memory_space<vmem>>
    %dma_wait3A_430 = tpu.memref_squeeze %dma_wait3A_429 : memref<1x64xi32, #tpu.memory_space<vmem>> -> memref<64xi32, #tpu.memory_space<vmem>>
    %dma_wait3A_431 = arith.constant 0 : i32
    %dma_wait3A_432 = tpu.memref_slice %arg4[%add3A_409, %dma_wait3A_431] : memref<5120x64xi32, #tpu.memory_space<hbm>> -> memref<1x64xi32, #tpu.memory_space<hbm>>
    %dma_wait3A_433 = tpu.memref_squeeze %dma_wait3A_432 : memref<1x64xi32, #tpu.memory_space<hbm>> -> memref<64xi32, #tpu.memory_space<hbm>>
    tpu.wait_dma2 semaphore(%arg16 : memref<!tpu.dma_semaphore, #tpu.memory_space<semaphore_mem>>) src(%dma_wait3A_433 : memref<64xi32, #tpu.memory_space<hbm>>) dst(%dma_wait3A_430 : memref<64xi32, #tpu.memory_space<vmem>>)
    %rem3A_434 = arith.constant 3 : i32
    %rem3A_435 = arith.constant 12 : i32
    %rem3A_436 = arith.remsi %rem3A_434, %rem3A_435 : i32
    %rem3A_437 = arith.constant 3 : i32
    %rem3A_438 = arith.constant 5 : i32
    %rem3A_439 = arith.remsi %rem3A_437, %rem3A_438 : i32
    %dma_start3A_440 = arith.constant 0 : i32
    %dma_start3A_441 = arith.constant 0 : i32
    %dma_start3A_442 = tpu.memref_slice %arg8[%rem3A_439, %dma_start3A_440, %dma_start3A_441] : memref<5x64x128xf32, #tpu.memory_space<vmem>> -> memref<1x64x128xf32, #tpu.memory_space<vmem>>
    %dma_start3A_443 = tpu.memref_squeeze %dma_start3A_442 : memref<1x64x128xf32, #tpu.memory_space<vmem>> -> memref<64x128xf32, #tpu.memory_space<vmem>>
    %dma_start3A_444 = arith.constant 0 : i32
    %dma_start3A_445 = tpu.memref_slice %arg6[%rem3A_436, %dma_start3A_444] : memref<12x64xi32, #tpu.memory_space<vmem>> -> memref<1x64xi32, #tpu.memory_space<vmem>>
    %dma_start3A_446 = tpu.memref_squeeze %dma_start3A_445 : memref<1x64xi32, #tpu.memory_space<vmem>> -> memref<64xi32, #tpu.memory_space<vmem>>
    %dma_start3A_447 = arith.constant 0 : i32
    %dma_start3A_448 = arith.constant 0 : i32
    %dma_start3A_449 = tpu.memref_slice %arg2[%dma_start3A_447, %dma_start3A_448] : memref<10000x128xf32, #tpu.memory_space<hbm>> -> memref<10000x128xf32, #tpu.memory_space<hbm>>
    tpu.enqueue_indirect_dma source(%dma_start3A_449 : memref<10000x128xf32, #tpu.memory_space<hbm>>) target(%dma_start3A_443 : memref<64x128xf32, #tpu.memory_space<vmem>>) offsets(%dma_start3A_446 : memref<64xi32, #tpu.memory_space<vmem>>) semaphore(%arg13 : memref<!tpu.dma_semaphore, #tpu.memory_space<semaphore_mem>>)
    %while3A = arith.constant 0 : i32
    %while3A_450 = arith.constant 0 : i32
    %while3A_451 = arith.subi %select_n3A_5, %while3A_450 : i32
    %while3A_452 = arith.addi %while3A_450, %while3A_451 : i32
    %while3A_453 = arith.constant 1 : i32
    %while3A_454 = arith.divsi %while3A_451, %while3A_453 : i32
    %while3A_455 = arith.muli %while3A_454, %while3A_453 : i32
    %while3A_456 = arith.addi %while3A_450, %while3A_455 : i32
    %while3A_457 = arith.constant 1 : i32
    scf.for %while3A_479 = %while3A_450 to %while3A_456 step %while3A_457  : i32 {
      %add3A_480 = arith.constant 8 : i32
      %add3A_481 = arith.addi %while3A_479, %add3A_480 : i32
      %lt3A = arith.cmpi slt, %add3A_481, %select_n3A_5 : i32
      %convert_element_type3A = arith.extui %lt3A : i1 to i32
      %cond3A = arith.constant 0 : i32
      %cond3A_482 = arith.cmpi ne, %convert_element_type3A, %cond3A : i32
      scf.if %cond3A_482 {
        %add3A_521 = arith.constant 8 : i32
        %add3A_522 = arith.addi %while3A_479, %add3A_521 : i32
        %rem3A_523 = arith.constant 12 : i32
        %rem3A_524 = arith.remsi %add3A_522, %rem3A_523 : i32
        %add3A_525 = arith.addi %add3A, %add3A_522 : i32
        %add3A_526 = arith.addi %add3A, %add3A_522 : i32
        %dma_start3A_527 = arith.constant 0 : i32
        %dma_start3A_528 = tpu.memref_slice %arg6[%rem3A_524, %dma_start3A_527] : memref<12x64xi32, #tpu.memory_space<vmem>> -> memref<1x64xi32, #tpu.memory_space<vmem>>
        %dma_start3A_529 = tpu.memref_squeeze %dma_start3A_528 : memref<1x64xi32, #tpu.memory_space<vmem>> -> memref<64xi32, #tpu.memory_space<vmem>>
        %dma_start3A_530 = arith.constant 0 : i32
        %dma_start3A_531 = tpu.memref_slice %arg3[%add3A_525, %dma_start3A_530] : memref<5120x64xi32, #tpu.memory_space<hbm>> -> memref<1x64xi32, #tpu.memory_space<hbm>>
        %dma_start3A_532 = tpu.memref_squeeze %dma_start3A_531 : memref<1x64xi32, #tpu.memory_space<hbm>> -> memref<64xi32, #tpu.memory_space<hbm>>
        %dma_start3A_533 = arith.constant 0 : i32
        %dma_start3A_534 = tpu.memref_slice %arg6[%rem3A_524, %dma_start3A_533] : memref<12x64xi32, #tpu.memory_space<vmem>> -> memref<1x64xi32, #tpu.memory_space<vmem>>
        %dma_start3A_535 = tpu.memref_squeeze %dma_start3A_534 : memref<1x64xi32, #tpu.memory_space<vmem>> -> memref<64xi32, #tpu.memory_space<vmem>>
        %dma_start3A_536 = arith.constant 0 : i32
        %dma_start3A_537 = tpu.memref_slice %arg3[%add3A_525, %dma_start3A_536] : memref<5120x64xi32, #tpu.memory_space<hbm>> -> memref<1x64xi32, #tpu.memory_space<hbm>>
        %dma_start3A_538 = tpu.memref_squeeze %dma_start3A_537 : memref<1x64xi32, #tpu.memory_space<hbm>> -> memref<64xi32, #tpu.memory_space<hbm>>
        tpu.enqueue_dma source(%dma_start3A_538 : memref<64xi32, #tpu.memory_space<hbm>>) target(%dma_start3A_535 : memref<64xi32, #tpu.memory_space<vmem>>) target_semaphore(%arg16 : memref<!tpu.dma_semaphore, #tpu.memory_space<semaphore_mem>>)
        %dma_start3A_539 = arith.constant 0 : i32
        %dma_start3A_540 = tpu.memref_slice %arg7[%rem3A_524, %dma_start3A_539] : memref<12x64xi32, #tpu.memory_space<vmem>> -> memref<1x64xi32, #tpu.memory_space<vmem>>
        %dma_start3A_541 = tpu.memref_squeeze %dma_start3A_540 : memref<1x64xi32, #tpu.memory_space<vmem>> -> memref<64xi32, #tpu.memory_space<vmem>>
        %dma_start3A_542 = arith.constant 0 : i32
        %dma_start3A_543 = tpu.memref_slice %arg4[%add3A_526, %dma_start3A_542] : memref<5120x64xi32, #tpu.memory_space<hbm>> -> memref<1x64xi32, #tpu.memory_space<hbm>>
        %dma_start3A_544 = tpu.memref_squeeze %dma_start3A_543 : memref<1x64xi32, #tpu.memory_space<hbm>> -> memref<64xi32, #tpu.memory_space<hbm>>
        %dma_start3A_545 = arith.constant 0 : i32
        %dma_start3A_546 = tpu.memref_slice %arg7[%rem3A_524, %dma_start3A_545] : memref<12x64xi32, #tpu.memory_space<vmem>> -> memref<1x64xi32, #tpu.memory_space<vmem>>
        %dma_start3A_547 = tpu.memref_squeeze %dma_start3A_546 : memref<1x64xi32, #tpu.memory_space<vmem>> -> memref<64xi32, #tpu.memory_space<vmem>>
        %dma_start3A_548 = arith.constant 0 : i32
        %dma_start3A_549 = tpu.memref_slice %arg4[%add3A_526, %dma_start3A_548] : memref<5120x64xi32, #tpu.memory_space<hbm>> -> memref<1x64xi32, #tpu.memory_space<hbm>>
        %dma_start3A_550 = tpu.memref_squeeze %dma_start3A_549 : memref<1x64xi32, #tpu.memory_space<hbm>> -> memref<64xi32, #tpu.memory_space<hbm>>
        tpu.enqueue_dma source(%dma_start3A_550 : memref<64xi32, #tpu.memory_space<hbm>>) target(%dma_start3A_547 : memref<64xi32, #tpu.memory_space<vmem>>) target_semaphore(%arg16 : memref<!tpu.dma_semaphore, #tpu.memory_space<semaphore_mem>>)
      } else {
      }
      %ge3A = arith.constant 1 : i32
      %ge3A_483 = arith.cmpi sge, %while3A_479, %ge3A : i32
      %convert_element_type3A_484 = arith.extui %ge3A_483 : i1 to i32
      %cond3A_485 = arith.constant 0 : i32
      %cond3A_486 = arith.cmpi ne, %convert_element_type3A_484, %cond3A_485 : i32
      scf.if %cond3A_486 {
        %sub3A_521 = arith.constant 1 : i32
        %sub3A_522 = arith.subi %while3A_479, %sub3A_521 : i32
        %rem3A_523 = arith.constant 5 : i32
        %rem3A_524 = arith.remsi %sub3A_522, %rem3A_523 : i32
        %rem3A_525 = arith.constant 12 : i32
        %rem3A_526 = arith.remsi %sub3A_522, %rem3A_525 : i32
        %dma_wait3A_527 = arith.constant 0 : i32
        %dma_wait3A_528 = arith.constant 0 : i32
        %dma_wait3A_529 = tpu.memref_slice %arg8[%rem3A_524, %dma_wait3A_527, %dma_wait3A_528] : memref<5x64x128xf32, #tpu.memory_space<vmem>> -> memref<1x64x128xf32, #tpu.memory_space<vmem>>
        %dma_wait3A_530 = tpu.memref_squeeze %dma_wait3A_529 : memref<1x64x128xf32, #tpu.memory_space<vmem>> -> memref<64x128xf32, #tpu.memory_space<vmem>>
        %dma_wait3A_531 = arith.constant 0 : i32
        %dma_wait3A_532 = tpu.memref_slice %arg7[%rem3A_526, %dma_wait3A_531] : memref<12x64xi32, #tpu.memory_space<vmem>> -> memref<1x64xi32, #tpu.memory_space<vmem>>
        %dma_wait3A_533 = tpu.memref_squeeze %dma_wait3A_532 : memref<1x64xi32, #tpu.memory_space<vmem>> -> memref<64xi32, #tpu.memory_space<vmem>>
        %dma_wait3A_534 = arith.constant 0 : i32
        %dma_wait3A_535 = arith.constant 0 : i32
        %dma_wait3A_536 = tpu.memref_slice %arg11[%dma_wait3A_534, %dma_wait3A_535] : memref<10240x128xf32, #tpu.memory_space<vmem_shared>> -> memref<10240x128xf32, #tpu.memory_space<vmem_shared>>
        tpu.wait_indirect_dma semaphore(%arg14 : memref<!tpu.dma_semaphore, #tpu.memory_space<semaphore_mem>>) src(%dma_wait3A_530 : memref<64x128xf32, #tpu.memory_space<vmem>>) dst(%dma_wait3A_536 : memref<10240x128xf32, #tpu.memory_space<vmem_shared>>)
      } else {
      }
      %add3A_487 = arith.constant 4 : i32
      %add3A_488 = arith.addi %while3A_479, %add3A_487 : i32
      %lt3A_489 = arith.cmpi slt, %add3A_488, %select_n3A_5 : i32
      %convert_element_type3A_490 = arith.extui %lt3A_489 : i1 to i32
      %cond3A_491 = arith.constant 0 : i32
      %cond3A_492 = arith.cmpi ne, %convert_element_type3A_490, %cond3A_491 : i32
      scf.if %cond3A_492 {
        %add3A_521 = arith.constant 4 : i32
        %add3A_522 = arith.addi %while3A_479, %add3A_521 : i32
        %rem3A_523 = arith.constant 12 : i32
        %rem3A_524 = arith.remsi %add3A_522, %rem3A_523 : i32
        %add3A_525 = arith.addi %add3A, %add3A_522 : i32
        %add3A_526 = arith.addi %add3A, %add3A_522 : i32
        %dma_wait3A_527 = arith.constant 0 : i32
        %dma_wait3A_528 = tpu.memref_slice %arg6[%rem3A_524, %dma_wait3A_527] : memref<12x64xi32, #tpu.memory_space<vmem>> -> memref<1x64xi32, #tpu.memory_space<vmem>>
        %dma_wait3A_529 = tpu.memref_squeeze %dma_wait3A_528 : memref<1x64xi32, #tpu.memory_space<vmem>> -> memref<64xi32, #tpu.memory_space<vmem>>
        %dma_wait3A_530 = arith.constant 0 : i32
        %dma_wait3A_531 = tpu.memref_slice %arg3[%add3A_525, %dma_wait3A_530] : memref<5120x64xi32, #tpu.memory_space<hbm>> -> memref<1x64xi32, #tpu.memory_space<hbm>>
        %dma_wait3A_532 = tpu.memref_squeeze %dma_wait3A_531 : memref<1x64xi32, #tpu.memory_space<hbm>> -> memref<64xi32, #tpu.memory_space<hbm>>
        %dma_wait3A_533 = arith.constant 0 : i32
        %dma_wait3A_534 = tpu.memref_slice %arg6[%rem3A_524, %dma_wait3A_533] : memref<12x64xi32, #tpu.memory_space<vmem>> -> memref<1x64xi32, #tpu.memory_space<vmem>>
        %dma_wait3A_535 = tpu.memref_squeeze %dma_wait3A_534 : memref<1x64xi32, #tpu.memory_space<vmem>> -> memref<64xi32, #tpu.memory_space<vmem>>
        %dma_wait3A_536 = arith.constant 0 : i32
        %dma_wait3A_537 = tpu.memref_slice %arg3[%add3A_525, %dma_wait3A_536] : memref<5120x64xi32, #tpu.memory_space<hbm>> -> memref<1x64xi32, #tpu.memory_space<hbm>>
        %dma_wait3A_538 = tpu.memref_squeeze %dma_wait3A_537 : memref<1x64xi32, #tpu.memory_space<hbm>> -> memref<64xi32, #tpu.memory_space<hbm>>
        tpu.wait_dma2 semaphore(%arg16 : memref<!tpu.dma_semaphore, #tpu.memory_space<semaphore_mem>>) src(%dma_wait3A_538 : memref<64xi32, #tpu.memory_space<hbm>>) dst(%dma_wait3A_535 : memref<64xi32, #tpu.memory_space<vmem>>)
        %dma_wait3A_539 = arith.constant 0 : i32
        %dma_wait3A_540 = tpu.memref_slice %arg7[%rem3A_524, %dma_wait3A_539] : memref<12x64xi32, #tpu.memory_space<vmem>> -> memref<1x64xi32, #tpu.memory_space<vmem>>
        %dma_wait3A_541 = tpu.memref_squeeze %dma_wait3A_540 : memref<1x64xi32, #tpu.memory_space<vmem>> -> memref<64xi32, #tpu.memory_space<vmem>>
        %dma_wait3A_542 = arith.constant 0 : i32
        %dma_wait3A_543 = tpu.memref_slice %arg4[%add3A_526, %dma_wait3A_542] : memref<5120x64xi32, #tpu.memory_space<hbm>> -> memref<1x64xi32, #tpu.memory_space<hbm>>
        %dma_wait3A_544 = tpu.memref_squeeze %dma_wait3A_543 : memref<1x64xi32, #tpu.memory_space<hbm>> -> memref<64xi32, #tpu.memory_space<hbm>>
        %dma_wait3A_545 = arith.constant 0 : i32
        %dma_wait3A_546 = tpu.memref_slice %arg7[%rem3A_524, %dma_wait3A_545] : memref<12x64xi32, #tpu.memory_space<vmem>> -> memref<1x64xi32, #tpu.memory_space<vmem>>
        %dma_wait3A_547 = tpu.memref_squeeze %dma_wait3A_546 : memref<1x64xi32, #tpu.memory_space<vmem>> -> memref<64xi32, #tpu.memory_space<vmem>>
        %dma_wait3A_548 = arith.constant 0 : i32
        %dma_wait3A_549 = tpu.memref_slice %arg4[%add3A_526, %dma_wait3A_548] : memref<5120x64xi32, #tpu.memory_space<hbm>> -> memref<1x64xi32, #tpu.memory_space<hbm>>
        %dma_wait3A_550 = tpu.memref_squeeze %dma_wait3A_549 : memref<1x64xi32, #tpu.memory_space<hbm>> -> memref<64xi32, #tpu.memory_space<hbm>>
        tpu.wait_dma2 semaphore(%arg16 : memref<!tpu.dma_semaphore, #tpu.memory_space<semaphore_mem>>) src(%dma_wait3A_550 : memref<64xi32, #tpu.memory_space<hbm>>) dst(%dma_wait3A_547 : memref<64xi32, #tpu.memory_space<vmem>>)
        %add3A_551 = arith.constant 4 : i32
        %add3A_552 = arith.addi %while3A_479, %add3A_551 : i32
        %rem3A_553 = arith.constant 12 : i32
        %rem3A_554 = arith.remsi %add3A_552, %rem3A_553 : i32
        %rem3A_555 = arith.constant 5 : i32
        %rem3A_556 = arith.remsi %add3A_552, %rem3A_555 : i32
        %dma_start3A_557 = arith.constant 0 : i32
        %dma_start3A_558 = arith.constant 0 : i32
        %dma_start3A_559 = tpu.memref_slice %arg8[%rem3A_556, %dma_start3A_557, %dma_start3A_558] : memref<5x64x128xf32, #tpu.memory_space<vmem>> -> memref<1x64x128xf32, #tpu.memory_space<vmem>>
        %dma_start3A_560 = tpu.memref_squeeze %dma_start3A_559 : memref<1x64x128xf32, #tpu.memory_space<vmem>> -> memref<64x128xf32, #tpu.memory_space<vmem>>
        %dma_start3A_561 = arith.constant 0 : i32
        %dma_start3A_562 = tpu.memref_slice %arg6[%rem3A_554, %dma_start3A_561] : memref<12x64xi32, #tpu.memory_space<vmem>> -> memref<1x64xi32, #tpu.memory_space<vmem>>
        %dma_start3A_563 = tpu.memref_squeeze %dma_start3A_562 : memref<1x64xi32, #tpu.memory_space<vmem>> -> memref<64xi32, #tpu.memory_space<vmem>>
        %dma_start3A_564 = arith.constant 0 : i32
        %dma_start3A_565 = arith.constant 0 : i32
        %dma_start3A_566 = tpu.memref_slice %arg2[%dma_start3A_564, %dma_start3A_565] : memref<10000x128xf32, #tpu.memory_space<hbm>> -> memref<10000x128xf32, #tpu.memory_space<hbm>>
        tpu.enqueue_indirect_dma source(%dma_start3A_566 : memref<10000x128xf32, #tpu.memory_space<hbm>>) target(%dma_start3A_560 : memref<64x128xf32, #tpu.memory_space<vmem>>) offsets(%dma_start3A_563 : memref<64xi32, #tpu.memory_space<vmem>>) semaphore(%arg13 : memref<!tpu.dma_semaphore, #tpu.memory_space<semaphore_mem>>)
      } else {
      }
      %rem3A_493 = arith.constant 12 : i32
      %rem3A_494 = arith.remsi %while3A_479, %rem3A_493 : i32
      %rem3A_495 = arith.constant 5 : i32
      %rem3A_496 = arith.remsi %while3A_479, %rem3A_495 : i32
      %dma_wait3A_497 = arith.constant 0 : i32
      %dma_wait3A_498 = arith.constant 0 : i32
      %dma_wait3A_499 = tpu.memref_slice %arg8[%rem3A_496, %dma_wait3A_497, %dma_wait3A_498] : memref<5x64x128xf32, #tpu.memory_space<vmem>> -> memref<1x64x128xf32, #tpu.memory_space<vmem>>
      %dma_wait3A_500 = tpu.memref_squeeze %dma_wait3A_499 : memref<1x64x128xf32, #tpu.memory_space<vmem>> -> memref<64x128xf32, #tpu.memory_space<vmem>>
      %dma_wait3A_501 = arith.constant 0 : i32
      %dma_wait3A_502 = tpu.memref_slice %arg6[%rem3A_494, %dma_wait3A_501] : memref<12x64xi32, #tpu.memory_space<vmem>> -> memref<1x64xi32, #tpu.memory_space<vmem>>
      %dma_wait3A_503 = tpu.memref_squeeze %dma_wait3A_502 : memref<1x64xi32, #tpu.memory_space<vmem>> -> memref<64xi32, #tpu.memory_space<vmem>>
      %dma_wait3A_504 = arith.constant 0 : i32
      %dma_wait3A_505 = arith.constant 0 : i32
      %dma_wait3A_506 = tpu.memref_slice %arg2[%dma_wait3A_504, %dma_wait3A_505] : memref<10000x128xf32, #tpu.memory_space<hbm>> -> memref<10000x128xf32, #tpu.memory_space<hbm>>
      tpu.wait_indirect_dma semaphore(%arg13 : memref<!tpu.dma_semaphore, #tpu.memory_space<semaphore_mem>>) src(%dma_wait3A_506 : memref<10000x128xf32, #tpu.memory_space<hbm>>) dst(%dma_wait3A_500 : memref<64x128xf32, #tpu.memory_space<vmem>>)
      %rem3A_507 = arith.constant 5 : i32
      %rem3A_508 = arith.remsi %while3A_479, %rem3A_507 : i32
      %rem3A_509 = arith.constant 12 : i32
      %rem3A_510 = arith.remsi %while3A_479, %rem3A_509 : i32
      %dma_start3A_511 = arith.constant 0 : i32
      %dma_start3A_512 = arith.constant 0 : i32
      %dma_start3A_513 = tpu.memref_slice %arg8[%rem3A_508, %dma_start3A_511, %dma_start3A_512] : memref<5x64x128xf32, #tpu.memory_space<vmem>> -> memref<1x64x128xf32, #tpu.memory_space<vmem>>
      %dma_start3A_514 = tpu.memref_squeeze %dma_start3A_513 : memref<1x64x128xf32, #tpu.memory_space<vmem>> -> memref<64x128xf32, #tpu.memory_space<vmem>>
      %dma_start3A_515 = arith.constant 0 : i32
      %dma_start3A_516 = tpu.memref_slice %arg7[%rem3A_510, %dma_start3A_515] : memref<12x64xi32, #tpu.memory_space<vmem>> -> memref<1x64xi32, #tpu.memory_space<vmem>>
      %dma_start3A_517 = tpu.memref_squeeze %dma_start3A_516 : memref<1x64xi32, #tpu.memory_space<vmem>> -> memref<64xi32, #tpu.memory_space<vmem>>
      %dma_start3A_518 = arith.constant 0 : i32
      %dma_start3A_519 = arith.constant 0 : i32
      %dma_start3A_520 = tpu.memref_slice %arg11[%dma_start3A_518, %dma_start3A_519] : memref<10240x128xf32, #tpu.memory_space<vmem_shared>> -> memref<10240x128xf32, #tpu.memory_space<vmem_shared>>
      tpu.enqueue_indirect_dma source(%dma_start3A_514 : memref<64x128xf32, #tpu.memory_space<vmem>>) target(%dma_start3A_520 : memref<10240x128xf32, #tpu.memory_space<vmem_shared>>) offsets(%dma_start3A_517 : memref<64xi32, #tpu.memory_space<vmem>>) semaphore(%arg14 : memref<!tpu.dma_semaphore, #tpu.memory_space<semaphore_mem>>) {add = true}
    }
    %while3A_458 = arith.constant 1 : i32
    scf.for %while3A_479 = %while3A_456 to %while3A_452 step %while3A_458  : i32 {
      %add3A_480 = arith.constant 8 : i32
      %add3A_481 = arith.addi %while3A_479, %add3A_480 : i32
      %lt3A = arith.cmpi slt, %add3A_481, %select_n3A_5 : i32
      %convert_element_type3A = arith.extui %lt3A : i1 to i32
      %cond3A = arith.constant 0 : i32
      %cond3A_482 = arith.cmpi ne, %convert_element_type3A, %cond3A : i32
      scf.if %cond3A_482 {
        %add3A_521 = arith.constant 8 : i32
        %add3A_522 = arith.addi %while3A_479, %add3A_521 : i32
        %rem3A_523 = arith.constant 12 : i32
        %rem3A_524 = arith.remsi %add3A_522, %rem3A_523 : i32
        %add3A_525 = arith.addi %add3A, %add3A_522 : i32
        %add3A_526 = arith.addi %add3A, %add3A_522 : i32
        %dma_start3A_527 = arith.constant 0 : i32
        %dma_start3A_528 = tpu.memref_slice %arg6[%rem3A_524, %dma_start3A_527] : memref<12x64xi32, #tpu.memory_space<vmem>> -> memref<1x64xi32, #tpu.memory_space<vmem>>
        %dma_start3A_529 = tpu.memref_squeeze %dma_start3A_528 : memref<1x64xi32, #tpu.memory_space<vmem>> -> memref<64xi32, #tpu.memory_space<vmem>>
        %dma_start3A_530 = arith.constant 0 : i32
        %dma_start3A_531 = tpu.memref_slice %arg3[%add3A_525, %dma_start3A_530] : memref<5120x64xi32, #tpu.memory_space<hbm>> -> memref<1x64xi32, #tpu.memory_space<hbm>>
        %dma_start3A_532 = tpu.memref_squeeze %dma_start3A_531 : memref<1x64xi32, #tpu.memory_space<hbm>> -> memref<64xi32, #tpu.memory_space<hbm>>
        %dma_start3A_533 = arith.constant 0 : i32
        %dma_start3A_534 = tpu.memref_slice %arg6[%rem3A_524, %dma_start3A_533] : memref<12x64xi32, #tpu.memory_space<vmem>> -> memref<1x64xi32, #tpu.memory_space<vmem>>
        %dma_start3A_535 = tpu.memref_squeeze %dma_start3A_534 : memref<1x64xi32, #tpu.memory_space<vmem>> -> memref<64xi32, #tpu.memory_space<vmem>>
        %dma_start3A_536 = arith.constant 0 : i32
        %dma_start3A_537 = tpu.memref_slice %arg3[%add3A_525, %dma_start3A_536] : memref<5120x64xi32, #tpu.memory_space<hbm>> -> memref<1x64xi32, #tpu.memory_space<hbm>>
        %dma_start3A_538 = tpu.memref_squeeze %dma_start3A_537 : memref<1x64xi32, #tpu.memory_space<hbm>> -> memref<64xi32, #tpu.memory_space<hbm>>
        tpu.enqueue_dma source(%dma_start3A_538 : memref<64xi32, #tpu.memory_space<hbm>>) target(%dma_start3A_535 : memref<64xi32, #tpu.memory_space<vmem>>) target_semaphore(%arg16 : memref<!tpu.dma_semaphore, #tpu.memory_space<semaphore_mem>>)
        %dma_start3A_539 = arith.constant 0 : i32
        %dma_start3A_540 = tpu.memref_slice %arg7[%rem3A_524, %dma_start3A_539] : memref<12x64xi32, #tpu.memory_space<vmem>> -> memref<1x64xi32, #tpu.memory_space<vmem>>
        %dma_start3A_541 = tpu.memref_squeeze %dma_start3A_540 : memref<1x64xi32, #tpu.memory_space<vmem>> -> memref<64xi32, #tpu.memory_space<vmem>>
        %dma_start3A_542 = arith.constant 0 : i32
        %dma_start3A_543 = tpu.memref_slice %arg4[%add3A_526, %dma_start3A_542] : memref<5120x64xi32, #tpu.memory_space<hbm>> -> memref<1x64xi32, #tpu.memory_space<hbm>>
        %dma_start3A_544 = tpu.memref_squeeze %dma_start3A_543 : memref<1x64xi32, #tpu.memory_space<hbm>> -> memref<64xi32, #tpu.memory_space<hbm>>
        %dma_start3A_545 = arith.constant 0 : i32
        %dma_start3A_546 = tpu.memref_slice %arg7[%rem3A_524, %dma_start3A_545] : memref<12x64xi32, #tpu.memory_space<vmem>> -> memref<1x64xi32, #tpu.memory_space<vmem>>
        %dma_start3A_547 = tpu.memref_squeeze %dma_start3A_546 : memref<1x64xi32, #tpu.memory_space<vmem>> -> memref<64xi32, #tpu.memory_space<vmem>>
        %dma_start3A_548 = arith.constant 0 : i32
        %dma_start3A_549 = tpu.memref_slice %arg4[%add3A_526, %dma_start3A_548] : memref<5120x64xi32, #tpu.memory_space<hbm>> -> memref<1x64xi32, #tpu.memory_space<hbm>>
        %dma_start3A_550 = tpu.memref_squeeze %dma_start3A_549 : memref<1x64xi32, #tpu.memory_space<hbm>> -> memref<64xi32, #tpu.memory_space<hbm>>
        tpu.enqueue_dma source(%dma_start3A_550 : memref<64xi32, #tpu.memory_space<hbm>>) target(%dma_start3A_547 : memref<64xi32, #tpu.memory_space<vmem>>) target_semaphore(%arg16 : memref<!tpu.dma_semaphore, #tpu.memory_space<semaphore_mem>>)
      } else {
      }
      %ge3A = arith.constant 1 : i32
      %ge3A_483 = arith.cmpi sge, %while3A_479, %ge3A : i32
      %convert_element_type3A_484 = arith.extui %ge3A_483 : i1 to i32
      %cond3A_485 = arith.constant 0 : i32
      %cond3A_486 = arith.cmpi ne, %convert_element_type3A_484, %cond3A_485 : i32
      scf.if %cond3A_486 {
        %sub3A_521 = arith.constant 1 : i32
        %sub3A_522 = arith.subi %while3A_479, %sub3A_521 : i32
        %rem3A_523 = arith.constant 5 : i32
        %rem3A_524 = arith.remsi %sub3A_522, %rem3A_523 : i32
        %rem3A_525 = arith.constant 12 : i32
        %rem3A_526 = arith.remsi %sub3A_522, %rem3A_525 : i32
        %dma_wait3A_527 = arith.constant 0 : i32
        %dma_wait3A_528 = arith.constant 0 : i32
        %dma_wait3A_529 = tpu.memref_slice %arg8[%rem3A_524, %dma_wait3A_527, %dma_wait3A_528] : memref<5x64x128xf32, #tpu.memory_space<vmem>> -> memref<1x64x128xf32, #tpu.memory_space<vmem>>
        %dma_wait3A_530 = tpu.memref_squeeze %dma_wait3A_529 : memref<1x64x128xf32, #tpu.memory_space<vmem>> -> memref<64x128xf32, #tpu.memory_space<vmem>>
        %dma_wait3A_531 = arith.constant 0 : i32
        %dma_wait3A_532 = tpu.memref_slice %arg7[%rem3A_526, %dma_wait3A_531] : memref<12x64xi32, #tpu.memory_space<vmem>> -> memref<1x64xi32, #tpu.memory_space<vmem>>
        %dma_wait3A_533 = tpu.memref_squeeze %dma_wait3A_532 : memref<1x64xi32, #tpu.memory_space<vmem>> -> memref<64xi32, #tpu.memory_space<vmem>>
        %dma_wait3A_534 = arith.constant 0 : i32
        %dma_wait3A_535 = arith.constant 0 : i32
        %dma_wait3A_536 = tpu.memref_slice %arg11[%dma_wait3A_534, %dma_wait3A_535] : memref<10240x128xf32, #tpu.memory_space<vmem_shared>> -> memref<10240x128xf32, #tpu.memory_space<vmem_shared>>
        tpu.wait_indirect_dma semaphore(%arg14 : memref<!tpu.dma_semaphore, #tpu.memory_space<semaphore_mem>>) src(%dma_wait3A_530 : memref<64x128xf32, #tpu.memory_space<vmem>>) dst(%dma_wait3A_536 : memref<10240x128xf32, #tpu.memory_space<vmem_shared>>)
      } else {
      }
      %add3A_487 = arith.constant 4 : i32
      %add3A_488 = arith.addi %while3A_479, %add3A_487 : i32
      %lt3A_489 = arith.cmpi slt, %add3A_488, %select_n3A_5 : i32
      %convert_element_type3A_490 = arith.extui %lt3A_489 : i1 to i32
      %cond3A_491 = arith.constant 0 : i32
      %cond3A_492 = arith.cmpi ne, %convert_element_type3A_490, %cond3A_491 : i32
      scf.if %cond3A_492 {
        %add3A_521 = arith.constant 4 : i32
        %add3A_522 = arith.addi %while3A_479, %add3A_521 : i32
        %rem3A_523 = arith.constant 12 : i32
        %rem3A_524 = arith.remsi %add3A_522, %rem3A_523 : i32
        %add3A_525 = arith.addi %add3A, %add3A_522 : i32
        %add3A_526 = arith.addi %add3A, %add3A_522 : i32
        %dma_wait3A_527 = arith.constant 0 : i32
        %dma_wait3A_528 = tpu.memref_slice %arg6[%rem3A_524, %dma_wait3A_527] : memref<12x64xi32, #tpu.memory_space<vmem>> -> memref<1x64xi32, #tpu.memory_space<vmem>>
        %dma_wait3A_529 = tpu.memref_squeeze %dma_wait3A_528 : memref<1x64xi32, #tpu.memory_space<vmem>> -> memref<64xi32, #tpu.memory_space<vmem>>
        %dma_wait3A_530 = arith.constant 0 : i32
        %dma_wait3A_531 = tpu.memref_slice %arg3[%add3A_525, %dma_wait3A_530] : memref<5120x64xi32, #tpu.memory_space<hbm>> -> memref<1x64xi32, #tpu.memory_space<hbm>>
        %dma_wait3A_532 = tpu.memref_squeeze %dma_wait3A_531 : memref<1x64xi32, #tpu.memory_space<hbm>> -> memref<64xi32, #tpu.memory_space<hbm>>
        %dma_wait3A_533 = arith.constant 0 : i32
        %dma_wait3A_534 = tpu.memref_slice %arg6[%rem3A_524, %dma_wait3A_533] : memref<12x64xi32, #tpu.memory_space<vmem>> -> memref<1x64xi32, #tpu.memory_space<vmem>>
        %dma_wait3A_535 = tpu.memref_squeeze %dma_wait3A_534 : memref<1x64xi32, #tpu.memory_space<vmem>> -> memref<64xi32, #tpu.memory_space<vmem>>
        %dma_wait3A_536 = arith.constant 0 : i32
        %dma_wait3A_537 = tpu.memref_slice %arg3[%add3A_525, %dma_wait3A_536] : memref<5120x64xi32, #tpu.memory_space<hbm>> -> memref<1x64xi32, #tpu.memory_space<hbm>>
        %dma_wait3A_538 = tpu.memref_squeeze %dma_wait3A_537 : memref<1x64xi32, #tpu.memory_space<hbm>> -> memref<64xi32, #tpu.memory_space<hbm>>
        tpu.wait_dma2 semaphore(%arg16 : memref<!tpu.dma_semaphore, #tpu.memory_space<semaphore_mem>>) src(%dma_wait3A_538 : memref<64xi32, #tpu.memory_space<hbm>>) dst(%dma_wait3A_535 : memref<64xi32, #tpu.memory_space<vmem>>)
        %dma_wait3A_539 = arith.constant 0 : i32
        %dma_wait3A_540 = tpu.memref_slice %arg7[%rem3A_524, %dma_wait3A_539] : memref<12x64xi32, #tpu.memory_space<vmem>> -> memref<1x64xi32, #tpu.memory_space<vmem>>
        %dma_wait3A_541 = tpu.memref_squeeze %dma_wait3A_540 : memref<1x64xi32, #tpu.memory_space<vmem>> -> memref<64xi32, #tpu.memory_space<vmem>>
        %dma_wait3A_542 = arith.constant 0 : i32
        %dma_wait3A_543 = tpu.memref_slice %arg4[%add3A_526, %dma_wait3A_542] : memref<5120x64xi32, #tpu.memory_space<hbm>> -> memref<1x64xi32, #tpu.memory_space<hbm>>
        %dma_wait3A_544 = tpu.memref_squeeze %dma_wait3A_543 : memref<1x64xi32, #tpu.memory_space<hbm>> -> memref<64xi32, #tpu.memory_space<hbm>>
        %dma_wait3A_545 = arith.constant 0 : i32
        %dma_wait3A_546 = tpu.memref_slice %arg7[%rem3A_524, %dma_wait3A_545] : memref<12x64xi32, #tpu.memory_space<vmem>> -> memref<1x64xi32, #tpu.memory_space<vmem>>
        %dma_wait3A_547 = tpu.memref_squeeze %dma_wait3A_546 : memref<1x64xi32, #tpu.memory_space<vmem>> -> memref<64xi32, #tpu.memory_space<vmem>>
        %dma_wait3A_548 = arith.constant 0 : i32
        %dma_wait3A_549 = tpu.memref_slice %arg4[%add3A_526, %dma_wait3A_548] : memref<5120x64xi32, #tpu.memory_space<hbm>> -> memref<1x64xi32, #tpu.memory_space<hbm>>
        %dma_wait3A_550 = tpu.memref_squeeze %dma_wait3A_549 : memref<1x64xi32, #tpu.memory_space<hbm>> -> memref<64xi32, #tpu.memory_space<hbm>>
        tpu.wait_dma2 semaphore(%arg16 : memref<!tpu.dma_semaphore, #tpu.memory_space<semaphore_mem>>) src(%dma_wait3A_550 : memref<64xi32, #tpu.memory_space<hbm>>) dst(%dma_wait3A_547 : memref<64xi32, #tpu.memory_space<vmem>>)
        %add3A_551 = arith.constant 4 : i32
        %add3A_552 = arith.addi %while3A_479, %add3A_551 : i32
        %rem3A_553 = arith.constant 12 : i32
        %rem3A_554 = arith.remsi %add3A_552, %rem3A_553 : i32
        %rem3A_555 = arith.constant 5 : i32
        %rem3A_556 = arith.remsi %add3A_552, %rem3A_555 : i32
        %dma_start3A_557 = arith.constant 0 : i32
        %dma_start3A_558 = arith.constant 0 : i32
        %dma_start3A_559 = tpu.memref_slice %arg8[%rem3A_556, %dma_start3A_557, %dma_start3A_558] : memref<5x64x128xf32, #tpu.memory_space<vmem>> -> memref<1x64x128xf32, #tpu.memory_space<vmem>>
        %dma_start3A_560 = tpu.memref_squeeze %dma_start3A_559 : memref<1x64x128xf32, #tpu.memory_space<vmem>> -> memref<64x128xf32, #tpu.memory_space<vmem>>
        %dma_start3A_561 = arith.constant 0 : i32
        %dma_start3A_562 = tpu.memref_slice %arg6[%rem3A_554, %dma_start3A_561] : memref<12x64xi32, #tpu.memory_space<vmem>> -> memref<1x64xi32, #tpu.memory_space<vmem>>
        %dma_start3A_563 = tpu.memref_squeeze %dma_start3A_562 : memref<1x64xi32, #tpu.memory_space<vmem>> -> memref<64xi32, #tpu.memory_space<vmem>>
        %dma_start3A_564 = arith.constant 0 : i32
        %dma_start3A_565 = arith.constant 0 : i32
        %dma_start3A_566 = tpu.memref_slice %arg2[%dma_start3A_564, %dma_start3A_565] : memref<10000x128xf32, #tpu.memory_space<hbm>> -> memref<10000x128xf32, #tpu.memory_space<hbm>>
        tpu.enqueue_indirect_dma source(%dma_start3A_566 : memref<10000x128xf32, #tpu.memory_space<hbm>>) target(%dma_start3A_560 : memref<64x128xf32, #tpu.memory_space<vmem>>) offsets(%dma_start3A_563 : memref<64xi32, #tpu.memory_space<vmem>>) semaphore(%arg13 : memref<!tpu.dma_semaphore, #tpu.memory_space<semaphore_mem>>)
      } else {
      }
      %rem3A_493 = arith.constant 12 : i32
      %rem3A_494 = arith.remsi %while3A_479, %rem3A_493 : i32
      %rem3A_495 = arith.constant 5 : i32
      %rem3A_496 = arith.remsi %while3A_479, %rem3A_495 : i32
      %dma_wait3A_497 = arith.constant 0 : i32
      %dma_wait3A_498 = arith.constant 0 : i32
      %dma_wait3A_499 = tpu.memref_slice %arg8[%rem3A_496, %dma_wait3A_497, %dma_wait3A_498] : memref<5x64x128xf32, #tpu.memory_space<vmem>> -> memref<1x64x128xf32, #tpu.memory_space<vmem>>
      %dma_wait3A_500 = tpu.memref_squeeze %dma_wait3A_499 : memref<1x64x128xf32, #tpu.memory_space<vmem>> -> memref<64x128xf32, #tpu.memory_space<vmem>>
      %dma_wait3A_501 = arith.constant 0 : i32
      %dma_wait3A_502 = tpu.memref_slice %arg6[%rem3A_494, %dma_wait3A_501] : memref<12x64xi32, #tpu.memory_space<vmem>> -> memref<1x64xi32, #tpu.memory_space<vmem>>
      %dma_wait3A_503 = tpu.memref_squeeze %dma_wait3A_502 : memref<1x64xi32, #tpu.memory_space<vmem>> -> memref<64xi32, #tpu.memory_space<vmem>>
      %dma_wait3A_504 = arith.constant 0 : i32
      %dma_wait3A_505 = arith.constant 0 : i32
      %dma_wait3A_506 = tpu.memref_slice %arg2[%dma_wait3A_504, %dma_wait3A_505] : memref<10000x128xf32, #tpu.memory_space<hbm>> -> memref<10000x128xf32, #tpu.memory_space<hbm>>
      tpu.wait_indirect_dma semaphore(%arg13 : memref<!tpu.dma_semaphore, #tpu.memory_space<semaphore_mem>>) src(%dma_wait3A_506 : memref<10000x128xf32, #tpu.memory_space<hbm>>) dst(%dma_wait3A_500 : memref<64x128xf32, #tpu.memory_space<vmem>>)
      %rem3A_507 = arith.constant 5 : i32
      %rem3A_508 = arith.remsi %while3A_479, %rem3A_507 : i32
      %rem3A_509 = arith.constant 12 : i32
      %rem3A_510 = arith.remsi %while3A_479, %rem3A_509 : i32
      %dma_start3A_511 = arith.constant 0 : i32
      %dma_start3A_512 = arith.constant 0 : i32
      %dma_start3A_513 = tpu.memref_slice %arg8[%rem3A_508, %dma_start3A_511, %dma_start3A_512] : memref<5x64x128xf32, #tpu.memory_space<vmem>> -> memref<1x64x128xf32, #tpu.memory_space<vmem>>
      %dma_start3A_514 = tpu.memref_squeeze %dma_start3A_513 : memref<1x64x128xf32, #tpu.memory_space<vmem>> -> memref<64x128xf32, #tpu.memory_space<vmem>>
      %dma_start3A_515 = arith.constant 0 : i32
      %dma_start3A_516 = tpu.memref_slice %arg7[%rem3A_510, %dma_start3A_515] : memref<12x64xi32, #tpu.memory_space<vmem>> -> memref<1x64xi32, #tpu.memory_space<vmem>>
      %dma_start3A_517 = tpu.memref_squeeze %dma_start3A_516 : memref<1x64xi32, #tpu.memory_space<vmem>> -> memref<64xi32, #tpu.memory_space<vmem>>
      %dma_start3A_518 = arith.constant 0 : i32
      %dma_start3A_519 = arith.constant 0 : i32
      %dma_start3A_520 = tpu.memref_slice %arg11[%dma_start3A_518, %dma_start3A_519] : memref<10240x128xf32, #tpu.memory_space<vmem_shared>> -> memref<10240x128xf32, #tpu.memory_space<vmem_shared>>
      tpu.enqueue_indirect_dma source(%dma_start3A_514 : memref<64x128xf32, #tpu.memory_space<vmem>>) target(%dma_start3A_520 : memref<10240x128xf32, #tpu.memory_space<vmem_shared>>) offsets(%dma_start3A_517 : memref<64xi32, #tpu.memory_space<vmem>>) semaphore(%arg14 : memref<!tpu.dma_semaphore, #tpu.memory_space<semaphore_mem>>) {add = true}
    }
    %sub3A = arith.constant 1 : i32
    %sub3A_459 = arith.subi %select_n3A_5, %sub3A : i32
    %rem3A_460 = arith.constant 5 : i32
    %rem3A_461 = arith.remsi %sub3A_459, %rem3A_460 : i32
    %rem3A_462 = arith.constant 12 : i32
    %rem3A_463 = arith.remsi %sub3A_459, %rem3A_462 : i32
    %dma_wait3A_464 = arith.constant 0 : i32
    %dma_wait3A_465 = arith.constant 0 : i32
    %dma_wait3A_466 = tpu.memref_slice %arg8[%rem3A_461, %dma_wait3A_464, %dma_wait3A_465] : memref<5x64x128xf32, #tpu.memory_space<vmem>> -> memref<1x64x128xf32, #tpu.memory_space<vmem>>
    %dma_wait3A_467 = tpu.memref_squeeze %dma_wait3A_466 : memref<1x64x128xf32, #tpu.memory_space<vmem>> -> memref<64x128xf32, #tpu.memory_space<vmem>>
    %dma_wait3A_468 = arith.constant 0 : i32
    %dma_wait3A_469 = tpu.memref_slice %arg7[%rem3A_463, %dma_wait3A_468] : memref<12x64xi32, #tpu.memory_space<vmem>> -> memref<1x64xi32, #tpu.memory_space<vmem>>
    %dma_wait3A_470 = tpu.memref_squeeze %dma_wait3A_469 : memref<1x64xi32, #tpu.memory_space<vmem>> -> memref<64xi32, #tpu.memory_space<vmem>>
    %dma_wait3A_471 = arith.constant 0 : i32
    %dma_wait3A_472 = arith.constant 0 : i32
    %dma_wait3A_473 = tpu.memref_slice %arg11[%dma_wait3A_471, %dma_wait3A_472] : memref<10240x128xf32, #tpu.memory_space<vmem_shared>> -> memref<10240x128xf32, #tpu.memory_space<vmem_shared>>
    tpu.wait_indirect_dma semaphore(%arg14 : memref<!tpu.dma_semaphore, #tpu.memory_space<semaphore_mem>>) src(%dma_wait3A_467 : memref<64x128xf32, #tpu.memory_space<vmem>>) dst(%dma_wait3A_473 : memref<10240x128xf32, #tpu.memory_space<vmem_shared>>)
    %barrier3A_474 = arith.constant 0 : index
    tpu.barrier barrier_id(%barrier3A_474)
    %mul3A_475 = arith.constant 640 : i32
    %mul3A_476 = arith.muli %arg1, %mul3A_475 : i32
    %mul3A_477 = arith.constant 640 : i32
    %mul3A_478 = arith.muli %arg1, %mul3A_477 : i32
    "tpu.region"() ({
      %run_scoped3A = tpu.sem_alloc : memref<!tpu.dma_semaphore, #tpu.memory_space<semaphore_mem>>
      %dma_start3A_479 = arith.constant 0 : i32
      %dma_start3A_480 = arith.constant 0 : i32
      %dma_start3A_481 = tpu.memref_slice %arg5[%arg0, %dma_start3A_479, %dma_start3A_480] : memref<2x10240x128xf32, #tpu.memory_space<hbm>> -> memref<1x10240x128xf32, #tpu.memory_space<hbm>>
      %dma_start3A_482 = tpu.memref_squeeze %dma_start3A_481 : memref<1x10240x128xf32, #tpu.memory_space<hbm>> -> memref<10240x128xf32, #tpu.memory_space<hbm>>
      %dma_start3A_483 = arith.constant 0 : i32
      %dma_start3A_484 = tpu.memref_slice %dma_start3A_482[%mul3A_478, %dma_start3A_483] : memref<10240x128xf32, #tpu.memory_space<hbm>> -> memref<640x128xf32, #tpu.memory_space<hbm>>
      %dma_start3A_485 = arith.constant 0 : i32
      %dma_start3A_486 = tpu.memref_slice %arg11[%mul3A_476, %dma_start3A_485] : memref<10240x128xf32, #tpu.memory_space<vmem_shared>> -> memref<640x128xf32, #tpu.memory_space<vmem_shared>>
      tpu.enqueue_dma source(%dma_start3A_486 : memref<640x128xf32, #tpu.memory_space<vmem_shared>>) target(%dma_start3A_484 : memref<640x128xf32, #tpu.memory_space<hbm>>) target_semaphore(%run_scoped3A : memref<!tpu.dma_semaphore, #tpu.memory_space<semaphore_mem>>)
      %dma_wait3A_487 = arith.constant 0 : i32
      %dma_wait3A_488 = arith.constant 0 : i32
      %dma_wait3A_489 = tpu.memref_slice %arg5[%arg0, %dma_wait3A_487, %dma_wait3A_488] : memref<2x10240x128xf32, #tpu.memory_space<hbm>> -> memref<1x10240x128xf32, #tpu.memory_space<hbm>>
      %dma_wait3A_490 = tpu.memref_squeeze %dma_wait3A_489 : memref<1x10240x128xf32, #tpu.memory_space<hbm>> -> memref<10240x128xf32, #tpu.memory_space<hbm>>
      %dma_wait3A_491 = arith.constant 0 : i32
      %dma_wait3A_492 = tpu.memref_slice %dma_wait3A_490[%mul3A_478, %dma_wait3A_491] : memref<10240x128xf32, #tpu.memory_space<hbm>> -> memref<640x128xf32, #tpu.memory_space<hbm>>
      %dma_wait3A_493 = arith.constant 0 : i32
      %dma_wait3A_494 = tpu.memref_slice %arg11[%mul3A_476, %dma_wait3A_493] : memref<10240x128xf32, #tpu.memory_space<vmem_shared>> -> memref<640x128xf32, #tpu.memory_space<vmem_shared>>
      tpu.wait_dma2 semaphore(%run_scoped3A : memref<!tpu.dma_semaphore, #tpu.memory_space<semaphore_mem>>) src(%dma_wait3A_494 : memref<640x128xf32, #tpu.memory_space<vmem_shared>>) dst(%dma_wait3A_492 : memref<640x128xf32, #tpu.memory_space<hbm>>)
      tpu.yield
    }) : () -> ()
    return
  }
}

#map = affine_map<(d0, d1) -> (0, 0)>
#map1 = affine_map<(d0, d1) -> (0, 0, 0)>
module attributes {stable_mosaic.version = 14 : i64} {
  func.func @body(%arg0: i32, %arg1: i32, %arg2: memref<10000x128xf32, #tpu.memory_space<hbm>>, %arg3: memref<5120x64xi32, #tpu.memory_space<hbm>>, %arg4: memref<5120x64xi32, #tpu.memory_space<hbm>>, %arg5: memref<2x10240x128xf32, #tpu.memory_space<hbm>>, %arg6: memref<12x64xi32, #tpu.memory_space<vmem>>, %arg7: memref<12x64xi32, #tpu.memory_space<vmem>>, %arg8: memref<5x64x128xf32, #tpu.memory_space<vmem>>, %arg9: memref<8x128xf32, #tpu.memory_space<vmem>>, %arg10: memref<64xf32, #tpu.memory_space<vmem>>, %arg11: memref<10240x128xf32, #tpu.memory_space<vmem_shared>>, %arg12: memref<10240xf32, #tpu.memory_space<vmem_shared>>, %arg13: memref<!tpu.dma_semaphore, #tpu.memory_space<semaphore_mem>>, %arg14: memref<!tpu.dma_semaphore, #tpu.memory_space<semaphore_mem>>, %arg15: memref<!tpu.dma_semaphore, #tpu.memory_space<semaphore_mem>>, %arg16: memref<!tpu.dma_semaphore, #tpu.memory_space<semaphore_mem>>) attributes {dimension_semantics = [#tpu.dimension_semantics<core_parallel>, #tpu.dimension_semantics<subcore_parallel>], iteration_bounds = array<i64: 2, 16>, scalar_prefetch = 0 : i64, scratch_operands = 11 : i64, tpu.core_type = #tpu.core_type<sc_vector_subcore>, window_params = [{transform_indices = #map}, {transform_indices = #map}, {transform_indices = #map}, {transform_indices = #map1}]} {
    %mul3A = arith.constant 320 : i32
    %mul3A_0 = arith.muli %arg1, %mul3A : i32
    %mul3A_1 = arith.constant 240 : i32
    %mul3A_2 = arith.muli %arg0, %mul3A_1 : i32
    %add3A = arith.addi %mul3A_0, %mul3A_2 : i32
    %eq3A = arith.constant 0 : i32
    %eq3A_3 = arith.cmpi eq, %arg0, %eq3A : i32
    %select_n3A = arith.constant 80 : i32
    %select_n3A_4 = arith.constant 240 : i32
    %select_n3A_5 = arith.select %eq3A_3, %select_n3A_4, %select_n3A : i32
    %rem3A = arith.constant 0 : i32
    %rem3A_6 = arith.constant 12 : i32
    %rem3A_7 = arith.remsi %rem3A, %rem3A_6 : i32
    %add3A_8 = arith.constant 0 : i32
    %add3A_9 = arith.addi %add3A, %add3A_8 : i32
    %add3A_10 = arith.constant 0 : i32
    %add3A_11 = arith.addi %add3A, %add3A_10 : i32
    %dma_start3A = arith.constant 0 : i32
    %dma_start3A_12 = tpu.memref_slice %arg6[%rem3A_7, %dma_start3A] : memref<12x64xi32, #tpu.memory_space<vmem>> -> memref<1x64xi32, #tpu.memory_space<vmem>>
    %dma_start3A_13 = tpu.memref_squeeze %dma_start3A_12 : memref<1x64xi32, #tpu.memory_space<vmem>> -> memref<64xi32, #tpu.memory_space<vmem>>
    %dma_start3A_14 = arith.constant 0 : i32
    %dma_start3A_15 = tpu.memref_slice %arg3[%add3A_9, %dma_start3A_14] : memref<5120x64xi32, #tpu.memory_space<hbm>> -> memref<1x64xi32, #tpu.memory_space<hbm>>
    %dma_start3A_16 = tpu.memref_squeeze %dma_start3A_15 : memref<1x64xi32, #tpu.memory_space<hbm>> -> memref<64xi32, #tpu.memory_space<hbm>>
    %dma_start3A_17 = arith.constant 0 : i32
    %dma_start3A_18 = tpu.memref_slice %arg6[%rem3A_7, %dma_start3A_17] : memref<12x64xi32, #tpu.memory_space<vmem>> -> memref<1x64xi32, #tpu.memory_space<vmem>>
    %dma_start3A_19 = tpu.memref_squeeze %dma_start3A_18 : memref<1x64xi32, #tpu.memory_space<vmem>> -> memref<64xi32, #tpu.memory_space<vmem>>
    %dma_start3A_20 = arith.constant 0 : i32
    %dma_start3A_21 = tpu.memref_slice %arg3[%add3A_9, %dma_start3A_20] : memref<5120x64xi32, #tpu.memory_space<hbm>> -> memref<1x64xi32, #tpu.memory_space<hbm>>
    %dma_start3A_22 = tpu.memref_squeeze %dma_start3A_21 : memref<1x64xi32, #tpu.memory_space<hbm>> -> memref<64xi32, #tpu.memory_space<hbm>>
    tpu.enqueue_dma source(%dma_start3A_22 : memref<64xi32, #tpu.memory_space<hbm>>) target(%dma_start3A_19 : memref<64xi32, #tpu.memory_space<vmem>>) target_semaphore(%arg16 : memref<!tpu.dma_semaphore, #tpu.memory_space<semaphore_mem>>)
    %dma_start3A_23 = arith.constant 0 : i32
    %dma_start3A_24 = tpu.memref_slice %arg7[%rem3A_7, %dma_start3A_23] : memref<12x64xi32, #tpu.memory_space<vmem>> -> memref<1x64xi32, #tpu.memory_space<vmem>>
    %dma_start3A_25 = tpu.memref_squeeze %dma_start3A_24 : memref<1x64xi32, #tpu.memory_space<vmem>> -> memref<64xi32, #tpu.memory_space<vmem>>
    %dma_start3A_26 = arith.constant 0 : i32
    %dma_start3A_27 = tpu.memref_slice %arg4[%add3A_11, %dma_start3A_26] : memref<5120x64xi32, #tpu.memory_space<hbm>> -> memref<1x64xi32, #tpu.memory_space<hbm>>
    %dma_start3A_28 = tpu.memref_squeeze %dma_start3A_27 : memref<1x64xi32, #tpu.memory_space<hbm>> -> memref<64xi32, #tpu.memory_space<hbm>>
    %dma_start3A_29 = arith.constant 0 : i32
    %dma_start3A_30 = tpu.memref_slice %arg7[%rem3A_7, %dma_start3A_29] : memref<12x64xi32, #tpu.memory_space<vmem>> -> memref<1x64xi32, #tpu.memory_space<vmem>>
    %dma_start3A_31 = tpu.memref_squeeze %dma_start3A_30 : memref<1x64xi32, #tpu.memory_space<vmem>> -> memref<64xi32, #tpu.memory_space<vmem>>
    %dma_start3A_32 = arith.constant 0 : i32
    %dma_start3A_33 = tpu.memref_slice %arg4[%add3A_11, %dma_start3A_32] : memref<5120x64xi32, #tpu.memory_space<hbm>> -> memref<1x64xi32, #tpu.memory_space<hbm>>
    %dma_start3A_34 = tpu.memref_squeeze %dma_start3A_33 : memref<1x64xi32, #tpu.memory_space<hbm>> -> memref<64xi32, #tpu.memory_space<hbm>>
    tpu.enqueue_dma source(%dma_start3A_34 : memref<64xi32, #tpu.memory_space<hbm>>) target(%dma_start3A_31 : memref<64xi32, #tpu.memory_space<vmem>>) target_semaphore(%arg16 : memref<!tpu.dma_semaphore, #tpu.memory_space<semaphore_mem>>)
    %rem3A_35 = arith.constant 1 : i32
    %rem3A_36 = arith.constant 12 : i32
    %rem3A_37 = arith.remsi %rem3A_35, %rem3A_36 : i32
    %add3A_38 = arith.constant 1 : i32
    %add3A_39 = arith.addi %add3A, %add3A_38 : i32
    %add3A_40 = arith.constant 1 : i32
    %add3A_41 = arith.addi %add3A, %add3A_40 : i32
    %dma_start3A_42 = arith.constant 0 : i32
    %dma_start3A_43 = tpu.memref_slice %arg6[%rem3A_37, %dma_start3A_42] : memref<12x64xi32, #tpu.memory_space<vmem>> -> memref<1x64xi32, #tpu.memory_space<vmem>>
    %dma_start3A_44 = tpu.memref_squeeze %dma_start3A_43 : memref<1x64xi32, #tpu.memory_space<vmem>> -> memref<64xi32, #tpu.memory_space<vmem>>
    %dma_start3A_45 = arith.constant 0 : i32
    %dma_start3A_46 = tpu.memref_slice %arg3[%add3A_39, %dma_start3A_45] : memref<5120x64xi32, #tpu.memory_space<hbm>> -> memref<1x64xi32, #tpu.memory_space<hbm>>
    %dma_start3A_47 = tpu.memref_squeeze %dma_start3A_46 : memref<1x64xi32, #tpu.memory_space<hbm>> -> memref<64xi32, #tpu.memory_space<hbm>>
    %dma_start3A_48 = arith.constant 0 : i32
    %dma_start3A_49 = tpu.memref_slice %arg6[%rem3A_37, %dma_start3A_48] : memref<12x64xi32, #tpu.memory_space<vmem>> -> memref<1x64xi32, #tpu.memory_space<vmem>>
    %dma_start3A_50 = tpu.memref_squeeze %dma_start3A_49 : memref<1x64xi32, #tpu.memory_space<vmem>> -> memref<64xi32, #tpu.memory_space<vmem>>
    %dma_start3A_51 = arith.constant 0 : i32
    %dma_start3A_52 = tpu.memref_slice %arg3[%add3A_39, %dma_start3A_51] : memref<5120x64xi32, #tpu.memory_space<hbm>> -> memref<1x64xi32, #tpu.memory_space<hbm>>
    %dma_start3A_53 = tpu.memref_squeeze %dma_start3A_52 : memref<1x64xi32, #tpu.memory_space<hbm>> -> memref<64xi32, #tpu.memory_space<hbm>>
    tpu.enqueue_dma source(%dma_start3A_53 : memref<64xi32, #tpu.memory_space<hbm>>) target(%dma_start3A_50 : memref<64xi32, #tpu.memory_space<vmem>>) target_semaphore(%arg16 : memref<!tpu.dma_semaphore, #tpu.memory_space<semaphore_mem>>)
    %dma_start3A_54 = arith.constant 0 : i32
    %dma_start3A_55 = tpu.memref_slice %arg7[%rem3A_37, %dma_start3A_54] : memref<12x64xi32, #tpu.memory_space<vmem>> -> memref<1x64xi32, #tpu.memory_space<vmem>>
    %dma_start3A_56 = tpu.memref_squeeze %dma_start3A_55 : memref<1x64xi32, #tpu.memory_space<vmem>> -> memref<64xi32, #tpu.memory_space<vmem>>
    %dma_start3A_57 = arith.constant 0 : i32
    %dma_start3A_58 = tpu.memref_slice %arg4[%add3A_41, %dma_start3A_57] : memref<5120x64xi32, #tpu.memory_space<hbm>> -> memref<1x64xi32, #tpu.memory_space<hbm>>
    %dma_start3A_59 = tpu.memref_squeeze %dma_start3A_58 : memref<1x64xi32, #tpu.memory_space<hbm>> -> memref<64xi32, #tpu.memory_space<hbm>>
    %dma_start3A_60 = arith.constant 0 : i32
    %dma_start3A_61 = tpu.memref_slice %arg7[%rem3A_37, %dma_start3A_60] : memref<12x64xi32, #tpu.memory_space<vmem>> -> memref<1x64xi32, #tpu.memory_space<vmem>>
    %dma_start3A_62 = tpu.memref_squeeze %dma_start3A_61 : memref<1x64xi32, #tpu.memory_space<vmem>> -> memref<64xi32, #tpu.memory_space<vmem>>
    %dma_start3A_63 = arith.constant 0 : i32
    %dma_start3A_64 = tpu.memref_slice %arg4[%add3A_41, %dma_start3A_63] : memref<5120x64xi32, #tpu.memory_space<hbm>> -> memref<1x64xi32, #tpu.memory_space<hbm>>
    %dma_start3A_65 = tpu.memref_squeeze %dma_start3A_64 : memref<1x64xi32, #tpu.memory_space<hbm>> -> memref<64xi32, #tpu.memory_space<hbm>>
    tpu.enqueue_dma source(%dma_start3A_65 : memref<64xi32, #tpu.memory_space<hbm>>) target(%dma_start3A_62 : memref<64xi32, #tpu.memory_space<vmem>>) target_semaphore(%arg16 : memref<!tpu.dma_semaphore, #tpu.memory_space<semaphore_mem>>)
    %rem3A_66 = arith.constant 2 : i32
    %rem3A_67 = arith.constant 12 : i32
    %rem3A_68 = arith.remsi %rem3A_66, %rem3A_67 : i32
    %add3A_69 = arith.constant 2 : i32
    %add3A_70 = arith.addi %add3A, %add3A_69 : i32
    %add3A_71 = arith.constant 2 : i32
    %add3A_72 = arith.addi %add3A, %add3A_71 : i32
    %dma_start3A_73 = arith.constant 0 : i32
    %dma_start3A_74 = tpu.memref_slice %arg6[%rem3A_68, %dma_start3A_73] : memref<12x64xi32, #tpu.memory_space<vmem>> -> memref<1x64xi32, #tpu.memory_space<vmem>>
    %dma_start3A_75 = tpu.memref_squeeze %dma_start3A_74 : memref<1x64xi32, #tpu.memory_space<vmem>> -> memref<64xi32, #tpu.memory_space<vmem>>
    %dma_start3A_76 = arith.constant 0 : i32
    %dma_start3A_77 = tpu.memref_slice %arg3[%add3A_70, %dma_start3A_76] : memref<5120x64xi32, #tpu.memory_space<hbm>> -> memref<1x64xi32, #tpu.memory_space<hbm>>
    %dma_start3A_78 = tpu.memref_squeeze %dma_start3A_77 : memref<1x64xi32, #tpu.memory_space<hbm>> -> memref<64xi32, #tpu.memory_space<hbm>>
    %dma_start3A_79 = arith.constant 0 : i32
    %dma_start3A_80 = tpu.memref_slice %arg6[%rem3A_68, %dma_start3A_79] : memref<12x64xi32, #tpu.memory_space<vmem>> -> memref<1x64xi32, #tpu.memory_space<vmem>>
    %dma_start3A_81 = tpu.memref_squeeze %dma_start3A_80 : memref<1x64xi32, #tpu.memory_space<vmem>> -> memref<64xi32, #tpu.memory_space<vmem>>
    %dma_start3A_82 = arith.constant 0 : i32
    %dma_start3A_83 = tpu.memref_slice %arg3[%add3A_70, %dma_start3A_82] : memref<5120x64xi32, #tpu.memory_space<hbm>> -> memref<1x64xi32, #tpu.memory_space<hbm>>
    %dma_start3A_84 = tpu.memref_squeeze %dma_start3A_83 : memref<1x64xi32, #tpu.memory_space<hbm>> -> memref<64xi32, #tpu.memory_space<hbm>>
    tpu.enqueue_dma source(%dma_start3A_84 : memref<64xi32, #tpu.memory_space<hbm>>) target(%dma_start3A_81 : memref<64xi32, #tpu.memory_space<vmem>>) target_semaphore(%arg16 : memref<!tpu.dma_semaphore, #tpu.memory_space<semaphore_mem>>)
    %dma_start3A_85 = arith.constant 0 : i32
    %dma_start3A_86 = tpu.memref_slice %arg7[%rem3A_68, %dma_start3A_85] : memref<12x64xi32, #tpu.memory_space<vmem>> -> memref<1x64xi32, #tpu.memory_space<vmem>>
    %dma_start3A_87 = tpu.memref_squeeze %dma_start3A_86 : memref<1x64xi32, #tpu.memory_space<vmem>> -> memref<64xi32, #tpu.memory_space<vmem>>
    %dma_start3A_88 = arith.constant 0 : i32
    %dma_start3A_89 = tpu.memref_slice %arg4[%add3A_72, %dma_start3A_88] : memref<5120x64xi32, #tpu.memory_space<hbm>> -> memref<1x64xi32, #tpu.memory_space<hbm>>
    %dma_start3A_90 = tpu.memref_squeeze %dma_start3A_89 : memref<1x64xi32, #tpu.memory_space<hbm>> -> memref<64xi32, #tpu.memory_space<hbm>>
    %dma_start3A_91 = arith.constant 0 : i32
    %dma_start3A_92 = tpu.memref_slice %arg7[%rem3A_68, %dma_start3A_91] : memref<12x64xi32, #tpu.memory_space<vmem>> -> memref<1x64xi32, #tpu.memory_space<vmem>>
    %dma_start3A_93 = tpu.memref_squeeze %dma_start3A_92 : memref<1x64xi32, #tpu.memory_space<vmem>> -> memref<64xi32, #tpu.memory_space<vmem>>
    %dma_start3A_94 = arith.constant 0 : i32
    %dma_start3A_95 = tpu.memref_slice %arg4[%add3A_72, %dma_start3A_94] : memref<5120x64xi32, #tpu.memory_space<hbm>> -> memref<1x64xi32, #tpu.memory_space<hbm>>
    %dma_start3A_96 = tpu.memref_squeeze %dma_start3A_95 : memref<1x64xi32, #tpu.memory_space<hbm>> -> memref<64xi32, #tpu.memory_space<hbm>>
    tpu.enqueue_dma source(%dma_start3A_96 : memref<64xi32, #tpu.memory_space<hbm>>) target(%dma_start3A_93 : memref<64xi32, #tpu.memory_space<vmem>>) target_semaphore(%arg16 : memref<!tpu.dma_semaphore, #tpu.memory_space<semaphore_mem>>)
    %rem3A_97 = arith.constant 3 : i32
    %rem3A_98 = arith.constant 12 : i32
    %rem3A_99 = arith.remsi %rem3A_97, %rem3A_98 : i32
    %add3A_100 = arith.constant 3 : i32
    %add3A_101 = arith.addi %add3A, %add3A_100 : i32
    %add3A_102 = arith.constant 3 : i32
    %add3A_103 = arith.addi %add3A, %add3A_102 : i32
    %dma_start3A_104 = arith.constant 0 : i32
    %dma_start3A_105 = tpu.memref_slice %arg6[%rem3A_99, %dma_start3A_104] : memref<12x64xi32, #tpu.memory_space<vmem>> -> memref<1x64xi32, #tpu.memory_space<vmem>>
    %dma_start3A_106 = tpu.memref_squeeze %dma_start3A_105 : memref<1x64xi32, #tpu.memory_space<vmem>> -> memref<64xi32, #tpu.memory_space<vmem>>
    %dma_start3A_107 = arith.constant 0 : i32
    %dma_start3A_108 = tpu.memref_slice %arg3[%add3A_101, %dma_start3A_107] : memref<5120x64xi32, #tpu.memory_space<hbm>> -> memref<1x64xi32, #tpu.memory_space<hbm>>
    %dma_start3A_109 = tpu.memref_squeeze %dma_start3A_108 : memref<1x64xi32, #tpu.memory_space<hbm>> -> memref<64xi32, #tpu.memory_space<hbm>>
    %dma_start3A_110 = arith.constant 0 : i32
    %dma_start3A_111 = tpu.memref_slice %arg6[%rem3A_99, %dma_start3A_110] : memref<12x64xi32, #tpu.memory_space<vmem>> -> memref<1x64xi32, #tpu.memory_space<vmem>>
    %dma_start3A_112 = tpu.memref_squeeze %dma_start3A_111 : memref<1x64xi32, #tpu.memory_space<vmem>> -> memref<64xi32, #tpu.memory_space<vmem>>
    %dma_start3A_113 = arith.constant 0 : i32
    %dma_start3A_114 = tpu.memref_slice %arg3[%add3A_101, %dma_start3A_113] : memref<5120x64xi32, #tpu.memory_space<hbm>> -> memref<1x64xi32, #tpu.memory_space<hbm>>
    %dma_start3A_115 = tpu.memref_squeeze %dma_start3A_114 : memref<1x64xi32, #tpu.memory_space<hbm>> -> memref<64xi32, #tpu.memory_space<hbm>>
    tpu.enqueue_dma source(%dma_start3A_115 : memref<64xi32, #tpu.memory_space<hbm>>) target(%dma_start3A_112 : memref<64xi32, #tpu.memory_space<vmem>>) target_semaphore(%arg16 : memref<!tpu.dma_semaphore, #tpu.memory_space<semaphore_mem>>)
    %dma_start3A_116 = arith.constant 0 : i32
    %dma_start3A_117 = tpu.memref_slice %arg7[%rem3A_99, %dma_start3A_116] : memref<12x64xi32, #tpu.memory_space<vmem>> -> memref<1x64xi32, #tpu.memory_space<vmem>>
    %dma_start3A_118 = tpu.memref_squeeze %dma_start3A_117 : memref<1x64xi32, #tpu.memory_space<vmem>> -> memref<64xi32, #tpu.memory_space<vmem>>
    %dma_start3A_119 = arith.constant 0 : i32
    %dma_start3A_120 = tpu.memref_slice %arg4[%add3A_103, %dma_start3A_119] : memref<5120x64xi32, #tpu.memory_space<hbm>> -> memref<1x64xi32, #tpu.memory_space<hbm>>
    %dma_start3A_121 = tpu.memref_squeeze %dma_start3A_120 : memref<1x64xi32, #tpu.memory_space<hbm>> -> memref<64xi32, #tpu.memory_space<hbm>>
    %dma_start3A_122 = arith.constant 0 : i32
    %dma_start3A_123 = tpu.memref_slice %arg7[%rem3A_99, %dma_start3A_122] : memref<12x64xi32, #tpu.memory_space<vmem>> -> memref<1x64xi32, #tpu.memory_space<vmem>>
    %dma_start3A_124 = tpu.memref_squeeze %dma_start3A_123 : memref<1x64xi32, #tpu.memory_space<vmem>> -> memref<64xi32, #tpu.memory_space<vmem>>
    %dma_start3A_125 = arith.constant 0 : i32
    %dma_start3A_126 = tpu.memref_slice %arg4[%add3A_103, %dma_start3A_125] : memref<5120x64xi32, #tpu.memory_space<hbm>> -> memref<1x64xi32, #tpu.memory_space<hbm>>
    %dma_start3A_127 = tpu.memref_squeeze %dma_start3A_126 : memref<1x64xi32, #tpu.memory_space<hbm>> -> memref<64xi32, #tpu.memory_space<hbm>>
    tpu.enqueue_dma source(%dma_start3A_127 : memref<64xi32, #tpu.memory_space<hbm>>) target(%dma_start3A_124 : memref<64xi32, #tpu.memory_space<vmem>>) target_semaphore(%arg16 : memref<!tpu.dma_semaphore, #tpu.memory_space<semaphore_mem>>)
    %rem3A_128 = arith.constant 4 : i32
    %rem3A_129 = arith.constant 12 : i32
    %rem3A_130 = arith.remsi %rem3A_128, %rem3A_129 : i32
    %add3A_131 = arith.constant 4 : i32
    %add3A_132 = arith.addi %add3A, %add3A_131 : i32
    %add3A_133 = arith.constant 4 : i32
    %add3A_134 = arith.addi %add3A, %add3A_133 : i32
    %dma_start3A_135 = arith.constant 0 : i32
    %dma_start3A_136 = tpu.memref_slice %arg6[%rem3A_130, %dma_start3A_135] : memref<12x64xi32, #tpu.memory_space<vmem>> -> memref<1x64xi32, #tpu.memory_space<vmem>>
    %dma_start3A_137 = tpu.memref_squeeze %dma_start3A_136 : memref<1x64xi32, #tpu.memory_space<vmem>> -> memref<64xi32, #tpu.memory_space<vmem>>
    %dma_start3A_138 = arith.constant 0 : i32
    %dma_start3A_139 = tpu.memref_slice %arg3[%add3A_132, %dma_start3A_138] : memref<5120x64xi32, #tpu.memory_space<hbm>> -> memref<1x64xi32, #tpu.memory_space<hbm>>
    %dma_start3A_140 = tpu.memref_squeeze %dma_start3A_139 : memref<1x64xi32, #tpu.memory_space<hbm>> -> memref<64xi32, #tpu.memory_space<hbm>>
    %dma_start3A_141 = arith.constant 0 : i32
    %dma_start3A_142 = tpu.memref_slice %arg6[%rem3A_130, %dma_start3A_141] : memref<12x64xi32, #tpu.memory_space<vmem>> -> memref<1x64xi32, #tpu.memory_space<vmem>>
    %dma_start3A_143 = tpu.memref_squeeze %dma_start3A_142 : memref<1x64xi32, #tpu.memory_space<vmem>> -> memref<64xi32, #tpu.memory_space<vmem>>
    %dma_start3A_144 = arith.constant 0 : i32
    %dma_start3A_145 = tpu.memref_slice %arg3[%add3A_132, %dma_start3A_144] : memref<5120x64xi32, #tpu.memory_space<hbm>> -> memref<1x64xi32, #tpu.memory_space<hbm>>
    %dma_start3A_146 = tpu.memref_squeeze %dma_start3A_145 : memref<1x64xi32, #tpu.memory_space<hbm>> -> memref<64xi32, #tpu.memory_space<hbm>>
    tpu.enqueue_dma source(%dma_start3A_146 : memref<64xi32, #tpu.memory_space<hbm>>) target(%dma_start3A_143 : memref<64xi32, #tpu.memory_space<vmem>>) target_semaphore(%arg16 : memref<!tpu.dma_semaphore, #tpu.memory_space<semaphore_mem>>)
    %dma_start3A_147 = arith.constant 0 : i32
    %dma_start3A_148 = tpu.memref_slice %arg7[%rem3A_130, %dma_start3A_147] : memref<12x64xi32, #tpu.memory_space<vmem>> -> memref<1x64xi32, #tpu.memory_space<vmem>>
    %dma_start3A_149 = tpu.memref_squeeze %dma_start3A_148 : memref<1x64xi32, #tpu.memory_space<vmem>> -> memref<64xi32, #tpu.memory_space<vmem>>
    %dma_start3A_150 = arith.constant 0 : i32
    %dma_start3A_151 = tpu.memref_slice %arg4[%add3A_134, %dma_start3A_150] : memref<5120x64xi32, #tpu.memory_space<hbm>> -> memref<1x64xi32, #tpu.memory_space<hbm>>
    %dma_start3A_152 = tpu.memref_squeeze %dma_start3A_151 : memref<1x64xi32, #tpu.memory_space<hbm>> -> memref<64xi32, #tpu.memory_space<hbm>>
    %dma_start3A_153 = arith.constant 0 : i32
    %dma_start3A_154 = tpu.memref_slice %arg7[%rem3A_130, %dma_start3A_153] : memref<12x64xi32, #tpu.memory_space<vmem>> -> memref<1x64xi32, #tpu.memory_space<vmem>>
    %dma_start3A_155 = tpu.memref_squeeze %dma_start3A_154 : memref<1x64xi32, #tpu.memory_space<vmem>> -> memref<64xi32, #tpu.memory_space<vmem>>
    %dma_start3A_156 = arith.constant 0 : i32
    %dma_start3A_157 = tpu.memref_slice %arg4[%add3A_134, %dma_start3A_156] : memref<5120x64xi32, #tpu.memory_space<hbm>> -> memref<1x64xi32, #tpu.memory_space<hbm>>
    %dma_start3A_158 = tpu.memref_squeeze %dma_start3A_157 : memref<1x64xi32, #tpu.memory_space<hbm>> -> memref<64xi32, #tpu.memory_space<hbm>>
    tpu.enqueue_dma source(%dma_start3A_158 : memref<64xi32, #tpu.memory_space<hbm>>) target(%dma_start3A_155 : memref<64xi32, #tpu.memory_space<vmem>>) target_semaphore(%arg16 : memref<!tpu.dma_semaphore, #tpu.memory_space<semaphore_mem>>)
    %rem3A_159 = arith.constant 5 : i32
    %rem3A_160 = arith.constant 12 : i32
    %rem3A_161 = arith.remsi %rem3A_159, %rem3A_160 : i32
    %add3A_162 = arith.constant 5 : i32
    %add3A_163 = arith.addi %add3A, %add3A_162 : i32
    %add3A_164 = arith.constant 5 : i32
    %add3A_165 = arith.addi %add3A, %add3A_164 : i32
    %dma_start3A_166 = arith.constant 0 : i32
    %dma_start3A_167 = tpu.memref_slice %arg6[%rem3A_161, %dma_start3A_166] : memref<12x64xi32, #tpu.memory_space<vmem>> -> memref<1x64xi32, #tpu.memory_space<vmem>>
    %dma_start3A_168 = tpu.memref_squeeze %dma_start3A_167 : memref<1x64xi32, #tpu.memory_space<vmem>> -> memref<64xi32, #tpu.memory_space<vmem>>
    %dma_start3A_169 = arith.constant 0 : i32
    %dma_start3A_170 = tpu.memref_slice %arg3[%add3A_163, %dma_start3A_169] : memref<5120x64xi32, #tpu.memory_space<hbm>> -> memref<1x64xi32, #tpu.memory_space<hbm>>
    %dma_start3A_171 = tpu.memref_squeeze %dma_start3A_170 : memref<1x64xi32, #tpu.memory_space<hbm>> -> memref<64xi32, #tpu.memory_space<hbm>>
    %dma_start3A_172 = arith.constant 0 : i32
    %dma_start3A_173 = tpu.memref_slice %arg6[%rem3A_161, %dma_start3A_172] : memref<12x64xi32, #tpu.memory_space<vmem>> -> memref<1x64xi32, #tpu.memory_space<vmem>>
    %dma_start3A_174 = tpu.memref_squeeze %dma_start3A_173 : memref<1x64xi32, #tpu.memory_space<vmem>> -> memref<64xi32, #tpu.memory_space<vmem>>
    %dma_start3A_175 = arith.constant 0 : i32
    %dma_start3A_176 = tpu.memref_slice %arg3[%add3A_163, %dma_start3A_175] : memref<5120x64xi32, #tpu.memory_space<hbm>> -> memref<1x64xi32, #tpu.memory_space<hbm>>
    %dma_start3A_177 = tpu.memref_squeeze %dma_start3A_176 : memref<1x64xi32, #tpu.memory_space<hbm>> -> memref<64xi32, #tpu.memory_space<hbm>>
    tpu.enqueue_dma source(%dma_start3A_177 : memref<64xi32, #tpu.memory_space<hbm>>) target(%dma_start3A_174 : memref<64xi32, #tpu.memory_space<vmem>>) target_semaphore(%arg16 : memref<!tpu.dma_semaphore, #tpu.memory_space<semaphore_mem>>)
    %dma_start3A_178 = arith.constant 0 : i32
    %dma_start3A_179 = tpu.memref_slice %arg7[%rem3A_161, %dma_start3A_178] : memref<12x64xi32, #tpu.memory_space<vmem>> -> memref<1x64xi32, #tpu.memory_space<vmem>>
    %dma_start3A_180 = tpu.memref_squeeze %dma_start3A_179 : memref<1x64xi32, #tpu.memory_space<vmem>> -> memref<64xi32, #tpu.memory_space<vmem>>
    %dma_start3A_181 = arith.constant 0 : i32
    %dma_start3A_182 = tpu.memref_slice %arg4[%add3A_165, %dma_start3A_181] : memref<5120x64xi32, #tpu.memory_space<hbm>> -> memref<1x64xi32, #tpu.memory_space<hbm>>
    %dma_start3A_183 = tpu.memref_squeeze %dma_start3A_182 : memref<1x64xi32, #tpu.memory_space<hbm>> -> memref<64xi32, #tpu.memory_space<hbm>>
    %dma_start3A_184 = arith.constant 0 : i32
    %dma_start3A_185 = tpu.memref_slice %arg7[%rem3A_161, %dma_start3A_184] : memref<12x64xi32, #tpu.memory_space<vmem>> -> memref<1x64xi32, #tpu.memory_space<vmem>>
    %dma_start3A_186 = tpu.memref_squeeze %dma_start3A_185 : memref<1x64xi32, #tpu.memory_space<vmem>> -> memref<64xi32, #tpu.memory_space<vmem>>
    %dma_start3A_187 = arith.constant 0 : i32
    %dma_start3A_188 = tpu.memref_slice %arg4[%add3A_165, %dma_start3A_187] : memref<5120x64xi32, #tpu.memory_space<hbm>> -> memref<1x64xi32, #tpu.memory_space<hbm>>
    %dma_start3A_189 = tpu.memref_squeeze %dma_start3A_188 : memref<1x64xi32, #tpu.memory_space<hbm>> -> memref<64xi32, #tpu.memory_space<hbm>>
    tpu.enqueue_dma source(%dma_start3A_189 : memref<64xi32, #tpu.memory_space<hbm>>) target(%dma_start3A_186 : memref<64xi32, #tpu.memory_space<vmem>>) target_semaphore(%arg16 : memref<!tpu.dma_semaphore, #tpu.memory_space<semaphore_mem>>)
    %rem3A_190 = arith.constant 6 : i32
    %rem3A_191 = arith.constant 12 : i32
    %rem3A_192 = arith.remsi %rem3A_190, %rem3A_191 : i32
    %add3A_193 = arith.constant 6 : i32
    %add3A_194 = arith.addi %add3A, %add3A_193 : i32
    %add3A_195 = arith.constant 6 : i32
    %add3A_196 = arith.addi %add3A, %add3A_195 : i32
    %dma_start3A_197 = arith.constant 0 : i32
    %dma_start3A_198 = tpu.memref_slice %arg6[%rem3A_192, %dma_start3A_197] : memref<12x64xi32, #tpu.memory_space<vmem>> -> memref<1x64xi32, #tpu.memory_space<vmem>>
    %dma_start3A_199 = tpu.memref_squeeze %dma_start3A_198 : memref<1x64xi32, #tpu.memory_space<vmem>> -> memref<64xi32, #tpu.memory_space<vmem>>
    %dma_start3A_200 = arith.constant 0 : i32
    %dma_start3A_201 = tpu.memref_slice %arg3[%add3A_194, %dma_start3A_200] : memref<5120x64xi32, #tpu.memory_space<hbm>> -> memref<1x64xi32, #tpu.memory_space<hbm>>
    %dma_start3A_202 = tpu.memref_squeeze %dma_start3A_201 : memref<1x64xi32, #tpu.memory_space<hbm>> -> memref<64xi32, #tpu.memory_space<hbm>>
    %dma_start3A_203 = arith.constant 0 : i32
    %dma_start3A_204 = tpu.memref_slice %arg6[%rem3A_192, %dma_start3A_203] : memref<12x64xi32, #tpu.memory_space<vmem>> -> memref<1x64xi32, #tpu.memory_space<vmem>>
    %dma_start3A_205 = tpu.memref_squeeze %dma_start3A_204 : memref<1x64xi32, #tpu.memory_space<vmem>> -> memref<64xi32, #tpu.memory_space<vmem>>
    %dma_start3A_206 = arith.constant 0 : i32
    %dma_start3A_207 = tpu.memref_slice %arg3[%add3A_194, %dma_start3A_206] : memref<5120x64xi32, #tpu.memory_space<hbm>> -> memref<1x64xi32, #tpu.memory_space<hbm>>
    %dma_start3A_208 = tpu.memref_squeeze %dma_start3A_207 : memref<1x64xi32, #tpu.memory_space<hbm>> -> memref<64xi32, #tpu.memory_space<hbm>>
    tpu.enqueue_dma source(%dma_start3A_208 : memref<64xi32, #tpu.memory_space<hbm>>) target(%dma_start3A_205 : memref<64xi32, #tpu.memory_space<vmem>>) target_semaphore(%arg16 : memref<!tpu.dma_semaphore, #tpu.memory_space<semaphore_mem>>)
    %dma_start3A_209 = arith.constant 0 : i32
    %dma_start3A_210 = tpu.memref_slice %arg7[%rem3A_192, %dma_start3A_209] : memref<12x64xi32, #tpu.memory_space<vmem>> -> memref<1x64xi32, #tpu.memory_space<vmem>>
    %dma_start3A_211 = tpu.memref_squeeze %dma_start3A_210 : memref<1x64xi32, #tpu.memory_space<vmem>> -> memref<64xi32, #tpu.memory_space<vmem>>
    %dma_start3A_212 = arith.constant 0 : i32
    %dma_start3A_213 = tpu.memref_slice %arg4[%add3A_196, %dma_start3A_212] : memref<5120x64xi32, #tpu.memory_space<hbm>> -> memref<1x64xi32, #tpu.memory_space<hbm>>
    %dma_start3A_214 = tpu.memref_squeeze %dma_start3A_213 : memref<1x64xi32, #tpu.memory_space<hbm>> -> memref<64xi32, #tpu.memory_space<hbm>>
    %dma_start3A_215 = arith.constant 0 : i32
    %dma_start3A_216 = tpu.memref_slice %arg7[%rem3A_192, %dma_start3A_215] : memref<12x64xi32, #tpu.memory_space<vmem>> -> memref<1x64xi32, #tpu.memory_space<vmem>>
    %dma_start3A_217 = tpu.memref_squeeze %dma_start3A_216 : memref<1x64xi32, #tpu.memory_space<vmem>> -> memref<64xi32, #tpu.memory_space<vmem>>
    %dma_start3A_218 = arith.constant 0 : i32
    %dma_start3A_219 = tpu.memref_slice %arg4[%add3A_196, %dma_start3A_218] : memref<5120x64xi32, #tpu.memory_space<hbm>> -> memref<1x64xi32, #tpu.memory_space<hbm>>
    %dma_start3A_220 = tpu.memref_squeeze %dma_start3A_219 : memref<1x64xi32, #tpu.memory_space<hbm>> -> memref<64xi32, #tpu.memory_space<hbm>>
    tpu.enqueue_dma source(%dma_start3A_220 : memref<64xi32, #tpu.memory_space<hbm>>) target(%dma_start3A_217 : memref<64xi32, #tpu.memory_space<vmem>>) target_semaphore(%arg16 : memref<!tpu.dma_semaphore, #tpu.memory_space<semaphore_mem>>)
    %rem3A_221 = arith.constant 7 : i32
    %rem3A_222 = arith.constant 12 : i32
    %rem3A_223 = arith.remsi %rem3A_221, %rem3A_222 : i32
    %add3A_224 = arith.constant 7 : i32
    %add3A_225 = arith.addi %add3A, %add3A_224 : i32
    %add3A_226 = arith.constant 7 : i32
    %add3A_227 = arith.addi %add3A, %add3A_226 : i32
    %dma_start3A_228 = arith.constant 0 : i32
    %dma_start3A_229 = tpu.memref_slice %arg6[%rem3A_223, %dma_start3A_228] : memref<12x64xi32, #tpu.memory_space<vmem>> -> memref<1x64xi32, #tpu.memory_space<vmem>>
    %dma_start3A_230 = tpu.memref_squeeze %dma_start3A_229 : memref<1x64xi32, #tpu.memory_space<vmem>> -> memref<64xi32, #tpu.memory_space<vmem>>
    %dma_start3A_231 = arith.constant 0 : i32
    %dma_start3A_232 = tpu.memref_slice %arg3[%add3A_225, %dma_start3A_231] : memref<5120x64xi32, #tpu.memory_space<hbm>> -> memref<1x64xi32, #tpu.memory_space<hbm>>
    %dma_start3A_233 = tpu.memref_squeeze %dma_start3A_232 : memref<1x64xi32, #tpu.memory_space<hbm>> -> memref<64xi32, #tpu.memory_space<hbm>>
    %dma_start3A_234 = arith.constant 0 : i32
    %dma_start3A_235 = tpu.memref_slice %arg6[%rem3A_223, %dma_start3A_234] : memref<12x64xi32, #tpu.memory_space<vmem>> -> memref<1x64xi32, #tpu.memory_space<vmem>>
    %dma_start3A_236 = tpu.memref_squeeze %dma_start3A_235 : memref<1x64xi32, #tpu.memory_space<vmem>> -> memref<64xi32, #tpu.memory_space<vmem>>
    %dma_start3A_237 = arith.constant 0 : i32
    %dma_start3A_238 = tpu.memref_slice %arg3[%add3A_225, %dma_start3A_237] : memref<5120x64xi32, #tpu.memory_space<hbm>> -> memref<1x64xi32, #tpu.memory_space<hbm>>
    %dma_start3A_239 = tpu.memref_squeeze %dma_start3A_238 : memref<1x64xi32, #tpu.memory_space<hbm>> -> memref<64xi32, #tpu.memory_space<hbm>>
    tpu.enqueue_dma source(%dma_start3A_239 : memref<64xi32, #tpu.memory_space<hbm>>) target(%dma_start3A_236 : memref<64xi32, #tpu.memory_space<vmem>>) target_semaphore(%arg16 : memref<!tpu.dma_semaphore, #tpu.memory_space<semaphore_mem>>)
    %dma_start3A_240 = arith.constant 0 : i32
    %dma_start3A_241 = tpu.memref_slice %arg7[%rem3A_223, %dma_start3A_240] : memref<12x64xi32, #tpu.memory_space<vmem>> -> memref<1x64xi32, #tpu.memory_space<vmem>>
    %dma_start3A_242 = tpu.memref_squeeze %dma_start3A_241 : memref<1x64xi32, #tpu.memory_space<vmem>> -> memref<64xi32, #tpu.memory_space<vmem>>
    %dma_start3A_243 = arith.constant 0 : i32
    %dma_start3A_244 = tpu.memref_slice %arg4[%add3A_227, %dma_start3A_243] : memref<5120x64xi32, #tpu.memory_space<hbm>> -> memref<1x64xi32, #tpu.memory_space<hbm>>
    %dma_start3A_245 = tpu.memref_squeeze %dma_start3A_244 : memref<1x64xi32, #tpu.memory_space<hbm>> -> memref<64xi32, #tpu.memory_space<hbm>>
    %dma_start3A_246 = arith.constant 0 : i32
    %dma_start3A_247 = tpu.memref_slice %arg7[%rem3A_223, %dma_start3A_246] : memref<12x64xi32, #tpu.memory_space<vmem>> -> memref<1x64xi32, #tpu.memory_space<vmem>>
    %dma_start3A_248 = tpu.memref_squeeze %dma_start3A_247 : memref<1x64xi32, #tpu.memory_space<vmem>> -> memref<64xi32, #tpu.memory_space<vmem>>
    %dma_start3A_249 = arith.constant 0 : i32
    %dma_start3A_250 = tpu.memref_slice %arg4[%add3A_227, %dma_start3A_249] : memref<5120x64xi32, #tpu.memory_space<hbm>> -> memref<1x64xi32, #tpu.memory_space<hbm>>
    %dma_start3A_251 = tpu.memref_squeeze %dma_start3A_250 : memref<1x64xi32, #tpu.memory_space<hbm>> -> memref<64xi32, #tpu.memory_space<hbm>>
    tpu.enqueue_dma source(%dma_start3A_251 : memref<64xi32, #tpu.memory_space<hbm>>) target(%dma_start3A_248 : memref<64xi32, #tpu.memory_space<vmem>>) target_semaphore(%arg16 : memref<!tpu.dma_semaphore, #tpu.memory_space<semaphore_mem>>)
    %scan3A = arith.constant 0 : i32
    %scan3A_252 = arith.constant 0 : i32
    %scan3A_253 = arith.constant 8 : i32
    %scan3A_254 = arith.addi %scan3A_252, %scan3A_253 : i32
    %scan3A_255 = arith.constant 1 : i32
    scf.for %scan3A_479 = %scan3A_252 to %scan3A_254 step %scan3A_255  : i32 {
      %broadcast_in_dim3A = arith.constant 0.000000e+00 : f32
      %broadcast_in_dim3A_480 = vector.broadcast %broadcast_in_dim3A : f32 to vector<16xf32>
      %swap3A = arith.index_cast %scan3A_479 : i32 to index
      %swap3A_481 = arith.constant 0 : index
      %swap3A_482 = tpu.vector_load %arg9[%swap3A, %swap3A_481] {strides = array<i32>} : memref<8x128xf32, #tpu.memory_space<vmem>>, vector<1x16xf32>,
      %swap3A_483 = vector.shape_cast %swap3A_482 : vector<1x16xf32> to vector<16xf32>
      %swap3A_484 = vector.shape_cast %broadcast_in_dim3A_480 : vector<16xf32> to vector<1x16xf32>
      tpu.vector_store %arg9[%swap3A, %swap3A_481], %swap3A_484 {strides = array<i32>} : memref<8x128xf32, #tpu.memory_space<vmem>>, vector<1x16xf32>,
      %broadcast_in_dim3A_485 = arith.constant 0.000000e+00 : f32
      %broadcast_in_dim3A_486 = vector.broadcast %broadcast_in_dim3A_485 : f32 to vector<16xf32>
      %swap3A_487 = arith.index_cast %scan3A_479 : i32 to index
      %swap3A_488 = arith.constant 16 : index
      %swap3A_489 = tpu.vector_load %arg9[%swap3A_487, %swap3A_488] {strides = array<i32>} : memref<8x128xf32, #tpu.memory_space<vmem>>, vector<1x16xf32>,
      %swap3A_490 = vector.shape_cast %swap3A_489 : vector<1x16xf32> to vector<16xf32>
      %swap3A_491 = vector.shape_cast %broadcast_in_dim3A_486 : vector<16xf32> to vector<1x16xf32>
      tpu.vector_store %arg9[%swap3A_487, %swap3A_488], %swap3A_491 {strides = array<i32>} : memref<8x128xf32, #tpu.memory_space<vmem>>, vector<1x16xf32>,
      %broadcast_in_dim3A_492 = arith.constant 0.000000e+00 : f32
      %broadcast_in_dim3A_493 = vector.broadcast %broadcast_in_dim3A_492 : f32 to vector<16xf32>
      %swap3A_494 = arith.index_cast %scan3A_479 : i32 to index
      %swap3A_495 = arith.constant 32 : index
      %swap3A_496 = tpu.vector_load %arg9[%swap3A_494, %swap3A_495] {strides = array<i32>} : memref<8x128xf32, #tpu.memory_space<vmem>>, vector<1x16xf32>,
      %swap3A_497 = vector.shape_cast %swap3A_496 : vector<1x16xf32> to vector<16xf32>
      %swap3A_498 = vector.shape_cast %broadcast_in_dim3A_493 : vector<16xf32> to vector<1x16xf32>
      tpu.vector_store %arg9[%swap3A_494, %swap3A_495], %swap3A_498 {strides = array<i32>} : memref<8x128xf32, #tpu.memory_space<vmem>>, vector<1x16xf32>,
      %broadcast_in_dim3A_499 = arith.constant 0.000000e+00 : f32
      %broadcast_in_dim3A_500 = vector.broadcast %broadcast_in_dim3A_499 : f32 to vector<16xf32>
      %swap3A_501 = arith.index_cast %scan3A_479 : i32 to index
      %swap3A_502 = arith.constant 48 : index
      %swap3A_503 = tpu.vector_load %arg9[%swap3A_501, %swap3A_502] {strides = array<i32>} : memref<8x128xf32, #tpu.memory_space<vmem>>, vector<1x16xf32>,
      %swap3A_504 = vector.shape_cast %swap3A_503 : vector<1x16xf32> to vector<16xf32>
      %swap3A_505 = vector.shape_cast %broadcast_in_dim3A_500 : vector<16xf32> to vector<1x16xf32>
      tpu.vector_store %arg9[%swap3A_501, %swap3A_502], %swap3A_505 {strides = array<i32>} : memref<8x128xf32, #tpu.memory_space<vmem>>, vector<1x16xf32>,
      %broadcast_in_dim3A_506 = arith.constant 0.000000e+00 : f32
      %broadcast_in_dim3A_507 = vector.broadcast %broadcast_in_dim3A_506 : f32 to vector<16xf32>
      %swap3A_508 = arith.index_cast %scan3A_479 : i32 to index
      %swap3A_509 = arith.constant 64 : index
      %swap3A_510 = tpu.vector_load %arg9[%swap3A_508, %swap3A_509] {strides = array<i32>} : memref<8x128xf32, #tpu.memory_space<vmem>>, vector<1x16xf32>,
      %swap3A_511 = vector.shape_cast %swap3A_510 : vector<1x16xf32> to vector<16xf32>
      %swap3A_512 = vector.shape_cast %broadcast_in_dim3A_507 : vector<16xf32> to vector<1x16xf32>
      tpu.vector_store %arg9[%swap3A_508, %swap3A_509], %swap3A_512 {strides = array<i32>} : memref<8x128xf32, #tpu.memory_space<vmem>>, vector<1x16xf32>,
      %broadcast_in_dim3A_513 = arith.constant 0.000000e+00 : f32
      %broadcast_in_dim3A_514 = vector.broadcast %broadcast_in_dim3A_513 : f32 to vector<16xf32>
      %swap3A_515 = arith.index_cast %scan3A_479 : i32 to index
      %swap3A_516 = arith.constant 80 : index
      %swap3A_517 = tpu.vector_load %arg9[%swap3A_515, %swap3A_516] {strides = array<i32>} : memref<8x128xf32, #tpu.memory_space<vmem>>, vector<1x16xf32>,
      %swap3A_518 = vector.shape_cast %swap3A_517 : vector<1x16xf32> to vector<16xf32>
      %swap3A_519 = vector.shape_cast %broadcast_in_dim3A_514 : vector<16xf32> to vector<1x16xf32>
      tpu.vector_store %arg9[%swap3A_515, %swap3A_516], %swap3A_519 {strides = array<i32>} : memref<8x128xf32, #tpu.memory_space<vmem>>, vector<1x16xf32>,
      %broadcast_in_dim3A_520 = arith.constant 0.000000e+00 : f32
      %broadcast_in_dim3A_521 = vector.broadcast %broadcast_in_dim3A_520 : f32 to vector<16xf32>
      %swap3A_522 = arith.index_cast %scan3A_479 : i32 to index
      %swap3A_523 = arith.constant 96 : index
      %swap3A_524 = tpu.vector_load %arg9[%swap3A_522, %swap3A_523] {strides = array<i32>} : memref<8x128xf32, #tpu.memory_space<vmem>>, vector<1x16xf32>,
      %swap3A_525 = vector.shape_cast %swap3A_524 : vector<1x16xf32> to vector<16xf32>
      %swap3A_526 = vector.shape_cast %broadcast_in_dim3A_521 : vector<16xf32> to vector<1x16xf32>
      tpu.vector_store %arg9[%swap3A_522, %swap3A_523], %swap3A_526 {strides = array<i32>} : memref<8x128xf32, #tpu.memory_space<vmem>>, vector<1x16xf32>,
      %broadcast_in_dim3A_527 = arith.constant 0.000000e+00 : f32
      %broadcast_in_dim3A_528 = vector.broadcast %broadcast_in_dim3A_527 : f32 to vector<16xf32>
      %swap3A_529 = arith.index_cast %scan3A_479 : i32 to index
      %swap3A_530 = arith.constant 112 : index
      %swap3A_531 = tpu.vector_load %arg9[%swap3A_529, %swap3A_530] {strides = array<i32>} : memref<8x128xf32, #tpu.memory_space<vmem>>, vector<1x16xf32>,
      %swap3A_532 = vector.shape_cast %swap3A_531 : vector<1x16xf32> to vector<16xf32>
      %swap3A_533 = vector.shape_cast %broadcast_in_dim3A_528 : vector<16xf32> to vector<1x16xf32>
      tpu.vector_store %arg9[%swap3A_529, %swap3A_530], %swap3A_533 {strides = array<i32>} : memref<8x128xf32, #tpu.memory_space<vmem>>, vector<1x16xf32>,
    }
    %scan3A_256 = arith.constant 8 : i32
    %scan3A_257 = arith.constant 0 : i32
    %scan3A_258 = arith.constant 0 : i32
    %scan3A_259 = arith.constant 80 : i32
    %scan3A_260 = arith.addi %scan3A_258, %scan3A_259 : i32
    %scan3A_261 = arith.constant 1 : i32
    scf.for %scan3A_479 = %scan3A_258 to %scan3A_260 step %scan3A_261  : i32 {
      %mul3A_480 = arith.constant 640 : i32
      %mul3A_481 = arith.muli %arg1, %mul3A_480 : i32
      %mul3A_482 = arith.constant 8 : i32
      %mul3A_483 = arith.muli %scan3A_479, %mul3A_482 : i32
      %add3A_484 = arith.addi %mul3A_481, %mul3A_483 : i32
      "tpu.region"() ({
        %run_scoped3A = tpu.sem_alloc : memref<!tpu.dma_semaphore, #tpu.memory_space<semaphore_mem>>
        %dma_start3A_485 = arith.constant 0 : i32
        %dma_start3A_486 = tpu.memref_slice %arg11[%add3A_484, %dma_start3A_485] : memref<10240x128xf32, #tpu.memory_space<vmem_shared>> -> memref<8x128xf32, #tpu.memory_space<vmem_shared>>
        %dma_start3A_487 = arith.constant 0 : i32
        %dma_start3A_488 = tpu.memref_slice %arg11[%add3A_484, %dma_start3A_487] : memref<10240x128xf32, #tpu.memory_space<vmem_shared>> -> memref<8x128xf32, #tpu.memory_space<vmem_shared>>
        tpu.enqueue_dma source(%arg9 : memref<8x128xf32, #tpu.memory_space<vmem>>) target(%dma_start3A_488 : memref<8x128xf32, #tpu.memory_space<vmem_shared>>) target_semaphore(%run_scoped3A : memref<!tpu.dma_semaphore, #tpu.memory_space<semaphore_mem>>)
        %dma_wait3A_489 = arith.constant 0 : i32
        %dma_wait3A_490 = tpu.memref_slice %arg11[%add3A_484, %dma_wait3A_489] : memref<10240x128xf32, #tpu.memory_space<vmem_shared>> -> memref<8x128xf32, #tpu.memory_space<vmem_shared>>
        %dma_wait3A_491 = arith.constant 0 : i32
        %dma_wait3A_492 = tpu.memref_slice %arg11[%add3A_484, %dma_wait3A_491] : memref<10240x128xf32, #tpu.memory_space<vmem_shared>> -> memref<8x128xf32, #tpu.memory_space<vmem_shared>>
        tpu.wait_dma2 semaphore(%run_scoped3A : memref<!tpu.dma_semaphore, #tpu.memory_space<semaphore_mem>>) src(%arg9 : memref<8x128xf32, #tpu.memory_space<vmem>>) dst(%dma_wait3A_492 : memref<8x128xf32, #tpu.memory_space<vmem_shared>>)
        tpu.yield
      }) : () -> ()
    }
    %scan3A_262 = arith.constant 80 : i32
    %barrier3A = arith.constant 0 : index
    tpu.barrier barrier_id(%barrier3A)
    %rem3A_263 = arith.constant 0 : i32
    %rem3A_264 = arith.constant 12 : i32
    %rem3A_265 = arith.remsi %rem3A_263, %rem3A_264 : i32
    %add3A_266 = arith.constant 0 : i32
    %add3A_267 = arith.addi %add3A, %add3A_266 : i32
    %add3A_268 = arith.constant 0 : i32
    %add3A_269 = arith.addi %add3A, %add3A_268 : i32
    %dma_wait3A = arith.constant 0 : i32
    %dma_wait3A_270 = tpu.memref_slice %arg6[%rem3A_265, %dma_wait3A] : memref<12x64xi32, #tpu.memory_space<vmem>> -> memref<1x64xi32, #tpu.memory_space<vmem>>
    %dma_wait3A_271 = tpu.memref_squeeze %dma_wait3A_270 : memref<1x64xi32, #tpu.memory_space<vmem>> -> memref<64xi32, #tpu.memory_space<vmem>>
    %dma_wait3A_272 = arith.constant 0 : i32
    %dma_wait3A_273 = tpu.memref_slice %arg3[%add3A_267, %dma_wait3A_272] : memref<5120x64xi32, #tpu.memory_space<hbm>> -> memref<1x64xi32, #tpu.memory_space<hbm>>
    %dma_wait3A_274 = tpu.memref_squeeze %dma_wait3A_273 : memref<1x64xi32, #tpu.memory_space<hbm>> -> memref<64xi32, #tpu.memory_space<hbm>>
    %dma_wait3A_275 = arith.constant 0 : i32
    %dma_wait3A_276 = tpu.memref_slice %arg6[%rem3A_265, %dma_wait3A_275] : memref<12x64xi32, #tpu.memory_space<vmem>> -> memref<1x64xi32, #tpu.memory_space<vmem>>
    %dma_wait3A_277 = tpu.memref_squeeze %dma_wait3A_276 : memref<1x64xi32, #tpu.memory_space<vmem>> -> memref<64xi32, #tpu.memory_space<vmem>>
    %dma_wait3A_278 = arith.constant 0 : i32
    %dma_wait3A_279 = tpu.memref_slice %arg3[%add3A_267, %dma_wait3A_278] : memref<5120x64xi32, #tpu.memory_space<hbm>> -> memref<1x64xi32, #tpu.memory_space<hbm>>
    %dma_wait3A_280 = tpu.memref_squeeze %dma_wait3A_279 : memref<1x64xi32, #tpu.memory_space<hbm>> -> memref<64xi32, #tpu.memory_space<hbm>>
    tpu.wait_dma2 semaphore(%arg16 : memref<!tpu.dma_semaphore, #tpu.memory_space<semaphore_mem>>) src(%dma_wait3A_280 : memref<64xi32, #tpu.memory_space<hbm>>) dst(%dma_wait3A_277 : memref<64xi32, #tpu.memory_space<vmem>>)
    %dma_wait3A_281 = arith.constant 0 : i32
    %dma_wait3A_282 = tpu.memref_slice %arg7[%rem3A_265, %dma_wait3A_281] : memref<12x64xi32, #tpu.memory_space<vmem>> -> memref<1x64xi32, #tpu.memory_space<vmem>>
    %dma_wait3A_283 = tpu.memref_squeeze %dma_wait3A_282 : memref<1x64xi32, #tpu.memory_space<vmem>> -> memref<64xi32, #tpu.memory_space<vmem>>
    %dma_wait3A_284 = arith.constant 0 : i32
    %dma_wait3A_285 = tpu.memref_slice %arg4[%add3A_269, %dma_wait3A_284] : memref<5120x64xi32, #tpu.memory_space<hbm>> -> memref<1x64xi32, #tpu.memory_space<hbm>>
    %dma_wait3A_286 = tpu.memref_squeeze %dma_wait3A_285 : memref<1x64xi32, #tpu.memory_space<hbm>> -> memref<64xi32, #tpu.memory_space<hbm>>
    %dma_wait3A_287 = arith.constant 0 : i32
    %dma_wait3A_288 = tpu.memref_slice %arg7[%rem3A_265, %dma_wait3A_287] : memref<12x64xi32, #tpu.memory_space<vmem>> -> memref<1x64xi32, #tpu.memory_space<vmem>>
    %dma_wait3A_289 = tpu.memref_squeeze %dma_wait3A_288 : memref<1x64xi32, #tpu.memory_space<vmem>> -> memref<64xi32, #tpu.memory_space<vmem>>
    %dma_wait3A_290 = arith.constant 0 : i32
    %dma_wait3A_291 = tpu.memref_slice %arg4[%add3A_269, %dma_wait3A_290] : memref<5120x64xi32, #tpu.memory_space<hbm>> -> memref<1x64xi32, #tpu.memory_space<hbm>>
    %dma_wait3A_292 = tpu.memref_squeeze %dma_wait3A_291 : memref<1x64xi32, #tpu.memory_space<hbm>> -> memref<64xi32, #tpu.memory_space<hbm>>
    tpu.wait_dma2 semaphore(%arg16 : memref<!tpu.dma_semaphore, #tpu.memory_space<semaphore_mem>>) src(%dma_wait3A_292 : memref<64xi32, #tpu.memory_space<hbm>>) dst(%dma_wait3A_289 : memref<64xi32, #tpu.memory_space<vmem>>)
    %rem3A_293 = arith.constant 0 : i32
    %rem3A_294 = arith.constant 12 : i32
    %rem3A_295 = arith.remsi %rem3A_293, %rem3A_294 : i32
    %rem3A_296 = arith.constant 0 : i32
    %rem3A_297 = arith.constant 5 : i32
    %rem3A_298 = arith.remsi %rem3A_296, %rem3A_297 : i32
    %dma_start3A_299 = arith.constant 0 : i32
    %dma_start3A_300 = arith.constant 0 : i32
    %dma_start3A_301 = tpu.memref_slice %arg8[%rem3A_298, %dma_start3A_299, %dma_start3A_300] : memref<5x64x128xf32, #tpu.memory_space<vmem>> -> memref<1x64x128xf32, #tpu.memory_space<vmem>>
    %dma_start3A_302 = tpu.memref_squeeze %dma_start3A_301 : memref<1x64x128xf32, #tpu.memory_space<vmem>> -> memref<64x128xf32, #tpu.memory_space<vmem>>
    %dma_start3A_303 = arith.constant 0 : i32
    %dma_start3A_304 = tpu.memref_slice %arg6[%rem3A_295, %dma_start3A_303] : memref<12x64xi32, #tpu.memory_space<vmem>> -> memref<1x64xi32, #tpu.memory_space<vmem>>
    %dma_start3A_305 = tpu.memref_squeeze %dma_start3A_304 : memref<1x64xi32, #tpu.memory_space<vmem>> -> memref<64xi32, #tpu.memory_space<vmem>>
    %dma_start3A_306 = arith.constant 0 : i32
    %dma_start3A_307 = arith.constant 0 : i32
    %dma_start3A_308 = tpu.memref_slice %arg2[%dma_start3A_306, %dma_start3A_307] : memref<10000x128xf32, #tpu.memory_space<hbm>> -> memref<10000x128xf32, #tpu.memory_space<hbm>>
    tpu.enqueue_indirect_dma source(%dma_start3A_308 : memref<10000x128xf32, #tpu.memory_space<hbm>>) target(%dma_start3A_302 : memref<64x128xf32, #tpu.memory_space<vmem>>) offsets(%dma_start3A_305 : memref<64xi32, #tpu.memory_space<vmem>>) semaphore(%arg13 : memref<!tpu.dma_semaphore, #tpu.memory_space<semaphore_mem>>)
    %rem3A_309 = arith.constant 1 : i32
    %rem3A_310 = arith.constant 12 : i32
    %rem3A_311 = arith.remsi %rem3A_309, %rem3A_310 : i32
    %add3A_312 = arith.constant 1 : i32
    %add3A_313 = arith.addi %add3A, %add3A_312 : i32
    %add3A_314 = arith.constant 1 : i32
    %add3A_315 = arith.addi %add3A, %add3A_314 : i32
    %dma_wait3A_316 = arith.constant 0 : i32
    %dma_wait3A_317 = tpu.memref_slice %arg6[%rem3A_311, %dma_wait3A_316] : memref<12x64xi32, #tpu.memory_space<vmem>> -> memref<1x64xi32, #tpu.memory_space<vmem>>
    %dma_wait3A_318 = tpu.memref_squeeze %dma_wait3A_317 : memref<1x64xi32, #tpu.memory_space<vmem>> -> memref<64xi32, #tpu.memory_space<vmem>>
    %dma_wait3A_319 = arith.constant 0 : i32
    %dma_wait3A_320 = tpu.memref_slice %arg3[%add3A_313, %dma_wait3A_319] : memref<5120x64xi32, #tpu.memory_space<hbm>> -> memref<1x64xi32, #tpu.memory_space<hbm>>
    %dma_wait3A_321 = tpu.memref_squeeze %dma_wait3A_320 : memref<1x64xi32, #tpu.memory_space<hbm>> -> memref<64xi32, #tpu.memory_space<hbm>>
    %dma_wait3A_322 = arith.constant 0 : i32
    %dma_wait3A_323 = tpu.memref_slice %arg6[%rem3A_311, %dma_wait3A_322] : memref<12x64xi32, #tpu.memory_space<vmem>> -> memref<1x64xi32, #tpu.memory_space<vmem>>
    %dma_wait3A_324 = tpu.memref_squeeze %dma_wait3A_323 : memref<1x64xi32, #tpu.memory_space<vmem>> -> memref<64xi32, #tpu.memory_space<vmem>>
    %dma_wait3A_325 = arith.constant 0 : i32
    %dma_wait3A_326 = tpu.memref_slice %arg3[%add3A_313, %dma_wait3A_325] : memref<5120x64xi32, #tpu.memory_space<hbm>> -> memref<1x64xi32, #tpu.memory_space<hbm>>
    %dma_wait3A_327 = tpu.memref_squeeze %dma_wait3A_326 : memref<1x64xi32, #tpu.memory_space<hbm>> -> memref<64xi32, #tpu.memory_space<hbm>>
    tpu.wait_dma2 semaphore(%arg16 : memref<!tpu.dma_semaphore, #tpu.memory_space<semaphore_mem>>) src(%dma_wait3A_327 : memref<64xi32, #tpu.memory_space<hbm>>) dst(%dma_wait3A_324 : memref<64xi32, #tpu.memory_space<vmem>>)
    %dma_wait3A_328 = arith.constant 0 : i32
    %dma_wait3A_329 = tpu.memref_slice %arg7[%rem3A_311, %dma_wait3A_328] : memref<12x64xi32, #tpu.memory_space<vmem>> -> memref<1x64xi32, #tpu.memory_space<vmem>>
    %dma_wait3A_330 = tpu.memref_squeeze %dma_wait3A_329 : memref<1x64xi32, #tpu.memory_space<vmem>> -> memref<64xi32, #tpu.memory_space<vmem>>
    %dma_wait3A_331 = arith.constant 0 : i32
    %dma_wait3A_332 = tpu.memref_slice %arg4[%add3A_315, %dma_wait3A_331] : memref<5120x64xi32, #tpu.memory_space<hbm>> -> memref<1x64xi32, #tpu.memory_space<hbm>>
    %dma_wait3A_333 = tpu.memref_squeeze %dma_wait3A_332 : memref<1x64xi32, #tpu.memory_space<hbm>> -> memref<64xi32, #tpu.memory_space<hbm>>
    %dma_wait3A_334 = arith.constant 0 : i32
    %dma_wait3A_335 = tpu.memref_slice %arg7[%rem3A_311, %dma_wait3A_334] : memref<12x64xi32, #tpu.memory_space<vmem>> -> memref<1x64xi32, #tpu.memory_space<vmem>>
    %dma_wait3A_336 = tpu.memref_squeeze %dma_wait3A_335 : memref<1x64xi32, #tpu.memory_space<vmem>> -> memref<64xi32, #tpu.memory_space<vmem>>
    %dma_wait3A_337 = arith.constant 0 : i32
    %dma_wait3A_338 = tpu.memref_slice %arg4[%add3A_315, %dma_wait3A_337] : memref<5120x64xi32, #tpu.memory_space<hbm>> -> memref<1x64xi32, #tpu.memory_space<hbm>>
    %dma_wait3A_339 = tpu.memref_squeeze %dma_wait3A_338 : memref<1x64xi32, #tpu.memory_space<hbm>> -> memref<64xi32, #tpu.memory_space<hbm>>
    tpu.wait_dma2 semaphore(%arg16 : memref<!tpu.dma_semaphore, #tpu.memory_space<semaphore_mem>>) src(%dma_wait3A_339 : memref<64xi32, #tpu.memory_space<hbm>>) dst(%dma_wait3A_336 : memref<64xi32, #tpu.memory_space<vmem>>)
    %rem3A_340 = arith.constant 1 : i32
    %rem3A_341 = arith.constant 12 : i32
    %rem3A_342 = arith.remsi %rem3A_340, %rem3A_341 : i32
    %rem3A_343 = arith.constant 1 : i32
    %rem3A_344 = arith.constant 5 : i32
    %rem3A_345 = arith.remsi %rem3A_343, %rem3A_344 : i32
    %dma_start3A_346 = arith.constant 0 : i32
    %dma_start3A_347 = arith.constant 0 : i32
    %dma_start3A_348 = tpu.memref_slice %arg8[%rem3A_345, %dma_start3A_346, %dma_start3A_347] : memref<5x64x128xf32, #tpu.memory_space<vmem>> -> memref<1x64x128xf32, #tpu.memory_space<vmem>>
    %dma_start3A_349 = tpu.memref_squeeze %dma_start3A_348 : memref<1x64x128xf32, #tpu.memory_space<vmem>> -> memref<64x128xf32, #tpu.memory_space<vmem>>
    %dma_start3A_350 = arith.constant 0 : i32
    %dma_start3A_351 = tpu.memref_slice %arg6[%rem3A_342, %dma_start3A_350] : memref<12x64xi32, #tpu.memory_space<vmem>> -> memref<1x64xi32, #tpu.memory_space<vmem>>
    %dma_start3A_352 = tpu.memref_squeeze %dma_start3A_351 : memref<1x64xi32, #tpu.memory_space<vmem>> -> memref<64xi32, #tpu.memory_space<vmem>>
    %dma_start3A_353 = arith.constant 0 : i32
    %dma_start3A_354 = arith.constant 0 : i32
    %dma_start3A_355 = tpu.memref_slice %arg2[%dma_start3A_353, %dma_start3A_354] : memref<10000x128xf32, #tpu.memory_space<hbm>> -> memref<10000x128xf32, #tpu.memory_space<hbm>>
    tpu.enqueue_indirect_dma source(%dma_start3A_355 : memref<10000x128xf32, #tpu.memory_space<hbm>>) target(%dma_start3A_349 : memref<64x128xf32, #tpu.memory_space<vmem>>) offsets(%dma_start3A_352 : memref<64xi32, #tpu.memory_space<vmem>>) semaphore(%arg13 : memref<!tpu.dma_semaphore, #tpu.memory_space<semaphore_mem>>)
    %rem3A_356 = arith.constant 2 : i32
    %rem3A_357 = arith.constant 12 : i32
    %rem3A_358 = arith.remsi %rem3A_356, %rem3A_357 : i32
    %add3A_359 = arith.constant 2 : i32
    %add3A_360 = arith.addi %add3A, %add3A_359 : i32
    %add3A_361 = arith.constant 2 : i32
    %add3A_362 = arith.addi %add3A, %add3A_361 : i32
    %dma_wait3A_363 = arith.constant 0 : i32
    %dma_wait3A_364 = tpu.memref_slice %arg6[%rem3A_358, %dma_wait3A_363] : memref<12x64xi32, #tpu.memory_space<vmem>> -> memref<1x64xi32, #tpu.memory_space<vmem>>
    %dma_wait3A_365 = tpu.memref_squeeze %dma_wait3A_364 : memref<1x64xi32, #tpu.memory_space<vmem>> -> memref<64xi32, #tpu.memory_space<vmem>>
    %dma_wait3A_366 = arith.constant 0 : i32
    %dma_wait3A_367 = tpu.memref_slice %arg3[%add3A_360, %dma_wait3A_366] : memref<5120x64xi32, #tpu.memory_space<hbm>> -> memref<1x64xi32, #tpu.memory_space<hbm>>
    %dma_wait3A_368 = tpu.memref_squeeze %dma_wait3A_367 : memref<1x64xi32, #tpu.memory_space<hbm>> -> memref<64xi32, #tpu.memory_space<hbm>>
    %dma_wait3A_369 = arith.constant 0 : i32
    %dma_wait3A_370 = tpu.memref_slice %arg6[%rem3A_358, %dma_wait3A_369] : memref<12x64xi32, #tpu.memory_space<vmem>> -> memref<1x64xi32, #tpu.memory_space<vmem>>
    %dma_wait3A_371 = tpu.memref_squeeze %dma_wait3A_370 : memref<1x64xi32, #tpu.memory_space<vmem>> -> memref<64xi32, #tpu.memory_space<vmem>>
    %dma_wait3A_372 = arith.constant 0 : i32
    %dma_wait3A_373 = tpu.memref_slice %arg3[%add3A_360, %dma_wait3A_372] : memref<5120x64xi32, #tpu.memory_space<hbm>> -> memref<1x64xi32, #tpu.memory_space<hbm>>
    %dma_wait3A_374 = tpu.memref_squeeze %dma_wait3A_373 : memref<1x64xi32, #tpu.memory_space<hbm>> -> memref<64xi32, #tpu.memory_space<hbm>>
    tpu.wait_dma2 semaphore(%arg16 : memref<!tpu.dma_semaphore, #tpu.memory_space<semaphore_mem>>) src(%dma_wait3A_374 : memref<64xi32, #tpu.memory_space<hbm>>) dst(%dma_wait3A_371 : memref<64xi32, #tpu.memory_space<vmem>>)
    %dma_wait3A_375 = arith.constant 0 : i32
    %dma_wait3A_376 = tpu.memref_slice %arg7[%rem3A_358, %dma_wait3A_375] : memref<12x64xi32, #tpu.memory_space<vmem>> -> memref<1x64xi32, #tpu.memory_space<vmem>>
    %dma_wait3A_377 = tpu.memref_squeeze %dma_wait3A_376 : memref<1x64xi32, #tpu.memory_space<vmem>> -> memref<64xi32, #tpu.memory_space<vmem>>
    %dma_wait3A_378 = arith.constant 0 : i32
    %dma_wait3A_379 = tpu.memref_slice %arg4[%add3A_362, %dma_wait3A_378] : memref<5120x64xi32, #tpu.memory_space<hbm>> -> memref<1x64xi32, #tpu.memory_space<hbm>>
    %dma_wait3A_380 = tpu.memref_squeeze %dma_wait3A_379 : memref<1x64xi32, #tpu.memory_space<hbm>> -> memref<64xi32, #tpu.memory_space<hbm>>
    %dma_wait3A_381 = arith.constant 0 : i32
    %dma_wait3A_382 = tpu.memref_slice %arg7[%rem3A_358, %dma_wait3A_381] : memref<12x64xi32, #tpu.memory_space<vmem>> -> memref<1x64xi32, #tpu.memory_space<vmem>>
    %dma_wait3A_383 = tpu.memref_squeeze %dma_wait3A_382 : memref<1x64xi32, #tpu.memory_space<vmem>> -> memref<64xi32, #tpu.memory_space<vmem>>
    %dma_wait3A_384 = arith.constant 0 : i32
    %dma_wait3A_385 = tpu.memref_slice %arg4[%add3A_362, %dma_wait3A_384] : memref<5120x64xi32, #tpu.memory_space<hbm>> -> memref<1x64xi32, #tpu.memory_space<hbm>>
    %dma_wait3A_386 = tpu.memref_squeeze %dma_wait3A_385 : memref<1x64xi32, #tpu.memory_space<hbm>> -> memref<64xi32, #tpu.memory_space<hbm>>
    tpu.wait_dma2 semaphore(%arg16 : memref<!tpu.dma_semaphore, #tpu.memory_space<semaphore_mem>>) src(%dma_wait3A_386 : memref<64xi32, #tpu.memory_space<hbm>>) dst(%dma_wait3A_383 : memref<64xi32, #tpu.memory_space<vmem>>)
    %rem3A_387 = arith.constant 2 : i32
    %rem3A_388 = arith.constant 12 : i32
    %rem3A_389 = arith.remsi %rem3A_387, %rem3A_388 : i32
    %rem3A_390 = arith.constant 2 : i32
    %rem3A_391 = arith.constant 5 : i32
    %rem3A_392 = arith.remsi %rem3A_390, %rem3A_391 : i32
    %dma_start3A_393 = arith.constant 0 : i32
    %dma_start3A_394 = arith.constant 0 : i32
    %dma_start3A_395 = tpu.memref_slice %arg8[%rem3A_392, %dma_start3A_393, %dma_start3A_394] : memref<5x64x128xf32, #tpu.memory_space<vmem>> -> memref<1x64x128xf32, #tpu.memory_space<vmem>>
    %dma_start3A_396 = tpu.memref_squeeze %dma_start3A_395 : memref<1x64x128xf32, #tpu.memory_space<vmem>> -> memref<64x128xf32, #tpu.memory_space<vmem>>
    %dma_start3A_397 = arith.constant 0 : i32
    %dma_start3A_398 = tpu.memref_slice %arg6[%rem3A_389, %dma_start3A_397] : memref<12x64xi32, #tpu.memory_space<vmem>> -> memref<1x64xi32, #tpu.memory_space<vmem>>
    %dma_start3A_399 = tpu.memref_squeeze %dma_start3A_398 : memref<1x64xi32, #tpu.memory_space<vmem>> -> memref<64xi32, #tpu.memory_space<vmem>>
    %dma_start3A_400 = arith.constant 0 : i32
    %dma_start3A_401 = arith.constant 0 : i32
    %dma_start3A_402 = tpu.memref_slice %arg2[%dma_start3A_400, %dma_start3A_401] : memref<10000x128xf32, #tpu.memory_space<hbm>> -> memref<10000x128xf32, #tpu.memory_space<hbm>>
    tpu.enqueue_indirect_dma source(%dma_start3A_402 : memref<10000x128xf32, #tpu.memory_space<hbm>>) target(%dma_start3A_396 : memref<64x128xf32, #tpu.memory_space<vmem>>) offsets(%dma_start3A_399 : memref<64xi32, #tpu.memory_space<vmem>>) semaphore(%arg13 : memref<!tpu.dma_semaphore, #tpu.memory_space<semaphore_mem>>)
    %rem3A_403 = arith.constant 3 : i32
    %rem3A_404 = arith.constant 12 : i32
    %rem3A_405 = arith.remsi %rem3A_403, %rem3A_404 : i32
    %add3A_406 = arith.constant 3 : i32
    %add3A_407 = arith.addi %add3A, %add3A_406 : i32
    %add3A_408 = arith.constant 3 : i32
    %add3A_409 = arith.addi %add3A, %add3A_408 : i32
    %dma_wait3A_410 = arith.constant 0 : i32
    %dma_wait3A_411 = tpu.memref_slice %arg6[%rem3A_405, %dma_wait3A_410] : memref<12x64xi32, #tpu.memory_space<vmem>> -> memref<1x64xi32, #tpu.memory_space<vmem>>
    %dma_wait3A_412 = tpu.memref_squeeze %dma_wait3A_411 : memref<1x64xi32, #tpu.memory_space<vmem>> -> memref<64xi32, #tpu.memory_space<vmem>>
    %dma_wait3A_413 = arith.constant 0 : i32
    %dma_wait3A_414 = tpu.memref_slice %arg3[%add3A_407, %dma_wait3A_413] : memref<5120x64xi32, #tpu.memory_space<hbm>> -> memref<1x64xi32, #tpu.memory_space<hbm>>
    %dma_wait3A_415 = tpu.memref_squeeze %dma_wait3A_414 : memref<1x64xi32, #tpu.memory_space<hbm>> -> memref<64xi32, #tpu.memory_space<hbm>>
    %dma_wait3A_416 = arith.constant 0 : i32
    %dma_wait3A_417 = tpu.memref_slice %arg6[%rem3A_405, %dma_wait3A_416] : memref<12x64xi32, #tpu.memory_space<vmem>> -> memref<1x64xi32, #tpu.memory_space<vmem>>
    %dma_wait3A_418 = tpu.memref_squeeze %dma_wait3A_417 : memref<1x64xi32, #tpu.memory_space<vmem>> -> memref<64xi32, #tpu.memory_space<vmem>>
    %dma_wait3A_419 = arith.constant 0 : i32
    %dma_wait3A_420 = tpu.memref_slice %arg3[%add3A_407, %dma_wait3A_419] : memref<5120x64xi32, #tpu.memory_space<hbm>> -> memref<1x64xi32, #tpu.memory_space<hbm>>
    %dma_wait3A_421 = tpu.memref_squeeze %dma_wait3A_420 : memref<1x64xi32, #tpu.memory_space<hbm>> -> memref<64xi32, #tpu.memory_space<hbm>>
    tpu.wait_dma2 semaphore(%arg16 : memref<!tpu.dma_semaphore, #tpu.memory_space<semaphore_mem>>) src(%dma_wait3A_421 : memref<64xi32, #tpu.memory_space<hbm>>) dst(%dma_wait3A_418 : memref<64xi32, #tpu.memory_space<vmem>>)
    %dma_wait3A_422 = arith.constant 0 : i32
    %dma_wait3A_423 = tpu.memref_slice %arg7[%rem3A_405, %dma_wait3A_422] : memref<12x64xi32, #tpu.memory_space<vmem>> -> memref<1x64xi32, #tpu.memory_space<vmem>>
    %dma_wait3A_424 = tpu.memref_squeeze %dma_wait3A_423 : memref<1x64xi32, #tpu.memory_space<vmem>> -> memref<64xi32, #tpu.memory_space<vmem>>
    %dma_wait3A_425 = arith.constant 0 : i32
    %dma_wait3A_426 = tpu.memref_slice %arg4[%add3A_409, %dma_wait3A_425] : memref<5120x64xi32, #tpu.memory_space<hbm>> -> memref<1x64xi32, #tpu.memory_space<hbm>>
    %dma_wait3A_427 = tpu.memref_squeeze %dma_wait3A_426 : memref<1x64xi32, #tpu.memory_space<hbm>> -> memref<64xi32, #tpu.memory_space<hbm>>
    %dma_wait3A_428 = arith.constant 0 : i32
    %dma_wait3A_429 = tpu.memref_slice %arg7[%rem3A_405, %dma_wait3A_428] : memref<12x64xi32, #tpu.memory_space<vmem>> -> memref<1x64xi32, #tpu.memory_space<vmem>>
    %dma_wait3A_430 = tpu.memref_squeeze %dma_wait3A_429 : memref<1x64xi32, #tpu.memory_space<vmem>> -> memref<64xi32, #tpu.memory_space<vmem>>
    %dma_wait3A_431 = arith.constant 0 : i32
    %dma_wait3A_432 = tpu.memref_slice %arg4[%add3A_409, %dma_wait3A_431] : memref<5120x64xi32, #tpu.memory_space<hbm>> -> memref<1x64xi32, #tpu.memory_space<hbm>>
    %dma_wait3A_433 = tpu.memref_squeeze %dma_wait3A_432 : memref<1x64xi32, #tpu.memory_space<hbm>> -> memref<64xi32, #tpu.memory_space<hbm>>
    tpu.wait_dma2 semaphore(%arg16 : memref<!tpu.dma_semaphore, #tpu.memory_space<semaphore_mem>>) src(%dma_wait3A_433 : memref<64xi32, #tpu.memory_space<hbm>>) dst(%dma_wait3A_430 : memref<64xi32, #tpu.memory_space<vmem>>)
    %rem3A_434 = arith.constant 3 : i32
    %rem3A_435 = arith.constant 12 : i32
    %rem3A_436 = arith.remsi %rem3A_434, %rem3A_435 : i32
    %rem3A_437 = arith.constant 3 : i32
    %rem3A_438 = arith.constant 5 : i32
    %rem3A_439 = arith.remsi %rem3A_437, %rem3A_438 : i32
    %dma_start3A_440 = arith.constant 0 : i32
    %dma_start3A_441 = arith.constant 0 : i32
    %dma_start3A_442 = tpu.memref_slice %arg8[%rem3A_439, %dma_start3A_440, %dma_start3A_441] : memref<5x64x128xf32, #tpu.memory_space<vmem>> -> memref<1x64x128xf32, #tpu.memory_space<vmem>>
    %dma_start3A_443 = tpu.memref_squeeze %dma_start3A_442 : memref<1x64x128xf32, #tpu.memory_space<vmem>> -> memref<64x128xf32, #tpu.memory_space<vmem>>
    %dma_start3A_444 = arith.constant 0 : i32
    %dma_start3A_445 = tpu.memref_slice %arg6[%rem3A_436, %dma_start3A_444] : memref<12x64xi32, #tpu.memory_space<vmem>> -> memref<1x64xi32, #tpu.memory_space<vmem>>
    %dma_start3A_446 = tpu.memref_squeeze %dma_start3A_445 : memref<1x64xi32, #tpu.memory_space<vmem>> -> memref<64xi32, #tpu.memory_space<vmem>>
    %dma_start3A_447 = arith.constant 0 : i32
    %dma_start3A_448 = arith.constant 0 : i32
    %dma_start3A_449 = tpu.memref_slice %arg2[%dma_start3A_447, %dma_start3A_448] : memref<10000x128xf32, #tpu.memory_space<hbm>> -> memref<10000x128xf32, #tpu.memory_space<hbm>>
    tpu.enqueue_indirect_dma source(%dma_start3A_449 : memref<10000x128xf32, #tpu.memory_space<hbm>>) target(%dma_start3A_443 : memref<64x128xf32, #tpu.memory_space<vmem>>) offsets(%dma_start3A_446 : memref<64xi32, #tpu.memory_space<vmem>>) semaphore(%arg13 : memref<!tpu.dma_semaphore, #tpu.memory_space<semaphore_mem>>)
    %while3A = arith.constant 0 : i32
    %while3A_450 = arith.constant 0 : i32
    %while3A_451 = arith.subi %select_n3A_5, %while3A_450 : i32
    %while3A_452 = arith.addi %while3A_450, %while3A_451 : i32
    %while3A_453 = arith.constant 1 : i32
    %while3A_454 = arith.divsi %while3A_451, %while3A_453 : i32
    %while3A_455 = arith.muli %while3A_454, %while3A_453 : i32
    %while3A_456 = arith.addi %while3A_450, %while3A_455 : i32
    %while3A_457 = arith.constant 1 : i32
    scf.for %while3A_479 = %while3A_450 to %while3A_456 step %while3A_457  : i32 {
      %add3A_480 = arith.constant 8 : i32
      %add3A_481 = arith.addi %while3A_479, %add3A_480 : i32
      %lt3A = arith.cmpi slt, %add3A_481, %select_n3A_5 : i32
      %convert_element_type3A = arith.extui %lt3A : i1 to i32
      %cond3A = arith.constant 0 : i32
      %cond3A_482 = arith.cmpi ne, %convert_element_type3A, %cond3A : i32
      scf.if %cond3A_482 {
        %add3A_521 = arith.constant 8 : i32
        %add3A_522 = arith.addi %while3A_479, %add3A_521 : i32
        %rem3A_523 = arith.constant 12 : i32
        %rem3A_524 = arith.remsi %add3A_522, %rem3A_523 : i32
        %add3A_525 = arith.addi %add3A, %add3A_522 : i32
        %add3A_526 = arith.addi %add3A, %add3A_522 : i32
        %dma_start3A_527 = arith.constant 0 : i32
        %dma_start3A_528 = tpu.memref_slice %arg6[%rem3A_524, %dma_start3A_527] : memref<12x64xi32, #tpu.memory_space<vmem>> -> memref<1x64xi32, #tpu.memory_space<vmem>>
        %dma_start3A_529 = tpu.memref_squeeze %dma_start3A_528 : memref<1x64xi32, #tpu.memory_space<vmem>> -> memref<64xi32, #tpu.memory_space<vmem>>
        %dma_start3A_530 = arith.constant 0 : i32
        %dma_start3A_531 = tpu.memref_slice %arg3[%add3A_525, %dma_start3A_530] : memref<5120x64xi32, #tpu.memory_space<hbm>> -> memref<1x64xi32, #tpu.memory_space<hbm>>
        %dma_start3A_532 = tpu.memref_squeeze %dma_start3A_531 : memref<1x64xi32, #tpu.memory_space<hbm>> -> memref<64xi32, #tpu.memory_space<hbm>>
        %dma_start3A_533 = arith.constant 0 : i32
        %dma_start3A_534 = tpu.memref_slice %arg6[%rem3A_524, %dma_start3A_533] : memref<12x64xi32, #tpu.memory_space<vmem>> -> memref<1x64xi32, #tpu.memory_space<vmem>>
        %dma_start3A_535 = tpu.memref_squeeze %dma_start3A_534 : memref<1x64xi32, #tpu.memory_space<vmem>> -> memref<64xi32, #tpu.memory_space<vmem>>
        %dma_start3A_536 = arith.constant 0 : i32
        %dma_start3A_537 = tpu.memref_slice %arg3[%add3A_525, %dma_start3A_536] : memref<5120x64xi32, #tpu.memory_space<hbm>> -> memref<1x64xi32, #tpu.memory_space<hbm>>
        %dma_start3A_538 = tpu.memref_squeeze %dma_start3A_537 : memref<1x64xi32, #tpu.memory_space<hbm>> -> memref<64xi32, #tpu.memory_space<hbm>>
        tpu.enqueue_dma source(%dma_start3A_538 : memref<64xi32, #tpu.memory_space<hbm>>) target(%dma_start3A_535 : memref<64xi32, #tpu.memory_space<vmem>>) target_semaphore(%arg16 : memref<!tpu.dma_semaphore, #tpu.memory_space<semaphore_mem>>)
        %dma_start3A_539 = arith.constant 0 : i32
        %dma_start3A_540 = tpu.memref_slice %arg7[%rem3A_524, %dma_start3A_539] : memref<12x64xi32, #tpu.memory_space<vmem>> -> memref<1x64xi32, #tpu.memory_space<vmem>>
        %dma_start3A_541 = tpu.memref_squeeze %dma_start3A_540 : memref<1x64xi32, #tpu.memory_space<vmem>> -> memref<64xi32, #tpu.memory_space<vmem>>
        %dma_start3A_542 = arith.constant 0 : i32
        %dma_start3A_543 = tpu.memref_slice %arg4[%add3A_526, %dma_start3A_542] : memref<5120x64xi32, #tpu.memory_space<hbm>> -> memref<1x64xi32, #tpu.memory_space<hbm>>
        %dma_start3A_544 = tpu.memref_squeeze %dma_start3A_543 : memref<1x64xi32, #tpu.memory_space<hbm>> -> memref<64xi32, #tpu.memory_space<hbm>>
        %dma_start3A_545 = arith.constant 0 : i32
        %dma_start3A_546 = tpu.memref_slice %arg7[%rem3A_524, %dma_start3A_545] : memref<12x64xi32, #tpu.memory_space<vmem>> -> memref<1x64xi32, #tpu.memory_space<vmem>>
        %dma_start3A_547 = tpu.memref_squeeze %dma_start3A_546 : memref<1x64xi32, #tpu.memory_space<vmem>> -> memref<64xi32, #tpu.memory_space<vmem>>
        %dma_start3A_548 = arith.constant 0 : i32
        %dma_start3A_549 = tpu.memref_slice %arg4[%add3A_526, %dma_start3A_548] : memref<5120x64xi32, #tpu.memory_space<hbm>> -> memref<1x64xi32, #tpu.memory_space<hbm>>
        %dma_start3A_550 = tpu.memref_squeeze %dma_start3A_549 : memref<1x64xi32, #tpu.memory_space<hbm>> -> memref<64xi32, #tpu.memory_space<hbm>>
        tpu.enqueue_dma source(%dma_start3A_550 : memref<64xi32, #tpu.memory_space<hbm>>) target(%dma_start3A_547 : memref<64xi32, #tpu.memory_space<vmem>>) target_semaphore(%arg16 : memref<!tpu.dma_semaphore, #tpu.memory_space<semaphore_mem>>)
      } else {
      }
      %ge3A = arith.constant 1 : i32
      %ge3A_483 = arith.cmpi sge, %while3A_479, %ge3A : i32
      %convert_element_type3A_484 = arith.extui %ge3A_483 : i1 to i32
      %cond3A_485 = arith.constant 0 : i32
      %cond3A_486 = arith.cmpi ne, %convert_element_type3A_484, %cond3A_485 : i32
      scf.if %cond3A_486 {
        %sub3A_521 = arith.constant 1 : i32
        %sub3A_522 = arith.subi %while3A_479, %sub3A_521 : i32
        %rem3A_523 = arith.constant 5 : i32
        %rem3A_524 = arith.remsi %sub3A_522, %rem3A_523 : i32
        %rem3A_525 = arith.constant 12 : i32
        %rem3A_526 = arith.remsi %sub3A_522, %rem3A_525 : i32
        %dma_wait3A_527 = arith.constant 0 : i32
        %dma_wait3A_528 = arith.constant 0 : i32
        %dma_wait3A_529 = tpu.memref_slice %arg8[%rem3A_524, %dma_wait3A_527, %dma_wait3A_528] : memref<5x64x128xf32, #tpu.memory_space<vmem>> -> memref<1x64x128xf32, #tpu.memory_space<vmem>>
        %dma_wait3A_530 = tpu.memref_squeeze %dma_wait3A_529 : memref<1x64x128xf32, #tpu.memory_space<vmem>> -> memref<64x128xf32, #tpu.memory_space<vmem>>
        %dma_wait3A_531 = arith.constant 0 : i32
        %dma_wait3A_532 = tpu.memref_slice %arg7[%rem3A_526, %dma_wait3A_531] : memref<12x64xi32, #tpu.memory_space<vmem>> -> memref<1x64xi32, #tpu.memory_space<vmem>>
        %dma_wait3A_533 = tpu.memref_squeeze %dma_wait3A_532 : memref<1x64xi32, #tpu.memory_space<vmem>> -> memref<64xi32, #tpu.memory_space<vmem>>
        %dma_wait3A_534 = arith.constant 0 : i32
        %dma_wait3A_535 = arith.constant 0 : i32
        %dma_wait3A_536 = tpu.memref_slice %arg11[%dma_wait3A_534, %dma_wait3A_535] : memref<10240x128xf32, #tpu.memory_space<vmem_shared>> -> memref<10240x128xf32, #tpu.memory_space<vmem_shared>>
        tpu.wait_indirect_dma semaphore(%arg14 : memref<!tpu.dma_semaphore, #tpu.memory_space<semaphore_mem>>) src(%dma_wait3A_530 : memref<64x128xf32, #tpu.memory_space<vmem>>) dst(%dma_wait3A_536 : memref<10240x128xf32, #tpu.memory_space<vmem_shared>>)
      } else {
      }
      %add3A_487 = arith.constant 4 : i32
      %add3A_488 = arith.addi %while3A_479, %add3A_487 : i32
      %lt3A_489 = arith.cmpi slt, %add3A_488, %select_n3A_5 : i32
      %convert_element_type3A_490 = arith.extui %lt3A_489 : i1 to i32
      %cond3A_491 = arith.constant 0 : i32
      %cond3A_492 = arith.cmpi ne, %convert_element_type3A_490, %cond3A_491 : i32
      scf.if %cond3A_492 {
        %add3A_521 = arith.constant 4 : i32
        %add3A_522 = arith.addi %while3A_479, %add3A_521 : i32
        %rem3A_523 = arith.constant 12 : i32
        %rem3A_524 = arith.remsi %add3A_522, %rem3A_523 : i32
        %add3A_525 = arith.addi %add3A, %add3A_522 : i32
        %add3A_526 = arith.addi %add3A, %add3A_522 : i32
        %dma_wait3A_527 = arith.constant 0 : i32
        %dma_wait3A_528 = tpu.memref_slice %arg6[%rem3A_524, %dma_wait3A_527] : memref<12x64xi32, #tpu.memory_space<vmem>> -> memref<1x64xi32, #tpu.memory_space<vmem>>
        %dma_wait3A_529 = tpu.memref_squeeze %dma_wait3A_528 : memref<1x64xi32, #tpu.memory_space<vmem>> -> memref<64xi32, #tpu.memory_space<vmem>>
        %dma_wait3A_530 = arith.constant 0 : i32
        %dma_wait3A_531 = tpu.memref_slice %arg3[%add3A_525, %dma_wait3A_530] : memref<5120x64xi32, #tpu.memory_space<hbm>> -> memref<1x64xi32, #tpu.memory_space<hbm>>
        %dma_wait3A_532 = tpu.memref_squeeze %dma_wait3A_531 : memref<1x64xi32, #tpu.memory_space<hbm>> -> memref<64xi32, #tpu.memory_space<hbm>>
        %dma_wait3A_533 = arith.constant 0 : i32
        %dma_wait3A_534 = tpu.memref_slice %arg6[%rem3A_524, %dma_wait3A_533] : memref<12x64xi32, #tpu.memory_space<vmem>> -> memref<1x64xi32, #tpu.memory_space<vmem>>
        %dma_wait3A_535 = tpu.memref_squeeze %dma_wait3A_534 : memref<1x64xi32, #tpu.memory_space<vmem>> -> memref<64xi32, #tpu.memory_space<vmem>>
        %dma_wait3A_536 = arith.constant 0 : i32
        %dma_wait3A_537 = tpu.memref_slice %arg3[%add3A_525, %dma_wait3A_536] : memref<5120x64xi32, #tpu.memory_space<hbm>> -> memref<1x64xi32, #tpu.memory_space<hbm>>
        %dma_wait3A_538 = tpu.memref_squeeze %dma_wait3A_537 : memref<1x64xi32, #tpu.memory_space<hbm>> -> memref<64xi32, #tpu.memory_space<hbm>>
        tpu.wait_dma2 semaphore(%arg16 : memref<!tpu.dma_semaphore, #tpu.memory_space<semaphore_mem>>) src(%dma_wait3A_538 : memref<64xi32, #tpu.memory_space<hbm>>) dst(%dma_wait3A_535 : memref<64xi32, #tpu.memory_space<vmem>>)
        %dma_wait3A_539 = arith.constant 0 : i32
        %dma_wait3A_540 = tpu.memref_slice %arg7[%rem3A_524, %dma_wait3A_539] : memref<12x64xi32, #tpu.memory_space<vmem>> -> memref<1x64xi32, #tpu.memory_space<vmem>>
        %dma_wait3A_541 = tpu.memref_squeeze %dma_wait3A_540 : memref<1x64xi32, #tpu.memory_space<vmem>> -> memref<64xi32, #tpu.memory_space<vmem>>
        %dma_wait3A_542 = arith.constant 0 : i32
        %dma_wait3A_543 = tpu.memref_slice %arg4[%add3A_526, %dma_wait3A_542] : memref<5120x64xi32, #tpu.memory_space<hbm>> -> memref<1x64xi32, #tpu.memory_space<hbm>>
        %dma_wait3A_544 = tpu.memref_squeeze %dma_wait3A_543 : memref<1x64xi32, #tpu.memory_space<hbm>> -> memref<64xi32, #tpu.memory_space<hbm>>
        %dma_wait3A_545 = arith.constant 0 : i32
        %dma_wait3A_546 = tpu.memref_slice %arg7[%rem3A_524, %dma_wait3A_545] : memref<12x64xi32, #tpu.memory_space<vmem>> -> memref<1x64xi32, #tpu.memory_space<vmem>>
        %dma_wait3A_547 = tpu.memref_squeeze %dma_wait3A_546 : memref<1x64xi32, #tpu.memory_space<vmem>> -> memref<64xi32, #tpu.memory_space<vmem>>
        %dma_wait3A_548 = arith.constant 0 : i32
        %dma_wait3A_549 = tpu.memref_slice %arg4[%add3A_526, %dma_wait3A_548] : memref<5120x64xi32, #tpu.memory_space<hbm>> -> memref<1x64xi32, #tpu.memory_space<hbm>>
        %dma_wait3A_550 = tpu.memref_squeeze %dma_wait3A_549 : memref<1x64xi32, #tpu.memory_space<hbm>> -> memref<64xi32, #tpu.memory_space<hbm>>
        tpu.wait_dma2 semaphore(%arg16 : memref<!tpu.dma_semaphore, #tpu.memory_space<semaphore_mem>>) src(%dma_wait3A_550 : memref<64xi32, #tpu.memory_space<hbm>>) dst(%dma_wait3A_547 : memref<64xi32, #tpu.memory_space<vmem>>)
        %add3A_551 = arith.constant 4 : i32
        %add3A_552 = arith.addi %while3A_479, %add3A_551 : i32
        %rem3A_553 = arith.constant 12 : i32
        %rem3A_554 = arith.remsi %add3A_552, %rem3A_553 : i32
        %rem3A_555 = arith.constant 5 : i32
        %rem3A_556 = arith.remsi %add3A_552, %rem3A_555 : i32
        %dma_start3A_557 = arith.constant 0 : i32
        %dma_start3A_558 = arith.constant 0 : i32
        %dma_start3A_559 = tpu.memref_slice %arg8[%rem3A_556, %dma_start3A_557, %dma_start3A_558] : memref<5x64x128xf32, #tpu.memory_space<vmem>> -> memref<1x64x128xf32, #tpu.memory_space<vmem>>
        %dma_start3A_560 = tpu.memref_squeeze %dma_start3A_559 : memref<1x64x128xf32, #tpu.memory_space<vmem>> -> memref<64x128xf32, #tpu.memory_space<vmem>>
        %dma_start3A_561 = arith.constant 0 : i32
        %dma_start3A_562 = tpu.memref_slice %arg6[%rem3A_554, %dma_start3A_561] : memref<12x64xi32, #tpu.memory_space<vmem>> -> memref<1x64xi32, #tpu.memory_space<vmem>>
        %dma_start3A_563 = tpu.memref_squeeze %dma_start3A_562 : memref<1x64xi32, #tpu.memory_space<vmem>> -> memref<64xi32, #tpu.memory_space<vmem>>
        %dma_start3A_564 = arith.constant 0 : i32
        %dma_start3A_565 = arith.constant 0 : i32
        %dma_start3A_566 = tpu.memref_slice %arg2[%dma_start3A_564, %dma_start3A_565] : memref<10000x128xf32, #tpu.memory_space<hbm>> -> memref<10000x128xf32, #tpu.memory_space<hbm>>
        tpu.enqueue_indirect_dma source(%dma_start3A_566 : memref<10000x128xf32, #tpu.memory_space<hbm>>) target(%dma_start3A_560 : memref<64x128xf32, #tpu.memory_space<vmem>>) offsets(%dma_start3A_563 : memref<64xi32, #tpu.memory_space<vmem>>) semaphore(%arg13 : memref<!tpu.dma_semaphore, #tpu.memory_space<semaphore_mem>>)
      } else {
      }
      %rem3A_493 = arith.constant 12 : i32
      %rem3A_494 = arith.remsi %while3A_479, %rem3A_493 : i32
      %rem3A_495 = arith.constant 5 : i32
      %rem3A_496 = arith.remsi %while3A_479, %rem3A_495 : i32
      %dma_wait3A_497 = arith.constant 0 : i32
      %dma_wait3A_498 = arith.constant 0 : i32
      %dma_wait3A_499 = tpu.memref_slice %arg8[%rem3A_496, %dma_wait3A_497, %dma_wait3A_498] : memref<5x64x128xf32, #tpu.memory_space<vmem>> -> memref<1x64x128xf32, #tpu.memory_space<vmem>>
      %dma_wait3A_500 = tpu.memref_squeeze %dma_wait3A_499 : memref<1x64x128xf32, #tpu.memory_space<vmem>> -> memref<64x128xf32, #tpu.memory_space<vmem>>
      %dma_wait3A_501 = arith.constant 0 : i32
      %dma_wait3A_502 = tpu.memref_slice %arg6[%rem3A_494, %dma_wait3A_501] : memref<12x64xi32, #tpu.memory_space<vmem>> -> memref<1x64xi32, #tpu.memory_space<vmem>>
      %dma_wait3A_503 = tpu.memref_squeeze %dma_wait3A_502 : memref<1x64xi32, #tpu.memory_space<vmem>> -> memref<64xi32, #tpu.memory_space<vmem>>
      %dma_wait3A_504 = arith.constant 0 : i32
      %dma_wait3A_505 = arith.constant 0 : i32
      %dma_wait3A_506 = tpu.memref_slice %arg2[%dma_wait3A_504, %dma_wait3A_505] : memref<10000x128xf32, #tpu.memory_space<hbm>> -> memref<10000x128xf32, #tpu.memory_space<hbm>>
      tpu.wait_indirect_dma semaphore(%arg13 : memref<!tpu.dma_semaphore, #tpu.memory_space<semaphore_mem>>) src(%dma_wait3A_506 : memref<10000x128xf32, #tpu.memory_space<hbm>>) dst(%dma_wait3A_500 : memref<64x128xf32, #tpu.memory_space<vmem>>)
      %rem3A_507 = arith.constant 5 : i32
      %rem3A_508 = arith.remsi %while3A_479, %rem3A_507 : i32
      %rem3A_509 = arith.constant 12 : i32
      %rem3A_510 = arith.remsi %while3A_479, %rem3A_509 : i32
      %dma_start3A_511 = arith.constant 0 : i32
      %dma_start3A_512 = arith.constant 0 : i32
      %dma_start3A_513 = tpu.memref_slice %arg8[%rem3A_508, %dma_start3A_511, %dma_start3A_512] : memref<5x64x128xf32, #tpu.memory_space<vmem>> -> memref<1x64x128xf32, #tpu.memory_space<vmem>>
      %dma_start3A_514 = tpu.memref_squeeze %dma_start3A_513 : memref<1x64x128xf32, #tpu.memory_space<vmem>> -> memref<64x128xf32, #tpu.memory_space<vmem>>
      %dma_start3A_515 = arith.constant 0 : i32
      %dma_start3A_516 = tpu.memref_slice %arg7[%rem3A_510, %dma_start3A_515] : memref<12x64xi32, #tpu.memory_space<vmem>> -> memref<1x64xi32, #tpu.memory_space<vmem>>
      %dma_start3A_517 = tpu.memref_squeeze %dma_start3A_516 : memref<1x64xi32, #tpu.memory_space<vmem>> -> memref<64xi32, #tpu.memory_space<vmem>>
      %dma_start3A_518 = arith.constant 0 : i32
      %dma_start3A_519 = arith.constant 0 : i32
      %dma_start3A_520 = tpu.memref_slice %arg11[%dma_start3A_518, %dma_start3A_519] : memref<10240x128xf32, #tpu.memory_space<vmem_shared>> -> memref<10240x128xf32, #tpu.memory_space<vmem_shared>>
      tpu.enqueue_indirect_dma source(%dma_start3A_514 : memref<64x128xf32, #tpu.memory_space<vmem>>) target(%dma_start3A_520 : memref<10240x128xf32, #tpu.memory_space<vmem_shared>>) offsets(%dma_start3A_517 : memref<64xi32, #tpu.memory_space<vmem>>) semaphore(%arg14 : memref<!tpu.dma_semaphore, #tpu.memory_space<semaphore_mem>>) {add = true}
    }
    %while3A_458 = arith.constant 1 : i32
    scf.for %while3A_479 = %while3A_456 to %while3A_452 step %while3A_458  : i32 {
      %add3A_480 = arith.constant 8 : i32
      %add3A_481 = arith.addi %while3A_479, %add3A_480 : i32
      %lt3A = arith.cmpi slt, %add3A_481, %select_n3A_5 : i32
      %convert_element_type3A = arith.extui %lt3A : i1 to i32
      %cond3A = arith.constant 0 : i32
      %cond3A_482 = arith.cmpi ne, %convert_element_type3A, %cond3A : i32
      scf.if %cond3A_482 {
        %add3A_521 = arith.constant 8 : i32
        %add3A_522 = arith.addi %while3A_479, %add3A_521 : i32
        %rem3A_523 = arith.constant 12 : i32
        %rem3A_524 = arith.remsi %add3A_522, %rem3A_523 : i32
        %add3A_525 = arith.addi %add3A, %add3A_522 : i32
        %add3A_526 = arith.addi %add3A, %add3A_522 : i32
        %dma_start3A_527 = arith.constant 0 : i32
        %dma_start3A_528 = tpu.memref_slice %arg6[%rem3A_524, %dma_start3A_527] : memref<12x64xi32, #tpu.memory_space<vmem>> -> memref<1x64xi32, #tpu.memory_space<vmem>>
        %dma_start3A_529 = tpu.memref_squeeze %dma_start3A_528 : memref<1x64xi32, #tpu.memory_space<vmem>> -> memref<64xi32, #tpu.memory_space<vmem>>
        %dma_start3A_530 = arith.constant 0 : i32
        %dma_start3A_531 = tpu.memref_slice %arg3[%add3A_525, %dma_start3A_530] : memref<5120x64xi32, #tpu.memory_space<hbm>> -> memref<1x64xi32, #tpu.memory_space<hbm>>
        %dma_start3A_532 = tpu.memref_squeeze %dma_start3A_531 : memref<1x64xi32, #tpu.memory_space<hbm>> -> memref<64xi32, #tpu.memory_space<hbm>>
        %dma_start3A_533 = arith.constant 0 : i32
        %dma_start3A_534 = tpu.memref_slice %arg6[%rem3A_524, %dma_start3A_533] : memref<12x64xi32, #tpu.memory_space<vmem>> -> memref<1x64xi32, #tpu.memory_space<vmem>>
        %dma_start3A_535 = tpu.memref_squeeze %dma_start3A_534 : memref<1x64xi32, #tpu.memory_space<vmem>> -> memref<64xi32, #tpu.memory_space<vmem>>
        %dma_start3A_536 = arith.constant 0 : i32
        %dma_start3A_537 = tpu.memref_slice %arg3[%add3A_525, %dma_start3A_536] : memref<5120x64xi32, #tpu.memory_space<hbm>> -> memref<1x64xi32, #tpu.memory_space<hbm>>
        %dma_start3A_538 = tpu.memref_squeeze %dma_start3A_537 : memref<1x64xi32, #tpu.memory_space<hbm>> -> memref<64xi32, #tpu.memory_space<hbm>>
        tpu.enqueue_dma source(%dma_start3A_538 : memref<64xi32, #tpu.memory_space<hbm>>) target(%dma_start3A_535 : memref<64xi32, #tpu.memory_space<vmem>>) target_semaphore(%arg16 : memref<!tpu.dma_semaphore, #tpu.memory_space<semaphore_mem>>)
        %dma_start3A_539 = arith.constant 0 : i32
        %dma_start3A_540 = tpu.memref_slice %arg7[%rem3A_524, %dma_start3A_539] : memref<12x64xi32, #tpu.memory_space<vmem>> -> memref<1x64xi32, #tpu.memory_space<vmem>>
        %dma_start3A_541 = tpu.memref_squeeze %dma_start3A_540 : memref<1x64xi32, #tpu.memory_space<vmem>> -> memref<64xi32, #tpu.memory_space<vmem>>
        %dma_start3A_542 = arith.constant 0 : i32
        %dma_start3A_543 = tpu.memref_slice %arg4[%add3A_526, %dma_start3A_542] : memref<5120x64xi32, #tpu.memory_space<hbm>> -> memref<1x64xi32, #tpu.memory_space<hbm>>
        %dma_start3A_544 = tpu.memref_squeeze %dma_start3A_543 : memref<1x64xi32, #tpu.memory_space<hbm>> -> memref<64xi32, #tpu.memory_space<hbm>>
        %dma_start3A_545 = arith.constant 0 : i32
        %dma_start3A_546 = tpu.memref_slice %arg7[%rem3A_524, %dma_start3A_545] : memref<12x64xi32, #tpu.memory_space<vmem>> -> memref<1x64xi32, #tpu.memory_space<vmem>>
        %dma_start3A_547 = tpu.memref_squeeze %dma_start3A_546 : memref<1x64xi32, #tpu.memory_space<vmem>> -> memref<64xi32, #tpu.memory_space<vmem>>
        %dma_start3A_548 = arith.constant 0 : i32
        %dma_start3A_549 = tpu.memref_slice %arg4[%add3A_526, %dma_start3A_548] : memref<5120x64xi32, #tpu.memory_space<hbm>> -> memref<1x64xi32, #tpu.memory_space<hbm>>
        %dma_start3A_550 = tpu.memref_squeeze %dma_start3A_549 : memref<1x64xi32, #tpu.memory_space<hbm>> -> memref<64xi32, #tpu.memory_space<hbm>>
        tpu.enqueue_dma source(%dma_start3A_550 : memref<64xi32, #tpu.memory_space<hbm>>) target(%dma_start3A_547 : memref<64xi32, #tpu.memory_space<vmem>>) target_semaphore(%arg16 : memref<!tpu.dma_semaphore, #tpu.memory_space<semaphore_mem>>)
      } else {
      }
      %ge3A = arith.constant 1 : i32
      %ge3A_483 = arith.cmpi sge, %while3A_479, %ge3A : i32
      %convert_element_type3A_484 = arith.extui %ge3A_483 : i1 to i32
      %cond3A_485 = arith.constant 0 : i32
      %cond3A_486 = arith.cmpi ne, %convert_element_type3A_484, %cond3A_485 : i32
      scf.if %cond3A_486 {
        %sub3A_521 = arith.constant 1 : i32
        %sub3A_522 = arith.subi %while3A_479, %sub3A_521 : i32
        %rem3A_523 = arith.constant 5 : i32
        %rem3A_524 = arith.remsi %sub3A_522, %rem3A_523 : i32
        %rem3A_525 = arith.constant 12 : i32
        %rem3A_526 = arith.remsi %sub3A_522, %rem3A_525 : i32
        %dma_wait3A_527 = arith.constant 0 : i32
        %dma_wait3A_528 = arith.constant 0 : i32
        %dma_wait3A_529 = tpu.memref_slice %arg8[%rem3A_524, %dma_wait3A_527, %dma_wait3A_528] : memref<5x64x128xf32, #tpu.memory_space<vmem>> -> memref<1x64x128xf32, #tpu.memory_space<vmem>>
        %dma_wait3A_530 = tpu.memref_squeeze %dma_wait3A_529 : memref<1x64x128xf32, #tpu.memory_space<vmem>> -> memref<64x128xf32, #tpu.memory_space<vmem>>
        %dma_wait3A_531 = arith.constant 0 : i32
        %dma_wait3A_532 = tpu.memref_slice %arg7[%rem3A_526, %dma_wait3A_531] : memref<12x64xi32, #tpu.memory_space<vmem>> -> memref<1x64xi32, #tpu.memory_space<vmem>>
        %dma_wait3A_533 = tpu.memref_squeeze %dma_wait3A_532 : memref<1x64xi32, #tpu.memory_space<vmem>> -> memref<64xi32, #tpu.memory_space<vmem>>
        %dma_wait3A_534 = arith.constant 0 : i32
        %dma_wait3A_535 = arith.constant 0 : i32
        %dma_wait3A_536 = tpu.memref_slice %arg11[%dma_wait3A_534, %dma_wait3A_535] : memref<10240x128xf32, #tpu.memory_space<vmem_shared>> -> memref<10240x128xf32, #tpu.memory_space<vmem_shared>>
        tpu.wait_indirect_dma semaphore(%arg14 : memref<!tpu.dma_semaphore, #tpu.memory_space<semaphore_mem>>) src(%dma_wait3A_530 : memref<64x128xf32, #tpu.memory_space<vmem>>) dst(%dma_wait3A_536 : memref<10240x128xf32, #tpu.memory_space<vmem_shared>>)
      } else {
      }
      %add3A_487 = arith.constant 4 : i32
      %add3A_488 = arith.addi %while3A_479, %add3A_487 : i32
      %lt3A_489 = arith.cmpi slt, %add3A_488, %select_n3A_5 : i32
      %convert_element_type3A_490 = arith.extui %lt3A_489 : i1 to i32
      %cond3A_491 = arith.constant 0 : i32
      %cond3A_492 = arith.cmpi ne, %convert_element_type3A_490, %cond3A_491 : i32
      scf.if %cond3A_492 {
        %add3A_521 = arith.constant 4 : i32
        %add3A_522 = arith.addi %while3A_479, %add3A_521 : i32
        %rem3A_523 = arith.constant 12 : i32
        %rem3A_524 = arith.remsi %add3A_522, %rem3A_523 : i32
        %add3A_525 = arith.addi %add3A, %add3A_522 : i32
        %add3A_526 = arith.addi %add3A, %add3A_522 : i32
        %dma_wait3A_527 = arith.constant 0 : i32
        %dma_wait3A_528 = tpu.memref_slice %arg6[%rem3A_524, %dma_wait3A_527] : memref<12x64xi32, #tpu.memory_space<vmem>> -> memref<1x64xi32, #tpu.memory_space<vmem>>
        %dma_wait3A_529 = tpu.memref_squeeze %dma_wait3A_528 : memref<1x64xi32, #tpu.memory_space<vmem>> -> memref<64xi32, #tpu.memory_space<vmem>>
        %dma_wait3A_530 = arith.constant 0 : i32
        %dma_wait3A_531 = tpu.memref_slice %arg3[%add3A_525, %dma_wait3A_530] : memref<5120x64xi32, #tpu.memory_space<hbm>> -> memref<1x64xi32, #tpu.memory_space<hbm>>
        %dma_wait3A_532 = tpu.memref_squeeze %dma_wait3A_531 : memref<1x64xi32, #tpu.memory_space<hbm>> -> memref<64xi32, #tpu.memory_space<hbm>>
        %dma_wait3A_533 = arith.constant 0 : i32
        %dma_wait3A_534 = tpu.memref_slice %arg6[%rem3A_524, %dma_wait3A_533] : memref<12x64xi32, #tpu.memory_space<vmem>> -> memref<1x64xi32, #tpu.memory_space<vmem>>
        %dma_wait3A_535 = tpu.memref_squeeze %dma_wait3A_534 : memref<1x64xi32, #tpu.memory_space<vmem>> -> memref<64xi32, #tpu.memory_space<vmem>>
        %dma_wait3A_536 = arith.constant 0 : i32
        %dma_wait3A_537 = tpu.memref_slice %arg3[%add3A_525, %dma_wait3A_536] : memref<5120x64xi32, #tpu.memory_space<hbm>> -> memref<1x64xi32, #tpu.memory_space<hbm>>
        %dma_wait3A_538 = tpu.memref_squeeze %dma_wait3A_537 : memref<1x64xi32, #tpu.memory_space<hbm>> -> memref<64xi32, #tpu.memory_space<hbm>>
        tpu.wait_dma2 semaphore(%arg16 : memref<!tpu.dma_semaphore, #tpu.memory_space<semaphore_mem>>) src(%dma_wait3A_538 : memref<64xi32, #tpu.memory_space<hbm>>) dst(%dma_wait3A_535 : memref<64xi32, #tpu.memory_space<vmem>>)
        %dma_wait3A_539 = arith.constant 0 : i32
        %dma_wait3A_540 = tpu.memref_slice %arg7[%rem3A_524, %dma_wait3A_539] : memref<12x64xi32, #tpu.memory_space<vmem>> -> memref<1x64xi32, #tpu.memory_space<vmem>>
        %dma_wait3A_541 = tpu.memref_squeeze %dma_wait3A_540 : memref<1x64xi32, #tpu.memory_space<vmem>> -> memref<64xi32, #tpu.memory_space<vmem>>
        %dma_wait3A_542 = arith.constant 0 : i32
        %dma_wait3A_543 = tpu.memref_slice %arg4[%add3A_526, %dma_wait3A_542] : memref<5120x64xi32, #tpu.memory_space<hbm>> -> memref<1x64xi32, #tpu.memory_space<hbm>>
        %dma_wait3A_544 = tpu.memref_squeeze %dma_wait3A_543 : memref<1x64xi32, #tpu.memory_space<hbm>> -> memref<64xi32, #tpu.memory_space<hbm>>
        %dma_wait3A_545 = arith.constant 0 : i32
        %dma_wait3A_546 = tpu.memref_slice %arg7[%rem3A_524, %dma_wait3A_545] : memref<12x64xi32, #tpu.memory_space<vmem>> -> memref<1x64xi32, #tpu.memory_space<vmem>>
        %dma_wait3A_547 = tpu.memref_squeeze %dma_wait3A_546 : memref<1x64xi32, #tpu.memory_space<vmem>> -> memref<64xi32, #tpu.memory_space<vmem>>
        %dma_wait3A_548 = arith.constant 0 : i32
        %dma_wait3A_549 = tpu.memref_slice %arg4[%add3A_526, %dma_wait3A_548] : memref<5120x64xi32, #tpu.memory_space<hbm>> -> memref<1x64xi32, #tpu.memory_space<hbm>>
        %dma_wait3A_550 = tpu.memref_squeeze %dma_wait3A_549 : memref<1x64xi32, #tpu.memory_space<hbm>> -> memref<64xi32, #tpu.memory_space<hbm>>
        tpu.wait_dma2 semaphore(%arg16 : memref<!tpu.dma_semaphore, #tpu.memory_space<semaphore_mem>>) src(%dma_wait3A_550 : memref<64xi32, #tpu.memory_space<hbm>>) dst(%dma_wait3A_547 : memref<64xi32, #tpu.memory_space<vmem>>)
        %add3A_551 = arith.constant 4 : i32
        %add3A_552 = arith.addi %while3A_479, %add3A_551 : i32
        %rem3A_553 = arith.constant 12 : i32
        %rem3A_554 = arith.remsi %add3A_552, %rem3A_553 : i32
        %rem3A_555 = arith.constant 5 : i32
        %rem3A_556 = arith.remsi %add3A_552, %rem3A_555 : i32
        %dma_start3A_557 = arith.constant 0 : i32
        %dma_start3A_558 = arith.constant 0 : i32
        %dma_start3A_559 = tpu.memref_slice %arg8[%rem3A_556, %dma_start3A_557, %dma_start3A_558] : memref<5x64x128xf32, #tpu.memory_space<vmem>> -> memref<1x64x128xf32, #tpu.memory_space<vmem>>
        %dma_start3A_560 = tpu.memref_squeeze %dma_start3A_559 : memref<1x64x128xf32, #tpu.memory_space<vmem>> -> memref<64x128xf32, #tpu.memory_space<vmem>>
        %dma_start3A_561 = arith.constant 0 : i32
        %dma_start3A_562 = tpu.memref_slice %arg6[%rem3A_554, %dma_start3A_561] : memref<12x64xi32, #tpu.memory_space<vmem>> -> memref<1x64xi32, #tpu.memory_space<vmem>>
        %dma_start3A_563 = tpu.memref_squeeze %dma_start3A_562 : memref<1x64xi32, #tpu.memory_space<vmem>> -> memref<64xi32, #tpu.memory_space<vmem>>
        %dma_start3A_564 = arith.constant 0 : i32
        %dma_start3A_565 = arith.constant 0 : i32
        %dma_start3A_566 = tpu.memref_slice %arg2[%dma_start3A_564, %dma_start3A_565] : memref<10000x128xf32, #tpu.memory_space<hbm>> -> memref<10000x128xf32, #tpu.memory_space<hbm>>
        tpu.enqueue_indirect_dma source(%dma_start3A_566 : memref<10000x128xf32, #tpu.memory_space<hbm>>) target(%dma_start3A_560 : memref<64x128xf32, #tpu.memory_space<vmem>>) offsets(%dma_start3A_563 : memref<64xi32, #tpu.memory_space<vmem>>) semaphore(%arg13 : memref<!tpu.dma_semaphore, #tpu.memory_space<semaphore_mem>>)
      } else {
      }
      %rem3A_493 = arith.constant 12 : i32
      %rem3A_494 = arith.remsi %while3A_479, %rem3A_493 : i32
      %rem3A_495 = arith.constant 5 : i32
      %rem3A_496 = arith.remsi %while3A_479, %rem3A_495 : i32
      %dma_wait3A_497 = arith.constant 0 : i32
      %dma_wait3A_498 = arith.constant 0 : i32
      %dma_wait3A_499 = tpu.memref_slice %arg8[%rem3A_496, %dma_wait3A_497, %dma_wait3A_498] : memref<5x64x128xf32, #tpu.memory_space<vmem>> -> memref<1x64x128xf32, #tpu.memory_space<vmem>>
      %dma_wait3A_500 = tpu.memref_squeeze %dma_wait3A_499 : memref<1x64x128xf32, #tpu.memory_space<vmem>> -> memref<64x128xf32, #tpu.memory_space<vmem>>
      %dma_wait3A_501 = arith.constant 0 : i32
      %dma_wait3A_502 = tpu.memref_slice %arg6[%rem3A_494, %dma_wait3A_501] : memref<12x64xi32, #tpu.memory_space<vmem>> -> memref<1x64xi32, #tpu.memory_space<vmem>>
      %dma_wait3A_503 = tpu.memref_squeeze %dma_wait3A_502 : memref<1x64xi32, #tpu.memory_space<vmem>> -> memref<64xi32, #tpu.memory_space<vmem>>
      %dma_wait3A_504 = arith.constant 0 : i32
      %dma_wait3A_505 = arith.constant 0 : i32
      %dma_wait3A_506 = tpu.memref_slice %arg2[%dma_wait3A_504, %dma_wait3A_505] : memref<10000x128xf32, #tpu.memory_space<hbm>> -> memref<10000x128xf32, #tpu.memory_space<hbm>>
      tpu.wait_indirect_dma semaphore(%arg13 : memref<!tpu.dma_semaphore, #tpu.memory_space<semaphore_mem>>) src(%dma_wait3A_506 : memref<10000x128xf32, #tpu.memory_space<hbm>>) dst(%dma_wait3A_500 : memref<64x128xf32, #tpu.memory_space<vmem>>)
      %rem3A_507 = arith.constant 5 : i32
      %rem3A_508 = arith.remsi %while3A_479, %rem3A_507 : i32
      %rem3A_509 = arith.constant 12 : i32
      %rem3A_510 = arith.remsi %while3A_479, %rem3A_509 : i32
      %dma_start3A_511 = arith.constant 0 : i32
      %dma_start3A_512 = arith.constant 0 : i32
      %dma_start3A_513 = tpu.memref_slice %arg8[%rem3A_508, %dma_start3A_511, %dma_start3A_512] : memref<5x64x128xf32, #tpu.memory_space<vmem>> -> memref<1x64x128xf32, #tpu.memory_space<vmem>>
      %dma_start3A_514 = tpu.memref_squeeze %dma_start3A_513 : memref<1x64x128xf32, #tpu.memory_space<vmem>> -> memref<64x128xf32, #tpu.memory_space<vmem>>
      %dma_start3A_515 = arith.constant 0 : i32
      %dma_start3A_516 = tpu.memref_slice %arg7[%rem3A_510, %dma_start3A_515] : memref<12x64xi32, #tpu.memory_space<vmem>> -> memref<1x64xi32, #tpu.memory_space<vmem>>
      %dma_start3A_517 = tpu.memref_squeeze %dma_start3A_516 : memref<1x64xi32, #tpu.memory_space<vmem>> -> memref<64xi32, #tpu.memory_space<vmem>>
      %dma_start3A_518 = arith.constant 0 : i32
      %dma_start3A_519 = arith.constant 0 : i32
      %dma_start3A_520 = tpu.memref_slice %arg11[%dma_start3A_518, %dma_start3A_519] : memref<10240x128xf32, #tpu.memory_space<vmem_shared>> -> memref<10240x128xf32, #tpu.memory_space<vmem_shared>>
      tpu.enqueue_indirect_dma source(%dma_start3A_514 : memref<64x128xf32, #tpu.memory_space<vmem>>) target(%dma_start3A_520 : memref<10240x128xf32, #tpu.memory_space<vmem_shared>>) offsets(%dma_start3A_517 : memref<64xi32, #tpu.memory_space<vmem>>) semaphore(%arg14 : memref<!tpu.dma_semaphore, #tpu.memory_space<semaphore_mem>>) {add = true}
    }
    %sub3A = arith.constant 1 : i32
    %sub3A_459 = arith.subi %select_n3A_5, %sub3A : i32
    %rem3A_460 = arith.constant 5 : i32
    %rem3A_461 = arith.remsi %sub3A_459, %rem3A_460 : i32
    %rem3A_462 = arith.constant 12 : i32
    %rem3A_463 = arith.remsi %sub3A_459, %rem3A_462 : i32
    %dma_wait3A_464 = arith.constant 0 : i32
    %dma_wait3A_465 = arith.constant 0 : i32
    %dma_wait3A_466 = tpu.memref_slice %arg8[%rem3A_461, %dma_wait3A_464, %dma_wait3A_465] : memref<5x64x128xf32, #tpu.memory_space<vmem>> -> memref<1x64x128xf32, #tpu.memory_space<vmem>>
    %dma_wait3A_467 = tpu.memref_squeeze %dma_wait3A_466 : memref<1x64x128xf32, #tpu.memory_space<vmem>> -> memref<64x128xf32, #tpu.memory_space<vmem>>
    %dma_wait3A_468 = arith.constant 0 : i32
    %dma_wait3A_469 = tpu.memref_slice %arg7[%rem3A_463, %dma_wait3A_468] : memref<12x64xi32, #tpu.memory_space<vmem>> -> memref<1x64xi32, #tpu.memory_space<vmem>>
    %dma_wait3A_470 = tpu.memref_squeeze %dma_wait3A_469 : memref<1x64xi32, #tpu.memory_space<vmem>> -> memref<64xi32, #tpu.memory_space<vmem>>
    %dma_wait3A_471 = arith.constant 0 : i32
    %dma_wait3A_472 = arith.constant 0 : i32
    %dma_wait3A_473 = tpu.memref_slice %arg11[%dma_wait3A_471, %dma_wait3A_472] : memref<10240x128xf32, #tpu.memory_space<vmem_shared>> -> memref<10240x128xf32, #tpu.memory_space<vmem_shared>>
    tpu.wait_indirect_dma semaphore(%arg14 : memref<!tpu.dma_semaphore, #tpu.memory_space<semaphore_mem>>) src(%dma_wait3A_467 : memref<64x128xf32, #tpu.memory_space<vmem>>) dst(%dma_wait3A_473 : memref<10240x128xf32, #tpu.memory_space<vmem_shared>>)
    %barrier3A_474 = arith.constant 0 : index
    tpu.barrier barrier_id(%barrier3A_474)
    %mul3A_475 = arith.constant 640 : i32
    %mul3A_476 = arith.muli %arg1, %mul3A_475 : i32
    %mul3A_477 = arith.constant 640 : i32
    %mul3A_478 = arith.muli %arg1, %mul3A_477 : i32
    "tpu.region"() ({
      %run_scoped3A = tpu.sem_alloc : memref<!tpu.dma_semaphore, #tpu.memory_space<semaphore_mem>>
      %dma_start3A_479 = arith.constant 0 : i32
      %dma_start3A_480 = arith.constant 0 : i32
      %dma_start3A_481 = tpu.memref_slice %arg5[%arg0, %dma_start3A_479, %dma_start3A_480] : memref<2x10240x128xf32, #tpu.memory_space<hbm>> -> memref<1x10240x128xf32, #tpu.memory_space<hbm>>
      %dma_start3A_482 = tpu.memref_squeeze %dma_start3A_481 : memref<1x10240x128xf32, #tpu.memory_space<hbm>> -> memref<10240x128xf32, #tpu.memory_space<hbm>>
      %dma_start3A_483 = arith.constant 0 : i32
      %dma_start3A_484 = tpu.memref_slice %dma_start3A_482[%mul3A_478, %dma_start3A_483] : memref<10240x128xf32, #tpu.memory_space<hbm>> -> memref<640x128xf32, #tpu.memory_space<hbm>>
      %dma_start3A_485 = arith.constant 0 : i32
      %dma_start3A_486 = tpu.memref_slice %arg11[%mul3A_476, %dma_start3A_485] : memref<10240x128xf32, #tpu.memory_space<vmem_shared>> -> memref<640x128xf32, #tpu.memory_space<vmem_shared>>
      tpu.enqueue_dma source(%dma_start3A_486 : memref<640x128xf32, #tpu.memory_space<vmem_shared>>) target(%dma_start3A_484 : memref<640x128xf32, #tpu.memory_space<hbm>>) target_semaphore(%run_scoped3A : memref<!tpu.dma_semaphore, #tpu.memory_space<semaphore_mem>>)
      %dma_wait3A_487 = arith.constant 0 : i32
      %dma_wait3A_488 = arith.constant 0 : i32
      %dma_wait3A_489 = tpu.memref_slice %arg5[%arg0, %dma_wait3A_487, %dma_wait3A_488] : memref<2x10240x128xf32, #tpu.memory_space<hbm>> -> memref<1x10240x128xf32, #tpu.memory_space<hbm>>
      %dma_wait3A_490 = tpu.memref_squeeze %dma_wait3A_489 : memref<1x10240x128xf32, #tpu.memory_space<hbm>> -> memref<10240x128xf32, #tpu.memory_space<hbm>>
      %dma_wait3A_491 = arith.constant 0 : i32
      %dma_wait3A_492 = tpu.memref_slice %dma_wait3A_490[%mul3A_478, %dma_wait3A_491] : memref<10240x128xf32, #tpu.memory_space<hbm>> -> memref<640x128xf32, #tpu.memory_space<hbm>>
      %dma_wait3A_493 = arith.constant 0 : i32
      %dma_wait3A_494 = tpu.memref_slice %arg11[%mul3A_476, %dma_wait3A_493] : memref<10240x128xf32, #tpu.memory_space<vmem_shared>> -> memref<640x128xf32, #tpu.memory_space<vmem_shared>>
      tpu.wait_dma2 semaphore(%run_scoped3A : memref<!tpu.dma_semaphore, #tpu.memory_space<semaphore_mem>>) src(%dma_wait3A_494 : memref<640x128xf32, #tpu.memory_space<vmem_shared>>) dst(%dma_wait3A_492 : memref<640x128xf32, #tpu.memory_space<hbm>>)
      tpu.yield
    }) : () -> ()
    return
  }
}

module attributes {stable_mosaic.version = 14 : i64} {
  func.func @_hw_body(%arg0: i32, %arg1: memref<1000x128xf32, #tpu.memory_space<vmem>>, %arg2: memref<128x128xf32, #tpu.memory_space<vmem>>, %arg3: memref<1x128xf32, #tpu.memory_space<vmem>>, %arg4: memref<1000x128xf32, #tpu.memory_space<vmem>>) attributes {dimension_semantics = [#tpu.dimension_semantics<arbitrary>], iteration_bounds = array<i64: 10>, scalar_prefetch = 0 : i64, scratch_operands = 0 : i64, tpu.core_type = #tpu.core_type<tc>, window_params = [{transform_indices = @transform_0, window_bounds = array<i64: 1000, 128>}, {pipeline_mode = #tpu.pipeline_mode<synchronous>, transform_indices = @transform_1, window_bounds = array<i64: 128, 128>}, {pipeline_mode = #tpu.pipeline_mode<synchronous>, transform_indices = @transform_2, window_bounds = array<i64: 1, 128>}, {transform_indices = @transform_3, window_bounds = array<i64: 1000, 128>}]} {
    %get3A = arith.constant 0 : index
    %get3A_0 = arith.constant 0 : index
    %get3A_1 = vector.load %arg1[%get3A, %get3A_0] : memref<1000x128xf32, #tpu.memory_space<vmem>>, vector<1000x128xf32>
    %get3A_2 = arith.constant 0 : index
    %get3A_3 = arith.constant 0 : index
    %get3A_4 = vector.load %arg2[%get3A_2, %get3A_3] : memref<128x128xf32, #tpu.memory_space<vmem>>, vector<128x128xf32>
    %dot_general3A = arith.constant dense<0.000000e+00> : vector<1000x128xf32>
    %dot_general3A_5 = tpu.matmul %get3A_1, %get3A_4, %dot_general3A {dimension_numbers = #tpu.dot_dimension_numbers<[1], [0], [0], [1], [0, 0, 1, 1], [], []>, precision = #tpu.contract_precision<fp32>, transpose_lhs_hint = false} : vector<1000x128xf32>, vector<128x128xf32>, vector<1000x128xf32> -> vector<1000x128xf32>
    %get3A_6 = arith.constant 0 : index
    %get3A_7 = arith.constant 0 : index
    %get3A_8 = vector.load %arg3[%get3A_6, %get3A_7] : memref<1x128xf32, #tpu.memory_space<vmem>>, vector<1x128xf32>
    %add3A = vector.broadcast %get3A_8 : vector<1x128xf32> to vector<1000x128xf32>
    %add3A_9 = arith.addf %dot_general3A_5, %add3A : vector<1000x128xf32>
    %swap3A = arith.constant 0 : index
    %swap3A_10 = arith.constant 0 : index
    %swap3A_11 = vector.load %arg4[%swap3A, %swap3A_10] : memref<1000x128xf32, #tpu.memory_space<vmem>>, vector<1000x128xf32>
    tpu.vector_store %arg4[%swap3A, %swap3A_10], %add3A_9 {strides = array<i32>} : memref<1000x128xf32, #tpu.memory_space<vmem>>, vector<1000x128xf32>,
    return
  }
  func.func @transform_0(%arg0: i32) -> (i32, i32) {
    %c0_i32 = arith.constant 0 : i32
    %c0_i32_0 = arith.constant 0 : i32
    return %arg0, %c0_i32 : i32, i32
  }
  func.func @transform_1(%arg0: i32) -> (i32, i32) {
    %c0_i32 = arith.constant 0 : i32
    %c0_i32_0 = arith.constant 0 : i32
    %c0_i32_1 = arith.constant 0 : i32
    return %c0_i32, %c0_i32_0 : i32, i32
  }
  func.func @transform_2(%arg0: i32) -> (i32, i32) {
    %c0_i32 = arith.constant 0 : i32
    %c0_i32_0 = arith.constant 0 : i32
    %c0_i32_1 = arith.constant 0 : i32
    return %c0_i32, %c0_i32_0 : i32, i32
  }
  func.func @transform_3(%arg0: i32) -> (i32, i32) {
    %c0_i32 = arith.constant 0 : i32
    %c0_i32_0 = arith.constant 0 : i32
    return %arg0, %c0_i32 : i32, i32
  }
}

module attributes {stable_mosaic.version = 14 : i64} {
  func.func @_mm_body(%arg0: i32, %arg1: memref<1000x128xf32, #tpu.memory_space<vmem>>, %arg2: memref<2x1000x128xf32, #tpu.memory_space<vmem>>, %arg3: memref<2x1000x1xf32, #tpu.memory_space<vmem>>, %arg4: memref<128x128xf32, #tpu.memory_space<vmem>>, %arg5: memref<1000x128xf32, #tpu.memory_space<vmem>>, %arg6: memref<1x128xf32, #tpu.memory_space<vmem>>, %arg7: memref<1x128xf32, #tpu.memory_space<vmem>>) attributes {dimension_semantics = [#tpu.dimension_semantics<arbitrary>], iteration_bounds = array<i64: 10>, scalar_prefetch = 0 : i64, scratch_operands = 0 : i64, tpu.core_type = #tpu.core_type<tc>, window_params = [{transform_indices = @transform_0, window_bounds = array<i64: 1000, 128>}, {transform_indices = @transform_1, window_bounds = array<i64: 2, 1000, 128>}, {transform_indices = @transform_2, window_bounds = array<i64: 2, 1000, 1>}, {pipeline_mode = #tpu.pipeline_mode<synchronous>, transform_indices = @transform_3, window_bounds = array<i64: 128, 128>}, {transform_indices = @transform_4, window_bounds = array<i64: 1000, 128>}, {pipeline_mode = #tpu.pipeline_mode<synchronous>, transform_indices = @transform_5, window_bounds = array<i64: 1, 128>}, {pipeline_mode = #tpu.pipeline_mode<synchronous>, transform_indices = @transform_6, window_bounds = array<i64: 1, 128>}]} {
    %get3A = arith.constant 0 : index
    %get3A_0 = arith.constant 0 : index
    %get3A_1 = arith.constant 0 : index
    %get3A_2 = vector.load %arg3[%get3A, %get3A_0, %get3A_1] : memref<2x1000x1xf32, #tpu.memory_space<vmem>>, vector<1x1000x1xf32>
    %get3A_3 = vector.shape_cast %get3A_2 : vector<1x1000x1xf32> to vector<1000x1xf32>
    %get3A_4 = arith.constant 1 : index
    %get3A_5 = arith.constant 0 : index
    %get3A_6 = arith.constant 0 : index
    %get3A_7 = vector.load %arg3[%get3A_4, %get3A_5, %get3A_6] : memref<2x1000x1xf32, #tpu.memory_space<vmem>>, vector<1x1000x1xf32>
    %get3A_8 = vector.shape_cast %get3A_7 : vector<1x1000x1xf32> to vector<1000x1xf32>
    %add3A = arith.addf %get3A_3, %get3A_8 : vector<1000x1xf32>
    %max3A = arith.constant 1.000000e+00 : f32
    %max3A_9 = vector.broadcast %max3A : f32 to vector<1000x1xf32>
    %max3A_10 = arith.maximumf %add3A, %max3A_9 : vector<1000x1xf32>
    %div3A = arith.constant 1.000000e+00 : f32
    %div3A_11 = vector.broadcast %div3A : f32 to vector<1000x1xf32>
    %div3A_12 = arith.divf %div3A_11, %max3A_10 : vector<1000x1xf32>
    %get3A_13 = arith.constant 0 : index
    %get3A_14 = arith.constant 0 : index
    %get3A_15 = arith.constant 0 : index
    %get3A_16 = vector.load %arg2[%get3A_13, %get3A_14, %get3A_15] : memref<2x1000x128xf32, #tpu.memory_space<vmem>>, vector<1x1000x128xf32>
    %get3A_17 = vector.shape_cast %get3A_16 : vector<1x1000x128xf32> to vector<1000x128xf32>
    %get3A_18 = arith.constant 1 : index
    %get3A_19 = arith.constant 0 : index
    %get3A_20 = arith.constant 0 : index
    %get3A_21 = vector.load %arg2[%get3A_18, %get3A_19, %get3A_20] : memref<2x1000x128xf32, #tpu.memory_space<vmem>>, vector<1x1000x128xf32>
    %get3A_22 = vector.shape_cast %get3A_21 : vector<1x1000x128xf32> to vector<1000x128xf32>
    %add3A_23 = arith.addf %get3A_17, %get3A_22 : vector<1000x128xf32>
    %mul3A = vector.broadcast %div3A_12 : vector<1000x1xf32> to vector<1000x128xf32>
    %mul3A_24 = arith.mulf %add3A_23, %mul3A : vector<1000x128xf32>
    %get3A_25 = arith.constant 0 : index
    %get3A_26 = arith.constant 0 : index
    %get3A_27 = vector.load %arg1[%get3A_25, %get3A_26] : memref<1000x128xf32, #tpu.memory_space<vmem>>, vector<1000x128xf32>
    %get3A_28 = arith.constant 0 : index
    %get3A_29 = arith.constant 0 : index
    %get3A_30 = vector.load %arg4[%get3A_28, %get3A_29] : memref<128x128xf32, #tpu.memory_space<vmem>>, vector<128x128xf32>
    %dot_general3A = arith.constant dense<0.000000e+00> : vector<1000x128xf32>
    %dot_general3A_31 = tpu.matmul %mul3A_24, %get3A_30, %dot_general3A {dimension_numbers = #tpu.dot_dimension_numbers<[1], [0], [0], [1], [0, 0, 1, 1], [], []>, precision = #tpu.contract_precision<fp32>, transpose_lhs_hint = false} : vector<1000x128xf32>, vector<128x128xf32>, vector<1000x128xf32> -> vector<1000x128xf32>
    %add3A_32 = arith.addf %get3A_27, %dot_general3A_31 : vector<1000x128xf32>
    %swap3A = arith.constant 0 : index
    %swap3A_33 = arith.constant 0 : index
    %swap3A_34 = vector.load %arg5[%swap3A, %swap3A_33] : memref<1000x128xf32, #tpu.memory_space<vmem>>, vector<1000x128xf32>
    tpu.vector_store %arg5[%swap3A, %swap3A_33], %add3A_32 {strides = array<i32>} : memref<1000x128xf32, #tpu.memory_space<vmem>>, vector<1000x128xf32>,
    %eq3A = arith.constant 0 : i32
    %eq3A_35 = arith.cmpi eq, %arg0, %eq3A : i32
    %convert_element_type3A = arith.extui %eq3A_35 : i1 to i32
    %cond3A = arith.constant 0 : i32
    %cond3A_36 = arith.cmpi ne, %convert_element_type3A, %cond3A : i32
    scf.if %cond3A_36 {
      %broadcast_in_dim3A_56 = arith.constant 0.000000e+00 : f32
      %broadcast_in_dim3A_57 = vector.broadcast %broadcast_in_dim3A_56 : f32 to vector<1x128xf32>
      %swap3A_58 = arith.constant 0 : index
      %swap3A_59 = arith.constant 0 : index
      %swap3A_60 = vector.load %arg6[%swap3A_58, %swap3A_59] : memref<1x128xf32, #tpu.memory_space<vmem>>, vector<1x128xf32>
      tpu.vector_store %arg6[%swap3A_58, %swap3A_59], %broadcast_in_dim3A_57 {strides = array<i32>} : memref<1x128xf32, #tpu.memory_space<vmem>>, vector<1x128xf32>,
      %broadcast_in_dim3A_61 = arith.constant 0.000000e+00 : f32
      %broadcast_in_dim3A_62 = vector.broadcast %broadcast_in_dim3A_61 : f32 to vector<1x128xf32>
      %swap3A_63 = arith.constant 0 : index
      %swap3A_64 = arith.constant 0 : index
      %swap3A_65 = vector.load %arg7[%swap3A_63, %swap3A_64] : memref<1x128xf32, #tpu.memory_space<vmem>>, vector<1x128xf32>
      tpu.vector_store %arg7[%swap3A_63, %swap3A_64], %broadcast_in_dim3A_62 {strides = array<i32>} : memref<1x128xf32, #tpu.memory_space<vmem>>, vector<1x128xf32>,
    } else {
    }
    %get3A_37 = arith.constant 0 : index
    %get3A_38 = arith.constant 0 : index
    %get3A_39 = vector.load %arg6[%get3A_37, %get3A_38] : memref<1x128xf32, #tpu.memory_space<vmem>>, vector<1x128xf32>
    %reduce_sum3A = arith.constant dense<0.000000e+00> : vector<128xf32>
    %reduce_sum3A_40 = vector.multi_reduction <add>, %add3A_32, %reduce_sum3A [0] : vector<1000x128xf32> to vector<128xf32>
    %broadcast_in_dim3A = vector.shape_cast %reduce_sum3A_40 : vector<128xf32> to vector<1x128xf32>
    %add3A_41 = arith.addf %get3A_39, %broadcast_in_dim3A : vector<1x128xf32>
    %swap3A_42 = arith.constant 0 : index
    %swap3A_43 = arith.constant 0 : index
    %swap3A_44 = vector.load %arg6[%swap3A_42, %swap3A_43] : memref<1x128xf32, #tpu.memory_space<vmem>>, vector<1x128xf32>
    tpu.vector_store %arg6[%swap3A_42, %swap3A_43], %add3A_41 {strides = array<i32>} : memref<1x128xf32, #tpu.memory_space<vmem>>, vector<1x128xf32>,
    %get3A_45 = arith.constant 0 : index
    %get3A_46 = arith.constant 0 : index
    %get3A_47 = vector.load %arg7[%get3A_45, %get3A_46] : memref<1x128xf32, #tpu.memory_space<vmem>>, vector<1x128xf32>
    %mul3A_48 = arith.mulf %add3A_32, %add3A_32 : vector<1000x128xf32>
    %reduce_sum3A_49 = arith.constant dense<0.000000e+00> : vector<128xf32>
    %reduce_sum3A_50 = vector.multi_reduction <add>, %mul3A_48, %reduce_sum3A_49 [0] : vector<1000x128xf32> to vector<128xf32>
    %broadcast_in_dim3A_51 = vector.shape_cast %reduce_sum3A_50 : vector<128xf32> to vector<1x128xf32>
    %add3A_52 = arith.addf %get3A_47, %broadcast_in_dim3A_51 : vector<1x128xf32>
    %swap3A_53 = arith.constant 0 : index
    %swap3A_54 = arith.constant 0 : index
    %swap3A_55 = vector.load %arg7[%swap3A_53, %swap3A_54] : memref<1x128xf32, #tpu.memory_space<vmem>>, vector<1x128xf32>
    tpu.vector_store %arg7[%swap3A_53, %swap3A_54], %add3A_52 {strides = array<i32>} : memref<1x128xf32, #tpu.memory_space<vmem>>, vector<1x128xf32>,
    return
  }
  func.func @transform_0(%arg0: i32) -> (i32, i32) {
    %c0_i32 = arith.constant 0 : i32
    %c0_i32_0 = arith.constant 0 : i32
    return %arg0, %c0_i32 : i32, i32
  }
  func.func @transform_1(%arg0: i32) -> (i32, i32, i32) {
    %c0_i32 = arith.constant 0 : i32
    %c0_i32_0 = arith.constant 0 : i32
    %c0_i32_1 = arith.constant 0 : i32
    return %c0_i32, %arg0, %c0_i32_0 : i32, i32, i32
  }
  func.func @transform_2(%arg0: i32) -> (i32, i32, i32) {
    %c0_i32 = arith.constant 0 : i32
    %c0_i32_0 = arith.constant 0 : i32
    %c0_i32_1 = arith.constant 0 : i32
    return %c0_i32, %arg0, %c0_i32_0 : i32, i32, i32
  }
  func.func @transform_3(%arg0: i32) -> (i32, i32) {
    %c0_i32 = arith.constant 0 : i32
    %c0_i32_0 = arith.constant 0 : i32
    %c0_i32_1 = arith.constant 0 : i32
    return %c0_i32, %c0_i32_0 : i32, i32
  }
  func.func @transform_4(%arg0: i32) -> (i32, i32) {
    %c0_i32 = arith.constant 0 : i32
    %c0_i32_0 = arith.constant 0 : i32
    return %arg0, %c0_i32 : i32, i32
  }
  func.func @transform_5(%arg0: i32) -> (i32, i32) {
    %c0_i32 = arith.constant 0 : i32
    %c0_i32_0 = arith.constant 0 : i32
    %c0_i32_1 = arith.constant 0 : i32
    return %c0_i32, %c0_i32_0 : i32, i32
  }
  func.func @transform_6(%arg0: i32) -> (i32, i32) {
    %c0_i32 = arith.constant 0 : i32
    %c0_i32_0 = arith.constant 0 : i32
    %c0_i32_1 = arith.constant 0 : i32
    return %c0_i32, %c0_i32_0 : i32, i32
  }
}

module attributes {stable_mosaic.version = 14 : i64} {
  func.func @_bnrelu_body(%arg0: i32, %arg1: memref<1000x128xf32, #tpu.memory_space<vmem>>, %arg2: memref<1x128xf32, #tpu.memory_space<vmem>>, %arg3: memref<1x128xf32, #tpu.memory_space<vmem>>, %arg4: memref<1x128xf32, #tpu.memory_space<vmem>>, %arg5: memref<1x128xf32, #tpu.memory_space<vmem>>, %arg6: memref<1000x128xf32, #tpu.memory_space<vmem>>) attributes {dimension_semantics = [#tpu.dimension_semantics<arbitrary>], iteration_bounds = array<i64: 10>, scalar_prefetch = 0 : i64, scratch_operands = 0 : i64, tpu.core_type = #tpu.core_type<tc>, window_params = [{transform_indices = @transform_0, window_bounds = array<i64: 1000, 128>}, {pipeline_mode = #tpu.pipeline_mode<synchronous>, transform_indices = @transform_1, window_bounds = array<i64: 1, 128>}, {pipeline_mode = #tpu.pipeline_mode<synchronous>, transform_indices = @transform_2, window_bounds = array<i64: 1, 128>}, {pipeline_mode = #tpu.pipeline_mode<synchronous>, transform_indices = @transform_3, window_bounds = array<i64: 1, 128>}, {pipeline_mode = #tpu.pipeline_mode<synchronous>, transform_indices = @transform_4, window_bounds = array<i64: 1, 128>}, {transform_indices = @transform_5, window_bounds = array<i64: 1000, 128>}]} {
    %get3A = arith.constant 0 : index
    %get3A_0 = arith.constant 0 : index
    %get3A_1 = vector.load %arg2[%get3A, %get3A_0] : memref<1x128xf32, #tpu.memory_space<vmem>>, vector<1x128xf32>
    %mul3A = arith.constant 9.99999974E-5 : f32
    %mul3A_2 = vector.broadcast %mul3A : f32 to vector<1x128xf32>
    %mul3A_3 = arith.mulf %get3A_1, %mul3A_2 : vector<1x128xf32>
    %get3A_4 = arith.constant 0 : index
    %get3A_5 = arith.constant 0 : index
    %get3A_6 = vector.load %arg3[%get3A_4, %get3A_5] : memref<1x128xf32, #tpu.memory_space<vmem>>, vector<1x128xf32>
    %mul3A_7 = arith.constant 9.99999974E-5 : f32
    %mul3A_8 = vector.broadcast %mul3A_7 : f32 to vector<1x128xf32>
    %mul3A_9 = arith.mulf %get3A_6, %mul3A_8 : vector<1x128xf32>
    %mul3A_10 = arith.mulf %mul3A_3, %mul3A_3 : vector<1x128xf32>
    %sub3A = arith.subf %mul3A_9, %mul3A_10 : vector<1x128xf32>
    %get3A_11 = arith.constant 0 : index
    %get3A_12 = arith.constant 0 : index
    %get3A_13 = vector.load %arg4[%get3A_11, %get3A_12] : memref<1x128xf32, #tpu.memory_space<vmem>>, vector<1x128xf32>
    %add3A = arith.constant 9.99999974E-6 : f32
    %add3A_14 = vector.broadcast %add3A : f32 to vector<1x128xf32>
    %add3A_15 = arith.addf %sub3A, %add3A_14 : vector<1x128xf32>
    %rsqrt3A = math.rsqrt %add3A_15 : vector<1x128xf32>
    %mul3A_16 = arith.mulf %get3A_13, %rsqrt3A : vector<1x128xf32>
    %get3A_17 = arith.constant 0 : index
    %get3A_18 = arith.constant 0 : index
    %get3A_19 = vector.load %arg5[%get3A_17, %get3A_18] : memref<1x128xf32, #tpu.memory_space<vmem>>, vector<1x128xf32>
    %mul3A_20 = arith.mulf %mul3A_3, %mul3A_16 : vector<1x128xf32>
    %sub3A_21 = arith.subf %get3A_19, %mul3A_20 : vector<1x128xf32>
    %get3A_22 = arith.constant 0 : index
    %get3A_23 = arith.constant 0 : index
    %get3A_24 = vector.load %arg1[%get3A_22, %get3A_23] : memref<1000x128xf32, #tpu.memory_space<vmem>>, vector<1000x128xf32>
    %mul3A_25 = vector.broadcast %mul3A_16 : vector<1x128xf32> to vector<1000x128xf32>
    %mul3A_26 = arith.mulf %get3A_24, %mul3A_25 : vector<1000x128xf32>
    %add3A_27 = vector.broadcast %sub3A_21 : vector<1x128xf32> to vector<1000x128xf32>
    %add3A_28 = arith.addf %mul3A_26, %add3A_27 : vector<1000x128xf32>
    %max3A = arith.constant 0.000000e+00 : f32
    %max3A_29 = vector.broadcast %max3A : f32 to vector<1000x128xf32>
    %max3A_30 = arith.maximumf %add3A_28, %max3A_29 : vector<1000x128xf32>
    %swap3A = arith.constant 0 : index
    %swap3A_31 = arith.constant 0 : index
    %swap3A_32 = vector.load %arg6[%swap3A, %swap3A_31] : memref<1000x128xf32, #tpu.memory_space<vmem>>, vector<1000x128xf32>
    tpu.vector_store %arg6[%swap3A, %swap3A_31], %max3A_30 {strides = array<i32>} : memref<1000x128xf32, #tpu.memory_space<vmem>>, vector<1000x128xf32>,
    return
  }
  func.func @transform_0(%arg0: i32) -> (i32, i32) {
    %c0_i32 = arith.constant 0 : i32
    %c0_i32_0 = arith.constant 0 : i32
    return %arg0, %c0_i32 : i32, i32
  }
  func.func @transform_1(%arg0: i32) -> (i32, i32) {
    %c0_i32 = arith.constant 0 : i32
    %c0_i32_0 = arith.constant 0 : i32
    %c0_i32_1 = arith.constant 0 : i32
    return %c0_i32, %c0_i32_0 : i32, i32
  }
  func.func @transform_2(%arg0: i32) -> (i32, i32) {
    %c0_i32 = arith.constant 0 : i32
    %c0_i32_0 = arith.constant 0 : i32
    %c0_i32_1 = arith.constant 0 : i32
    return %c0_i32, %c0_i32_0 : i32, i32
  }
  func.func @transform_3(%arg0: i32) -> (i32, i32) {
    %c0_i32 = arith.constant 0 : i32
    %c0_i32_0 = arith.constant 0 : i32
    %c0_i32_1 = arith.constant 0 : i32
    return %c0_i32, %c0_i32_0 : i32, i32
  }
  func.func @transform_4(%arg0: i32) -> (i32, i32) {
    %c0_i32 = arith.constant 0 : i32
    %c0_i32_0 = arith.constant 0 : i32
    %c0_i32_1 = arith.constant 0 : i32
    return %c0_i32, %c0_i32_0 : i32, i32
  }
  func.func @transform_5(%arg0: i32) -> (i32, i32) {
    %c0_i32 = arith.constant 0 : i32
    %c0_i32_0 = arith.constant 0 : i32
    return %arg0, %c0_i32 : i32, i32
  }
}

module attributes {stable_mosaic.version = 14 : i64} {
  func.func @_final_body(%arg0: i32, %arg1: memref<1000x128xf32, #tpu.memory_space<vmem>>, %arg2: memref<2x1000x128xf32, #tpu.memory_space<vmem>>, %arg3: memref<2x1000x1xf32, #tpu.memory_space<vmem>>, %arg4: memref<128x128xf32, #tpu.memory_space<vmem>>, %arg5: memref<128x128xf32, #tpu.memory_space<vmem>>, %arg6: memref<1x128xf32, #tpu.memory_space<vmem>>, %arg7: memref<128x128xf32, #tpu.memory_space<vmem>>, %arg8: memref<1x128xf32, #tpu.memory_space<vmem>>, %arg9: memref<1000x128xf32, #tpu.memory_space<vmem>>) attributes {dimension_semantics = [#tpu.dimension_semantics<arbitrary>], iteration_bounds = array<i64: 10>, scalar_prefetch = 0 : i64, scratch_operands = 0 : i64, tpu.core_type = #tpu.core_type<tc>, window_params = [{transform_indices = @transform_0, window_bounds = array<i64: 1000, 128>}, {transform_indices = @transform_1, window_bounds = array<i64: 2, 1000, 128>}, {transform_indices = @transform_2, window_bounds = array<i64: 2, 1000, 1>}, {pipeline_mode = #tpu.pipeline_mode<synchronous>, transform_indices = @transform_3, window_bounds = array<i64: 128, 128>}, {pipeline_mode = #tpu.pipeline_mode<synchronous>, transform_indices = @transform_4, window_bounds = array<i64: 128, 128>}, {pipeline_mode = #tpu.pipeline_mode<synchronous>, transform_indices = @transform_5, window_bounds = array<i64: 1, 128>}, {pipeline_mode = #tpu.pipeline_mode<synchronous>, transform_indices = @transform_6, window_bounds = array<i64: 128, 128>}, {pipeline_mode = #tpu.pipeline_mode<synchronous>, transform_indices = @transform_7, window_bounds = array<i64: 1, 128>}, {transform_indices = @transform_8, window_bounds = array<i64: 1000, 128>}]} {
    %get3A = arith.constant 0 : index
    %get3A_0 = arith.constant 0 : index
    %get3A_1 = arith.constant 0 : index
    %get3A_2 = vector.load %arg3[%get3A, %get3A_0, %get3A_1] : memref<2x1000x1xf32, #tpu.memory_space<vmem>>, vector<1x1000x1xf32>
    %get3A_3 = vector.shape_cast %get3A_2 : vector<1x1000x1xf32> to vector<1000x1xf32>
    %get3A_4 = arith.constant 1 : index
    %get3A_5 = arith.constant 0 : index
    %get3A_6 = arith.constant 0 : index
    %get3A_7 = vector.load %arg3[%get3A_4, %get3A_5, %get3A_6] : memref<2x1000x1xf32, #tpu.memory_space<vmem>>, vector<1x1000x1xf32>
    %get3A_8 = vector.shape_cast %get3A_7 : vector<1x1000x1xf32> to vector<1000x1xf32>
    %add3A = arith.addf %get3A_3, %get3A_8 : vector<1000x1xf32>
    %max3A = arith.constant 1.000000e+00 : f32
    %max3A_9 = vector.broadcast %max3A : f32 to vector<1000x1xf32>
    %max3A_10 = arith.maximumf %add3A, %max3A_9 : vector<1000x1xf32>
    %div3A = arith.constant 1.000000e+00 : f32
    %div3A_11 = vector.broadcast %div3A : f32 to vector<1000x1xf32>
    %div3A_12 = arith.divf %div3A_11, %max3A_10 : vector<1000x1xf32>
    %get3A_13 = arith.constant 0 : index
    %get3A_14 = arith.constant 0 : index
    %get3A_15 = arith.constant 0 : index
    %get3A_16 = vector.load %arg2[%get3A_13, %get3A_14, %get3A_15] : memref<2x1000x128xf32, #tpu.memory_space<vmem>>, vector<1x1000x128xf32>
    %get3A_17 = vector.shape_cast %get3A_16 : vector<1x1000x128xf32> to vector<1000x128xf32>
    %get3A_18 = arith.constant 1 : index
    %get3A_19 = arith.constant 0 : index
    %get3A_20 = arith.constant 0 : index
    %get3A_21 = vector.load %arg2[%get3A_18, %get3A_19, %get3A_20] : memref<2x1000x128xf32, #tpu.memory_space<vmem>>, vector<1x1000x128xf32>
    %get3A_22 = vector.shape_cast %get3A_21 : vector<1x1000x128xf32> to vector<1000x128xf32>
    %add3A_23 = arith.addf %get3A_17, %get3A_22 : vector<1000x128xf32>
    %mul3A = vector.broadcast %div3A_12 : vector<1000x1xf32> to vector<1000x128xf32>
    %mul3A_24 = arith.mulf %add3A_23, %mul3A : vector<1000x128xf32>
    %get3A_25 = arith.constant 0 : index
    %get3A_26 = arith.constant 0 : index
    %get3A_27 = vector.load %arg1[%get3A_25, %get3A_26] : memref<1000x128xf32, #tpu.memory_space<vmem>>, vector<1000x128xf32>
    %get3A_28 = arith.constant 0 : index
    %get3A_29 = arith.constant 0 : index
    %get3A_30 = vector.load %arg4[%get3A_28, %get3A_29] : memref<128x128xf32, #tpu.memory_space<vmem>>, vector<128x128xf32>
    %dot_general3A = arith.constant dense<0.000000e+00> : vector<1000x128xf32>
    %dot_general3A_31 = tpu.matmul %mul3A_24, %get3A_30, %dot_general3A {dimension_numbers = #tpu.dot_dimension_numbers<[1], [0], [0], [1], [0, 0, 1, 1], [], []>, precision = #tpu.contract_precision<fp32>, transpose_lhs_hint = false} : vector<1000x128xf32>, vector<128x128xf32>, vector<1000x128xf32> -> vector<1000x128xf32>
    %add3A_32 = arith.addf %get3A_27, %dot_general3A_31 : vector<1000x128xf32>
    %get3A_33 = arith.constant 0 : index
    %get3A_34 = arith.constant 0 : index
    %get3A_35 = vector.load %arg5[%get3A_33, %get3A_34] : memref<128x128xf32, #tpu.memory_space<vmem>>, vector<128x128xf32>
    %dot_general3A_36 = arith.constant dense<0.000000e+00> : vector<1000x128xf32>
    %dot_general3A_37 = tpu.matmul %add3A_32, %get3A_35, %dot_general3A_36 {dimension_numbers = #tpu.dot_dimension_numbers<[1], [0], [0], [1], [0, 0, 1, 1], [], []>, precision = #tpu.contract_precision<fp32>, transpose_lhs_hint = false} : vector<1000x128xf32>, vector<128x128xf32>, vector<1000x128xf32> -> vector<1000x128xf32>
    %get3A_38 = arith.constant 0 : index
    %get3A_39 = arith.constant 0 : index
    %get3A_40 = vector.load %arg6[%get3A_38, %get3A_39] : memref<1x128xf32, #tpu.memory_space<vmem>>, vector<1x128xf32>
    %add3A_41 = vector.broadcast %get3A_40 : vector<1x128xf32> to vector<1000x128xf32>
    %add3A_42 = arith.addf %dot_general3A_37, %add3A_41 : vector<1000x128xf32>
    %max3A_43 = arith.constant 0.000000e+00 : f32
    %max3A_44 = vector.broadcast %max3A_43 : f32 to vector<1000x128xf32>
    %max3A_45 = arith.maximumf %add3A_42, %max3A_44 : vector<1000x128xf32>
    %get3A_46 = arith.constant 0 : index
    %get3A_47 = arith.constant 0 : index
    %get3A_48 = vector.load %arg7[%get3A_46, %get3A_47] : memref<128x128xf32, #tpu.memory_space<vmem>>, vector<128x128xf32>
    %dot_general3A_49 = arith.constant dense<0.000000e+00> : vector<1000x128xf32>
    %dot_general3A_50 = tpu.matmul %max3A_45, %get3A_48, %dot_general3A_49 {dimension_numbers = #tpu.dot_dimension_numbers<[1], [0], [0], [1], [0, 0, 1, 1], [], []>, precision = #tpu.contract_precision<fp32>, transpose_lhs_hint = false} : vector<1000x128xf32>, vector<128x128xf32>, vector<1000x128xf32> -> vector<1000x128xf32>
    %get3A_51 = arith.constant 0 : index
    %get3A_52 = arith.constant 0 : index
    %get3A_53 = vector.load %arg8[%get3A_51, %get3A_52] : memref<1x128xf32, #tpu.memory_space<vmem>>, vector<1x128xf32>
    %add3A_54 = vector.broadcast %get3A_53 : vector<1x128xf32> to vector<1000x128xf32>
    %add3A_55 = arith.addf %dot_general3A_50, %add3A_54 : vector<1000x128xf32>
    %swap3A = arith.constant 0 : index
    %swap3A_56 = arith.constant 0 : index
    %swap3A_57 = vector.load %arg9[%swap3A, %swap3A_56] : memref<1000x128xf32, #tpu.memory_space<vmem>>, vector<1000x128xf32>
    tpu.vector_store %arg9[%swap3A, %swap3A_56], %add3A_55 {strides = array<i32>} : memref<1000x128xf32, #tpu.memory_space<vmem>>, vector<1000x128xf32>,
    return
  }
  func.func @transform_0(%arg0: i32) -> (i32, i32) {
    %c0_i32 = arith.constant 0 : i32
    %c0_i32_0 = arith.constant 0 : i32
    return %arg0, %c0_i32 : i32, i32
  }
  func.func @transform_1(%arg0: i32) -> (i32, i32, i32) {
    %c0_i32 = arith.constant 0 : i32
    %c0_i32_0 = arith.constant 0 : i32
    %c0_i32_1 = arith.constant 0 : i32
    return %c0_i32, %arg0, %c0_i32_0 : i32, i32, i32
  }
  func.func @transform_2(%arg0: i32) -> (i32, i32, i32) {
    %c0_i32 = arith.constant 0 : i32
    %c0_i32_0 = arith.constant 0 : i32
    %c0_i32_1 = arith.constant 0 : i32
    return %c0_i32, %arg0, %c0_i32_0 : i32, i32, i32
  }
  func.func @transform_3(%arg0: i32) -> (i32, i32) {
    %c0_i32 = arith.constant 0 : i32
    %c0_i32_0 = arith.constant 0 : i32
    %c0_i32_1 = arith.constant 0 : i32
    return %c0_i32, %c0_i32_0 : i32, i32
  }
  func.func @transform_4(%arg0: i32) -> (i32, i32) {
    %c0_i32 = arith.constant 0 : i32
    %c0_i32_0 = arith.constant 0 : i32
    %c0_i32_1 = arith.constant 0 : i32
    return %c0_i32, %c0_i32_0 : i32, i32
  }
  func.func @transform_5(%arg0: i32) -> (i32, i32) {
    %c0_i32 = arith.constant 0 : i32
    %c0_i32_0 = arith.constant 0 : i32
    %c0_i32_1 = arith.constant 0 : i32
    return %c0_i32, %c0_i32_0 : i32, i32
  }
  func.func @transform_6(%arg0: i32) -> (i32, i32) {
    %c0_i32 = arith.constant 0 : i32
    %c0_i32_0 = arith.constant 0 : i32
    %c0_i32_1 = arith.constant 0 : i32
    return %c0_i32, %c0_i32_0 : i32, i32
  }
  func.func @transform_7(%arg0: i32) -> (i32, i32) {
    %c0_i32 = arith.constant 0 : i32
    %c0_i32_0 = arith.constant 0 : i32
    %c0_i32_1 = arith.constant 0 : i32
    return %c0_i32, %c0_i32_0 : i32, i32
  }
  func.func @transform_8(%arg0: i32) -> (i32, i32) {
    %c0_i32 = arith.constant 0 : i32
    %c0_i32_0 = arith.constant 0 : i32
    return %arg0, %c0_i32 : i32, i32
  }
}

</mosaic_0001>

<sc_bundles>
// kernel: kernel.13.cloned.1.call-start
scs
__scs_entry_jumppad:
0x0: {  	(pc) =	sbr.rel $0x88, $3  }
0x1: {  	(tag) =	ssettag $0x0;
	lr =	simm.s32 $0x1  }
0x2: {  	[smem:$0x3F8E] =	sst lr;
	_ =	strace $0xD0000000  }
0x3: {  	_ = 	snop  }
0x4: {  	_ = 	snop  }
0x5: {  	_ = 	snop  }
0x6: {  	_ = 	snop  }
0x7: {  	_ = 	snop  }
__scs_overlays_trampoline_lowered:
0x8: {  	[smem:$0x3F9D] =	sst s0  }
0x9: {  	[smem:$0x3F9E] =	sst s1  }
0xa: {  	[smem:$0x3F9F] =	sst s2  }
0xb: {  	[smem:$0x3FA0] =	sst s3  }
0xc: {  	[smem:$0x3FA1] =	sst s4  }
0xd: {  	[smem:$0x3FA2] =	sst s5  }
0xe: {  	[smem:$0x3FA3] =	sst s6  }
0xf: {  	[smem:$0x3FA4] =	sst s7  }
0x10: {  	[smem:$0x3FA5] =	sst s8  }
0x11: {  	[smem:$0x3FA6] =	sst s9;
	s0 =	simm.s32 @!p0 $0x0  }
0x12: {  	s1 =	sld [smem:$0x3F8C];
	s0 =	simm.s32 @p0 $0x1  }
0x13: {  	[smem:$0x3FA7] =	sst s0;
	s0 =	simm.s32 @!p1 $0x0  }
0x14: {  	s2 =	sld [smem:$0x3F8B];
	s0 =	simm.s32 @p1 $0x1  }
0x15: {  	[smem:$0x3FA8] =	sst s0;
	s0 =	simm.s32 @!p2 $0x0  }
0x16: {  	s3 =	sld [smem:$0x3FDB];
	s0 =	simm.s32 @p2 $0x1  }
0x17: {  	s4 =	simm.s32 $0x1BF5;
	[smem:$0x3FAA] =	sst s0  }
0x18: {  	s0 =	sld [smem:$0x3F8D];
	_ =	swait.ge [sflag:s4], $0x0  }
0x19: {  	s7 =	sld [smem:$0x3F8E]  }
0x1a: {  	s8 =	sadd.s32 $0xFFFFE003, lr  }
0x1b: {  	s9 =	sadd.s32 $0xFFFFFEF7, lr;
	s5 =	simm.s32 $0xFFFFFFFF;
	p2 =	slt.u32 s8, $0xFFFFF086  }
0x1c: {  	p1 =	slt.u32 s9, $0xF7A;
	s5 =	simm.s32 @!p2 $0x0  }
0x1d: {  	s5 =	simm.s32 @p1 $0x1;
	p0 =	seq.s32 s7, s2  }
0x1e: {  	s7 =	smul.u32 @!p0 $0xF7A, s2;
	p2 =	seq.s32 @!p0 s5, $0x0  }
0x1f: {  	s9 =	smul.u32 $0xF7A, s1;
	s8 =	simm.s32 @!p0 $0x1BF5;
	p2 =	por !p2, p0  }
0x20: {  	[sflag:s8] =	ssyncset.s32 @!p0 $0xFFFFF086;
	s6 =	sadd.s32 @!p0 s3, s7;
	s7 =	simm.s32 @!p0 $0x108  }
0x21: {  	s3 =	sadd.s32 s3, s9;
	s6 =	sadd.s32 @!p0 $0x88, s6;
	s7 =	simm.s32 @p2 $0x1082  }
0x22: {  	[simem:s7], [sflag:s8] =	dma.local @!p0 [hbm:s6], $0xF7A  }
0x23: {  	s9 =	sor.u32 $0xD0000000, s2;
	s6 =	simm.s32 $0x108;
	_ =	swait.ge @!p0 [sflag:s8], $0x0  }
0x24: {  	s3 =	sadd.s32 $0x88, s3;
	s6 =	simm.s32 @!p1 $0x1082;
	[sflag:s4] =	ssyncset.s32 $0xFFFFF086  }
0x25: {  	[simem:s6], [sflag:s4] =	dma.local [hbm:s3], $0xF7A  }
0x26: {  	[smem:$0x3F8E] =	sst s1;
	(tag) =	ssettag s2;
	_ =	strace s9  }
0x27: {  	s1 =	sld [smem:$0x3F9E]  }
0x28: {  	s2 =	sld [smem:$0x3F9F]  }
0x29: {  	s4 =	sld [smem:$0x3FA1]  }
0x2a: {  	p0 =	seq.s32 s5, $0x0;
	s5 =	sld [smem:$0x3FA2]  }
0x2b: {  	s6 =	sld [smem:$0x3FA3]  }
0x2c: {  	s7 =	sld [smem:$0x3FA4]  }
0x2d: {  	s3 =	simm.s32 $0x108;
	s8 =	sld [smem:$0x3FA5]  }
0x2e: {  	s3 =	simm.s32 @!p0 $0x1082;
	s9 =	sld [smem:$0x3FA6]  }
0x2f: {  	lr =	sadd.s32 s0, s3;
	s0 =	sld [smem:$0x3F9D]  }
0x30: {  	s3 =	sld [smem:$0x3FA0]  }
0x31: {  	[smem:$0x3FA9] =	sst s10  }
0x32: {  	s10 =	sld [smem:$0x3FA7];
	_ =	sdelay $0x3  }
0x33: {  	p0 =	seq.s32 s10, $0x1;
	s10 =	sld [smem:$0x3FA9];
	_ =	sdelay $0x3  }
0x34: {  	[smem:$0x3FA9] =	sst s10  }
0x35: {  	s10 =	sld [smem:$0x3FA8];
	_ =	sdelay $0x3  }
0x36: {  	p1 =	seq.s32 s10, $0x1;
	s10 =	sld [smem:$0x3FA9];
	_ =	sdelay $0x3  }
0x37: {  	[smem:$0x3FA9] =	sst s10  }
0x38: {  	s10 =	sld [smem:$0x3FAA]  }
0x39: {  	_ = 	snop;
	(pc) =	sbr.ind lr, $3  }
0x3a: {  	_ = 	snop  }
0x3b: {  	_ = 	snop  }
0x3c: {  	p2 =	seq.s32 s10, $0x1;
	s10 =	sld [smem:$0x3FA9]  }
0x3d: {  	_ =	shalt  }
0x3e: {  	_ =	shalt  }
0x3f: {  	_ =	shalt  }
0x40: {  	_ =	shalt  }
0x41: {  	_ =	shalt  }
0x42: {  	_ =	shalt  }
0x43: {  	_ =	shalt  }
0x44: {  	_ =	shalt  }
0x45: {  	_ =	shalt  }
0x46: {  	_ =	shalt  }
0x47: {  	_ =	shalt  }
0x48: {  	_ =	shalt  }
0x49: {  	_ =	shalt  }
0x4a: {  	_ =	shalt  }
0x4b: {  	_ =	shalt  }
0x4c: {  	_ =	shalt  }
0x4d: {  	_ =	shalt  }
0x4e: {  	_ =	shalt  }
0x4f: {  	_ =	shalt  }
0x50: {  	_ =	shalt  }
0x51: {  	_ =	shalt  }
0x52: {  	_ =	shalt  }
0x53: {  	_ =	shalt  }
0x54: {  	_ =	shalt  }
0x55: {  	_ =	shalt  }
0x56: {  	_ =	shalt  }
0x57: {  	_ =	shalt  }
0x58: {  	_ =	shalt  }
0x59: {  	_ =	shalt  }
0x5a: {  	_ =	shalt  }
0x5b: {  	_ =	shalt  }
0x5c: {  	_ =	shalt  }
0x5d: {  	_ =	shalt  }
0x5e: {  	_ =	shalt  }
0x5f: {  	_ =	shalt  }
0x60: {  	_ =	shalt  }
0x61: {  	_ =	shalt  }
0x62: {  	_ =	shalt  }
0x63: {  	_ =	shalt  }
0x64: {  	_ =	shalt  }
0x65: {  	_ =	shalt  }
0x66: {  	_ =	shalt  }
0x67: {  	_ =	shalt  }
0x68: {  	_ =	shalt  }
0x69: {  	_ =	shalt  }
0x6a: {  	_ =	shalt  }
0x6b: {  	_ =	shalt  }
0x6c: {  	_ =	shalt  }
0x6d: {  	_ =	shalt  }
0x6e: {  	_ =	shalt  }
0x6f: {  	_ =	shalt  }
0x70: {  	_ =	shalt  }
0x71: {  	_ =	shalt  }
0x72: {  	_ =	shalt  }
0x73: {  	_ =	shalt  }
0x74: {  	_ =	shalt  }
0x75: {  	_ =	shalt  }
0x76: {  	_ =	shalt  }
0x77: {  	_ =	shalt  }
0x78: {  	_ =	shalt  }
0x79: {  	_ =	shalt  }
0x7a: {  	_ =	shalt  }
0x7b: {  	_ =	shalt  }
0x7c: {  	_ =	shalt  }
0x7d: {  	_ =	shalt  }
0x7e: {  	_ =	shalt  }
0x7f: {  	_ =	shalt  }
0x80: {  	_ =	shalt  }
0x81: {  	_ =	shalt  }
0x82: {  	_ =	shalt  }
0x83: {  	_ =	shalt  }
0x84: {  	_ =	shalt  }
0x85: {  	_ =	shalt  }
0x86: {  	_ =	shalt  }
0x87: {  	_ =	shalt  }
.Lfunc_end0:
.L_simem_size_0:
called_computation_lowered:
.L_overlay_start_0:
0x88: {  	s2 =	sld [smem:$0x3FD9]  }
0x89: {  	s3 =	sld [smem:$0x3FFE];
	_ =	sdelay $0x1  }
0x8a: {  	s1 =	srdreg.scid  }
0x8b: {  	s0 =	sand.u32 $0x1, s1  }
0x8c: {  	s17 =	sshll.u32 s0, $0xA;
	s2 =	sadd.s32 s3, s2  }
0x8d: {  	s2 =	sadd.s32 s2, s17  }
0x8e: {  	[smem:$0x3FB5] =	sst s2  }
0x8f: {  	_ = 	snop  }
0x90: {  	s2 =	sld [smem:$0x3FC9];
	(tm) =	ssettm $0x1  }
0x91: {  	s18 =	sld [smem:$0x3FFB];
	_ =	sdelay $0x3  }
0x92: {  	_ =	strace s18  }
0x93: {  	s3 =	sld [smem:$0x3FFC];
	_ =	sdelay $0x3  }
0x94: {  	_ =	strace s3  }
0x95: {  	s3 =	sld [smem:$0x3FFD];
	_ =	sdelay $0x3  }
0x96: {  	_ =	strace s3  }
0x97: {  	_ =	strace $0x8FFFFFFF  }
0x98: {  	s19 =	sld [smem:$0x3FDB];
	_ =	sdelay $0x1  }
0x99: {  	s4 =	simm.s32 $_scs_section_size  }
0x9a: {  	s5 =	simm.s32 $_size__tile_overlayer_lowered;
	s6 =	simm.s32 $_tile_overlayer_lowered  }
0x9b: {  	s22 =	simm.s32 $0x1BFF;
	s21 =	sshll.u32 s6, $0x1;
	s3 =	sadd.s32 s4, s19  }
0x9c: {  	s7 =	simm.s32 $0x0;
	s20 =	sshll.u32 s5, $0x1;
	s5 =	sadd.s32 s21, s3  }
0x9d: {  	[timem:s7], [sflag:s22] =	dma.local [hbm:s5], s20  }
0x9e: {  	_ =	swait.ge [sflag:s22], s20  }
0x9f: {  	s4 =	ssub.s32 $0x0, s20;
	[sflag:s22] =	ssyncset.done $0x0  }
0xa0: {  	[sflag:s22] =	ssyncadd.s32 s4;
	_ =	sdelay $0x1  }
0xa1: {  	s23 =	simm.s32 $0x1B8B  }
0xa2: {  	_ =	swait.ge [sflag:s23], $0x1  }
0xa3: {  	[sflag:s23] =	ssyncset.done $0x0  }
0xa4: {  	s25 =	simm.s32 $0x1B8E;
	s24 =	sld [smem:$0x3FFE];
	[sflag:s23] =	ssyncadd.s32 $0xFFFFFFFF  }
0xa5: {  	s26 =	simm.s32 $execute0_lowered;
	[smem:$0x3FD2] =	sst s25  }
0xa6: {  	s5 =	sshll.u32 s26, $0x1;
	_ =	strace $0x80000046;
	[dreg:$0x1] =	wrdreg $0xFFFFFFFF  }
0xa7: {  	s28 =	simm.s32 $_size_execute0_lowered;
	s3 =	sadd.s32 s3, s5;
	[dreg:$0x0] =	wrdreg $0x0  }
0xa8: {  	s5 =	sshll.u32 s28, $0x1;
	[dreg:$0x2] =	wrdreg s3  }
0xa9: {  	[dreg:$0x3] =	wrdreg s5  }
0xaa: {  	[dreg:$0x4] =	wrdreg $0xC0  }
0xab: {  	_ =	task [dreg:s7], $0x5FFFF  }
0xac: {  	[dreg:$0x1] =	wrdreg $0xFFFFFFFF  }
0xad: {  	[dreg:$0x0] =	wrdreg $0x60  }
0xae: {  	[dreg:$0x2] =	wrdreg s2  }
0xaf: {  	[dreg:$0x3] =	wrdreg s24  }
0xb0: {  	[dreg:$0x4] =	wrdreg $0xB4800  }
0xb1: {  	[dreg:$0x5] =	wrdreg $0x1F4800  }
0xb2: {  	[dreg:$0x6] =	wrdreg $0x9  }
0xb3: {  	_ =	task.clear_ibuf [dreg:s7], $0x7FFFF;
	_ =	strace $0x90000046  }
0xb4: {  	s29 =	simm.s32 $0x9;
	_ =	strace $0x80000048  }
0xb5: {  	_ =	swait.ge [sflag:s29], $0x1  }
0xb6: {  	[sflag:s29] =	ssyncadd.s32 $0xFFFFFFFF  }
0xb7: {  	_ =	strace $0x90000048  }
0xb8: {  	_ =	sfence  }
0xb9: {  	s30 =	sld [smem:$0x0];
	_ =	sdelay $0x2  }
0xba: {  	s31 =	sshll.u32 s1, $0xD;
	s1 =	sshrl.u32 s1, $0x2  }
0xbb: {  	s3 =	sand.u32 $0x4000, s31;
	s1 =	sadd.s32 s1, s30  }
0xbc: {  	s0 =	sor.u32 s3, s0;
	s1 =	sshll.u32 s1, $0x11  }
0xbd: {  	s0 =	sor.u32 s1, s0  }
0xbe: {  	s0 =	sadd.s32 $0x8F2B, s0  }
0xbf: {  	[sflag:s0] =	ssyncadd.remote.s32 $0x1  }
0xc0: {  	_ =	sfence.sel $0xFFFF  }
0xc1: {  	[dreg:$0x0] =	wrdreg $0xFFFFFFFF;
	(pc) =	sbr.abs _section_cstart, $3  }
0xc2: {  	[dreg:$0x1] =	wrdreg $0xFFFFFFFF  }
0xc3: {  	_ =	task.clear_ibuf [dreg:s7], $0x2FFFF;
	_ =	strace $0x9FFFFFFF  }
0xc4: {  	(tm) =	ssettm $0x7FFFFFFF  }
0xc5: {  	_ =	shalt  }
tec
execute0_lowered:
.L_overlay_start_1:
0x0: {  	(tag) =	ssettag $0x1  }
0x1: {  	s1 =	rddreg [dreg:$0x0]  }
0x2: {  	s0 =	rddreg [dreg:$0x1]  }
0x3: {  	s2 =	rddreg [dreg:$0x2]  }
0x4: {  	s3 =	rddreg [dreg:$0x3];
	s15 =	stileid.u32  }
0x5: {  	s4 =	simm.s32 $0x0;
	s5 =	srdreg.scid;
	s9 =	smul.u32 $0x140, s15  }
0x6: {  	[smem:$0x7FF] =	sst s4;
	s5 =	sand.u32 $0x1, s5;
	s19 =	smul.u32 $0xA000, s15  }
0x7: {  	s6 =	sadd.s32 $0x4000, s0;
	s7 =	sadd.s32 $0x18000, s0;
	s8 =	smul.u32 $0x28000, s5  }
0x8: {  	_ =	strace $0x80000047;
	s10 =	smul.u32 $0xF0, s5;
	s24 =	sshll.u32 s5, $0x4  }
0x9: {  	s12 =	ssub.s32 $0x2, s5;
	p0 =	seq.s32 s5, $0x0;
	s5 =	smul.u32 $0x7800, s5  }
0xa: {  	s13 =	sshrl.u32 s12, $0x1;
	s11 =	sadd.s32 s8, s0;
	s0 =	sadd.s32 s24, s0  }
0xb: {  	s9 =	sadd.s32 s10, s9;
	s8 =	simm.s32 $0xF0;
	s5 =	sadd.s32 s5, s19  }
0xc: {  	s10 =	ssub.s32 s12, s13;
	s9 =	sshll.u32 s9, $0x4;
	s5 =	sor.u32 $0x400, s5  }
0xd: {  	s13 =	simm.s32 $0xB000;
	s25 =	sadd.s32 s6, s9;
	[dreg:$0x5] =	wrdreg s5  }
0xe: {  	s26 =	sadd.s32 s7, s9;
	s30 =	sor.u32 $0x10, s9;
	[dreg:$0x8] =	wrdreg s25  }
0xf: {  	s8 =	simm.s32 @!p0 $0x50;
	[dreg:$0x9] =	wrdreg s26;
	s14 =	sadd.s32 s6, s30  }
0x10: {  	s31 =	sor.u32 $0x20, s9;
	s12 =	sadd.s32 s7, s30;
	[dreg:$0xa] =	wrdreg s14  }
0x11: {  	s11 =	sadd.s32 $0x2CA00, s11;
	s16 =	sadd.s32 s6, s31;
	[dreg:$0xb] =	wrdreg s12  }
0x12: {  	s18 =	sor.u32 $0x30, s9;
	s17 =	sadd.s32 s7, s31;
	[dreg:$0xc] =	wrdreg s16  }
0x13: {  	s21 =	sor.u32 $0x40, s9;
	s20 =	sadd.s32 s6, s18;
	[dreg:$0xd] =	wrdreg s17  }
0x14: {  	s0 =	sadd.s32 $0x2C000, s0;
	s22 =	sadd.s32 s6, s21;
	[dreg:$0xe] =	wrdreg s20  }
0x15: {  	s24 =	sor.u32 $0x50, s9;
	s23 =	sadd.s32 s7, s21;
	[dreg:$0x10] =	wrdreg s22  }
0x16: {  	s25 =	sshll.u32 s8, $0x9;
	s26 =	smul.u32 $0x2800, s15;
	[dreg:$0x11] =	wrdreg s23  }
0x17: {  	s30 =	simm.s32 $0xB400;
	s31 =	smul.u32 $0xA0, s15;
	[dreg:$0x7] =	wrdreg s25  }
0x18: {  	s12 =	sadd.s32 s7, s18;
	[dreg:$0x6] =	wrdreg s30;
	s14 =	sadd.s32 s6, s24  }
0x19: {  	s16 =	sadd.s32 s7, s24;
	s17 =	sor.u32 $0x60, s9;
	[dreg:$0xf] =	wrdreg s12  }
0x1a: {  	s18 =	smul.u32 $0xA00, s15;
	s9 =	sor.u32 $0x70, s9;
	[dreg:$0x13] =	wrdreg s14  }
0x1b: {  	s20 =	smul.u32 $0x50000, s15;
	s25 =	smax.u32 s10, $0x1;
	[dreg:$0x14] =	wrdreg s16  }
0x1c: {  	s10 =	simm.s32 $0x80;
	s11 =	sadd.s32 s26, s11;
	[dreg:$0x1a] =	wrdreg s25  }
0x1d: {  	s15 =	simm.s32 $0x40;
	s0 =	sadd.s32 s31, s0;
	[dreg:$0x12] =	wrdreg s11  }
0x1e: {  	s19 =	sadd.s32 s6, s17;
	s22 =	sadd.s32 s6, s9;
	[dreg:$0x15] =	wrdreg s0  }
0x1f: {  	s23 =	sadd.s32 s7, s9;
	s12 =	simm.s32 $0x180;
	[dreg:$0x16] =	wrdreg s19  }
0x20: {  	s14 =	simm.s32 $0x5;
	s16 =	simm.s32 $0x1;
	[dreg:$0x18] =	wrdreg s22  }
0x21: {  	s0 =	sadd.s32 s7, s17;
	s21 =	sshrl.u32 s18, $0x2;
	[dreg:$0x19] =	wrdreg s23  }
0x22: {  	s24 =	sshrl.u32 s20, $0x2;
	s11 =	simm.s32 $0x100;
	s28 =	sadd.s32 s21, s3  }
0x23: {  	s17 =	simm.s32 $0x2;
	[dreg:$0x17] =	wrdreg s0;
	s26 =	sadd.s32 $0x80, s28  }
0x24: {  	s18 =	simm.s32 $0x3;
	s30 =	sadd.s32 $0x100, s28;
	[dreg:$0x1b] =	wrdreg s26  }
0x25: {  	s19 =	simm.s32 $0x0;
	s31 =	sadd.s32 $0x180, s28;
	[dreg:$0x1c] =	wrdreg s30  }
0x26: {  	v0 =	vimm.f32 $0.0e+00;
	v1 =	vimm.f32 $1.000000000e+00;
	s29 =	sadd.s32 s24, s2;
	s9 =	sadd.s32 $0x200, s28;
	[dreg:$0x1d] =	wrdreg s31  }
.LBB2_1:
0x27: {  	s0 =	rddreg [dreg:$0x8]  }
0x28: {  	[tilespmem:s4], [sflag:$0x4] =	stream.linear.gather [hbm4b:s0+s4], $0x80, $0x38;
	[tilespmem:$0x1F700] =	vst v63  }
0x29: {  	s22 =	rddreg [dreg:$0x9];
	s5 =	simm.s32 $0x800  }
0x2a: {  	[tilespmem:s5], [sflag:$0x4] =	stream.linear.gather [hbm4b:s22+s4], $0x80, $0x38;
	[tilespmem:$0x1F700] =	vst v63  }
0x2b: {  	s23 =	rddreg [dreg:$0xa]  }
0x2c: {  	[tilespmem:s10], [sflag:$0x4] =	stream.linear.gather [hbm4b:s23+s4], $0x80, $0x38;
	[tilespmem:$0x1F700] =	vst v63  }
0x2d: {  	s24 =	rddreg [dreg:$0xb];
	s25 =	simm.s32 $0x880  }
0x2e: {  	[tilespmem:s25], [sflag:$0x4] =	stream.linear.gather [hbm4b:s24+s4], $0x80, $0x38;
	[tilespmem:$0x1F700] =	vst v63  }
0x2f: {  	s26 =	rddreg [dreg:$0xc]  }
0x30: {  	[tilespmem:s11], [sflag:$0x4] =	stream.linear.gather [hbm4b:s26+s4], $0x80, $0x38;
	[tilespmem:$0x1F700] =	vst v63  }
0x31: {  	s30 =	rddreg [dreg:$0xd];
	s31 =	simm.s32 $0x900  }
0x32: {  	[tilespmem:s31], [sflag:$0x4] =	stream.linear.gather [hbm4b:s30+s4], $0x80, $0x38;
	[tilespmem:$0x1F700] =	vst v63  }
0x33: {  	s20 =	rddreg [dreg:$0xe]  }
0x34: {  	[tilespmem:s12], [sflag:$0x4] =	stream.linear.gather [hbm4b:s20+s4], $0x80, $0x38;
	[tilespmem:$0x1F700] =	vst v63  }
0x35: {  	s21 =	rddreg [dreg:$0xf];
	s22 =	simm.s32 $0x980  }
0x36: {  	[tilespmem:s22], [sflag:$0x4] =	stream.linear.gather [hbm4b:s21+s4], $0x80, $0x38;
	[tilespmem:$0x1F700] =	vst v63  }
0x37: {  	s23 =	rddreg [dreg:$0x10];
	s24 =	simm.s32 $0x200  }
0x38: {  	[tilespmem:s24], [sflag:$0x4] =	stream.linear.gather [hbm4b:s23+s4], $0x80, $0x38;
	[tilespmem:$0x1F700] =	vst v63  }
0x39: {  	s25 =	rddreg [dreg:$0x11];
	s26 =	simm.s32 $0xA00  }
0x3a: {  	[tilespmem:s26], [sflag:$0x4] =	stream.linear.gather [hbm4b:s25+s4], $0x80, $0x38;
	[tilespmem:$0x1F700] =	vst v63  }
0x3b: {  	s30 =	rddreg [dreg:$0x13];
	s31 =	simm.s32 $0x280  }
0x3c: {  	[tilespmem:s31], [sflag:$0x4] =	stream.linear.gather [hbm4b:s30+s4], $0x80, $0x38;
	[tilespmem:$0x1F700] =	vst v63  }
0x3d: {  	s5 =	rddreg [dreg:$0x14];
	s20 =	simm.s32 $0xA80  }
0x3e: {  	[tilespmem:s20], [sflag:$0x4] =	stream.linear.gather [hbm4b:s5+s4], $0x80, $0x38;
	[tilespmem:$0x1F700] =	vst v63  }
0x3f: {  	s21 =	rddreg [dreg:$0x16];
	s22 =	simm.s32 $0x300  }
0x40: {  	[tilespmem:s22], [sflag:$0x4] =	stream.linear.gather [hbm4b:s21+s4], $0x80, $0x38;
	[tilespmem:$0x1F700] =	vst v63  }
0x41: {  	s23 =	rddreg [dreg:$0x17];
	s24 =	simm.s32 $0xB00  }
0x42: {  	[tilespmem:s24], [sflag:$0x4] =	stream.linear.gather [hbm4b:s23+s4], $0x80, $0x38;
	[tilespmem:$0x1F700] =	vst v63  }
0x43: {  	s25 =	rddreg [dreg:$0x18];
	s26 =	simm.s32 $0x380  }
0x44: {  	[tilespmem:s26], [sflag:$0x4] =	stream.linear.gather [hbm4b:s25+s4], $0x80, $0x38;
	[tilespmem:$0x1F700] =	vst v63  }
0x45: {  	s30 =	rddreg [dreg:$0x19];
	s31 =	simm.s32 $0xB80  }
0x46: {  	[tilespmem:s31], [sflag:$0x4] =	stream.linear.gather [hbm4b:s30+s4], $0x80, $0x38;
	[tilespmem:$0x1F700] =	vst v63  }
0x47: {  	[tilespmem:$0xB000] =	vst v0  }
0x48: {  	[tilespmem:$0xB010] =	vst v0  }
0x49: {  	[tilespmem:$0xB020] =	vst v0  }
0x4a: {  	[tilespmem:$0xB030] =	vst v0  }
0x4b: {  	[tilespmem:$0xB040] =	vst v0  }
0x4c: {  	[tilespmem:$0xB050] =	vst v0  }
0x4d: {  	[tilespmem:$0xB060] =	vst v0  }
0x4e: {  	[tilespmem:$0xB070] =	vst v0  }
0x4f: {  	[tilespmem:$0xB080] =	vst v0  }
0x50: {  	[tilespmem:$0xB090] =	vst v0  }
0x51: {  	[tilespmem:$0xB0A0] =	vst v0  }
0x52: {  	[tilespmem:$0xB0B0] =	vst v0  }
0x53: {  	[tilespmem:$0xB0C0] =	vst v0  }
0x54: {  	[tilespmem:$0xB0D0] =	vst v0  }
0x55: {  	[tilespmem:$0xB0E0] =	vst v0  }
0x56: {  	[tilespmem:$0xB0F0] =	vst v0  }
0x57: {  	[tilespmem:$0xB100] =	vst v0  }
0x58: {  	[tilespmem:$0xB110] =	vst v0  }
0x59: {  	[tilespmem:$0xB120] =	vst v0  }
0x5a: {  	[tilespmem:$0xB130] =	vst v0  }
0x5b: {  	[tilespmem:$0xB140] =	vst v0  }
0x5c: {  	[tilespmem:$0xB150] =	vst v0  }
0x5d: {  	[tilespmem:$0xB160] =	vst v0  }
0x5e: {  	[tilespmem:$0xB170] =	vst v0  }
0x5f: {  	[tilespmem:$0xB180] =	vst v0  }
0x60: {  	[tilespmem:$0xB190] =	vst v0  }
0x61: {  	[tilespmem:$0xB1A0] =	vst v0  }
0x62: {  	[tilespmem:$0xB1B0] =	vst v0  }
0x63: {  	[tilespmem:$0xB1C0] =	vst v0  }
0x64: {  	[tilespmem:$0xB1D0] =	vst v0  }
0x65: {  	[tilespmem:$0xB1E0] =	vst v0  }
0x66: {  	[tilespmem:$0xB1F0] =	vst v0  }
0x67: {  	[tilespmem:$0xB200] =	vst v0  }
0x68: {  	[tilespmem:$0xB210] =	vst v0  }
0x69: {  	[tilespmem:$0xB220] =	vst v0  }
0x6a: {  	[tilespmem:$0xB230] =	vst v0  }
0x6b: {  	[tilespmem:$0xB240] =	vst v0  }
0x6c: {  	[tilespmem:$0xB250] =	vst v0  }
0x6d: {  	[tilespmem:$0xB260] =	vst v0  }
0x6e: {  	[tilespmem:$0xB270] =	vst v0  }
0x6f: {  	[tilespmem:$0xB280] =	vst v0  }
0x70: {  	[tilespmem:$0xB290] =	vst v0  }
0x71: {  	[tilespmem:$0xB2A0] =	vst v0  }
0x72: {  	[tilespmem:$0xB2B0] =	vst v0  }
0x73: {  	[tilespmem:$0xB2C0] =	vst v0  }
0x74: {  	[tilespmem:$0xB2D0] =	vst v0  }
0x75: {  	[tilespmem:$0xB2E0] =	vst v0  }
0x76: {  	[tilespmem:$0xB2F0] =	vst v0  }
0x77: {  	[tilespmem:$0xB300] =	vst v0  }
0x78: {  	[tilespmem:$0xB310] =	vst v0  }
0x79: {  	[tilespmem:$0xB320] =	vst v0  }
0x7a: {  	[tilespmem:$0xB330] =	vst v0  }
0x7b: {  	[tilespmem:$0xB340] =	vst v0  }
0x7c: {  	[tilespmem:$0xB350] =	vst v0  }
0x7d: {  	[tilespmem:$0xB360] =	vst v0  }
0x7e: {  	[tilespmem:$0xB370] =	vst v0  }
0x7f: {  	[tilespmem:$0xB380] =	vst v0  }
0x80: {  	[tilespmem:$0xB390] =	vst v0  }
0x81: {  	[tilespmem:$0xB3A0] =	vst v0  }
0x82: {  	[tilespmem:$0xB3B0] =	vst v0  }
0x83: {  	[tilespmem:$0xB3C0] =	vst v0  }
0x84: {  	[tilespmem:$0xB3D0] =	vst v0  }
0x85: {  	[tilespmem:$0xB3E0] =	vst v0  }
0x86: {  	[tilespmem:$0xB3F0] =	vst v0  }
0x87: {  	[tilespmem:$0xB400] =	vst v1  }
0x88: {  	[tilespmem:$0xB410] =	vst v1  }
0x89: {  	[tilespmem:$0xB420] =	vst v1  }
0x8a: {  	s20 =	sadd.s32 $0x0, s29;
	[tilespmem:$0xB430] =	vst v1  }
0x8b: {  	[spmem:s20] =	stream.linear.scatter [tilespmem:s13], [sflag:$0x5], $0x400, $0x38;
	[tilespmem:$0x1F700] =	vst v63  }
0x8c: {  	s20 =	simm.s32 $0x1000;
	_ =	swait.ge [sflag:s14], $0x400  }
.LBB2_2:
0x8d: {  	s21 =	sshra.s32 s20, $0x2;
	[sflag:s14] =	ssyncset.done $0x0;
	p0 =	seq.s32 s20, $0x4F000  }
.Ltmp0:
0x8e: {  	s21 =	sadd.s32 s21, s29;
	[sflag:s14] =	ssyncadd.s32 $0xFFFFFC00;
	(pc) =	sbr.rel @!p0 .LBB2_2-.Ltmp0, $3  }
0x8f: {  	[spmem:s21] =	stream.linear.scatter [tilespmem:s13], [sflag:$0x5], $0x400, $0x38;
	[tilespmem:$0x1F700] =	vst v63  }
0x90: {  	s20 =	sadd.s32 $0x1000, s20;
	_ =	sdelay $0x1  }
0x91: {  	_ =	swait.ge [sflag:s14], $0x400  }
0x92: {  	[sflag:s14] =	ssyncset.done $0x0  }
0x93: {  	[sflag:s14] =	ssyncadd.s32 $0xFFFFFC00  }
0x94: {  	[spmem:s28] =	stream.linear.scatter [tilespmem:s13], [sflag:$0x5], $0x80, $0x38;
	[tilespmem:$0x1F700] =	vst v63  }
0x95: {  	_ =	swait.ge [sflag:s14], $0x80  }
0x96: {  	[sflag:s14] =	ssyncset.done $0x0  }
0x97: {  	s0 =	rddreg [dreg:$0x1b];
	[sflag:s14] =	ssyncadd.s32 $0xFFFFFF80  }
0x98: {  	[spmem:s0] =	stream.linear.scatter [tilespmem:s13], [sflag:$0x5], $0x80, $0x38;
	[tilespmem:$0x1F700] =	vst v63  }
0x99: {  	_ =	swait.ge [sflag:s14], $0x80  }
0x9a: {  	[sflag:s14] =	ssyncset.done $0x0  }
0x9b: {  	s24 =	rddreg [dreg:$0x1c];
	[sflag:s14] =	ssyncadd.s32 $0xFFFFFF80  }
0x9c: {  	[spmem:s24] =	stream.linear.scatter [tilespmem:s13], [sflag:$0x5], $0x80, $0x38;
	[tilespmem:$0x1F700] =	vst v63  }
0x9d: {  	_ =	swait.ge [sflag:s14], $0x80  }
0x9e: {  	[sflag:s14] =	ssyncset.done $0x0  }
0x9f: {  	s25 =	rddreg [dreg:$0x1d];
	[sflag:s14] =	ssyncadd.s32 $0xFFFFFF80  }
0xa0: {  	[spmem:s25] =	stream.linear.scatter [tilespmem:s13], [sflag:$0x5], $0x80, $0x38;
	[tilespmem:$0x1F700] =	vst v63  }
0xa1: {  	_ =	swait.ge [sflag:s14], $0x80  }
0xa2: {  	[sflag:s14] =	ssyncset.done $0x0  }
0xa3: {  	[sflag:s14] =	ssyncadd.s32 $0xFFFFFF80  }
0xa4: {  	[spmem:s9] =	stream.linear.scatter [tilespmem:s13], [sflag:$0x5], $0x80, $0x38;
	[tilespmem:$0x1F700] =	vst v63  }
0xa5: {  	_ =	swait.ge [sflag:s14], $0x80  }
0xa6: {  	[sflag:s14] =	ssyncset.done $0x0  }
0xa7: {  	[sflag:s14] =	ssyncadd.s32 $0xFFFFFF80  }
0xa8: {  	s20 =	simm.s32 $0x4;
	[bflag:$0x0] =	sbarrier.arrive $0xFFFF  }
0xa9: {  	_ =	swait.ge [sflag:s20], $0x80  }
0xaa: {  	[sflag:s20] =	ssyncset.done $0x0  }
0xab: {  	[sflag:s20] =	ssyncadd.s32 $0xFFFFFF80  }
0xac: {  	_ =	swait.ge [sflag:s20], $0x80  }
0xad: {  	[sflag:s20] =	ssyncset.done $0x0  }
0xae: {  	s21 =	simm.s32 $0x0;
	s22 =	simm.s32 $0x1000;
	[sflag:s20] =	ssyncadd.s32 $0xFFFFFF80  }
0xaf: {  	[tilespmem:s22], [sflag:$0x1] =	stream.indirect.gather [hbm4b:s1+s15], $0x80, s21, s15, $0xb8;
	[tilespmem:$0x1F700] =	vst v63  }
0xb0: {  	_ =	swait.ge [sflag:s20], $0x80  }
0xb1: {  	[sflag:s20] =	ssyncset.done $0x0  }
0xb2: {  	[sflag:s20] =	ssyncadd.s32 $0xFFFFFF80  }
0xb3: {  	_ =	swait.ge [sflag:s20], $0x80  }
0xb4: {  	[sflag:s20] =	ssyncset.done $0x0  }
0xb5: {  	s26 =	simm.s32 $0x3000;
	[sflag:s20] =	ssyncadd.s32 $0xFFFFFF80  }
0xb6: {  	[tilespmem:s26], [sflag:$0x1] =	stream.indirect.gather [hbm4b:s1+s15], $0x80, s10, s15, $0xb8;
	[tilespmem:$0x1F700] =	vst v63  }
0xb7: {  	_ =	swait.ge [sflag:s20], $0x80  }
0xb8: {  	[sflag:s20] =	ssyncset.done $0x0  }
0xb9: {  	[sflag:s20] =	ssyncadd.s32 $0xFFFFFF80  }
0xba: {  	_ =	swait.ge [sflag:s20], $0x80  }
0xbb: {  	[sflag:s20] =	ssyncset.done $0x0  }
0xbc: {  	s30 =	simm.s32 $0x5000;
	[sflag:s20] =	ssyncadd.s32 $0xFFFFFF80  }
0xbd: {  	[tilespmem:s30], [sflag:$0x1] =	stream.indirect.gather [hbm4b:s1+s15], $0x80, s11, s15, $0xb8;
	[tilespmem:$0x1F700] =	vst v63  }
0xbe: {  	_ =	swait.ge [sflag:s20], $0x80  }
0xbf: {  	[sflag:s20] =	ssyncset.done $0x0  }
0xc0: {  	[sflag:s20] =	ssyncadd.s32 $0xFFFFFF80  }
0xc1: {  	s31 =	simm.s32 $0x7000;
	_ =	swait.ge [sflag:s20], $0x80  }
0xc2: {  	s23 =	simm.s32 $0x9000;
	s24 =	simm.s32 $0x8;
	[sflag:s20] =	ssyncset.done $0x0  }
0xc3: {  	s25 =	simm.s32 $0x0;
	s26 =	simm.s32 $0x0;
	[sflag:s20] =	ssyncadd.s32 $0xFFFFFF80  }
0xc4: {  	[tilespmem:s31], [sflag:$0x1] =	stream.indirect.gather [hbm4b:s1+s15], $0x80, s12, s15, $0xb8;
	[tilespmem:$0x1F700] =	vst v63  }
.LBB2_4:
0xc5: {  	s30 =	smulhi.u32 $0xAAAAAAAB, s24  }
0xc6: {  	s31 =	sadd.s32 $0x8, s26  }
0xc7: {  	s10 =	rddreg [dreg:$0x5];
	p0 =	sge.u32 s31, s8;
	s30 =	sshrl.u32 s30, $0x3  }
0xc8: {  	s10 =	sadd.s32 @!p0 s21, s10;
	s30 =	smul.u32 $0xFFFFE800, s30  }
0xc9: {  	s31 =	sand.u32 @!p0 $0x380, s21;
	s10 =	sand.u32 @!p0 $0x7FFFFC00, s10  }
0xca: {  	s5 =	simm.s32 @!p0 $0x0;
	s10 =	sor.u32 @!p0 s31, s10;
	s30 =	sshra.s32 s30, $0x2  }
0xcb: {  	s31 =	sshra.s32 @!p0 s25, $0x2;
	s10 =	sshrl.u32 @!p0 s10, $0x3;
	s0 =	sadd.s32 $0x400, s30  }
0xcc: {  	s30 =	sadd.s32 $0xC00, s30;
	s11 =	sadd.s32 @!p0 s6, s10;
	s0 =	sadd.s32 @!p0 s31, s0  }
0xcd: {  	[tilespmem:s0], [sflag:$0x4] =	stream.linear.gather @!p0 [hbm4b:s11+s5], $0x80, $0x38;
	[tilespmem:$0x1F700] =	vst v63  }
0xce: {  	s10 =	sadd.s32 @!p0 s7, s10;
	s11 =	sadd.s32 @!p0 s31, s30  }
0xcf: {  	[tilespmem:s11], [sflag:$0x4] =	stream.linear.gather @!p0 [hbm4b:s10+s5], $0x80, $0x38;
	[tilespmem:$0x1F700] =	vst v63  }
0xd0: {  	s0 =	smulhi.u32 $0xAAAAAAAB, s20;
	p0 =	seq.s32 s25, $0x0  }
0xd1: {  	s10 =	smulhi.u32 $0xCCCCCCCD, s20;
	s5 =	simm.s32 @!p0 $0x2  }
0xd2: {  	s0 =	sshrl.u32 s0, $0x3;
	s11 =	smulhi.u32 $0xCCCCCCCD, s26;
	_ =	swait.ge @!p0 [sflag:s5], $0x2000  }
0xd3: {  	s31 =	sadd.s32 $0x4, s26;
	s0 =	smul.u32 $0xFFFFE800, s0;
	[sflag:s5] =	ssyncset.done @!p0 $0x0  }
0xd4: {  	s10 =	sshrl.u32 s10, $0x2;
	[sflag:s5] =	ssyncadd.s32 @!p0 $0xFFFFE000;
	p0 =	sge.u32 s31, s8  }
0xd5: {  	s30 =	sshrl.u32 s11, $0x2;
	s31 =	smul.u32 $0xFFFD8000, s10;
	s11 =	simm.s32 @!p0 $0x4  }
0xd6: {  	s0 =	sshra.s32 s0, $0x2;
	s10 =	smul.u32 $0xFFFD8000, s30;
	_ =	swait.ge @!p0 [sflag:s11], $0x80  }
0xd7: {  	s5 =	sshra.s32 s31, $0x2;
	s31 =	smulhi.u32 $0xAAAAAAAB, s26;
	[sflag:s11] =	ssyncset.done @!p0 $0x0  }
0xd8: {  	s0 =	sadd.s32 $0x200, s0;
	s10 =	sshra.s32 s10, $0x2;
	[sflag:s11] =	ssyncadd.s32 @!p0 $0xFFFFFF80  }
0xd9: {  	s5 =	sadd.s32 s5, s23;
	s30 =	sshrl.u32 s31, $0x3;
	_ =	swait.ge @!p0 [sflag:s11], $0x80  }
0xda: {  	s31 =	sshra.s32 @!p0 s25, $0x2;
	s30 =	smul.u32 $0xFFFFE800, s30;
	[sflag:s11] =	ssyncset.done @!p0 $0x0  }
0xdb: {  	s0 =	sadd.s32 @!p0 s31, s0;
	[sflag:s11] =	ssyncadd.s32 @!p0 $0xFFFFFF80;
	s11 =	simm.s32 @!p0 $0x40  }
0xdc: {  	[tilespmem:s5], [sflag:$0x1] =	stream.indirect.gather @!p0 [hbm4b:s1+s11], $0x80, s0, s11, $0xb8;
	[tilespmem:$0x1F700] =	vst v63  }
0xdd: {  	s31 =	sadd.s32 s10, s22;
	s10 =	sshra.s32 s30, $0x2;
	_ =	swait.ge [sflag:s16], $0x2000  }
0xde: {  	s5 =	sadd.s32 $0x800, s10;
	s11 =	sshra.s32 s25, $0x2;
	[sflag:s16] =	ssyncset.done $0x0  }
0xdf: {  	p0 =	slt.u32 s26, $0x2;
	s5 =	sadd.s32 s11, s5;
	[sflag:s16] =	ssyncadd.s32 $0xFFFFE000  }
0xe0: {  	[spmem:s2] =	stream.indirect.scatter.add.f32 [tilespmem:s31], [sflag:$0x2], $0x80, s5, s15, $0xb8;
	[tilespmem:$0x1F700] =	vst v63  }
0xe1: {  	s0 =	simm.s32 @!p0 $0x3;
	s30 =	rddreg [dreg:$0x6]  }
0xe2: {  	[spmem:s3] =	stream.indirect.scatter.add.f32 [tilespmem:s30], [sflag:$0x3], $0x1, s5, s15, $0xb8;
	[tilespmem:$0x1F700] =	vst v63  }
0xe3: {  	_ =	swait.ge @!p0 [sflag:s0], $0x40  }
0xe4: {  	s25 =	sadd.s32 $0x200, s25;
	s31 =	rddreg [dreg:$0x7];
	[sflag:s0] =	ssyncset.done @!p0 $0x0  }
0xe5: {  	[sflag:s0] =	ssyncadd.s32 @!p0 $0xFFFFFFC0;
	p0 =	sne.s32 s31, s25  }
.Ltmp1:
0xe6: {  	_ = 	snop;
	(pc) =	sbr.rel @p0 .LBB2_4-.Ltmp1, $3  }
0xe7: {  	_ =	sdelay $0x1  }
0xe8: {  	s24 =	sadd.s32 $0x1, s24;
	s21 =	sadd.s32 $0x80, s21;
	s20 =	sadd.s32 $0x1, s20  }
0xe9: {  	s23 =	sadd.s32 $0x2000, s23;
	s22 =	sadd.s32 $0x2000, s22;
	s26 =	sadd.s32 $0x1, s26  }
0xea: {  	_ =	swait.ge [sflag:s17], $0x2000  }
0xeb: {  	[sflag:s17] =	ssyncset.done $0x0  }
0xec: {  	[sflag:s17] =	ssyncadd.s32 $0xFFFFE000  }
0xed: {  	_ =	swait.ge [sflag:s18], $0x40  }
0xee: {  	[sflag:s18] =	ssyncset.done $0x0  }
0xef: {  	[sflag:s18] =	ssyncadd.s32 $0xFFFFFFC0  }
0xf0: {  	_ =	swait.ge [sflag:s18], $0x40  }
0xf1: {  	[sflag:s18] =	ssyncset.done $0x0  }
0xf2: {  	s0 =	stileid.u32;
	[sflag:s18] =	ssyncadd.s32 $0xFFFFFFC0  }
0xf3: {  	s0 =	sshll.u32 s0, $0x6;
	[bflag:$0x0] =	sbarrier.arrive $0xFFFF  }
0xf4: {  	s5 =	sshrl.u32 s29, $0x3;
	s0 =	sor.u32 $0x1C05, s0;
	s10 =	rddreg [dreg:$0x12]  }
0xf5: {  	[hbm:s10], [sflag:s0] =	dma.local [spmem:s5], $0x2800  }
0xf6: {  	_ =	swait.ge [sflag:s14], $0x2800  }
0xf7: {  	s26 =	sshrl.u32 s28, $0x3;
	s11 =	simm.s32 $0x20;
	[sflag:s14] =	ssyncset.done $0x0  }
0xf8: {  	s20 =	simm.s32 $0x10;
	s30 =	rddreg [dreg:$0x15];
	[sflag:s14] =	ssyncadd.s32 $0xFFFFD800  }
0xf9: {  	[hbm:s30@s11], [sflag:s0] =	dma.strided [spmem:s26@s20], $0x50, s16, $0x10   }
0xfa: {  	_ =	swait.ge [sflag:s14], $0x50  }
0xfb: {  	s19 =	sadd.s32 $0x1, s19;
	s31 =	rddreg [dreg:$0x1a]  }
0xfc: {  	p0 =	sne.s32 s19, s31  }
.Ltmp2:
0xfd: {  	_ = 	snop;
	(pc) =	sbr.rel @p0 .LBB2_1-.Ltmp2, $3  }
0xfe: {  	_ =	sdelay $0x1  }
0xff: {  	[sflag:s14] =	ssyncset.done $0x0  }
0x100: {  	s10 =	simm.s32 $0x80;
	s11 =	simm.s32 $0x100;
	[sflag:s14] =	ssyncadd.s32 $0xFFFFFFB0  }
0x101: {  	_ =	sfence.sel $0x180000  }
0x102: {  	[bflag:$0x0] =	sbarrier.arrive $0xFFFF  }
0x103: {  	_ =	strace $0x90000047  }
0x104: {  	s0 =	stileid.u32;
	[bflag:$0x2] =	sbarrier.arrive $0xFFFF  }
0x105: {  	p0 =	sne.s32 s0, $0x0;
	s0 =	rddreg [dreg:$0x4]  }
0x106: {  	s0 =	sadd.s32 @!p0 $0x100000, s0  }
0x107: {  	[sflag:s0] =	ssyncadd.tile.s32 @!p0 $0x1;
	_ =	shalt  }
.Lfunc_end2:
_tile_overlayer_lowered:
.L_overlay_start_2:
0x108: {  	(tag) =	ssettag $0x2  }
0x109: {  	s0 =	rddreg [dreg:$0x0];
	s2 =	stileid.u32  }
0x10a: {  	s1 =	rddreg [dreg:$0x1];
	p0 =	sne.s32 s2, $0x0  }
0x10b: {  	s3 =	rddreg [dreg:$0x2];
	[bflag:$0x3] =	sbarrier.arrive $0xFFFF;
	s2 =	simm.s32 @!p0 $0x1C05  }
0x10c: {  	[timem:s3], [sflag:s2] =	dma.local @!p0 [hbm:s0], s1  }
0x10d: {  	s0 =	simm.s32 @!p0 $0x5  }
0x10e: {  	_ =	swait.ge @!p0 [sflag:s0], s1  }
0x10f: {  	s1 =	ssub.s32 @!p0 $0x0, s1;
	[sflag:s0] =	ssyncset.done @!p0 $0x0  }
0x110: {  	[sflag:s0] =	ssyncadd.s32 @!p0 s1  }
0x111: {  	[bflag:$0x3] =	sbarrier.arrive $0xFFFF  }
0x112: {  	_ =	shalt  }

// kernel: kernel.16.cloned.1.call-start
scs
__scs_entry_jumppad:
0x0: {  	(pc) =	sbr.rel $0x88, $3  }
0x1: {  	(tag) =	ssettag $0x0;
	lr =	simm.s32 $0x1  }
0x2: {  	[smem:$0x3F8E] =	sst lr;
	_ =	strace $0xD0000000  }
0x3: {  	_ = 	snop  }
0x4: {  	_ = 	snop  }
0x5: {  	_ = 	snop  }
0x6: {  	_ = 	snop  }
0x7: {  	_ = 	snop  }
__scs_overlays_trampoline_lowered:
0x8: {  	[smem:$0x3F9D] =	sst s0  }
0x9: {  	[smem:$0x3F9E] =	sst s1  }
0xa: {  	[smem:$0x3F9F] =	sst s2  }
0xb: {  	[smem:$0x3FA0] =	sst s3  }
0xc: {  	[smem:$0x3FA1] =	sst s4  }
0xd: {  	[smem:$0x3FA2] =	sst s5  }
0xe: {  	[smem:$0x3FA3] =	sst s6  }
0xf: {  	[smem:$0x3FA4] =	sst s7  }
0x10: {  	[smem:$0x3FA5] =	sst s8  }
0x11: {  	[smem:$0x3FA6] =	sst s9;
	s0 =	simm.s32 @!p0 $0x0  }
0x12: {  	s1 =	sld [smem:$0x3F8C];
	s0 =	simm.s32 @p0 $0x1  }
0x13: {  	[smem:$0x3FA7] =	sst s0;
	s0 =	simm.s32 @!p1 $0x0  }
0x14: {  	s2 =	sld [smem:$0x3F8B];
	s0 =	simm.s32 @p1 $0x1  }
0x15: {  	[smem:$0x3FA8] =	sst s0;
	s0 =	simm.s32 @!p2 $0x0  }
0x16: {  	s3 =	sld [smem:$0x3FDB];
	s0 =	simm.s32 @p2 $0x1  }
0x17: {  	s4 =	simm.s32 $0x1BF5;
	[smem:$0x3FAA] =	sst s0  }
0x18: {  	s0 =	sld [smem:$0x3F8D];
	_ =	swait.ge [sflag:s4], $0x0  }
0x19: {  	s7 =	sld [smem:$0x3F8E]  }
0x1a: {  	s8 =	sadd.s32 $0xFFFFE003, lr  }
0x1b: {  	s9 =	sadd.s32 $0xFFFFFEF7, lr;
	s5 =	simm.s32 $0xFFFFFFFF;
	p2 =	slt.u32 s8, $0xFFFFF086  }
0x1c: {  	p1 =	slt.u32 s9, $0xF7A;
	s5 =	simm.s32 @!p2 $0x0  }
0x1d: {  	s5 =	simm.s32 @p1 $0x1;
	p0 =	seq.s32 s7, s2  }
0x1e: {  	s7 =	smul.u32 @!p0 $0xF7A, s2;
	p2 =	seq.s32 @!p0 s5, $0x0  }
0x1f: {  	s9 =	smul.u32 $0xF7A, s1;
	s8 =	simm.s32 @!p0 $0x1BF5;
	p2 =	por !p2, p0  }
0x20: {  	[sflag:s8] =	ssyncset.s32 @!p0 $0xFFFFF086;
	s6 =	sadd.s32 @!p0 s3, s7;
	s7 =	simm.s32 @!p0 $0x108  }
0x21: {  	s3 =	sadd.s32 s3, s9;
	s6 =	sadd.s32 @!p0 $0x88, s6;
	s7 =	simm.s32 @p2 $0x1082  }
0x22: {  	[simem:s7], [sflag:s8] =	dma.local @!p0 [hbm:s6], $0xF7A  }
0x23: {  	s9 =	sor.u32 $0xD0000000, s2;
	s6 =	simm.s32 $0x108;
	_ =	swait.ge @!p0 [sflag:s8], $0x0  }
0x24: {  	s3 =	sadd.s32 $0x88, s3;
	s6 =	simm.s32 @!p1 $0x1082;
	[sflag:s4] =	ssyncset.s32 $0xFFFFF086  }
0x25: {  	[simem:s6], [sflag:s4] =	dma.local [hbm:s3], $0xF7A  }
0x26: {  	[smem:$0x3F8E] =	sst s1;
	(tag) =	ssettag s2;
	_ =	strace s9  }
0x27: {  	s1 =	sld [smem:$0x3F9E]  }
0x28: {  	s2 =	sld [smem:$0x3F9F]  }
0x29: {  	s4 =	sld [smem:$0x3FA1]  }
0x2a: {  	p0 =	seq.s32 s5, $0x0;
	s5 =	sld [smem:$0x3FA2]  }
0x2b: {  	s6 =	sld [smem:$0x3FA3]  }
0x2c: {  	s7 =	sld [smem:$0x3FA4]  }
0x2d: {  	s3 =	simm.s32 $0x108;
	s8 =	sld [smem:$0x3FA5]  }
0x2e: {  	s3 =	simm.s32 @!p0 $0x1082;
	s9 =	sld [smem:$0x3FA6]  }
0x2f: {  	lr =	sadd.s32 s0, s3;
	s0 =	sld [smem:$0x3F9D]  }
0x30: {  	s3 =	sld [smem:$0x3FA0]  }
0x31: {  	[smem:$0x3FA9] =	sst s10  }
0x32: {  	s10 =	sld [smem:$0x3FA7];
	_ =	sdelay $0x3  }
0x33: {  	p0 =	seq.s32 s10, $0x1;
	s10 =	sld [smem:$0x3FA9];
	_ =	sdelay $0x3  }
0x34: {  	[smem:$0x3FA9] =	sst s10  }
0x35: {  	s10 =	sld [smem:$0x3FA8];
	_ =	sdelay $0x3  }
0x36: {  	p1 =	seq.s32 s10, $0x1;
	s10 =	sld [smem:$0x3FA9];
	_ =	sdelay $0x3  }
0x37: {  	[smem:$0x3FA9] =	sst s10  }
0x38: {  	s10 =	sld [smem:$0x3FAA]  }
0x39: {  	_ = 	snop;
	(pc) =	sbr.ind lr, $3  }
0x3a: {  	_ = 	snop  }
0x3b: {  	_ = 	snop  }
0x3c: {  	p2 =	seq.s32 s10, $0x1;
	s10 =	sld [smem:$0x3FA9]  }
0x3d: {  	_ =	shalt  }
0x3e: {  	_ =	shalt  }
0x3f: {  	_ =	shalt  }
0x40: {  	_ =	shalt  }
0x41: {  	_ =	shalt  }
0x42: {  	_ =	shalt  }
0x43: {  	_ =	shalt  }
0x44: {  	_ =	shalt  }
0x45: {  	_ =	shalt  }
0x46: {  	_ =	shalt  }
0x47: {  	_ =	shalt  }
0x48: {  	_ =	shalt  }
0x49: {  	_ =	shalt  }
0x4a: {  	_ =	shalt  }
0x4b: {  	_ =	shalt  }
0x4c: {  	_ =	shalt  }
0x4d: {  	_ =	shalt  }
0x4e: {  	_ =	shalt  }
0x4f: {  	_ =	shalt  }
0x50: {  	_ =	shalt  }
0x51: {  	_ =	shalt  }
0x52: {  	_ =	shalt  }
0x53: {  	_ =	shalt  }
0x54: {  	_ =	shalt  }
0x55: {  	_ =	shalt  }
0x56: {  	_ =	shalt  }
0x57: {  	_ =	shalt  }
0x58: {  	_ =	shalt  }
0x59: {  	_ =	shalt  }
0x5a: {  	_ =	shalt  }
0x5b: {  	_ =	shalt  }
0x5c: {  	_ =	shalt  }
0x5d: {  	_ =	shalt  }
0x5e: {  	_ =	shalt  }
0x5f: {  	_ =	shalt  }
0x60: {  	_ =	shalt  }
0x61: {  	_ =	shalt  }
0x62: {  	_ =	shalt  }
0x63: {  	_ =	shalt  }
0x64: {  	_ =	shalt  }
0x65: {  	_ =	shalt  }
0x66: {  	_ =	shalt  }
0x67: {  	_ =	shalt  }
0x68: {  	_ =	shalt  }
0x69: {  	_ =	shalt  }
0x6a: {  	_ =	shalt  }
0x6b: {  	_ =	shalt  }
0x6c: {  	_ =	shalt  }
0x6d: {  	_ =	shalt  }
0x6e: {  	_ =	shalt  }
0x6f: {  	_ =	shalt  }
0x70: {  	_ =	shalt  }
0x71: {  	_ =	shalt  }
0x72: {  	_ =	shalt  }
0x73: {  	_ =	shalt  }
0x74: {  	_ =	shalt  }
0x75: {  	_ =	shalt  }
0x76: {  	_ =	shalt  }
0x77: {  	_ =	shalt  }
0x78: {  	_ =	shalt  }
0x79: {  	_ =	shalt  }
0x7a: {  	_ =	shalt  }
0x7b: {  	_ =	shalt  }
0x7c: {  	_ =	shalt  }
0x7d: {  	_ =	shalt  }
0x7e: {  	_ =	shalt  }
0x7f: {  	_ =	shalt  }
0x80: {  	_ =	shalt  }
0x81: {  	_ =	shalt  }
0x82: {  	_ =	shalt  }
0x83: {  	_ =	shalt  }
0x84: {  	_ =	shalt  }
0x85: {  	_ =	shalt  }
0x86: {  	_ =	shalt  }
0x87: {  	_ =	shalt  }
.Lfunc_end0:
.L_simem_size_0:
called_computation.1_lowered:
.L_overlay_start_0:
0x88: {  	s2 =	sld [smem:$0x3FD9]  }
0x89: {  	s3 =	sld [smem:$0x3FFE];
	_ =	sdelay $0x1  }
0x8a: {  	s1 =	srdreg.scid  }
0x8b: {  	s0 =	sand.u32 $0x1, s1  }
0x8c: {  	s16 =	sshll.u32 s0, $0xA;
	s2 =	sadd.s32 s3, s2  }
0x8d: {  	s2 =	sadd.s32 s2, s16  }
0x8e: {  	[smem:$0x3FB5] =	sst s2  }
0x8f: {  	_ = 	snop  }
0x90: {  	(tm) =	ssettm $0x1  }
0x91: {  	s17 =	sld [smem:$0x3FFB];
	_ =	sdelay $0x3  }
0x92: {  	_ =	strace s17  }
0x93: {  	s2 =	sld [smem:$0x3FFC];
	_ =	sdelay $0x3  }
0x94: {  	_ =	strace s2  }
0x95: {  	s2 =	sld [smem:$0x3FFD];
	_ =	sdelay $0x3  }
0x96: {  	_ =	strace s2  }
0x97: {  	_ =	strace $0x8FFFFFFF  }
0x98: {  	s18 =	sld [smem:$0x3FDB];
	_ =	sdelay $0x1  }
0x99: {  	s19 =	simm.s32 $_scs_section_size  }
0x9a: {  	s4 =	simm.s32 $_size__tile_overlayer_lowered;
	s5 =	simm.s32 $_tile_overlayer_lowered  }
0x9b: {  	s22 =	simm.s32 $0x1BFF;
	s21 =	sshll.u32 s5, $0x1;
	s2 =	sadd.s32 s19, s18  }
0x9c: {  	s6 =	simm.s32 $0x0;
	s20 =	sshll.u32 s4, $0x1;
	s4 =	sadd.s32 s21, s2  }
0x9d: {  	[timem:s6], [sflag:s22] =	dma.local [hbm:s4], s20  }
0x9e: {  	_ =	swait.ge [sflag:s22], s20  }
0x9f: {  	s3 =	ssub.s32 $0x0, s20;
	[sflag:s22] =	ssyncset.done $0x0  }
0xa0: {  	[sflag:s22] =	ssyncadd.s32 s3;
	_ =	sdelay $0x1  }
0xa1: {  	s23 =	simm.s32 $0x1B8B  }
0xa2: {  	_ =	swait.ge [sflag:s23], $0x1  }
0xa3: {  	[sflag:s23] =	ssyncset.done $0x0  }
0xa4: {  	s25 =	simm.s32 $0x1B8E;
	s24 =	sld [smem:$0x3FFE];
	[sflag:s23] =	ssyncadd.s32 $0xFFFFFFFF  }
0xa5: {  	s26 =	simm.s32 $execute0_lowered;
	[smem:$0x3FD2] =	sst s25  }
0xa6: {  	s4 =	sshll.u32 s26, $0x1;
	_ =	strace $0x80000049;
	[dreg:$0x1] =	wrdreg $0xFFFFFFFF  }
0xa7: {  	s28 =	simm.s32 $_size_execute0_lowered;
	s2 =	sadd.s32 s2, s4;
	[dreg:$0x0] =	wrdreg $0x0  }
0xa8: {  	s4 =	sshll.u32 s28, $0x1;
	[dreg:$0x2] =	wrdreg s2  }
0xa9: {  	[dreg:$0x3] =	wrdreg s4  }
0xaa: {  	[dreg:$0x4] =	wrdreg $0xC0  }
0xab: {  	_ =	task [dreg:s6], $0x5FFFF  }
0xac: {  	[dreg:$0x1] =	wrdreg $0xFFFFFFFF  }
0xad: {  	[dreg:$0x0] =	wrdreg $0x60  }
0xae: {  	[dreg:$0x2] =	wrdreg s24  }
0xaf: {  	[dreg:$0x3] =	wrdreg $0xB4000  }
0xb0: {  	[dreg:$0x4] =	wrdreg $0x9  }
0xb1: {  	_ =	task.clear_ibuf [dreg:s6], $0x5FFFF;
	_ =	strace $0x90000049  }
0xb2: {  	s29 =	simm.s32 $0x9;
	_ =	strace $0x8000004B  }
0xb3: {  	_ =	swait.ge [sflag:s29], $0x1  }
0xb4: {  	[sflag:s29] =	ssyncadd.s32 $0xFFFFFFFF  }
0xb5: {  	_ =	strace $0x9000004B  }
0xb6: {  	_ =	sfence  }
0xb7: {  	s30 =	sld [smem:$0x0];
	_ =	sdelay $0x2  }
0xb8: {  	s31 =	sshll.u32 s1, $0xD;
	s1 =	sshrl.u32 s1, $0x2  }
0xb9: {  	s3 =	sand.u32 $0x4000, s31;
	s1 =	sadd.s32 s1, s30  }
0xba: {  	s0 =	sor.u32 s3, s0;
	s1 =	sshll.u32 s1, $0x11  }
0xbb: {  	s0 =	sor.u32 s1, s0  }
0xbc: {  	s0 =	sadd.s32 $0x8F2B, s0  }
0xbd: {  	[sflag:s0] =	ssyncadd.remote.s32 $0x1  }
0xbe: {  	_ =	sfence.sel $0xFFFF  }
0xbf: {  	[dreg:$0x0] =	wrdreg $0xFFFFFFFF;
	(pc) =	sbr.abs _section_cstart, $3  }
0xc0: {  	[dreg:$0x1] =	wrdreg $0xFFFFFFFF  }
0xc1: {  	_ =	task.clear_ibuf [dreg:s6], $0x2FFFF;
	_ =	strace $0x9FFFFFFF  }
0xc2: {  	(tm) =	ssettm $0x7FFFFFFF  }
0xc3: {  	_ =	shalt  }
tec
execute0_lowered:
.L_overlay_start_1:
0x0: {  	(tag) =	ssettag $0x1  }
0x1: {  	s12 =	stileid.u32  }
0x2: {  	s3 =	srdreg.scid;
	s8 =	smul.u32 $0x140, s12  }
0x3: {  	s0 =	rddreg [dreg:$0x0];
	s3 =	sand.u32 $0x1, s3;
	s17 =	smul.u32 $0xA000, s12  }
0x4: {  	s1 =	rddreg [dreg:$0x1];
	s2 =	simm.s32 $0x0;
	s7 =	smul.u32 $0x28000, s3  }
0x5: {  	[smem:$0x7FF] =	sst s2;
	s4 =	sadd.s32 $0x2C000, s0;
	s10 =	smul.u32 $0xF0, s3  }
0x6: {  	s9 =	ssub.s32 $0x2, s3;
	p0 =	seq.s32 s3, $0x0;
	s3 =	smul.u32 $0x7800, s3  }
0x7: {  	s5 =	sadd.s32 $0x4000, s0;
	s6 =	sadd.s32 $0x18000, s0;
	s20 =	smul.u32 $0x2800, s12  }
0x8: {  	_ =	strace $0x8000004A;
	s8 =	sadd.s32 s10, s8;
	s3 =	sadd.s32 s3, s17  }
0x9: {  	s0 =	sadd.s32 s7, s0;
	s8 =	sshll.u32 s8, $0x4;
	s3 =	sor.u32 $0x400, s3  }
0xa: {  	s7 =	simm.s32 $0xF0;
	s21 =	sadd.s32 s5, s8;
	[dreg:$0x3] =	wrdreg s3  }
0xb: {  	s7 =	simm.s32 @!p0 $0x50;
	s23 =	sadd.s32 s6, s8;
	[dreg:$0x5] =	wrdreg s21  }
0xc: {  	s0 =	sadd.s32 $0x53200, s0;
	s19 =	sshll.u32 s7, $0x9;
	[dreg:$0x6] =	wrdreg s23  }
0xd: {  	s22 =	sor.u32 $0x10, s8;
	s0 =	sadd.s32 s20, s0;
	[dreg:$0x4] =	wrdreg s19  }
0xe: {  	s11 =	sshrl.u32 s9, $0x1;
	s24 =	sadd.s32 s5, s22;
	[dreg:$0x11] =	wrdreg s0  }
0xf: {  	s25 =	sor.u32 $0x20, s8;
	s10 =	sadd.s32 s6, s22;
	[dreg:$0x7] =	wrdreg s24  }
0x10: {  	s9 =	ssub.s32 s9, s11;
	s26 =	sadd.s32 s5, s25;
	[dreg:$0x8] =	wrdreg s10  }
0x11: {  	s13 =	sor.u32 $0x30, s8;
	s11 =	sadd.s32 s6, s25;
	[dreg:$0x9] =	wrdreg s26  }
0x12: {  	s15 =	sor.u32 $0x40, s8;
	s14 =	sadd.s32 s5, s13;
	[dreg:$0xa] =	wrdreg s11  }
0x13: {  	s29 =	simm.s32 $0x80;
	s16 =	sadd.s32 s5, s15;
	[dreg:$0xb] =	wrdreg s14  }
0x14: {  	s31 =	simm.s32 $0x100;
	s10 =	sadd.s32 s6, s13;
	[dreg:$0xd] =	wrdreg s16  }
0x15: {  	s18 =	sor.u32 $0x50, s8;
	s11 =	sadd.s32 s6, s15;
	[dreg:$0xc] =	wrdreg s10  }
0x16: {  	s21 =	sor.u32 $0x60, s8;
	s13 =	sadd.s32 s5, s18;
	[dreg:$0xe] =	wrdreg s11  }
0x17: {  	s28 =	simm.s32 $0xB000;
	s23 =	sadd.s32 s5, s21;
	[dreg:$0xf] =	wrdreg s13  }
0x18: {  	s25 =	sor.u32 $0x70, s8;
	s24 =	sadd.s32 s6, s21;
	[dreg:$0x12] =	wrdreg s23  }
0x19: {  	s30 =	simm.s32 $0x4;
	s8 =	sadd.s32 s5, s25;
	[dreg:$0x13] =	wrdreg s24  }
0x1a: {  	s22 =	smul.u32 $0x50000, s12;
	s0 =	sadd.s32 s6, s25;
	[dreg:$0x14] =	wrdreg s8  }
0x1b: {  	s3 =	simm.s32 $0x180;
	s11 =	sadd.s32 s6, s18;
	[dreg:$0x15] =	wrdreg s0  }
0x1c: {  	s26 =	sshrl.u32 s22, $0x2;
	s0 =	simm.s32 $0x3;
	s8 =	simm.s32 $0x40  }
0x1d: {  	s10 =	simm.s32 $0x2;
	[dreg:$0x10] =	wrdreg s11;
	s25 =	sadd.s32 s26, s1  }
0x1e: {  	v0 =	vimm.f32 $0.0e+00;
	s26 =	smax.u32 s9, $0x1;
	s9 =	simm.s32 $0x1;
	s11 =	simm.s32 $0x0  }
.LBB2_1:
0x1f: {  	s12 =	rddreg [dreg:$0x5]  }
0x20: {  	[tilespmem:s2], [sflag:$0x3] =	stream.linear.gather [hbm4b:s12+s2], $0x80, $0x38;
	[tilespmem:$0x1F400] =	vst v63  }
0x21: {  	s21 =	rddreg [dreg:$0x6];
	s13 =	simm.s32 $0x800  }
0x22: {  	[tilespmem:s13], [sflag:$0x3] =	stream.linear.gather [hbm4b:s21+s2], $0x80, $0x38;
	[tilespmem:$0x1F400] =	vst v63  }
0x23: {  	s22 =	rddreg [dreg:$0x7]  }
0x24: {  	[tilespmem:s29], [sflag:$0x3] =	stream.linear.gather [hbm4b:s22+s2], $0x80, $0x38;
	[tilespmem:$0x1F400] =	vst v63  }
0x25: {  	s23 =	rddreg [dreg:$0x8];
	s24 =	simm.s32 $0x880  }
0x26: {  	[tilespmem:s24], [sflag:$0x3] =	stream.linear.gather [hbm4b:s23+s2], $0x80, $0x38;
	[tilespmem:$0x1F400] =	vst v63  }
0x27: {  	s13 =	rddreg [dreg:$0x9]  }
0x28: {  	[tilespmem:s31], [sflag:$0x3] =	stream.linear.gather [hbm4b:s13+s2], $0x80, $0x38;
	[tilespmem:$0x1F400] =	vst v63  }
0x29: {  	s14 =	rddreg [dreg:$0xa];
	s15 =	simm.s32 $0x900  }
0x2a: {  	[tilespmem:s15], [sflag:$0x3] =	stream.linear.gather [hbm4b:s14+s2], $0x80, $0x38;
	[tilespmem:$0x1F400] =	vst v63  }
0x2b: {  	s16 =	rddreg [dreg:$0xb]  }
0x2c: {  	[tilespmem:s3], [sflag:$0x3] =	stream.linear.gather [hbm4b:s16+s2], $0x80, $0x38;
	[tilespmem:$0x1F400] =	vst v63  }
0x2d: {  	s17 =	rddreg [dreg:$0xc];
	s18 =	simm.s32 $0x980  }
0x2e: {  	[tilespmem:s18], [sflag:$0x3] =	stream.linear.gather [hbm4b:s17+s2], $0x80, $0x38;
	[tilespmem:$0x1F400] =	vst v63  }
0x2f: {  	s19 =	rddreg [dreg:$0xd];
	s20 =	simm.s32 $0x200  }
0x30: {  	[tilespmem:s20], [sflag:$0x3] =	stream.linear.gather [hbm4b:s19+s2], $0x80, $0x38;
	[tilespmem:$0x1F400] =	vst v63  }
0x31: {  	s21 =	rddreg [dreg:$0xe];
	s22 =	simm.s32 $0xA00  }
0x32: {  	[tilespmem:s22], [sflag:$0x3] =	stream.linear.gather [hbm4b:s21+s2], $0x80, $0x38;
	[tilespmem:$0x1F400] =	vst v63  }
0x33: {  	s23 =	rddreg [dreg:$0xf];
	s24 =	simm.s32 $0x280  }
0x34: {  	[tilespmem:s24], [sflag:$0x3] =	stream.linear.gather [hbm4b:s23+s2], $0x80, $0x38;
	[tilespmem:$0x1F400] =	vst v63  }
0x35: {  	s14 =	rddreg [dreg:$0x10];
	s15 =	simm.s32 $0xA80  }
0x36: {  	[tilespmem:s15], [sflag:$0x3] =	stream.linear.gather [hbm4b:s14+s2], $0x80, $0x38;
	[tilespmem:$0x1F400] =	vst v63  }
0x37: {  	s16 =	rddreg [dreg:$0x12];
	s17 =	simm.s32 $0x300  }
0x38: {  	[tilespmem:s17], [sflag:$0x3] =	stream.linear.gather [hbm4b:s16+s2], $0x80, $0x38;
	[tilespmem:$0x1F400] =	vst v63  }
0x39: {  	s18 =	rddreg [dreg:$0x13];
	s19 =	simm.s32 $0xB00  }
0x3a: {  	[tilespmem:s19], [sflag:$0x3] =	stream.linear.gather [hbm4b:s18+s2], $0x80, $0x38;
	[tilespmem:$0x1F400] =	vst v63  }
0x3b: {  	s20 =	rddreg [dreg:$0x14];
	s21 =	simm.s32 $0x380  }
0x3c: {  	[tilespmem:s21], [sflag:$0x3] =	stream.linear.gather [hbm4b:s20+s2], $0x80, $0x38;
	[tilespmem:$0x1F400] =	vst v63  }
0x3d: {  	s22 =	rddreg [dreg:$0x15];
	s23 =	simm.s32 $0xB80  }
0x3e: {  	[tilespmem:s23], [sflag:$0x3] =	stream.linear.gather [hbm4b:s22+s2], $0x80, $0x38;
	[tilespmem:$0x1F400] =	vst v63  }
0x3f: {  	[tilespmem:$0xB000] =	vst v0  }
0x40: {  	[tilespmem:$0xB010] =	vst v0  }
0x41: {  	[tilespmem:$0xB020] =	vst v0  }
0x42: {  	[tilespmem:$0xB030] =	vst v0  }
0x43: {  	[tilespmem:$0xB040] =	vst v0  }
0x44: {  	[tilespmem:$0xB050] =	vst v0  }
0x45: {  	[tilespmem:$0xB060] =	vst v0  }
0x46: {  	[tilespmem:$0xB070] =	vst v0  }
0x47: {  	[tilespmem:$0xB080] =	vst v0  }
0x48: {  	[tilespmem:$0xB090] =	vst v0  }
0x49: {  	[tilespmem:$0xB0A0] =	vst v0  }
0x4a: {  	[tilespmem:$0xB0B0] =	vst v0  }
0x4b: {  	[tilespmem:$0xB0C0] =	vst v0  }
0x4c: {  	[tilespmem:$0xB0D0] =	vst v0  }
0x4d: {  	[tilespmem:$0xB0E0] =	vst v0  }
0x4e: {  	[tilespmem:$0xB0F0] =	vst v0  }
0x4f: {  	[tilespmem:$0xB100] =	vst v0  }
0x50: {  	[tilespmem:$0xB110] =	vst v0  }
0x51: {  	[tilespmem:$0xB120] =	vst v0  }
0x52: {  	[tilespmem:$0xB130] =	vst v0  }
0x53: {  	[tilespmem:$0xB140] =	vst v0  }
0x54: {  	[tilespmem:$0xB150] =	vst v0  }
0x55: {  	[tilespmem:$0xB160] =	vst v0  }
0x56: {  	[tilespmem:$0xB170] =	vst v0  }
0x57: {  	[tilespmem:$0xB180] =	vst v0  }
0x58: {  	[tilespmem:$0xB190] =	vst v0  }
0x59: {  	[tilespmem:$0xB1A0] =	vst v0  }
0x5a: {  	[tilespmem:$0xB1B0] =	vst v0  }
0x5b: {  	[tilespmem:$0xB1C0] =	vst v0  }
0x5c: {  	[tilespmem:$0xB1D0] =	vst v0  }
0x5d: {  	[tilespmem:$0xB1E0] =	vst v0  }
0x5e: {  	[tilespmem:$0xB1F0] =	vst v0  }
0x5f: {  	[tilespmem:$0xB200] =	vst v0  }
0x60: {  	[tilespmem:$0xB210] =	vst v0  }
0x61: {  	[tilespmem:$0xB220] =	vst v0  }
0x62: {  	[tilespmem:$0xB230] =	vst v0  }
0x63: {  	[tilespmem:$0xB240] =	vst v0  }
0x64: {  	[tilespmem:$0xB250] =	vst v0  }
0x65: {  	[tilespmem:$0xB260] =	vst v0  }
0x66: {  	[tilespmem:$0xB270] =	vst v0  }
0x67: {  	[tilespmem:$0xB280] =	vst v0  }
0x68: {  	[tilespmem:$0xB290] =	vst v0  }
0x69: {  	[tilespmem:$0xB2A0] =	vst v0  }
0x6a: {  	[tilespmem:$0xB2B0] =	vst v0  }
0x6b: {  	[tilespmem:$0xB2C0] =	vst v0  }
0x6c: {  	[tilespmem:$0xB2D0] =	vst v0  }
0x6d: {  	[tilespmem:$0xB2E0] =	vst v0  }
0x6e: {  	[tilespmem:$0xB2F0] =	vst v0  }
0x6f: {  	[tilespmem:$0xB300] =	vst v0  }
0x70: {  	[tilespmem:$0xB310] =	vst v0  }
0x71: {  	[tilespmem:$0xB320] =	vst v0  }
0x72: {  	[tilespmem:$0xB330] =	vst v0  }
0x73: {  	[tilespmem:$0xB340] =	vst v0  }
0x74: {  	[tilespmem:$0xB350] =	vst v0  }
0x75: {  	[tilespmem:$0xB360] =	vst v0  }
0x76: {  	[tilespmem:$0xB370] =	vst v0  }
0x77: {  	[tilespmem:$0xB380] =	vst v0  }
0x78: {  	[tilespmem:$0xB390] =	vst v0  }
0x79: {  	[tilespmem:$0xB3A0] =	vst v0  }
0x7a: {  	[tilespmem:$0xB3B0] =	vst v0  }
0x7b: {  	[tilespmem:$0xB3C0] =	vst v0  }
0x7c: {  	[tilespmem:$0xB3D0] =	vst v0  }
0x7d: {  	[tilespmem:$0xB3E0] =	vst v0  }
0x7e: {  	s24 =	sadd.s32 $0x0, s25;
	[tilespmem:$0xB3F0] =	vst v0  }
0x7f: {  	[spmem:s24] =	stream.linear.scatter [tilespmem:s28], [sflag:$0x4], $0x400, $0x38;
	[tilespmem:$0x1F400] =	vst v63  }
0x80: {  	s12 =	simm.s32 $0x1000;
	_ =	swait.ge [sflag:s30], $0x400  }
.LBB2_2:
0x81: {  	s13 =	sshra.s32 s12, $0x2;
	[sflag:s30] =	ssyncset.done $0x0;
	p0 =	sne.s32 s12, $0x4F000  }
.Ltmp0:
0x82: {  	s13 =	sadd.s32 s13, s25;
	[sflag:s30] =	ssyncadd.s32 $0xFFFFFC00;
	(pc) =	sbr.rel @p0 .LBB2_2-.Ltmp0, $3  }
0x83: {  	[spmem:s13] =	stream.linear.scatter [tilespmem:s28], [sflag:$0x4], $0x400, $0x38;
	[tilespmem:$0x1F400] =	vst v63  }
0x84: {  	s12 =	sadd.s32 $0x1000, s12;
	_ =	sdelay $0x1  }
0x85: {  	_ =	swait.ge [sflag:s30], $0x400  }
0x86: {  	[sflag:s30] =	ssyncset.done $0x0  }
0x87: {  	[sflag:s30] =	ssyncadd.s32 $0xFFFFFC00  }
0x88: {  	[bflag:$0x0] =	sbarrier.arrive $0xFFFF  }
0x89: {  	_ =	swait.ge [sflag:s0], $0x80  }
0x8a: {  	[sflag:s0] =	ssyncset.done $0x0  }
0x8b: {  	[sflag:s0] =	ssyncadd.s32 $0xFFFFFF80  }
0x8c: {  	_ =	swait.ge [sflag:s0], $0x80  }
0x8d: {  	[sflag:s0] =	ssyncset.done $0x0  }
0x8e: {  	s12 =	simm.s32 $0x0;
	s13 =	simm.s32 $0x1000;
	[sflag:s0] =	ssyncadd.s32 $0xFFFFFF80  }
0x8f: {  	[tilespmem:s13], [sflag:$0x1] =	stream.indirect.gather [hbm4b:s4+s8], $0x80, s12, s8, $0xb8;
	[tilespmem:$0x1F400] =	vst v63  }
0x90: {  	_ =	swait.ge [sflag:s0], $0x80  }
0x91: {  	[sflag:s0] =	ssyncset.done $0x0  }
0x92: {  	[sflag:s0] =	ssyncadd.s32 $0xFFFFFF80  }
0x93: {  	_ =	swait.ge [sflag:s0], $0x80  }
0x94: {  	[sflag:s0] =	ssyncset.done $0x0  }
0x95: {  	s14 =	simm.s32 $0x3000;
	[sflag:s0] =	ssyncadd.s32 $0xFFFFFF80  }
0x96: {  	[tilespmem:s14], [sflag:$0x1] =	stream.indirect.gather [hbm4b:s4+s8], $0x80, s29, s8, $0xb8;
	[tilespmem:$0x1F400] =	vst v63  }
0x97: {  	_ =	swait.ge [sflag:s0], $0x80  }
0x98: {  	[sflag:s0] =	ssyncset.done $0x0  }
0x99: {  	[sflag:s0] =	ssyncadd.s32 $0xFFFFFF80  }
0x9a: {  	_ =	swait.ge [sflag:s0], $0x80  }
0x9b: {  	[sflag:s0] =	ssyncset.done $0x0  }
0x9c: {  	s23 =	simm.s32 $0x5000;
	[sflag:s0] =	ssyncadd.s32 $0xFFFFFF80  }
0x9d: {  	[tilespmem:s23], [sflag:$0x1] =	stream.indirect.gather [hbm4b:s4+s8], $0x80, s31, s8, $0xb8;
	[tilespmem:$0x1F400] =	vst v63  }
0x9e: {  	_ =	swait.ge [sflag:s0], $0x80  }
0x9f: {  	[sflag:s0] =	ssyncset.done $0x0  }
0xa0: {  	[sflag:s0] =	ssyncadd.s32 $0xFFFFFF80  }
0xa1: {  	s24 =	simm.s32 $0x7000;
	s15 =	simm.s32 $0x9000;
	_ =	swait.ge [sflag:s0], $0x80  }
0xa2: {  	s16 =	simm.s32 $0x8;
	s17 =	simm.s32 $0x0;
	[sflag:s0] =	ssyncset.done $0x0  }
0xa3: {  	s18 =	simm.s32 $0x0;
	s14 =	simm.s32 $0x4;
	[sflag:s0] =	ssyncadd.s32 $0xFFFFFF80  }
0xa4: {  	[tilespmem:s24], [sflag:$0x1] =	stream.indirect.gather [hbm4b:s4+s8], $0x80, s3, s8, $0xb8;
	[tilespmem:$0x1F400] =	vst v63  }
.LBB2_4:
0xa5: {  	s19 =	smulhi.u32 $0xAAAAAAAB, s16  }
0xa6: {  	s21 =	sadd.s32 $0x4, s14  }
0xa7: {  	s20 =	rddreg [dreg:$0x3];
	p0 =	sge.u32 s21, s7;
	s19 =	sshrl.u32 s19, $0x3  }
0xa8: {  	s20 =	sadd.s32 @!p0 s12, s20;
	s19 =	smul.u32 $0xFFFFE800, s19  }
0xa9: {  	s21 =	sand.u32 @!p0 $0x380, s12;
	s20 =	sand.u32 @!p0 $0x7FFFFC00, s20  }
0xaa: {  	s24 =	simm.s32 @!p0 $0x0;
	s20 =	sor.u32 @!p0 s21, s20;
	s19 =	sshra.s32 s19, $0x2  }
0xab: {  	s21 =	sshra.s32 @!p0 s17, $0x2;
	s20 =	sshrl.u32 @!p0 s20, $0x3;
	s22 =	sadd.s32 $0x400, s19  }
0xac: {  	s19 =	sadd.s32 $0xC00, s19;
	s23 =	sadd.s32 @!p0 s5, s20;
	s22 =	sadd.s32 @!p0 s21, s22  }
0xad: {  	[tilespmem:s22], [sflag:$0x3] =	stream.linear.gather @!p0 [hbm4b:s23+s24], $0x80, $0x38;
	[tilespmem:$0x1F400] =	vst v63  }
0xae: {  	s20 =	sadd.s32 @!p0 s6, s20;
	s19 =	sadd.s32 @!p0 s21, s19  }
0xaf: {  	[tilespmem:s19], [sflag:$0x3] =	stream.linear.gather @!p0 [hbm4b:s20+s24], $0x80, $0x38;
	[tilespmem:$0x1F400] =	vst v63  }
0xb0: {  	s23 =	smulhi.u32 $0xAAAAAAAB, s14;
	p0 =	seq.s32 s17, $0x0  }
0xb1: {  	s22 =	smulhi.u32 $0xCCCCCCCD, s14;
	s20 =	simm.s32 @!p0 $0x2  }
0xb2: {  	s21 =	sshrl.u32 s23, $0x3;
	s23 =	smulhi.u32 $0xCCCCCCCD, s18;
	_ =	swait.ge @!p0 [sflag:s20], $0x2000  }
0xb3: {  	s19 =	smul.u32 $0xFFFFE800, s21;
	[sflag:s20] =	ssyncset.done @!p0 $0x0  }
0xb4: {  	s21 =	sshrl.u32 s22, $0x2;
	[sflag:s20] =	ssyncadd.s32 @!p0 $0xFFFFE000;
	p0 =	sge.u32 s14, s7  }
0xb5: {  	s24 =	smul.u32 $0xFFFD8000, s21;
	s22 =	simm.s32 @!p0 $0x3  }
0xb6: {  	s23 =	sshrl.u32 s23, $0x2;
	s19 =	sshra.s32 s19, $0x2;
	_ =	swait.ge @!p0 [sflag:s22], $0x80  }
0xb7: {  	s20 =	sshra.s32 s24, $0x2;
	s24 =	smulhi.u32 $0xAAAAAAAB, s18;
	[sflag:s22] =	ssyncset.done @!p0 $0x0  }
0xb8: {  	s21 =	smul.u32 $0xFFFD8000, s23;
	s19 =	sadd.s32 $0x200, s19;
	[sflag:s22] =	ssyncadd.s32 @!p0 $0xFFFFFF80  }
0xb9: {  	s20 =	sadd.s32 s20, s15;
	s23 =	sshrl.u32 s24, $0x3;
	_ =	swait.ge @!p0 [sflag:s22], $0x80  }
0xba: {  	s24 =	sshra.s32 @!p0 s17, $0x2;
	s23 =	smul.u32 $0xFFFFE800, s23;
	[sflag:s22] =	ssyncset.done @!p0 $0x0  }
0xbb: {  	s19 =	sadd.s32 @!p0 s24, s19;
	[sflag:s22] =	ssyncadd.s32 @!p0 $0xFFFFFF80;
	s22 =	simm.s32 @!p0 $0x40  }
0xbc: {  	[tilespmem:s20], [sflag:$0x1] =	stream.indirect.gather @!p0 [hbm4b:s4+s22], $0x80, s19, s22, $0xb8;
	[tilespmem:$0x1F400] =	vst v63  }
0xbd: {  	s22 =	sshra.s32 s23, $0x2;
	_ =	swait.ge [sflag:s9], $0x2000  }
0xbe: {  	s23 =	sshra.s32 s17, $0x2;
	s17 =	sadd.s32 $0x200, s17;
	s24 =	rddreg [dreg:$0x4]  }
0xbf: {  	s16 =	sadd.s32 $0x1, s16;
	p0 =	sne.s32 s24, s17  }
.Ltmp1:
0xc0: {  	s12 =	sadd.s32 $0x80, s12;
	s18 =	sadd.s32 $0x1, s18;
	(pc) =	sbr.rel @p0 .LBB2_4-.Ltmp1, $4  }
0xc1: {  	s14 =	sadd.s32 $0x1, s14;
	s21 =	sshra.s32 s21, $0x2;
	s15 =	sadd.s32 $0x2000, s15  }
0xc2: {  	s19 =	sadd.s32 s21, s13;
	s20 =	sadd.s32 $0x800, s22;
	[sflag:s9] =	ssyncset.done $0x0  }
0xc3: {  	s13 =	sadd.s32 $0x2000, s13;
	s20 =	sadd.s32 s23, s20;
	[sflag:s9] =	ssyncadd.s32 $0xFFFFE000  }
0xc4: {  	[spmem:s1] =	stream.indirect.scatter.add.f32 [tilespmem:s19], [sflag:$0x2], $0x80, s20, s8, $0xb8;
	[tilespmem:$0x1F400] =	vst v63  }
0xc5: {  	_ =	swait.ge [sflag:s10], $0x2000  }
0xc6: {  	s12 =	stileid.u32;
	[sflag:s10] =	ssyncset.done $0x0  }
0xc7: {  	s13 =	sshrl.u32 s25, $0x3;
	s11 =	sadd.s32 $0x1, s11;
	[sflag:s10] =	ssyncadd.s32 $0xFFFFE000  }
0xc8: {  	s12 =	sshll.u32 s12, $0x6;
	p0 =	sne.s32 s11, s26;
	[bflag:$0x0] =	sbarrier.arrive $0xFFFF  }
.Ltmp2:
0xc9: {  	s12 =	sor.u32 $0x1C04, s12;
	s14 =	rddreg [dreg:$0x11];
	(pc) =	sbr.rel @p0 .LBB2_1-.Ltmp2, $4  }
0xca: {  	[hbm:s14], [sflag:s12] =	dma.local [spmem:s13], $0x2800  }
0xcb: {  	_ =	swait.ge [sflag:s30], $0x2800  }
0xcc: {  	[sflag:s30] =	ssyncset.done $0x0  }
0xcd: {  	[sflag:s30] =	ssyncadd.s32 $0xFFFFD800  }
0xce: {  	_ =	sfence.sel $0x180000  }
0xcf: {  	[bflag:$0x0] =	sbarrier.arrive $0xFFFF  }
0xd0: {  	_ =	strace $0x9000004A  }
0xd1: {  	s0 =	stileid.u32;
	[bflag:$0x2] =	sbarrier.arrive $0xFFFF  }
0xd2: {  	p0 =	sne.s32 s0, $0x0;
	s0 =	rddreg [dreg:$0x2]  }
0xd3: {  	s0 =	sadd.s32 @!p0 $0x100000, s0  }
0xd4: {  	[sflag:s0] =	ssyncadd.tile.s32 @!p0 $0x1;
	_ =	shalt  }
.Lfunc_end2:
_tile_overlayer_lowered:
.L_overlay_start_2:
0xd5: {  	(tag) =	ssettag $0x2  }
0xd6: {  	s0 =	rddreg [dreg:$0x0];
	s2 =	stileid.u32  }
0xd7: {  	s1 =	rddreg [dreg:$0x1];
	p0 =	sne.s32 s2, $0x0  }
0xd8: {  	s3 =	rddreg [dreg:$0x2];
	[bflag:$0x3] =	sbarrier.arrive $0xFFFF;
	s2 =	simm.s32 @!p0 $0x1C04  }
0xd9: {  	[timem:s3], [sflag:s2] =	dma.local @!p0 [hbm:s0], s1  }
0xda: {  	s0 =	simm.s32 @!p0 $0x4  }
0xdb: {  	_ =	swait.ge @!p0 [sflag:s0], s1  }
0xdc: {  	s1 =	ssub.s32 @!p0 $0x0, s1;
	[sflag:s0] =	ssyncset.done @!p0 $0x0  }
0xdd: {  	[sflag:s0] =	ssyncadd.s32 @!p0 s1  }
0xde: {  	[bflag:$0x3] =	sbarrier.arrive $0xFFFF  }
0xdf: {  	_ =	shalt  }

// kernel: kernel.19.cloned.1.call-start
scs
__scs_entry_jumppad:
0x0: {  	(pc) =	sbr.rel $0x88, $3  }
0x1: {  	(tag) =	ssettag $0x0;
	lr =	simm.s32 $0x1  }
0x2: {  	[smem:$0x3F8E] =	sst lr;
	_ =	strace $0xD0000000  }
0x3: {  	_ = 	snop  }
0x4: {  	_ = 	snop  }
0x5: {  	_ = 	snop  }
0x6: {  	_ = 	snop  }
0x7: {  	_ = 	snop  }
__scs_overlays_trampoline_lowered:
0x8: {  	[smem:$0x3F9D] =	sst s0  }
0x9: {  	[smem:$0x3F9E] =	sst s1  }
0xa: {  	[smem:$0x3F9F] =	sst s2  }
0xb: {  	[smem:$0x3FA0] =	sst s3  }
0xc: {  	[smem:$0x3FA1] =	sst s4  }
0xd: {  	[smem:$0x3FA2] =	sst s5  }
0xe: {  	[smem:$0x3FA3] =	sst s6  }
0xf: {  	[smem:$0x3FA4] =	sst s7  }
0x10: {  	[smem:$0x3FA5] =	sst s8  }
0x11: {  	[smem:$0x3FA6] =	sst s9;
	s0 =	simm.s32 @!p0 $0x0  }
0x12: {  	s1 =	sld [smem:$0x3F8C];
	s0 =	simm.s32 @p0 $0x1  }
0x13: {  	[smem:$0x3FA7] =	sst s0;
	s0 =	simm.s32 @!p1 $0x0  }
0x14: {  	s2 =	sld [smem:$0x3F8B];
	s0 =	simm.s32 @p1 $0x1  }
0x15: {  	[smem:$0x3FA8] =	sst s0;
	s0 =	simm.s32 @!p2 $0x0  }
0x16: {  	s3 =	sld [smem:$0x3FDB];
	s0 =	simm.s32 @p2 $0x1  }
0x17: {  	s4 =	simm.s32 $0x1BF5;
	[smem:$0x3FAA] =	sst s0  }
0x18: {  	s0 =	sld [smem:$0x3F8D];
	_ =	swait.ge [sflag:s4], $0x0  }
0x19: {  	s7 =	sld [smem:$0x3F8E]  }
0x1a: {  	s8 =	sadd.s32 $0xFFFFE003, lr  }
0x1b: {  	s9 =	sadd.s32 $0xFFFFFEF7, lr;
	s5 =	simm.s32 $0xFFFFFFFF;
	p2 =	slt.u32 s8, $0xFFFFF086  }
0x1c: {  	p1 =	slt.u32 s9, $0xF7A;
	s5 =	simm.s32 @!p2 $0x0  }
0x1d: {  	s5 =	simm.s32 @p1 $0x1;
	p0 =	seq.s32 s7, s2  }
0x1e: {  	s7 =	smul.u32 @!p0 $0xF7A, s2;
	p2 =	seq.s32 @!p0 s5, $0x0  }
0x1f: {  	s9 =	smul.u32 $0xF7A, s1;
	s8 =	simm.s32 @!p0 $0x1BF5;
	p2 =	por !p2, p0  }
0x20: {  	[sflag:s8] =	ssyncset.s32 @!p0 $0xFFFFF086;
	s6 =	sadd.s32 @!p0 s3, s7;
	s7 =	simm.s32 @!p0 $0x108  }
0x21: {  	s3 =	sadd.s32 s3, s9;
	s6 =	sadd.s32 @!p0 $0x88, s6;
	s7 =	simm.s32 @p2 $0x1082  }
0x22: {  	[simem:s7], [sflag:s8] =	dma.local @!p0 [hbm:s6], $0xF7A  }
0x23: {  	s9 =	sor.u32 $0xD0000000, s2;
	s6 =	simm.s32 $0x108;
	_ =	swait.ge @!p0 [sflag:s8], $0x0  }
0x24: {  	s3 =	sadd.s32 $0x88, s3;
	s6 =	simm.s32 @!p1 $0x1082;
	[sflag:s4] =	ssyncset.s32 $0xFFFFF086  }
0x25: {  	[simem:s6], [sflag:s4] =	dma.local [hbm:s3], $0xF7A  }
0x26: {  	[smem:$0x3F8E] =	sst s1;
	(tag) =	ssettag s2;
	_ =	strace s9  }
0x27: {  	s1 =	sld [smem:$0x3F9E]  }
0x28: {  	s2 =	sld [smem:$0x3F9F]  }
0x29: {  	s4 =	sld [smem:$0x3FA1]  }
0x2a: {  	p0 =	seq.s32 s5, $0x0;
	s5 =	sld [smem:$0x3FA2]  }
0x2b: {  	s6 =	sld [smem:$0x3FA3]  }
0x2c: {  	s7 =	sld [smem:$0x3FA4]  }
0x2d: {  	s3 =	simm.s32 $0x108;
	s8 =	sld [smem:$0x3FA5]  }
0x2e: {  	s3 =	simm.s32 @!p0 $0x1082;
	s9 =	sld [smem:$0x3FA6]  }
0x2f: {  	lr =	sadd.s32 s0, s3;
	s0 =	sld [smem:$0x3F9D]  }
0x30: {  	s3 =	sld [smem:$0x3FA0]  }
0x31: {  	[smem:$0x3FA9] =	sst s10  }
0x32: {  	s10 =	sld [smem:$0x3FA7];
	_ =	sdelay $0x3  }
0x33: {  	p0 =	seq.s32 s10, $0x1;
	s10 =	sld [smem:$0x3FA9];
	_ =	sdelay $0x3  }
0x34: {  	[smem:$0x3FA9] =	sst s10  }
0x35: {  	s10 =	sld [smem:$0x3FA8];
	_ =	sdelay $0x3  }
0x36: {  	p1 =	seq.s32 s10, $0x1;
	s10 =	sld [smem:$0x3FA9];
	_ =	sdelay $0x3  }
0x37: {  	[smem:$0x3FA9] =	sst s10  }
0x38: {  	s10 =	sld [smem:$0x3FAA]  }
0x39: {  	_ = 	snop;
	(pc) =	sbr.ind lr, $3  }
0x3a: {  	_ = 	snop  }
0x3b: {  	_ = 	snop  }
0x3c: {  	p2 =	seq.s32 s10, $0x1;
	s10 =	sld [smem:$0x3FA9]  }
0x3d: {  	_ =	shalt  }
0x3e: {  	_ =	shalt  }
0x3f: {  	_ =	shalt  }
0x40: {  	_ =	shalt  }
0x41: {  	_ =	shalt  }
0x42: {  	_ =	shalt  }
0x43: {  	_ =	shalt  }
0x44: {  	_ =	shalt  }
0x45: {  	_ =	shalt  }
0x46: {  	_ =	shalt  }
0x47: {  	_ =	shalt  }
0x48: {  	_ =	shalt  }
0x49: {  	_ =	shalt  }
0x4a: {  	_ =	shalt  }
0x4b: {  	_ =	shalt  }
0x4c: {  	_ =	shalt  }
0x4d: {  	_ =	shalt  }
0x4e: {  	_ =	shalt  }
0x4f: {  	_ =	shalt  }
0x50: {  	_ =	shalt  }
0x51: {  	_ =	shalt  }
0x52: {  	_ =	shalt  }
0x53: {  	_ =	shalt  }
0x54: {  	_ =	shalt  }
0x55: {  	_ =	shalt  }
0x56: {  	_ =	shalt  }
0x57: {  	_ =	shalt  }
0x58: {  	_ =	shalt  }
0x59: {  	_ =	shalt  }
0x5a: {  	_ =	shalt  }
0x5b: {  	_ =	shalt  }
0x5c: {  	_ =	shalt  }
0x5d: {  	_ =	shalt  }
0x5e: {  	_ =	shalt  }
0x5f: {  	_ =	shalt  }
0x60: {  	_ =	shalt  }
0x61: {  	_ =	shalt  }
0x62: {  	_ =	shalt  }
0x63: {  	_ =	shalt  }
0x64: {  	_ =	shalt  }
0x65: {  	_ =	shalt  }
0x66: {  	_ =	shalt  }
0x67: {  	_ =	shalt  }
0x68: {  	_ =	shalt  }
0x69: {  	_ =	shalt  }
0x6a: {  	_ =	shalt  }
0x6b: {  	_ =	shalt  }
0x6c: {  	_ =	shalt  }
0x6d: {  	_ =	shalt  }
0x6e: {  	_ =	shalt  }
0x6f: {  	_ =	shalt  }
0x70: {  	_ =	shalt  }
0x71: {  	_ =	shalt  }
0x72: {  	_ =	shalt  }
0x73: {  	_ =	shalt  }
0x74: {  	_ =	shalt  }
0x75: {  	_ =	shalt  }
0x76: {  	_ =	shalt  }
0x77: {  	_ =	shalt  }
0x78: {  	_ =	shalt  }
0x79: {  	_ =	shalt  }
0x7a: {  	_ =	shalt  }
0x7b: {  	_ =	shalt  }
0x7c: {  	_ =	shalt  }
0x7d: {  	_ =	shalt  }
0x7e: {  	_ =	shalt  }
0x7f: {  	_ =	shalt  }
0x80: {  	_ =	shalt  }
0x81: {  	_ =	shalt  }
0x82: {  	_ =	shalt  }
0x83: {  	_ =	shalt  }
0x84: {  	_ =	shalt  }
0x85: {  	_ =	shalt  }
0x86: {  	_ =	shalt  }
0x87: {  	_ =	shalt  }
.Lfunc_end0:
.L_simem_size_0:
called_computation.2_lowered:
.L_overlay_start_0:
0x88: {  	s2 =	sld [smem:$0x3FD9]  }
0x89: {  	s3 =	sld [smem:$0x3FFE];
	_ =	sdelay $0x1  }
0x8a: {  	s1 =	srdreg.scid  }
0x8b: {  	s0 =	sand.u32 $0x1, s1  }
0x8c: {  	s16 =	sshll.u32 s0, $0xA;
	s2 =	sadd.s32 s3, s2  }
0x8d: {  	s2 =	sadd.s32 s2, s16  }
0x8e: {  	[smem:$0x3FB5] =	sst s2  }
0x8f: {  	_ = 	snop  }
0x90: {  	(tm) =	ssettm $0x1  }
0x91: {  	s17 =	sld [smem:$0x3FFB];
	_ =	sdelay $0x3  }
0x92: {  	_ =	strace s17  }
0x93: {  	s2 =	sld [smem:$0x3FFC];
	_ =	sdelay $0x3  }
0x94: {  	_ =	strace s2  }
0x95: {  	s2 =	sld [smem:$0x3FFD];
	_ =	sdelay $0x3  }
0x96: {  	_ =	strace s2  }
0x97: {  	_ =	strace $0x8FFFFFFF  }
0x98: {  	s18 =	sld [smem:$0x3FDB];
	_ =	sdelay $0x1  }
0x99: {  	s19 =	simm.s32 $_scs_section_size  }
0x9a: {  	s4 =	simm.s32 $_size__tile_overlayer_lowered;
	s5 =	simm.s32 $_tile_overlayer_lowered  }
0x9b: {  	s22 =	simm.s32 $0x1BFF;
	s21 =	sshll.u32 s5, $0x1;
	s2 =	sadd.s32 s19, s18  }
0x9c: {  	s6 =	simm.s32 $0x0;
	s20 =	sshll.u32 s4, $0x1;
	s4 =	sadd.s32 s21, s2  }
0x9d: {  	[timem:s6], [sflag:s22] =	dma.local [hbm:s4], s20  }
0x9e: {  	_ =	swait.ge [sflag:s22], s20  }
0x9f: {  	s3 =	ssub.s32 $0x0, s20;
	[sflag:s22] =	ssyncset.done $0x0  }
0xa0: {  	[sflag:s22] =	ssyncadd.s32 s3;
	_ =	sdelay $0x1  }
0xa1: {  	s23 =	simm.s32 $0x1B8B  }
0xa2: {  	_ =	swait.ge [sflag:s23], $0x1  }
0xa3: {  	[sflag:s23] =	ssyncset.done $0x0  }
0xa4: {  	s25 =	simm.s32 $0x1B8E;
	s24 =	sld [smem:$0x3FFE];
	[sflag:s23] =	ssyncadd.s32 $0xFFFFFFFF  }
0xa5: {  	s26 =	simm.s32 $execute0_lowered;
	[smem:$0x3FD2] =	sst s25  }
0xa6: {  	s4 =	sshll.u32 s26, $0x1;
	_ =	strace $0x8000004C;
	[dreg:$0x1] =	wrdreg $0xFFFFFFFF  }
0xa7: {  	s28 =	simm.s32 $_size_execute0_lowered;
	s2 =	sadd.s32 s2, s4;
	[dreg:$0x0] =	wrdreg $0x0  }
0xa8: {  	s4 =	sshll.u32 s28, $0x1;
	[dreg:$0x2] =	wrdreg s2  }
0xa9: {  	[dreg:$0x3] =	wrdreg s4  }
0xaa: {  	[dreg:$0x4] =	wrdreg $0xC0  }
0xab: {  	_ =	task [dreg:s6], $0x5FFFF  }
0xac: {  	[dreg:$0x1] =	wrdreg $0xFFFFFFFF  }
0xad: {  	[dreg:$0x0] =	wrdreg $0x60  }
0xae: {  	[dreg:$0x2] =	wrdreg s24  }
0xaf: {  	[dreg:$0x3] =	wrdreg $0xB4000  }
0xb0: {  	[dreg:$0x4] =	wrdreg $0x9  }
0xb1: {  	_ =	task.clear_ibuf [dreg:s6], $0x5FFFF;
	_ =	strace $0x9000004C  }
0xb2: {  	s29 =	simm.s32 $0x9;
	_ =	strace $0x8000004E  }
0xb3: {  	_ =	swait.ge [sflag:s29], $0x1  }
0xb4: {  	[sflag:s29] =	ssyncadd.s32 $0xFFFFFFFF  }
0xb5: {  	_ =	strace $0x9000004E  }
0xb6: {  	_ =	sfence  }
0xb7: {  	s30 =	sld [smem:$0x0];
	_ =	sdelay $0x2  }
0xb8: {  	s31 =	sshll.u32 s1, $0xD;
	s1 =	sshrl.u32 s1, $0x2  }
0xb9: {  	s3 =	sand.u32 $0x4000, s31;
	s1 =	sadd.s32 s1, s30  }
0xba: {  	s0 =	sor.u32 s3, s0;
	s1 =	sshll.u32 s1, $0x11  }
0xbb: {  	s0 =	sor.u32 s1, s0  }
0xbc: {  	s0 =	sadd.s32 $0x8F2B, s0  }
0xbd: {  	[sflag:s0] =	ssyncadd.remote.s32 $0x1  }
0xbe: {  	_ =	sfence.sel $0xFFFF  }
0xbf: {  	[dreg:$0x0] =	wrdreg $0xFFFFFFFF;
	(pc) =	sbr.abs _section_cstart, $3  }
0xc0: {  	[dreg:$0x1] =	wrdreg $0xFFFFFFFF  }
0xc1: {  	_ =	task.clear_ibuf [dreg:s6], $0x2FFFF;
	_ =	strace $0x9FFFFFFF  }
0xc2: {  	(tm) =	ssettm $0x7FFFFFFF  }
0xc3: {  	_ =	shalt  }
tec
execute0_lowered:
.L_overlay_start_1:
0x0: {  	(tag) =	ssettag $0x1  }
0x1: {  	s12 =	stileid.u32  }
0x2: {  	s3 =	srdreg.scid;
	s8 =	smul.u32 $0x140, s12  }
0x3: {  	s0 =	rddreg [dreg:$0x0];
	s3 =	sand.u32 $0x1, s3;
	s17 =	smul.u32 $0xA000, s12  }
0x4: {  	s1 =	rddreg [dreg:$0x1];
	s2 =	simm.s32 $0x0;
	s7 =	smul.u32 $0x28000, s3  }
0x5: {  	[smem:$0x7FF] =	sst s2;
	s4 =	sadd.s32 $0x2C000, s0;
	s10 =	smul.u32 $0xF0, s3  }
0x6: {  	s9 =	ssub.s32 $0x2, s3;
	p0 =	seq.s32 s3, $0x0;
	s3 =	smul.u32 $0x7800, s3  }
0x7: {  	s5 =	sadd.s32 $0x4000, s0;
	s6 =	sadd.s32 $0x18000, s0;
	s20 =	smul.u32 $0x2800, s12  }
0x8: {  	_ =	strace $0x8000004D;
	s8 =	sadd.s32 s10, s8;
	s3 =	sadd.s32 s3, s17  }
0x9: {  	s0 =	sadd.s32 s7, s0;
	s8 =	sshll.u32 s8, $0x4;
	s3 =	sor.u32 $0x400, s3  }
0xa: {  	s7 =	simm.s32 $0xF0;
	s21 =	sadd.s32 s5, s8;
	[dreg:$0x3] =	wrdreg s3  }
0xb: {  	s7 =	simm.s32 @!p0 $0x50;
	s23 =	sadd.s32 s6, s8;
	[dreg:$0x5] =	wrdreg s21  }
0xc: {  	s0 =	sadd.s32 $0x53200, s0;
	s19 =	sshll.u32 s7, $0x9;
	[dreg:$0x6] =	wrdreg s23  }
0xd: {  	s22 =	sor.u32 $0x10, s8;
	s0 =	sadd.s32 s20, s0;
	[dreg:$0x4] =	wrdreg s19  }
0xe: {  	s11 =	sshrl.u32 s9, $0x1;
	s24 =	sadd.s32 s5, s22;
	[dreg:$0x11] =	wrdreg s0  }
0xf: {  	s25 =	sor.u32 $0x20, s8;
	s10 =	sadd.s32 s6, s22;
	[dreg:$0x7] =	wrdreg s24  }
0x10: {  	s9 =	ssub.s32 s9, s11;
	s26 =	sadd.s32 s5, s25;
	[dreg:$0x8] =	wrdreg s10  }
0x11: {  	s13 =	sor.u32 $0x30, s8;
	s11 =	sadd.s32 s6, s25;
	[dreg:$0x9] =	wrdreg s26  }
0x12: {  	s15 =	sor.u32 $0x40, s8;
	s14 =	sadd.s32 s5, s13;
	[dreg:$0xa] =	wrdreg s11  }
0x13: {  	s29 =	simm.s32 $0x80;
	s16 =	sadd.s32 s5, s15;
	[dreg:$0xb] =	wrdreg s14  }
0x14: {  	s31 =	simm.s32 $0x100;
	s10 =	sadd.s32 s6, s13;
	[dreg:$0xd] =	wrdreg s16  }
0x15: {  	s18 =	sor.u32 $0x50, s8;
	s11 =	sadd.s32 s6, s15;
	[dreg:$0xc] =	wrdreg s10  }
0x16: {  	s21 =	sor.u32 $0x60, s8;
	s13 =	sadd.s32 s5, s18;
	[dreg:$0xe] =	wrdreg s11  }
0x17: {  	s28 =	simm.s32 $0xB000;
	s23 =	sadd.s32 s5, s21;
	[dreg:$0xf] =	wrdreg s13  }
0x18: {  	s25 =	sor.u32 $0x70, s8;
	s24 =	sadd.s32 s6, s21;
	[dreg:$0x12] =	wrdreg s23  }
0x19: {  	s30 =	simm.s32 $0x4;
	s8 =	sadd.s32 s5, s25;
	[dreg:$0x13] =	wrdreg s24  }
0x1a: {  	s22 =	smul.u32 $0x50000, s12;
	s0 =	sadd.s32 s6, s25;
	[dreg:$0x14] =	wrdreg s8  }
0x1b: {  	s3 =	simm.s32 $0x180;
	s11 =	sadd.s32 s6, s18;
	[dreg:$0x15] =	wrdreg s0  }
0x1c: {  	s26 =	sshrl.u32 s22, $0x2;
	s0 =	simm.s32 $0x3;
	s8 =	simm.s32 $0x40  }
0x1d: {  	s10 =	simm.s32 $0x2;
	[dreg:$0x10] =	wrdreg s11;
	s25 =	sadd.s32 s26, s1  }
0x1e: {  	v0 =	vimm.f32 $0.0e+00;
	s26 =	smax.u32 s9, $0x1;
	s9 =	simm.s32 $0x1;
	s11 =	simm.s32 $0x0  }
.LBB2_1:
0x1f: {  	s12 =	rddreg [dreg:$0x5]  }
0x20: {  	[tilespmem:s2], [sflag:$0x3] =	stream.linear.gather [hbm4b:s12+s2], $0x80, $0x38;
	[tilespmem:$0x1F400] =	vst v63  }
0x21: {  	s21 =	rddreg [dreg:$0x6];
	s13 =	simm.s32 $0x800  }
0x22: {  	[tilespmem:s13], [sflag:$0x3] =	stream.linear.gather [hbm4b:s21+s2], $0x80, $0x38;
	[tilespmem:$0x1F400] =	vst v63  }
0x23: {  	s22 =	rddreg [dreg:$0x7]  }
0x24: {  	[tilespmem:s29], [sflag:$0x3] =	stream.linear.gather [hbm4b:s22+s2], $0x80, $0x38;
	[tilespmem:$0x1F400] =	vst v63  }
0x25: {  	s23 =	rddreg [dreg:$0x8];
	s24 =	simm.s32 $0x880  }
0x26: {  	[tilespmem:s24], [sflag:$0x3] =	stream.linear.gather [hbm4b:s23+s2], $0x80, $0x38;
	[tilespmem:$0x1F400] =	vst v63  }
0x27: {  	s13 =	rddreg [dreg:$0x9]  }
0x28: {  	[tilespmem:s31], [sflag:$0x3] =	stream.linear.gather [hbm4b:s13+s2], $0x80, $0x38;
	[tilespmem:$0x1F400] =	vst v63  }
0x29: {  	s14 =	rddreg [dreg:$0xa];
	s15 =	simm.s32 $0x900  }
0x2a: {  	[tilespmem:s15], [sflag:$0x3] =	stream.linear.gather [hbm4b:s14+s2], $0x80, $0x38;
	[tilespmem:$0x1F400] =	vst v63  }
0x2b: {  	s16 =	rddreg [dreg:$0xb]  }
0x2c: {  	[tilespmem:s3], [sflag:$0x3] =	stream.linear.gather [hbm4b:s16+s2], $0x80, $0x38;
	[tilespmem:$0x1F400] =	vst v63  }
0x2d: {  	s17 =	rddreg [dreg:$0xc];
	s18 =	simm.s32 $0x980  }
0x2e: {  	[tilespmem:s18], [sflag:$0x3] =	stream.linear.gather [hbm4b:s17+s2], $0x80, $0x38;
	[tilespmem:$0x1F400] =	vst v63  }
0x2f: {  	s19 =	rddreg [dreg:$0xd];
	s20 =	simm.s32 $0x200  }
0x30: {  	[tilespmem:s20], [sflag:$0x3] =	stream.linear.gather [hbm4b:s19+s2], $0x80, $0x38;
	[tilespmem:$0x1F400] =	vst v63  }
0x31: {  	s21 =	rddreg [dreg:$0xe];
	s22 =	simm.s32 $0xA00  }
0x32: {  	[tilespmem:s22], [sflag:$0x3] =	stream.linear.gather [hbm4b:s21+s2], $0x80, $0x38;
	[tilespmem:$0x1F400] =	vst v63  }
0x33: {  	s23 =	rddreg [dreg:$0xf];
	s24 =	simm.s32 $0x280  }
0x34: {  	[tilespmem:s24], [sflag:$0x3] =	stream.linear.gather [hbm4b:s23+s2], $0x80, $0x38;
	[tilespmem:$0x1F400] =	vst v63  }
0x35: {  	s14 =	rddreg [dreg:$0x10];
	s15 =	simm.s32 $0xA80  }
0x36: {  	[tilespmem:s15], [sflag:$0x3] =	stream.linear.gather [hbm4b:s14+s2], $0x80, $0x38;
	[tilespmem:$0x1F400] =	vst v63  }
0x37: {  	s16 =	rddreg [dreg:$0x12];
	s17 =	simm.s32 $0x300  }
0x38: {  	[tilespmem:s17], [sflag:$0x3] =	stream.linear.gather [hbm4b:s16+s2], $0x80, $0x38;
	[tilespmem:$0x1F400] =	vst v63  }
0x39: {  	s18 =	rddreg [dreg:$0x13];
	s19 =	simm.s32 $0xB00  }
0x3a: {  	[tilespmem:s19], [sflag:$0x3] =	stream.linear.gather [hbm4b:s18+s2], $0x80, $0x38;
	[tilespmem:$0x1F400] =	vst v63  }
0x3b: {  	s20 =	rddreg [dreg:$0x14];
	s21 =	simm.s32 $0x380  }
0x3c: {  	[tilespmem:s21], [sflag:$0x3] =	stream.linear.gather [hbm4b:s20+s2], $0x80, $0x38;
	[tilespmem:$0x1F400] =	vst v63  }
0x3d: {  	s22 =	rddreg [dreg:$0x15];
	s23 =	simm.s32 $0xB80  }
0x3e: {  	[tilespmem:s23], [sflag:$0x3] =	stream.linear.gather [hbm4b:s22+s2], $0x80, $0x38;
	[tilespmem:$0x1F400] =	vst v63  }
0x3f: {  	[tilespmem:$0xB000] =	vst v0  }
0x40: {  	[tilespmem:$0xB010] =	vst v0  }
0x41: {  	[tilespmem:$0xB020] =	vst v0  }
0x42: {  	[tilespmem:$0xB030] =	vst v0  }
0x43: {  	[tilespmem:$0xB040] =	vst v0  }
0x44: {  	[tilespmem:$0xB050] =	vst v0  }
0x45: {  	[tilespmem:$0xB060] =	vst v0  }
0x46: {  	[tilespmem:$0xB070] =	vst v0  }
0x47: {  	[tilespmem:$0xB080] =	vst v0  }
0x48: {  	[tilespmem:$0xB090] =	vst v0  }
0x49: {  	[tilespmem:$0xB0A0] =	vst v0  }
0x4a: {  	[tilespmem:$0xB0B0] =	vst v0  }
0x4b: {  	[tilespmem:$0xB0C0] =	vst v0  }
0x4c: {  	[tilespmem:$0xB0D0] =	vst v0  }
0x4d: {  	[tilespmem:$0xB0E0] =	vst v0  }
0x4e: {  	[tilespmem:$0xB0F0] =	vst v0  }
0x4f: {  	[tilespmem:$0xB100] =	vst v0  }
0x50: {  	[tilespmem:$0xB110] =	vst v0  }
0x51: {  	[tilespmem:$0xB120] =	vst v0  }
0x52: {  	[tilespmem:$0xB130] =	vst v0  }
0x53: {  	[tilespmem:$0xB140] =	vst v0  }
0x54: {  	[tilespmem:$0xB150] =	vst v0  }
0x55: {  	[tilespmem:$0xB160] =	vst v0  }
0x56: {  	[tilespmem:$0xB170] =	vst v0  }
0x57: {  	[tilespmem:$0xB180] =	vst v0  }
0x58: {  	[tilespmem:$0xB190] =	vst v0  }
0x59: {  	[tilespmem:$0xB1A0] =	vst v0  }
0x5a: {  	[tilespmem:$0xB1B0] =	vst v0  }
0x5b: {  	[tilespmem:$0xB1C0] =	vst v0  }
0x5c: {  	[tilespmem:$0xB1D0] =	vst v0  }
0x5d: {  	[tilespmem:$0xB1E0] =	vst v0  }
0x5e: {  	[tilespmem:$0xB1F0] =	vst v0  }
0x5f: {  	[tilespmem:$0xB200] =	vst v0  }
0x60: {  	[tilespmem:$0xB210] =	vst v0  }
0x61: {  	[tilespmem:$0xB220] =	vst v0  }
0x62: {  	[tilespmem:$0xB230] =	vst v0  }
0x63: {  	[tilespmem:$0xB240] =	vst v0  }
0x64: {  	[tilespmem:$0xB250] =	vst v0  }
0x65: {  	[tilespmem:$0xB260] =	vst v0  }
0x66: {  	[tilespmem:$0xB270] =	vst v0  }
0x67: {  	[tilespmem:$0xB280] =	vst v0  }
0x68: {  	[tilespmem:$0xB290] =	vst v0  }
0x69: {  	[tilespmem:$0xB2A0] =	vst v0  }
0x6a: {  	[tilespmem:$0xB2B0] =	vst v0  }
0x6b: {  	[tilespmem:$0xB2C0] =	vst v0  }
0x6c: {  	[tilespmem:$0xB2D0] =	vst v0  }
0x6d: {  	[tilespmem:$0xB2E0] =	vst v0  }
0x6e: {  	[tilespmem:$0xB2F0] =	vst v0  }
0x6f: {  	[tilespmem:$0xB300] =	vst v0  }
0x70: {  	[tilespmem:$0xB310] =	vst v0  }
0x71: {  	[tilespmem:$0xB320] =	vst v0  }
0x72: {  	[tilespmem:$0xB330] =	vst v0  }
0x73: {  	[tilespmem:$0xB340] =	vst v0  }
0x74: {  	[tilespmem:$0xB350] =	vst v0  }
0x75: {  	[tilespmem:$0xB360] =	vst v0  }
0x76: {  	[tilespmem:$0xB370] =	vst v0  }
0x77: {  	[tilespmem:$0xB380] =	vst v0  }
0x78: {  	[tilespmem:$0xB390] =	vst v0  }
0x79: {  	[tilespmem:$0xB3A0] =	vst v0  }
0x7a: {  	[tilespmem:$0xB3B0] =	vst v0  }
0x7b: {  	[tilespmem:$0xB3C0] =	vst v0  }
0x7c: {  	[tilespmem:$0xB3D0] =	vst v0  }
0x7d: {  	[tilespmem:$0xB3E0] =	vst v0  }
0x7e: {  	s24 =	sadd.s32 $0x0, s25;
	[tilespmem:$0xB3F0] =	vst v0  }
0x7f: {  	[spmem:s24] =	stream.linear.scatter [tilespmem:s28], [sflag:$0x4], $0x400, $0x38;
	[tilespmem:$0x1F400] =	vst v63  }
0x80: {  	s12 =	simm.s32 $0x1000;
	_ =	swait.ge [sflag:s30], $0x400  }
.LBB2_2:
0x81: {  	s13 =	sshra.s32 s12, $0x2;
	[sflag:s30] =	ssyncset.done $0x0;
	p0 =	sne.s32 s12, $0x4F000  }
.Ltmp0:
0x82: {  	s13 =	sadd.s32 s13, s25;
	[sflag:s30] =	ssyncadd.s32 $0xFFFFFC00;
	(pc) =	sbr.rel @p0 .LBB2_2-.Ltmp0, $3  }
0x83: {  	[spmem:s13] =	stream.linear.scatter [tilespmem:s28], [sflag:$0x4], $0x400, $0x38;
	[tilespmem:$0x1F400] =	vst v63  }
0x84: {  	s12 =	sadd.s32 $0x1000, s12;
	_ =	sdelay $0x1  }
0x85: {  	_ =	swait.ge [sflag:s30], $0x400  }
0x86: {  	[sflag:s30] =	ssyncset.done $0x0  }
0x87: {  	[sflag:s30] =	ssyncadd.s32 $0xFFFFFC00  }
0x88: {  	[bflag:$0x0] =	sbarrier.arrive $0xFFFF  }
0x89: {  	_ =	swait.ge [sflag:s0], $0x80  }
0x8a: {  	[sflag:s0] =	ssyncset.done $0x0  }
0x8b: {  	[sflag:s0] =	ssyncadd.s32 $0xFFFFFF80  }
0x8c: {  	_ =	swait.ge [sflag:s0], $0x80  }
0x8d: {  	[sflag:s0] =	ssyncset.done $0x0  }
0x8e: {  	s12 =	simm.s32 $0x0;
	s13 =	simm.s32 $0x1000;
	[sflag:s0] =	ssyncadd.s32 $0xFFFFFF80  }
0x8f: {  	[tilespmem:s13], [sflag:$0x1] =	stream.indirect.gather [hbm4b:s4+s8], $0x80, s12, s8, $0xb8;
	[tilespmem:$0x1F400] =	vst v63  }
0x90: {  	_ =	swait.ge [sflag:s0], $0x80  }
0x91: {  	[sflag:s0] =	ssyncset.done $0x0  }
0x92: {  	[sflag:s0] =	ssyncadd.s32 $0xFFFFFF80  }
0x93: {  	_ =	swait.ge [sflag:s0], $0x80  }
0x94: {  	[sflag:s0] =	ssyncset.done $0x0  }
0x95: {  	s14 =	simm.s32 $0x3000;
	[sflag:s0] =	ssyncadd.s32 $0xFFFFFF80  }
0x96: {  	[tilespmem:s14], [sflag:$0x1] =	stream.indirect.gather [hbm4b:s4+s8], $0x80, s29, s8, $0xb8;
	[tilespmem:$0x1F400] =	vst v63  }
0x97: {  	_ =	swait.ge [sflag:s0], $0x80  }
0x98: {  	[sflag:s0] =	ssyncset.done $0x0  }
0x99: {  	[sflag:s0] =	ssyncadd.s32 $0xFFFFFF80  }
0x9a: {  	_ =	swait.ge [sflag:s0], $0x80  }
0x9b: {  	[sflag:s0] =	ssyncset.done $0x0  }
0x9c: {  	s23 =	simm.s32 $0x5000;
	[sflag:s0] =	ssyncadd.s32 $0xFFFFFF80  }
0x9d: {  	[tilespmem:s23], [sflag:$0x1] =	stream.indirect.gather [hbm4b:s4+s8], $0x80, s31, s8, $0xb8;
	[tilespmem:$0x1F400] =	vst v63  }
0x9e: {  	_ =	swait.ge [sflag:s0], $0x80  }
0x9f: {  	[sflag:s0] =	ssyncset.done $0x0  }
0xa0: {  	[sflag:s0] =	ssyncadd.s32 $0xFFFFFF80  }
0xa1: {  	s24 =	simm.s32 $0x7000;
	s15 =	simm.s32 $0x9000;
	_ =	swait.ge [sflag:s0], $0x80  }
0xa2: {  	s16 =	simm.s32 $0x8;
	s17 =	simm.s32 $0x0;
	[sflag:s0] =	ssyncset.done $0x0  }
0xa3: {  	s18 =	simm.s32 $0x0;
	s14 =	simm.s32 $0x4;
	[sflag:s0] =	ssyncadd.s32 $0xFFFFFF80  }
0xa4: {  	[tilespmem:s24], [sflag:$0x1] =	stream.indirect.gather [hbm4b:s4+s8], $0x80, s3, s8, $0xb8;
	[tilespmem:$0x1F400] =	vst v63  }
.LBB2_4:
0xa5: {  	s19 =	smulhi.u32 $0xAAAAAAAB, s16  }
0xa6: {  	s21 =	sadd.s32 $0x4, s14  }
0xa7: {  	s20 =	rddreg [dreg:$0x3];
	p0 =	sge.u32 s21, s7;
	s19 =	sshrl.u32 s19, $0x3  }
0xa8: {  	s20 =	sadd.s32 @!p0 s12, s20;
	s19 =	smul.u32 $0xFFFFE800, s19  }
0xa9: {  	s21 =	sand.u32 @!p0 $0x380, s12;
	s20 =	sand.u32 @!p0 $0x7FFFFC00, s20  }
0xaa: {  	s24 =	simm.s32 @!p0 $0x0;
	s20 =	sor.u32 @!p0 s21, s20;
	s19 =	sshra.s32 s19, $0x2  }
0xab: {  	s21 =	sshra.s32 @!p0 s17, $0x2;
	s20 =	sshrl.u32 @!p0 s20, $0x3;
	s22 =	sadd.s32 $0x400, s19  }
0xac: {  	s19 =	sadd.s32 $0xC00, s19;
	s23 =	sadd.s32 @!p0 s5, s20;
	s22 =	sadd.s32 @!p0 s21, s22  }
0xad: {  	[tilespmem:s22], [sflag:$0x3] =	stream.linear.gather @!p0 [hbm4b:s23+s24], $0x80, $0x38;
	[tilespmem:$0x1F400] =	vst v63  }
0xae: {  	s20 =	sadd.s32 @!p0 s6, s20;
	s19 =	sadd.s32 @!p0 s21, s19  }
0xaf: {  	[tilespmem:s19], [sflag:$0x3] =	stream.linear.gather @!p0 [hbm4b:s20+s24], $0x80, $0x38;
	[tilespmem:$0x1F400] =	vst v63  }
0xb0: {  	s23 =	smulhi.u32 $0xAAAAAAAB, s14;
	p0 =	seq.s32 s17, $0x0  }
0xb1: {  	s22 =	smulhi.u32 $0xCCCCCCCD, s14;
	s20 =	simm.s32 @!p0 $0x2  }
0xb2: {  	s21 =	sshrl.u32 s23, $0x3;
	s23 =	smulhi.u32 $0xCCCCCCCD, s18;
	_ =	swait.ge @!p0 [sflag:s20], $0x2000  }
0xb3: {  	s19 =	smul.u32 $0xFFFFE800, s21;
	[sflag:s20] =	ssyncset.done @!p0 $0x0  }
0xb4: {  	s21 =	sshrl.u32 s22, $0x2;
	[sflag:s20] =	ssyncadd.s32 @!p0 $0xFFFFE000;
	p0 =	sge.u32 s14, s7  }
0xb5: {  	s24 =	smul.u32 $0xFFFD8000, s21;
	s22 =	simm.s32 @!p0 $0x3  }
0xb6: {  	s23 =	sshrl.u32 s23, $0x2;
	s19 =	sshra.s32 s19, $0x2;
	_ =	swait.ge @!p0 [sflag:s22], $0x80  }
0xb7: {  	s20 =	sshra.s32 s24, $0x2;
	s24 =	smulhi.u32 $0xAAAAAAAB, s18;
	[sflag:s22] =	ssyncset.done @!p0 $0x0  }
0xb8: {  	s21 =	smul.u32 $0xFFFD8000, s23;
	s19 =	sadd.s32 $0x200, s19;
	[sflag:s22] =	ssyncadd.s32 @!p0 $0xFFFFFF80  }
0xb9: {  	s20 =	sadd.s32 s20, s15;
	s23 =	sshrl.u32 s24, $0x3;
	_ =	swait.ge @!p0 [sflag:s22], $0x80  }
0xba: {  	s24 =	sshra.s32 @!p0 s17, $0x2;
	s23 =	smul.u32 $0xFFFFE800, s23;
	[sflag:s22] =	ssyncset.done @!p0 $0x0  }
0xbb: {  	s19 =	sadd.s32 @!p0 s24, s19;
	[sflag:s22] =	ssyncadd.s32 @!p0 $0xFFFFFF80;
	s22 =	simm.s32 @!p0 $0x40  }
0xbc: {  	[tilespmem:s20], [sflag:$0x1] =	stream.indirect.gather @!p0 [hbm4b:s4+s22], $0x80, s19, s22, $0xb8;
	[tilespmem:$0x1F400] =	vst v63  }
0xbd: {  	s22 =	sshra.s32 s23, $0x2;
	_ =	swait.ge [sflag:s9], $0x2000  }
0xbe: {  	s23 =	sshra.s32 s17, $0x2;
	s17 =	sadd.s32 $0x200, s17;
	s24 =	rddreg [dreg:$0x4]  }
0xbf: {  	s16 =	sadd.s32 $0x1, s16;
	p0 =	sne.s32 s24, s17  }
.Ltmp1:
0xc0: {  	s12 =	sadd.s32 $0x80, s12;
	s18 =	sadd.s32 $0x1, s18;
	(pc) =	sbr.rel @p0 .LBB2_4-.Ltmp1, $4  }
0xc1: {  	s14 =	sadd.s32 $0x1, s14;
	s21 =	sshra.s32 s21, $0x2;
	s15 =	sadd.s32 $0x2000, s15  }
0xc2: {  	s19 =	sadd.s32 s21, s13;
	s20 =	sadd.s32 $0x800, s22;
	[sflag:s9] =	ssyncset.done $0x0  }
0xc3: {  	s13 =	sadd.s32 $0x2000, s13;
	s20 =	sadd.s32 s23, s20;
	[sflag:s9] =	ssyncadd.s32 $0xFFFFE000  }
0xc4: {  	[spmem:s1] =	stream.indirect.scatter.add.f32 [tilespmem:s19], [sflag:$0x2], $0x80, s20, s8, $0xb8;
	[tilespmem:$0x1F400] =	vst v63  }
0xc5: {  	_ =	swait.ge [sflag:s10], $0x2000  }
0xc6: {  	s12 =	stileid.u32;
	[sflag:s10] =	ssyncset.done $0x0  }
0xc7: {  	s13 =	sshrl.u32 s25, $0x3;
	s11 =	sadd.s32 $0x1, s11;
	[sflag:s10] =	ssyncadd.s32 $0xFFFFE000  }
0xc8: {  	s12 =	sshll.u32 s12, $0x6;
	p0 =	sne.s32 s11, s26;
	[bflag:$0x0] =	sbarrier.arrive $0xFFFF  }
.Ltmp2:
0xc9: {  	s12 =	sor.u32 $0x1C04, s12;
	s14 =	rddreg [dreg:$0x11];
	(pc) =	sbr.rel @p0 .LBB2_1-.Ltmp2, $4  }
0xca: {  	[hbm:s14], [sflag:s12] =	dma.local [spmem:s13], $0x2800  }
0xcb: {  	_ =	swait.ge [sflag:s30], $0x2800  }
0xcc: {  	[sflag:s30] =	ssyncset.done $0x0  }
0xcd: {  	[sflag:s30] =	ssyncadd.s32 $0xFFFFD800  }
0xce: {  	_ =	sfence.sel $0x180000  }
0xcf: {  	[bflag:$0x0] =	sbarrier.arrive $0xFFFF  }
0xd0: {  	_ =	strace $0x9000004D  }
0xd1: {  	s0 =	stileid.u32;
	[bflag:$0x2] =	sbarrier.arrive $0xFFFF  }
0xd2: {  	p0 =	sne.s32 s0, $0x0;
	s0 =	rddreg [dreg:$0x2]  }
0xd3: {  	s0 =	sadd.s32 @!p0 $0x100000, s0  }
0xd4: {  	[sflag:s0] =	ssyncadd.tile.s32 @!p0 $0x1;
	_ =	shalt  }
.Lfunc_end2:
_tile_overlayer_lowered:
.L_overlay_start_2:
0xd5: {  	(tag) =	ssettag $0x2  }
0xd6: {  	s0 =	rddreg [dreg:$0x0];
	s2 =	stileid.u32  }
0xd7: {  	s1 =	rddreg [dreg:$0x1];
	p0 =	sne.s32 s2, $0x0  }
0xd8: {  	s3 =	rddreg [dreg:$0x2];
	[bflag:$0x3] =	sbarrier.arrive $0xFFFF;
	s2 =	simm.s32 @!p0 $0x1C04  }
0xd9: {  	[timem:s3], [sflag:s2] =	dma.local @!p0 [hbm:s0], s1  }
0xda: {  	s0 =	simm.s32 @!p0 $0x4  }
0xdb: {  	_ =	swait.ge @!p0 [sflag:s0], s1  }
0xdc: {  	s1 =	ssub.s32 @!p0 $0x0, s1;
	[sflag:s0] =	ssyncset.done @!p0 $0x0  }
0xdd: {  	[sflag:s0] =	ssyncadd.s32 @!p0 s1  }
0xde: {  	[bflag:$0x3] =	sbarrier.arrive $0xFFFF  }
0xdf: {  	_ =	shalt  }

</sc_bundles>
